<compile_context>
chip_gen: v7x
topology: tpu7x:2x2x1
jax: 0.10.2.dev20260603
libtpu: 0.0.44.dev20260713+nightly
codegen_flags: <defaults>
</compile_context>

<pallas_src>
import functools

import jax
import jax.numpy as jnp
from jax import lax
from jax.experimental import pallas as pl
from jax.experimental.pallas import tpu as pltpu
from jax.experimental.pallas import tpu_sc as plsc


def _stage_a(x, A):
    bs, N, C = x.shape
    S, _, O = A.shape
    TN = 2000
    assert N % TN == 0

    def body(x_ref, a_ref, y_ref):
        for b in range(bs):
            y_ref[0, :, b * O:(b + 1) * O] = jnp.dot(
                x_ref[b], a_ref[0], preferred_element_type=jnp.float32)

    return pl.pallas_call(
        body,
        grid=(N // TN, S),
        in_specs=[
            pl.BlockSpec((bs, TN, C), lambda nt, s: (0, nt, 0)),
            pl.BlockSpec((1, C, O), lambda nt, s: (s, 0, 0)),
        ],
        out_specs=pl.BlockSpec((1, TN, bs * O), lambda nt, s: (s, nt, 0)),
        out_shape=jax.ShapeDtypeStruct((S, N, bs * O), jnp.float32),
    )(x, A)


def _stage_b(offs, yflat, bs, S, NPAD, O, CB):
    info = plsc.get_sparse_core_info()
    NC, NS = info.num_cores, info.num_subcores
    NW = NC * NS
    BO = bs * O
    npw = NPAD // NW
    nblk = npw // CB
    nofs = S * npw
    assert npw * NW == NPAD and nblk * CB == npw and CB % 8 == 0

    mesh = plsc.VectorSubcoreMesh(core_axis_name="c", subcore_axis_name="s")

    @functools.partial(
        pl.kernel,
        out_type=jax.ShapeDtypeStruct((bs, NPAD, O), jnp.float32),
        mesh=mesh,
        scratch_types=[
            pltpu.VMEM((nofs,), jnp.int32),
            pltpu.VMEM((S, CB, BO), jnp.float32),
            pltpu.VMEM((bs, CB, O), jnp.float32),
            pltpu.SemaphoreType.DMA,
        ],
    )
    def k(offs_hbm, y_hbm, out_hbm, offs_v, rows_v, h_v, sem):
        cid = lax.axis_index("c")
        sid = lax.axis_index("s")
        wid = sid * NC + cid
        base = wid * npw
        pltpu.sync_copy(offs_hbm.at[pl.ds(wid * nofs, nofs)], offs_v)

        NSPLIT = 2
        H = CB // NSPLIT

        def one_chunk(j):
            nb = base + j * CB
            cps = [pltpu.async_copy(
                       y_hbm.at[offs_v.at[pl.ds(s * npw + j * CB + t * H, H)]],
                       rows_v.at[s, pl.ds(t * H, H)], sem)
                   for s in range(S) for t in range(NSPLIT)]
            for cp in cps:
                cp.wait()

            @plsc.parallel_loop(0, CB)
            def comb(i):
                for bb in range(bs):
                    for c in range(O // 16):
                        sl = pl.ds(bb * O + c * 16, 16)
                        vs = [rows_v[s, i, sl] for s in range(S)]
                        while len(vs) > 1:
                            vs = [vs[k2] + vs[k2 + 1]
                                  for k2 in range(0, len(vs) - 1, 2)] \
                                 + ([vs[-1]] if len(vs) % 2 else [])
                        h_v[bb, i, pl.ds(c * 16, 16)] = vs[0]

            for bb in range(bs):
                pltpu.sync_copy(h_v.at[bb], out_hbm.at[bb, pl.ds(nb, CB)])

        lax.fori_loop(0, nblk, lambda j, c: (one_chunk(j), c)[1], 0)

    return k(offs, yflat)


def _stage_c(dt, h, bias2d, bs, M, N, O, BK, NPAD):
    nk = NPAD // BK
    assert nk * BK == NPAD

    def body(dt_ref, h_ref, b_ref, out_ref):
        kk = pl.program_id(0)

        @pl.when(kk == 0)
        def _():
            out_ref[...] = jnp.zeros_like(out_ref)

        rem = N - kk * BK
        col = lax.broadcasted_iota(jnp.int32, (1, BK), 1)
        dtb = jnp.where(col < rem, dt_ref[...], 0.0)
        hb = h_ref[...] + b_ref[...][None]
        eh = jnp.where(hb > 0, hb, jnp.exp(jnp.minimum(hb, 0.0)) - 1.0)
        row = lax.broadcasted_iota(jnp.int32, (1, BK, 1), 1)
        eh = jnp.where(row < rem, eh, 0.0)
        for b in range(bs):
            out_ref[b] += jnp.dot(dtb, eh[b], preferred_element_type=jnp.float32)

    return pl.pallas_call(
        body,
        grid=(nk,),
        in_specs=[
            pl.BlockSpec((M, BK), lambda k: (0, k)),
            pl.BlockSpec((bs, BK, O), lambda k: (0, k, 0)),
            pl.BlockSpec((1, O), lambda k: (0, 0)),
        ],
        out_specs=pl.BlockSpec((bs, M, O), lambda k: (0, 0, 0)),
        out_shape=jax.ShapeDtypeStruct((bs, M, O), jnp.float32),
    )(dt, h, bias2d)


def kernel(x, down_transform, indices, W, b):
    bs, N, C = x.shape
    _, S = indices.shape
    O = W.shape[0]
    M = down_transform.shape[0]

    CB = 16
    NW = 32
    chunk = NW * CB
    NPAD = ((N + chunk - 1) // chunk) * chunk
    npw = NPAD // NW

    A = jnp.transpose(W.reshape(O, S, C), (1, 2, 0))
    Y = _stage_a(x, A)
    yflat = Y.reshape(S * N, bs * O)

    idx_pad = jnp.pad(indices, ((0, NPAD - N), (0, 0)))
    offs = idx_pad.T + (jnp.arange(S, dtype=jnp.int32) * N)[:, None]
    offs = offs.reshape(S, NW, npw).transpose(1, 0, 2).reshape(-1)

    h = _stage_b(offs, yflat, bs, S, NPAD, O, CB)
    out = _stage_c(down_transform, h, b.reshape(1, O), bs, M, N, O, 512, NPAD)
    return out

# --- scband reference (transcript-rebuilt; emitter-appended) ---
"""Pipeline reference for scband-spiral-enblock-27496380629563 (READ-ONLY COPY).

The authoritative reference and input builder live on the scoring server;
editing this copy changes nothing except your own understanding.
"""

import jax, jax.numpy as jnp
import numpy as np


def setup_inputs(seed: int = 0) -> dict:
    key = jax.random.key(seed)
    k1, k2, k3, k4 = jax.random.split(key, 4)
    bs, n_nodes, in_ch, seq_len, out_ch, m_nodes = 4, 10000, 128, 9, 128, 2500
    x = jax.random.normal(k1, (bs, n_nodes, in_ch), dtype=jnp.float32)
    down_transform = jax.random.uniform(k2, (m_nodes, n_nodes), dtype=jnp.float32)
    indices = jax.random.randint(k3, (n_nodes, seq_len), 0, n_nodes)
    fan_in = in_ch * seq_len
    limit = (6.0 / (fan_in + out_ch)) ** 0.5
    W = jax.random.uniform(k4, (out_ch, fan_in), minval=-limit, maxval=limit, dtype=jnp.float32)
    b = jnp.zeros((out_ch,), dtype=jnp.float32)
    return {"x": x, "down_transform": down_transform, "indices": indices, "W": W, "b": b}


def reference(x, down_transform, indices, W, b):
    # SpiralConv: gather spiral neighborhoods, flatten, linear
    n_nodes, seq_len = indices.shape
    bs = x.shape[0]
    g = jnp.take(x, indices.reshape(-1), axis=1)            # [bs, n_nodes*seq_len, in_ch]
    g = g.reshape(bs, n_nodes, seq_len * x.shape[-1])       # [bs, n_nodes, in_ch*seq_len]
    h = jnp.matmul(g, W.T) + b                              # [bs, n_nodes, out_ch]
    # F.elu
    h = jax.nn.elu(h)
    # Pool with mode=None: matmul(trans.to_dense(), x) -> batched broadcast matmul
    out = jnp.matmul(down_transform, h)                     # [bs, m_nodes, out_ch]
    return out

if __name__ == "__main__":
    import jax
    _d = setup_inputs()
    print(jax.jit(kernel)(*tuple(_d.values())))

</pallas_src>

<mosaic_0001>
#map = affine_map<(d0, d1) -> (0)>
#map1 = affine_map<(d0, d1) -> (0, 0)>
#map2 = affine_map<(d0, d1) -> (0, 0, 0)>
module attributes {stable_mosaic.version = 14 : i64} {
  func.func @k(%arg0: i32, %arg1: i32, %arg2: memref<92160xi32, #tpu.memory_space<hbm>>, %arg3: memref<90000x512xf32, #tpu.memory_space<hbm>>, %arg4: memref<4x10240x128xf32, #tpu.memory_space<hbm>>, %arg5: memref<2880xi32, #tpu.memory_space<vmem>>, %arg6: memref<9x16x512xf32, #tpu.memory_space<vmem>>, %arg7: memref<4x16x128xf32, #tpu.memory_space<vmem>>, %arg8: memref<!tpu.dma_semaphore, #tpu.memory_space<semaphore_mem>>) attributes {dimension_semantics = [#tpu.dimension_semantics<core_parallel>, #tpu.dimension_semantics<subcore_parallel>], iteration_bounds = array<i64: 2, 16>, scalar_prefetch = 0 : i64, scratch_operands = 4 : i64, tpu.core_type = #tpu.core_type<sc_vector_subcore>, window_params = [{transform_indices = #map}, {transform_indices = #map1}, {transform_indices = #map2}]} {
    %mul3A = arith.constant 2 : i32
    %mul3A_0 = arith.muli %arg1, %mul3A : i32
    %add3A = arith.addi %mul3A_0, %arg0 : i32
    %mul3A_1 = arith.constant 320 : i32
    %mul3A_2 = arith.muli %add3A, %mul3A_1 : i32
    %mul3A_3 = arith.constant 2880 : i32
    %mul3A_4 = arith.muli %add3A, %mul3A_3 : i32
    "tpu.region"() ({
      %run_scoped3A = tpu.sem_alloc : memref<!tpu.dma_semaphore, #tpu.memory_space<semaphore_mem>>
      %dma_start3A = tpu.memref_slice %arg2[%mul3A_4] : memref<92160xi32, #tpu.memory_space<hbm>> -> memref<2880xi32, #tpu.memory_space<hbm>>
      %dma_start3A_10 = tpu.memref_slice %arg2[%mul3A_4] : memref<92160xi32, #tpu.memory_space<hbm>> -> memref<2880xi32, #tpu.memory_space<hbm>>
      tpu.enqueue_dma source(%dma_start3A_10 : memref<2880xi32, #tpu.memory_space<hbm>>) target(%arg5 : memref<2880xi32, #tpu.memory_space<vmem>>) target_semaphore(%run_scoped3A : memref<!tpu.dma_semaphore, #tpu.memory_space<semaphore_mem>>)
      %dma_wait3A = tpu.memref_slice %arg2[%mul3A_4] : memref<92160xi32, #tpu.memory_space<hbm>> -> memref<2880xi32, #tpu.memory_space<hbm>>
      %dma_wait3A_11 = tpu.memref_slice %arg2[%mul3A_4] : memref<92160xi32, #tpu.memory_space<hbm>> -> memref<2880xi32, #tpu.memory_space<hbm>>
      tpu.wait_dma2 semaphore(%run_scoped3A : memref<!tpu.dma_semaphore, #tpu.memory_space<semaphore_mem>>) src(%dma_wait3A_11 : memref<2880xi32, #tpu.memory_space<hbm>>) dst(%arg5 : memref<2880xi32, #tpu.memory_space<vmem>>)
      tpu.yield
    }) : () -> ()
    %scan3A = arith.constant 0 : i32
    %scan3A_5 = arith.constant 0 : i32
    %scan3A_6 = arith.constant 20 : i32
    %scan3A_7 = arith.addi %scan3A_5, %scan3A_6 : i32
    %scan3A_8 = arith.constant 1 : i32
    scf.for %scan3A_10 = %scan3A_5 to %scan3A_7 step %scan3A_8  : i32 {
      %mul3A_11 = arith.constant 16 : i32
      %mul3A_12 = arith.muli %scan3A_10, %mul3A_11 : i32
      %add3A_13 = arith.addi %mul3A_2, %mul3A_12 : i32
      %mul3A_14 = arith.constant 16 : i32
      %mul3A_15 = arith.muli %scan3A_10, %mul3A_14 : i32
      %add3A_16 = arith.constant 0 : i32
      %add3A_17 = arith.addi %add3A_16, %mul3A_15 : i32
      %add3A_18 = arith.constant 0 : i32
      %add3A_19 = arith.addi %add3A_17, %add3A_18 : i32
      %dma_start3A = arith.constant 0 : i32
      %dma_start3A_20 = arith.constant 0 : i32
      %dma_start3A_21 = arith.constant 0 : i32
      %dma_start3A_22 = tpu.memref_slice %arg6[%dma_start3A, %dma_start3A_20, %dma_start3A_21] : memref<9x16x512xf32, #tpu.memory_space<vmem>> -> memref<1x8x512xf32, #tpu.memory_space<vmem>>
      %dma_start3A_23 = tpu.memref_squeeze %dma_start3A_22 : memref<1x8x512xf32, #tpu.memory_space<vmem>> -> memref<8x512xf32, #tpu.memory_space<vmem>>
      %dma_start3A_24 = tpu.memref_slice %arg5[%add3A_19] : memref<2880xi32, #tpu.memory_space<vmem>> -> memref<8xi32, #tpu.memory_space<vmem>>
      %dma_start3A_25 = arith.constant 0 : i32
      %dma_start3A_26 = arith.constant 0 : i32
      %dma_start3A_27 = tpu.memref_slice %arg3[%dma_start3A_25, %dma_start3A_26] : memref<90000x512xf32, #tpu.memory_space<hbm>> -> memref<90000x512xf32, #tpu.memory_space<hbm>>
      tpu.enqueue_indirect_dma source(%dma_start3A_27 : memref<90000x512xf32, #tpu.memory_space<hbm>>) target(%dma_start3A_23 : memref<8x512xf32, #tpu.memory_space<vmem>>) offsets(%dma_start3A_24 : memref<8xi32, #tpu.memory_space<vmem>>) semaphore(%arg8 : memref<!tpu.dma_semaphore, #tpu.memory_space<semaphore_mem>>)
      %mul3A_28 = arith.constant 16 : i32
      %mul3A_29 = arith.muli %scan3A_10, %mul3A_28 : i32
      %add3A_30 = arith.constant 0 : i32
      %add3A_31 = arith.addi %add3A_30, %mul3A_29 : i32
      %add3A_32 = arith.constant 8 : i32
      %add3A_33 = arith.addi %add3A_31, %add3A_32 : i32
      %dma_start3A_34 = arith.constant 0 : i32
      %dma_start3A_35 = arith.constant 8 : i32
      %dma_start3A_36 = arith.constant 0 : i32
      %dma_start3A_37 = tpu.memref_slice %arg6[%dma_start3A_34, %dma_start3A_35, %dma_start3A_36] : memref<9x16x512xf32, #tpu.memory_space<vmem>> -> memref<1x8x512xf32, #tpu.memory_space<vmem>>
      %dma_start3A_38 = tpu.memref_squeeze %dma_start3A_37 : memref<1x8x512xf32, #tpu.memory_space<vmem>> -> memref<8x512xf32, #tpu.memory_space<vmem>>
      %dma_start3A_39 = tpu.memref_slice %arg5[%add3A_33] : memref<2880xi32, #tpu.memory_space<vmem>> -> memref<8xi32, #tpu.memory_space<vmem>>
      %dma_start3A_40 = arith.constant 0 : i32
      %dma_start3A_41 = arith.constant 0 : i32
      %dma_start3A_42 = tpu.memref_slice %arg3[%dma_start3A_40, %dma_start3A_41] : memref<90000x512xf32, #tpu.memory_space<hbm>> -> memref<90000x512xf32, #tpu.memory_space<hbm>>
      tpu.enqueue_indirect_dma source(%dma_start3A_42 : memref<90000x512xf32, #tpu.memory_space<hbm>>) target(%dma_start3A_38 : memref<8x512xf32, #tpu.memory_space<vmem>>) offsets(%dma_start3A_39 : memref<8xi32, #tpu.memory_space<vmem>>) semaphore(%arg8 : memref<!tpu.dma_semaphore, #tpu.memory_space<semaphore_mem>>)
      %mul3A_43 = arith.constant 16 : i32
      %mul3A_44 = arith.muli %scan3A_10, %mul3A_43 : i32
      %add3A_45 = arith.constant 320 : i32
      %add3A_46 = arith.addi %add3A_45, %mul3A_44 : i32
      %add3A_47 = arith.constant 0 : i32
      %add3A_48 = arith.addi %add3A_46, %add3A_47 : i32
      %dma_start3A_49 = arith.constant 1 : i32
      %dma_start3A_50 = arith.constant 0 : i32
      %dma_start3A_51 = arith.constant 0 : i32
      %dma_start3A_52 = tpu.memref_slice %arg6[%dma_start3A_49, %dma_start3A_50, %dma_start3A_51] : memref<9x16x512xf32, #tpu.memory_space<vmem>> -> memref<1x8x512xf32, #tpu.memory_space<vmem>>
      %dma_start3A_53 = tpu.memref_squeeze %dma_start3A_52 : memref<1x8x512xf32, #tpu.memory_space<vmem>> -> memref<8x512xf32, #tpu.memory_space<vmem>>
      %dma_start3A_54 = tpu.memref_slice %arg5[%add3A_48] : memref<2880xi32, #tpu.memory_space<vmem>> -> memref<8xi32, #tpu.memory_space<vmem>>
      %dma_start3A_55 = arith.constant 0 : i32
      %dma_start3A_56 = arith.constant 0 : i32
      %dma_start3A_57 = tpu.memref_slice %arg3[%dma_start3A_55, %dma_start3A_56] : memref<90000x512xf32, #tpu.memory_space<hbm>> -> memref<90000x512xf32, #tpu.memory_space<hbm>>
      tpu.enqueue_indirect_dma source(%dma_start3A_57 : memref<90000x512xf32, #tpu.memory_space<hbm>>) target(%dma_start3A_53 : memref<8x512xf32, #tpu.memory_space<vmem>>) offsets(%dma_start3A_54 : memref<8xi32, #tpu.memory_space<vmem>>) semaphore(%arg8 : memref<!tpu.dma_semaphore, #tpu.memory_space<semaphore_mem>>)
      %mul3A_58 = arith.constant 16 : i32
      %mul3A_59 = arith.muli %scan3A_10, %mul3A_58 : i32
      %add3A_60 = arith.constant 320 : i32
      %add3A_61 = arith.addi %add3A_60, %mul3A_59 : i32
      %add3A_62 = arith.constant 8 : i32
      %add3A_63 = arith.addi %add3A_61, %add3A_62 : i32
      %dma_start3A_64 = arith.constant 1 : i32
      %dma_start3A_65 = arith.constant 8 : i32
      %dma_start3A_66 = arith.constant 0 : i32
      %dma_start3A_67 = tpu.memref_slice %arg6[%dma_start3A_64, %dma_start3A_65, %dma_start3A_66] : memref<9x16x512xf32, #tpu.memory_space<vmem>> -> memref<1x8x512xf32, #tpu.memory_space<vmem>>
      %dma_start3A_68 = tpu.memref_squeeze %dma_start3A_67 : memref<1x8x512xf32, #tpu.memory_space<vmem>> -> memref<8x512xf32, #tpu.memory_space<vmem>>
      %dma_start3A_69 = tpu.memref_slice %arg5[%add3A_63] : memref<2880xi32, #tpu.memory_space<vmem>> -> memref<8xi32, #tpu.memory_space<vmem>>
      %dma_start3A_70 = arith.constant 0 : i32
      %dma_start3A_71 = arith.constant 0 : i32
      %dma_start3A_72 = tpu.memref_slice %arg3[%dma_start3A_70, %dma_start3A_71] : memref<90000x512xf32, #tpu.memory_space<hbm>> -> memref<90000x512xf32, #tpu.memory_space<hbm>>
      tpu.enqueue_indirect_dma source(%dma_start3A_72 : memref<90000x512xf32, #tpu.memory_space<hbm>>) target(%dma_start3A_68 : memref<8x512xf32, #tpu.memory_space<vmem>>) offsets(%dma_start3A_69 : memref<8xi32, #tpu.memory_space<vmem>>) semaphore(%arg8 : memref<!tpu.dma_semaphore, #tpu.memory_space<semaphore_mem>>)
      %mul3A_73 = arith.constant 16 : i32
      %mul3A_74 = arith.muli %scan3A_10, %mul3A_73 : i32
      %add3A_75 = arith.constant 640 : i32
      %add3A_76 = arith.addi %add3A_75, %mul3A_74 : i32
      %add3A_77 = arith.constant 0 : i32
      %add3A_78 = arith.addi %add3A_76, %add3A_77 : i32
      %dma_start3A_79 = arith.constant 2 : i32
      %dma_start3A_80 = arith.constant 0 : i32
      %dma_start3A_81 = arith.constant 0 : i32
      %dma_start3A_82 = tpu.memref_slice %arg6[%dma_start3A_79, %dma_start3A_80, %dma_start3A_81] : memref<9x16x512xf32, #tpu.memory_space<vmem>> -> memref<1x8x512xf32, #tpu.memory_space<vmem>>
      %dma_start3A_83 = tpu.memref_squeeze %dma_start3A_82 : memref<1x8x512xf32, #tpu.memory_space<vmem>> -> memref<8x512xf32, #tpu.memory_space<vmem>>
      %dma_start3A_84 = tpu.memref_slice %arg5[%add3A_78] : memref<2880xi32, #tpu.memory_space<vmem>> -> memref<8xi32, #tpu.memory_space<vmem>>
      %dma_start3A_85 = arith.constant 0 : i32
      %dma_start3A_86 = arith.constant 0 : i32
      %dma_start3A_87 = tpu.memref_slice %arg3[%dma_start3A_85, %dma_start3A_86] : memref<90000x512xf32, #tpu.memory_space<hbm>> -> memref<90000x512xf32, #tpu.memory_space<hbm>>
      tpu.enqueue_indirect_dma source(%dma_start3A_87 : memref<90000x512xf32, #tpu.memory_space<hbm>>) target(%dma_start3A_83 : memref<8x512xf32, #tpu.memory_space<vmem>>) offsets(%dma_start3A_84 : memref<8xi32, #tpu.memory_space<vmem>>) semaphore(%arg8 : memref<!tpu.dma_semaphore, #tpu.memory_space<semaphore_mem>>)
      %mul3A_88 = arith.constant 16 : i32
      %mul3A_89 = arith.muli %scan3A_10, %mul3A_88 : i32
      %add3A_90 = arith.constant 640 : i32
      %add3A_91 = arith.addi %add3A_90, %mul3A_89 : i32
      %add3A_92 = arith.constant 8 : i32
      %add3A_93 = arith.addi %add3A_91, %add3A_92 : i32
      %dma_start3A_94 = arith.constant 2 : i32
      %dma_start3A_95 = arith.constant 8 : i32
      %dma_start3A_96 = arith.constant 0 : i32
      %dma_start3A_97 = tpu.memref_slice %arg6[%dma_start3A_94, %dma_start3A_95, %dma_start3A_96] : memref<9x16x512xf32, #tpu.memory_space<vmem>> -> memref<1x8x512xf32, #tpu.memory_space<vmem>>
      %dma_start3A_98 = tpu.memref_squeeze %dma_start3A_97 : memref<1x8x512xf32, #tpu.memory_space<vmem>> -> memref<8x512xf32, #tpu.memory_space<vmem>>
      %dma_start3A_99 = tpu.memref_slice %arg5[%add3A_93] : memref<2880xi32, #tpu.memory_space<vmem>> -> memref<8xi32, #tpu.memory_space<vmem>>
      %dma_start3A_100 = arith.constant 0 : i32
      %dma_start3A_101 = arith.constant 0 : i32
      %dma_start3A_102 = tpu.memref_slice %arg3[%dma_start3A_100, %dma_start3A_101] : memref<90000x512xf32, #tpu.memory_space<hbm>> -> memref<90000x512xf32, #tpu.memory_space<hbm>>
      tpu.enqueue_indirect_dma source(%dma_start3A_102 : memref<90000x512xf32, #tpu.memory_space<hbm>>) target(%dma_start3A_98 : memref<8x512xf32, #tpu.memory_space<vmem>>) offsets(%dma_start3A_99 : memref<8xi32, #tpu.memory_space<vmem>>) semaphore(%arg8 : memref<!tpu.dma_semaphore, #tpu.memory_space<semaphore_mem>>)
      %mul3A_103 = arith.constant 16 : i32
      %mul3A_104 = arith.muli %scan3A_10, %mul3A_103 : i32
      %add3A_105 = arith.constant 960 : i32
      %add3A_106 = arith.addi %add3A_105, %mul3A_104 : i32
      %add3A_107 = arith.constant 0 : i32
      %add3A_108 = arith.addi %add3A_106, %add3A_107 : i32
      %dma_start3A_109 = arith.constant 3 : i32
      %dma_start3A_110 = arith.constant 0 : i32
      %dma_start3A_111 = arith.constant 0 : i32
      %dma_start3A_112 = tpu.memref_slice %arg6[%dma_start3A_109, %dma_start3A_110, %dma_start3A_111] : memref<9x16x512xf32, #tpu.memory_space<vmem>> -> memref<1x8x512xf32, #tpu.memory_space<vmem>>
      %dma_start3A_113 = tpu.memref_squeeze %dma_start3A_112 : memref<1x8x512xf32, #tpu.memory_space<vmem>> -> memref<8x512xf32, #tpu.memory_space<vmem>>
      %dma_start3A_114 = tpu.memref_slice %arg5[%add3A_108] : memref<2880xi32, #tpu.memory_space<vmem>> -> memref<8xi32, #tpu.memory_space<vmem>>
      %dma_start3A_115 = arith.constant 0 : i32
      %dma_start3A_116 = arith.constant 0 : i32
      %dma_start3A_117 = tpu.memref_slice %arg3[%dma_start3A_115, %dma_start3A_116] : memref<90000x512xf32, #tpu.memory_space<hbm>> -> memref<90000x512xf32, #tpu.memory_space<hbm>>
      tpu.enqueue_indirect_dma source(%dma_start3A_117 : memref<90000x512xf32, #tpu.memory_space<hbm>>) target(%dma_start3A_113 : memref<8x512xf32, #tpu.memory_space<vmem>>) offsets(%dma_start3A_114 : memref<8xi32, #tpu.memory_space<vmem>>) semaphore(%arg8 : memref<!tpu.dma_semaphore, #tpu.memory_space<semaphore_mem>>)
      %mul3A_118 = arith.constant 16 : i32
      %mul3A_119 = arith.muli %scan3A_10, %mul3A_118 : i32
      %add3A_120 = arith.constant 960 : i32
      %add3A_121 = arith.addi %add3A_120, %mul3A_119 : i32
      %add3A_122 = arith.constant 8 : i32
      %add3A_123 = arith.addi %add3A_121, %add3A_122 : i32
      %dma_start3A_124 = arith.constant 3 : i32
      %dma_start3A_125 = arith.constant 8 : i32
      %dma_start3A_126 = arith.constant 0 : i32
      %dma_start3A_127 = tpu.memref_slice %arg6[%dma_start3A_124, %dma_start3A_125, %dma_start3A_126] : memref<9x16x512xf32, #tpu.memory_space<vmem>> -> memref<1x8x512xf32, #tpu.memory_space<vmem>>
      %dma_start3A_128 = tpu.memref_squeeze %dma_start3A_127 : memref<1x8x512xf32, #tpu.memory_space<vmem>> -> memref<8x512xf32, #tpu.memory_space<vmem>>
      %dma_start3A_129 = tpu.memref_slice %arg5[%add3A_123] : memref<2880xi32, #tpu.memory_space<vmem>> -> memref<8xi32, #tpu.memory_space<vmem>>
      %dma_start3A_130 = arith.constant 0 : i32
      %dma_start3A_131 = arith.constant 0 : i32
      %dma_start3A_132 = tpu.memref_slice %arg3[%dma_start3A_130, %dma_start3A_131] : memref<90000x512xf32, #tpu.memory_space<hbm>> -> memref<90000x512xf32, #tpu.memory_space<hbm>>
      tpu.enqueue_indirect_dma source(%dma_start3A_132 : memref<90000x512xf32, #tpu.memory_space<hbm>>) target(%dma_start3A_128 : memref<8x512xf32, #tpu.memory_space<vmem>>) offsets(%dma_start3A_129 : memref<8xi32, #tpu.memory_space<vmem>>) semaphore(%arg8 : memref<!tpu.dma_semaphore, #tpu.memory_space<semaphore_mem>>)
      %mul3A_133 = arith.constant 16 : i32
      %mul3A_134 = arith.muli %scan3A_10, %mul3A_133 : i32
      %add3A_135 = arith.constant 1280 : i32
      %add3A_136 = arith.addi %add3A_135, %mul3A_134 : i32
      %add3A_137 = arith.constant 0 : i32
      %add3A_138 = arith.addi %add3A_136, %add3A_137 : i32
      %dma_start3A_139 = arith.constant 4 : i32
      %dma_start3A_140 = arith.constant 0 : i32
      %dma_start3A_141 = arith.constant 0 : i32
      %dma_start3A_142 = tpu.memref_slice %arg6[%dma_start3A_139, %dma_start3A_140, %dma_start3A_141] : memref<9x16x512xf32, #tpu.memory_space<vmem>> -> memref<1x8x512xf32, #tpu.memory_space<vmem>>
      %dma_start3A_143 = tpu.memref_squeeze %dma_start3A_142 : memref<1x8x512xf32, #tpu.memory_space<vmem>> -> memref<8x512xf32, #tpu.memory_space<vmem>>
      %dma_start3A_144 = tpu.memref_slice %arg5[%add3A_138] : memref<2880xi32, #tpu.memory_space<vmem>> -> memref<8xi32, #tpu.memory_space<vmem>>
      %dma_start3A_145 = arith.constant 0 : i32
      %dma_start3A_146 = arith.constant 0 : i32
      %dma_start3A_147 = tpu.memref_slice %arg3[%dma_start3A_145, %dma_start3A_146] : memref<90000x512xf32, #tpu.memory_space<hbm>> -> memref<90000x512xf32, #tpu.memory_space<hbm>>
      tpu.enqueue_indirect_dma source(%dma_start3A_147 : memref<90000x512xf32, #tpu.memory_space<hbm>>) target(%dma_start3A_143 : memref<8x512xf32, #tpu.memory_space<vmem>>) offsets(%dma_start3A_144 : memref<8xi32, #tpu.memory_space<vmem>>) semaphore(%arg8 : memref<!tpu.dma_semaphore, #tpu.memory_space<semaphore_mem>>)
      %mul3A_148 = arith.constant 16 : i32
      %mul3A_149 = arith.muli %scan3A_10, %mul3A_148 : i32
      %add3A_150 = arith.constant 1280 : i32
      %add3A_151 = arith.addi %add3A_150, %mul3A_149 : i32
      %add3A_152 = arith.constant 8 : i32
      %add3A_153 = arith.addi %add3A_151, %add3A_152 : i32
      %dma_start3A_154 = arith.constant 4 : i32
      %dma_start3A_155 = arith.constant 8 : i32
      %dma_start3A_156 = arith.constant 0 : i32
      %dma_start3A_157 = tpu.memref_slice %arg6[%dma_start3A_154, %dma_start3A_155, %dma_start3A_156] : memref<9x16x512xf32, #tpu.memory_space<vmem>> -> memref<1x8x512xf32, #tpu.memory_space<vmem>>
      %dma_start3A_158 = tpu.memref_squeeze %dma_start3A_157 : memref<1x8x512xf32, #tpu.memory_space<vmem>> -> memref<8x512xf32, #tpu.memory_space<vmem>>
      %dma_start3A_159 = tpu.memref_slice %arg5[%add3A_153] : memref<2880xi32, #tpu.memory_space<vmem>> -> memref<8xi32, #tpu.memory_space<vmem>>
      %dma_start3A_160 = arith.constant 0 : i32
      %dma_start3A_161 = arith.constant 0 : i32
      %dma_start3A_162 = tpu.memref_slice %arg3[%dma_start3A_160, %dma_start3A_161] : memref<90000x512xf32, #tpu.memory_space<hbm>> -> memref<90000x512xf32, #tpu.memory_space<hbm>>
      tpu.enqueue_indirect_dma source(%dma_start3A_162 : memref<90000x512xf32, #tpu.memory_space<hbm>>) target(%dma_start3A_158 : memref<8x512xf32, #tpu.memory_space<vmem>>) offsets(%dma_start3A_159 : memref<8xi32, #tpu.memory_space<vmem>>) semaphore(%arg8 : memref<!tpu.dma_semaphore, #tpu.memory_space<semaphore_mem>>)
      %mul3A_163 = arith.constant 16 : i32
      %mul3A_164 = arith.muli %scan3A_10, %mul3A_163 : i32
      %add3A_165 = arith.constant 1600 : i32
      %add3A_166 = arith.addi %add3A_165, %mul3A_164 : i32
      %add3A_167 = arith.constant 0 : i32
      %add3A_168 = arith.addi %add3A_166, %add3A_167 : i32
      %dma_start3A_169 = arith.constant 5 : i32
      %dma_start3A_170 = arith.constant 0 : i32
      %dma_start3A_171 = arith.constant 0 : i32
      %dma_start3A_172 = tpu.memref_slice %arg6[%dma_start3A_169, %dma_start3A_170, %dma_start3A_171] : memref<9x16x512xf32, #tpu.memory_space<vmem>> -> memref<1x8x512xf32, #tpu.memory_space<vmem>>
      %dma_start3A_173 = tpu.memref_squeeze %dma_start3A_172 : memref<1x8x512xf32, #tpu.memory_space<vmem>> -> memref<8x512xf32, #tpu.memory_space<vmem>>
      %dma_start3A_174 = tpu.memref_slice %arg5[%add3A_168] : memref<2880xi32, #tpu.memory_space<vmem>> -> memref<8xi32, #tpu.memory_space<vmem>>
      %dma_start3A_175 = arith.constant 0 : i32
      %dma_start3A_176 = arith.constant 0 : i32
      %dma_start3A_177 = tpu.memref_slice %arg3[%dma_start3A_175, %dma_start3A_176] : memref<90000x512xf32, #tpu.memory_space<hbm>> -> memref<90000x512xf32, #tpu.memory_space<hbm>>
      tpu.enqueue_indirect_dma source(%dma_start3A_177 : memref<90000x512xf32, #tpu.memory_space<hbm>>) target(%dma_start3A_173 : memref<8x512xf32, #tpu.memory_space<vmem>>) offsets(%dma_start3A_174 : memref<8xi32, #tpu.memory_space<vmem>>) semaphore(%arg8 : memref<!tpu.dma_semaphore, #tpu.memory_space<semaphore_mem>>)
      %mul3A_178 = arith.constant 16 : i32
      %mul3A_179 = arith.muli %scan3A_10, %mul3A_178 : i32
      %add3A_180 = arith.constant 1600 : i32
      %add3A_181 = arith.addi %add3A_180, %mul3A_179 : i32
      %add3A_182 = arith.constant 8 : i32
      %add3A_183 = arith.addi %add3A_181, %add3A_182 : i32
      %dma_start3A_184 = arith.constant 5 : i32
      %dma_start3A_185 = arith.constant 8 : i32
      %dma_start3A_186 = arith.constant 0 : i32
      %dma_start3A_187 = tpu.memref_slice %arg6[%dma_start3A_184, %dma_start3A_185, %dma_start3A_186] : memref<9x16x512xf32, #tpu.memory_space<vmem>> -> memref<1x8x512xf32, #tpu.memory_space<vmem>>
      %dma_start3A_188 = tpu.memref_squeeze %dma_start3A_187 : memref<1x8x512xf32, #tpu.memory_space<vmem>> -> memref<8x512xf32, #tpu.memory_space<vmem>>
      %dma_start3A_189 = tpu.memref_slice %arg5[%add3A_183] : memref<2880xi32, #tpu.memory_space<vmem>> -> memref<8xi32, #tpu.memory_space<vmem>>
      %dma_start3A_190 = arith.constant 0 : i32
      %dma_start3A_191 = arith.constant 0 : i32
      %dma_start3A_192 = tpu.memref_slice %arg3[%dma_start3A_190, %dma_start3A_191] : memref<90000x512xf32, #tpu.memory_space<hbm>> -> memref<90000x512xf32, #tpu.memory_space<hbm>>
      tpu.enqueue_indirect_dma source(%dma_start3A_192 : memref<90000x512xf32, #tpu.memory_space<hbm>>) target(%dma_start3A_188 : memref<8x512xf32, #tpu.memory_space<vmem>>) offsets(%dma_start3A_189 : memref<8xi32, #tpu.memory_space<vmem>>) semaphore(%arg8 : memref<!tpu.dma_semaphore, #tpu.memory_space<semaphore_mem>>)
      %mul3A_193 = arith.constant 16 : i32
      %mul3A_194 = arith.muli %scan3A_10, %mul3A_193 : i32
      %add3A_195 = arith.constant 1920 : i32
      %add3A_196 = arith.addi %add3A_195, %mul3A_194 : i32
      %add3A_197 = arith.constant 0 : i32
      %add3A_198 = arith.addi %add3A_196, %add3A_197 : i32
      %dma_start3A_199 = arith.constant 6 : i32
      %dma_start3A_200 = arith.constant 0 : i32
      %dma_start3A_201 = arith.constant 0 : i32
      %dma_start3A_202 = tpu.memref_slice %arg6[%dma_start3A_199, %dma_start3A_200, %dma_start3A_201] : memref<9x16x512xf32, #tpu.memory_space<vmem>> -> memref<1x8x512xf32, #tpu.memory_space<vmem>>
      %dma_start3A_203 = tpu.memref_squeeze %dma_start3A_202 : memref<1x8x512xf32, #tpu.memory_space<vmem>> -> memref<8x512xf32, #tpu.memory_space<vmem>>
      %dma_start3A_204 = tpu.memref_slice %arg5[%add3A_198] : memref<2880xi32, #tpu.memory_space<vmem>> -> memref<8xi32, #tpu.memory_space<vmem>>
      %dma_start3A_205 = arith.constant 0 : i32
      %dma_start3A_206 = arith.constant 0 : i32
      %dma_start3A_207 = tpu.memref_slice %arg3[%dma_start3A_205, %dma_start3A_206] : memref<90000x512xf32, #tpu.memory_space<hbm>> -> memref<90000x512xf32, #tpu.memory_space<hbm>>
      tpu.enqueue_indirect_dma source(%dma_start3A_207 : memref<90000x512xf32, #tpu.memory_space<hbm>>) target(%dma_start3A_203 : memref<8x512xf32, #tpu.memory_space<vmem>>) offsets(%dma_start3A_204 : memref<8xi32, #tpu.memory_space<vmem>>) semaphore(%arg8 : memref<!tpu.dma_semaphore, #tpu.memory_space<semaphore_mem>>)
      %mul3A_208 = arith.constant 16 : i32
      %mul3A_209 = arith.muli %scan3A_10, %mul3A_208 : i32
      %add3A_210 = arith.constant 1920 : i32
      %add3A_211 = arith.addi %add3A_210, %mul3A_209 : i32
      %add3A_212 = arith.constant 8 : i32
      %add3A_213 = arith.addi %add3A_211, %add3A_212 : i32
      %dma_start3A_214 = arith.constant 6 : i32
      %dma_start3A_215 = arith.constant 8 : i32
      %dma_start3A_216 = arith.constant 0 : i32
      %dma_start3A_217 = tpu.memref_slice %arg6[%dma_start3A_214, %dma_start3A_215, %dma_start3A_216] : memref<9x16x512xf32, #tpu.memory_space<vmem>> -> memref<1x8x512xf32, #tpu.memory_space<vmem>>
      %dma_start3A_218 = tpu.memref_squeeze %dma_start3A_217 : memref<1x8x512xf32, #tpu.memory_space<vmem>> -> memref<8x512xf32, #tpu.memory_space<vmem>>
      %dma_start3A_219 = tpu.memref_slice %arg5[%add3A_213] : memref<2880xi32, #tpu.memory_space<vmem>> -> memref<8xi32, #tpu.memory_space<vmem>>
      %dma_start3A_220 = arith.constant 0 : i32
      %dma_start3A_221 = arith.constant 0 : i32
      %dma_start3A_222 = tpu.memref_slice %arg3[%dma_start3A_220, %dma_start3A_221] : memref<90000x512xf32, #tpu.memory_space<hbm>> -> memref<90000x512xf32, #tpu.memory_space<hbm>>
      tpu.enqueue_indirect_dma source(%dma_start3A_222 : memref<90000x512xf32, #tpu.memory_space<hbm>>) target(%dma_start3A_218 : memref<8x512xf32, #tpu.memory_space<vmem>>) offsets(%dma_start3A_219 : memref<8xi32, #tpu.memory_space<vmem>>) semaphore(%arg8 : memref<!tpu.dma_semaphore, #tpu.memory_space<semaphore_mem>>)
      %mul3A_223 = arith.constant 16 : i32
      %mul3A_224 = arith.muli %scan3A_10, %mul3A_223 : i32
      %add3A_225 = arith.constant 2240 : i32
      %add3A_226 = arith.addi %add3A_225, %mul3A_224 : i32
      %add3A_227 = arith.constant 0 : i32
      %add3A_228 = arith.addi %add3A_226, %add3A_227 : i32
      %dma_start3A_229 = arith.constant 7 : i32
      %dma_start3A_230 = arith.constant 0 : i32
      %dma_start3A_231 = arith.constant 0 : i32
      %dma_start3A_232 = tpu.memref_slice %arg6[%dma_start3A_229, %dma_start3A_230, %dma_start3A_231] : memref<9x16x512xf32, #tpu.memory_space<vmem>> -> memref<1x8x512xf32, #tpu.memory_space<vmem>>
      %dma_start3A_233 = tpu.memref_squeeze %dma_start3A_232 : memref<1x8x512xf32, #tpu.memory_space<vmem>> -> memref<8x512xf32, #tpu.memory_space<vmem>>
      %dma_start3A_234 = tpu.memref_slice %arg5[%add3A_228] : memref<2880xi32, #tpu.memory_space<vmem>> -> memref<8xi32, #tpu.memory_space<vmem>>
      %dma_start3A_235 = arith.constant 0 : i32
      %dma_start3A_236 = arith.constant 0 : i32
      %dma_start3A_237 = tpu.memref_slice %arg3[%dma_start3A_235, %dma_start3A_236] : memref<90000x512xf32, #tpu.memory_space<hbm>> -> memref<90000x512xf32, #tpu.memory_space<hbm>>
      tpu.enqueue_indirect_dma source(%dma_start3A_237 : memref<90000x512xf32, #tpu.memory_space<hbm>>) target(%dma_start3A_233 : memref<8x512xf32, #tpu.memory_space<vmem>>) offsets(%dma_start3A_234 : memref<8xi32, #tpu.memory_space<vmem>>) semaphore(%arg8 : memref<!tpu.dma_semaphore, #tpu.memory_space<semaphore_mem>>)
      %mul3A_238 = arith.constant 16 : i32
      %mul3A_239 = arith.muli %scan3A_10, %mul3A_238 : i32
      %add3A_240 = arith.constant 2240 : i32
      %add3A_241 = arith.addi %add3A_240, %mul3A_239 : i32
      %add3A_242 = arith.constant 8 : i32
      %add3A_243 = arith.addi %add3A_241, %add3A_242 : i32
      %dma_start3A_244 = arith.constant 7 : i32
      %dma_start3A_245 = arith.constant 8 : i32
      %dma_start3A_246 = arith.constant 0 : i32
      %dma_start3A_247 = tpu.memref_slice %arg6[%dma_start3A_244, %dma_start3A_245, %dma_start3A_246] : memref<9x16x512xf32, #tpu.memory_space<vmem>> -> memref<1x8x512xf32, #tpu.memory_space<vmem>>
      %dma_start3A_248 = tpu.memref_squeeze %dma_start3A_247 : memref<1x8x512xf32, #tpu.memory_space<vmem>> -> memref<8x512xf32, #tpu.memory_space<vmem>>
      %dma_start3A_249 = tpu.memref_slice %arg5[%add3A_243] : memref<2880xi32, #tpu.memory_space<vmem>> -> memref<8xi32, #tpu.memory_space<vmem>>
      %dma_start3A_250 = arith.constant 0 : i32
      %dma_start3A_251 = arith.constant 0 : i32
      %dma_start3A_252 = tpu.memref_slice %arg3[%dma_start3A_250, %dma_start3A_251] : memref<90000x512xf32, #tpu.memory_space<hbm>> -> memref<90000x512xf32, #tpu.memory_space<hbm>>
      tpu.enqueue_indirect_dma source(%dma_start3A_252 : memref<90000x512xf32, #tpu.memory_space<hbm>>) target(%dma_start3A_248 : memref<8x512xf32, #tpu.memory_space<vmem>>) offsets(%dma_start3A_249 : memref<8xi32, #tpu.memory_space<vmem>>) semaphore(%arg8 : memref<!tpu.dma_semaphore, #tpu.memory_space<semaphore_mem>>)
      %mul3A_253 = arith.constant 16 : i32
      %mul3A_254 = arith.muli %scan3A_10, %mul3A_253 : i32
      %add3A_255 = arith.constant 2560 : i32
      %add3A_256 = arith.addi %add3A_255, %mul3A_254 : i32
      %add3A_257 = arith.constant 0 : i32
      %add3A_258 = arith.addi %add3A_256, %add3A_257 : i32
      %dma_start3A_259 = arith.constant 8 : i32
      %dma_start3A_260 = arith.constant 0 : i32
      %dma_start3A_261 = arith.constant 0 : i32
      %dma_start3A_262 = tpu.memref_slice %arg6[%dma_start3A_259, %dma_start3A_260, %dma_start3A_261] : memref<9x16x512xf32, #tpu.memory_space<vmem>> -> memref<1x8x512xf32, #tpu.memory_space<vmem>>
      %dma_start3A_263 = tpu.memref_squeeze %dma_start3A_262 : memref<1x8x512xf32, #tpu.memory_space<vmem>> -> memref<8x512xf32, #tpu.memory_space<vmem>>
      %dma_start3A_264 = tpu.memref_slice %arg5[%add3A_258] : memref<2880xi32, #tpu.memory_space<vmem>> -> memref<8xi32, #tpu.memory_space<vmem>>
      %dma_start3A_265 = arith.constant 0 : i32
      %dma_start3A_266 = arith.constant 0 : i32
      %dma_start3A_267 = tpu.memref_slice %arg3[%dma_start3A_265, %dma_start3A_266] : memref<90000x512xf32, #tpu.memory_space<hbm>> -> memref<90000x512xf32, #tpu.memory_space<hbm>>
      tpu.enqueue_indirect_dma source(%dma_start3A_267 : memref<90000x512xf32, #tpu.memory_space<hbm>>) target(%dma_start3A_263 : memref<8x512xf32, #tpu.memory_space<vmem>>) offsets(%dma_start3A_264 : memref<8xi32, #tpu.memory_space<vmem>>) semaphore(%arg8 : memref<!tpu.dma_semaphore, #tpu.memory_space<semaphore_mem>>)
      %mul3A_268 = arith.constant 16 : i32
      %mul3A_269 = arith.muli %scan3A_10, %mul3A_268 : i32
      %add3A_270 = arith.constant 2560 : i32
      %add3A_271 = arith.addi %add3A_270, %mul3A_269 : i32
      %add3A_272 = arith.constant 8 : i32
      %add3A_273 = arith.addi %add3A_271, %add3A_272 : i32
      %dma_start3A_274 = arith.constant 8 : i32
      %dma_start3A_275 = arith.constant 8 : i32
      %dma_start3A_276 = arith.constant 0 : i32
      %dma_start3A_277 = tpu.memref_slice %arg6[%dma_start3A_274, %dma_start3A_275, %dma_start3A_276] : memref<9x16x512xf32, #tpu.memory_space<vmem>> -> memref<1x8x512xf32, #tpu.memory_space<vmem>>
      %dma_start3A_278 = tpu.memref_squeeze %dma_start3A_277 : memref<1x8x512xf32, #tpu.memory_space<vmem>> -> memref<8x512xf32, #tpu.memory_space<vmem>>
      %dma_start3A_279 = tpu.memref_slice %arg5[%add3A_273] : memref<2880xi32, #tpu.memory_space<vmem>> -> memref<8xi32, #tpu.memory_space<vmem>>
      %dma_start3A_280 = arith.constant 0 : i32
      %dma_start3A_281 = arith.constant 0 : i32
      %dma_start3A_282 = tpu.memref_slice %arg3[%dma_start3A_280, %dma_start3A_281] : memref<90000x512xf32, #tpu.memory_space<hbm>> -> memref<90000x512xf32, #tpu.memory_space<hbm>>
      tpu.enqueue_indirect_dma source(%dma_start3A_282 : memref<90000x512xf32, #tpu.memory_space<hbm>>) target(%dma_start3A_278 : memref<8x512xf32, #tpu.memory_space<vmem>>) offsets(%dma_start3A_279 : memref<8xi32, #tpu.memory_space<vmem>>) semaphore(%arg8 : memref<!tpu.dma_semaphore, #tpu.memory_space<semaphore_mem>>)
      %dma_wait3A = arith.constant 0 : i32
      %dma_wait3A_283 = arith.constant 0 : i32
      %dma_wait3A_284 = arith.constant 0 : i32
      %dma_wait3A_285 = tpu.memref_slice %arg6[%dma_wait3A, %dma_wait3A_283, %dma_wait3A_284] : memref<9x16x512xf32, #tpu.memory_space<vmem>> -> memref<1x8x512xf32, #tpu.memory_space<vmem>>
      %dma_wait3A_286 = tpu.memref_squeeze %dma_wait3A_285 : memref<1x8x512xf32, #tpu.memory_space<vmem>> -> memref<8x512xf32, #tpu.memory_space<vmem>>
      %dma_wait3A_287 = tpu.memref_slice %arg5[%add3A_19] : memref<2880xi32, #tpu.memory_space<vmem>> -> memref<8xi32, #tpu.memory_space<vmem>>
      %dma_wait3A_288 = arith.constant 0 : i32
      %dma_wait3A_289 = arith.constant 0 : i32
      %dma_wait3A_290 = tpu.memref_slice %arg3[%dma_wait3A_288, %dma_wait3A_289] : memref<90000x512xf32, #tpu.memory_space<hbm>> -> memref<90000x512xf32, #tpu.memory_space<hbm>>
      tpu.wait_indirect_dma semaphore(%arg8 : memref<!tpu.dma_semaphore, #tpu.memory_space<semaphore_mem>>) src(%dma_wait3A_290 : memref<90000x512xf32, #tpu.memory_space<hbm>>) dst(%dma_wait3A_286 : memref<8x512xf32, #tpu.memory_space<vmem>>)
      %dma_wait3A_291 = arith.constant 0 : i32
      %dma_wait3A_292 = arith.constant 8 : i32
      %dma_wait3A_293 = arith.constant 0 : i32
      %dma_wait3A_294 = tpu.memref_slice %arg6[%dma_wait3A_291, %dma_wait3A_292, %dma_wait3A_293] : memref<9x16x512xf32, #tpu.memory_space<vmem>> -> memref<1x8x512xf32, #tpu.memory_space<vmem>>
      %dma_wait3A_295 = tpu.memref_squeeze %dma_wait3A_294 : memref<1x8x512xf32, #tpu.memory_space<vmem>> -> memref<8x512xf32, #tpu.memory_space<vmem>>
      %dma_wait3A_296 = tpu.memref_slice %arg5[%add3A_33] : memref<2880xi32, #tpu.memory_space<vmem>> -> memref<8xi32, #tpu.memory_space<vmem>>
      %dma_wait3A_297 = arith.constant 0 : i32
      %dma_wait3A_298 = arith.constant 0 : i32
      %dma_wait3A_299 = tpu.memref_slice %arg3[%dma_wait3A_297, %dma_wait3A_298] : memref<90000x512xf32, #tpu.memory_space<hbm>> -> memref<90000x512xf32, #tpu.memory_space<hbm>>
      tpu.wait_indirect_dma semaphore(%arg8 : memref<!tpu.dma_semaphore, #tpu.memory_space<semaphore_mem>>) src(%dma_wait3A_299 : memref<90000x512xf32, #tpu.memory_space<hbm>>) dst(%dma_wait3A_295 : memref<8x512xf32, #tpu.memory_space<vmem>>)
      %dma_wait3A_300 = arith.constant 1 : i32
      %dma_wait3A_301 = arith.constant 0 : i32
      %dma_wait3A_302 = arith.constant 0 : i32
      %dma_wait3A_303 = tpu.memref_slice %arg6[%dma_wait3A_300, %dma_wait3A_301, %dma_wait3A_302] : memref<9x16x512xf32, #tpu.memory_space<vmem>> -> memref<1x8x512xf32, #tpu.memory_space<vmem>>
      %dma_wait3A_304 = tpu.memref_squeeze %dma_wait3A_303 : memref<1x8x512xf32, #tpu.memory_space<vmem>> -> memref<8x512xf32, #tpu.memory_space<vmem>>
      %dma_wait3A_305 = tpu.memref_slice %arg5[%add3A_48] : memref<2880xi32, #tpu.memory_space<vmem>> -> memref<8xi32, #tpu.memory_space<vmem>>
      %dma_wait3A_306 = arith.constant 0 : i32
      %dma_wait3A_307 = arith.constant 0 : i32
      %dma_wait3A_308 = tpu.memref_slice %arg3[%dma_wait3A_306, %dma_wait3A_307] : memref<90000x512xf32, #tpu.memory_space<hbm>> -> memref<90000x512xf32, #tpu.memory_space<hbm>>
      tpu.wait_indirect_dma semaphore(%arg8 : memref<!tpu.dma_semaphore, #tpu.memory_space<semaphore_mem>>) src(%dma_wait3A_308 : memref<90000x512xf32, #tpu.memory_space<hbm>>) dst(%dma_wait3A_304 : memref<8x512xf32, #tpu.memory_space<vmem>>)
      %dma_wait3A_309 = arith.constant 1 : i32
      %dma_wait3A_310 = arith.constant 8 : i32
      %dma_wait3A_311 = arith.constant 0 : i32
      %dma_wait3A_312 = tpu.memref_slice %arg6[%dma_wait3A_309, %dma_wait3A_310, %dma_wait3A_311] : memref<9x16x512xf32, #tpu.memory_space<vmem>> -> memref<1x8x512xf32, #tpu.memory_space<vmem>>
      %dma_wait3A_313 = tpu.memref_squeeze %dma_wait3A_312 : memref<1x8x512xf32, #tpu.memory_space<vmem>> -> memref<8x512xf32, #tpu.memory_space<vmem>>
      %dma_wait3A_314 = tpu.memref_slice %arg5[%add3A_63] : memref<2880xi32, #tpu.memory_space<vmem>> -> memref<8xi32, #tpu.memory_space<vmem>>
      %dma_wait3A_315 = arith.constant 0 : i32
      %dma_wait3A_316 = arith.constant 0 : i32
      %dma_wait3A_317 = tpu.memref_slice %arg3[%dma_wait3A_315, %dma_wait3A_316] : memref<90000x512xf32, #tpu.memory_space<hbm>> -> memref<90000x512xf32, #tpu.memory_space<hbm>>
      tpu.wait_indirect_dma semaphore(%arg8 : memref<!tpu.dma_semaphore, #tpu.memory_space<semaphore_mem>>) src(%dma_wait3A_317 : memref<90000x512xf32, #tpu.memory_space<hbm>>) dst(%dma_wait3A_313 : memref<8x512xf32, #tpu.memory_space<vmem>>)
      %dma_wait3A_318 = arith.constant 2 : i32
      %dma_wait3A_319 = arith.constant 0 : i32
      %dma_wait3A_320 = arith.constant 0 : i32
      %dma_wait3A_321 = tpu.memref_slice %arg6[%dma_wait3A_318, %dma_wait3A_319, %dma_wait3A_320] : memref<9x16x512xf32, #tpu.memory_space<vmem>> -> memref<1x8x512xf32, #tpu.memory_space<vmem>>
      %dma_wait3A_322 = tpu.memref_squeeze %dma_wait3A_321 : memref<1x8x512xf32, #tpu.memory_space<vmem>> -> memref<8x512xf32, #tpu.memory_space<vmem>>
      %dma_wait3A_323 = tpu.memref_slice %arg5[%add3A_78] : memref<2880xi32, #tpu.memory_space<vmem>> -> memref<8xi32, #tpu.memory_space<vmem>>
      %dma_wait3A_324 = arith.constant 0 : i32
      %dma_wait3A_325 = arith.constant 0 : i32
      %dma_wait3A_326 = tpu.memref_slice %arg3[%dma_wait3A_324, %dma_wait3A_325] : memref<90000x512xf32, #tpu.memory_space<hbm>> -> memref<90000x512xf32, #tpu.memory_space<hbm>>
      tpu.wait_indirect_dma semaphore(%arg8 : memref<!tpu.dma_semaphore, #tpu.memory_space<semaphore_mem>>) src(%dma_wait3A_326 : memref<90000x512xf32, #tpu.memory_space<hbm>>) dst(%dma_wait3A_322 : memref<8x512xf32, #tpu.memory_space<vmem>>)
      %dma_wait3A_327 = arith.constant 2 : i32
      %dma_wait3A_328 = arith.constant 8 : i32
      %dma_wait3A_329 = arith.constant 0 : i32
      %dma_wait3A_330 = tpu.memref_slice %arg6[%dma_wait3A_327, %dma_wait3A_328, %dma_wait3A_329] : memref<9x16x512xf32, #tpu.memory_space<vmem>> -> memref<1x8x512xf32, #tpu.memory_space<vmem>>
      %dma_wait3A_331 = tpu.memref_squeeze %dma_wait3A_330 : memref<1x8x512xf32, #tpu.memory_space<vmem>> -> memref<8x512xf32, #tpu.memory_space<vmem>>
      %dma_wait3A_332 = tpu.memref_slice %arg5[%add3A_93] : memref<2880xi32, #tpu.memory_space<vmem>> -> memref<8xi32, #tpu.memory_space<vmem>>
      %dma_wait3A_333 = arith.constant 0 : i32
      %dma_wait3A_334 = arith.constant 0 : i32
      %dma_wait3A_335 = tpu.memref_slice %arg3[%dma_wait3A_333, %dma_wait3A_334] : memref<90000x512xf32, #tpu.memory_space<hbm>> -> memref<90000x512xf32, #tpu.memory_space<hbm>>
      tpu.wait_indirect_dma semaphore(%arg8 : memref<!tpu.dma_semaphore, #tpu.memory_space<semaphore_mem>>) src(%dma_wait3A_335 : memref<90000x512xf32, #tpu.memory_space<hbm>>) dst(%dma_wait3A_331 : memref<8x512xf32, #tpu.memory_space<vmem>>)
      %dma_wait3A_336 = arith.constant 3 : i32
      %dma_wait3A_337 = arith.constant 0 : i32
      %dma_wait3A_338 = arith.constant 0 : i32
      %dma_wait3A_339 = tpu.memref_slice %arg6[%dma_wait3A_336, %dma_wait3A_337, %dma_wait3A_338] : memref<9x16x512xf32, #tpu.memory_space<vmem>> -> memref<1x8x512xf32, #tpu.memory_space<vmem>>
      %dma_wait3A_340 = tpu.memref_squeeze %dma_wait3A_339 : memref<1x8x512xf32, #tpu.memory_space<vmem>> -> memref<8x512xf32, #tpu.memory_space<vmem>>
      %dma_wait3A_341 = tpu.memref_slice %arg5[%add3A_108] : memref<2880xi32, #tpu.memory_space<vmem>> -> memref<8xi32, #tpu.memory_space<vmem>>
      %dma_wait3A_342 = arith.constant 0 : i32
      %dma_wait3A_343 = arith.constant 0 : i32
      %dma_wait3A_344 = tpu.memref_slice %arg3[%dma_wait3A_342, %dma_wait3A_343] : memref<90000x512xf32, #tpu.memory_space<hbm>> -> memref<90000x512xf32, #tpu.memory_space<hbm>>
      tpu.wait_indirect_dma semaphore(%arg8 : memref<!tpu.dma_semaphore, #tpu.memory_space<semaphore_mem>>) src(%dma_wait3A_344 : memref<90000x512xf32, #tpu.memory_space<hbm>>) dst(%dma_wait3A_340 : memref<8x512xf32, #tpu.memory_space<vmem>>)
      %dma_wait3A_345 = arith.constant 3 : i32
      %dma_wait3A_346 = arith.constant 8 : i32
      %dma_wait3A_347 = arith.constant 0 : i32
      %dma_wait3A_348 = tpu.memref_slice %arg6[%dma_wait3A_345, %dma_wait3A_346, %dma_wait3A_347] : memref<9x16x512xf32, #tpu.memory_space<vmem>> -> memref<1x8x512xf32, #tpu.memory_space<vmem>>
      %dma_wait3A_349 = tpu.memref_squeeze %dma_wait3A_348 : memref<1x8x512xf32, #tpu.memory_space<vmem>> -> memref<8x512xf32, #tpu.memory_space<vmem>>
      %dma_wait3A_350 = tpu.memref_slice %arg5[%add3A_123] : memref<2880xi32, #tpu.memory_space<vmem>> -> memref<8xi32, #tpu.memory_space<vmem>>
      %dma_wait3A_351 = arith.constant 0 : i32
      %dma_wait3A_352 = arith.constant 0 : i32
      %dma_wait3A_353 = tpu.memref_slice %arg3[%dma_wait3A_351, %dma_wait3A_352] : memref<90000x512xf32, #tpu.memory_space<hbm>> -> memref<90000x512xf32, #tpu.memory_space<hbm>>
      tpu.wait_indirect_dma semaphore(%arg8 : memref<!tpu.dma_semaphore, #tpu.memory_space<semaphore_mem>>) src(%dma_wait3A_353 : memref<90000x512xf32, #tpu.memory_space<hbm>>) dst(%dma_wait3A_349 : memref<8x512xf32, #tpu.memory_space<vmem>>)
      %dma_wait3A_354 = arith.constant 4 : i32
      %dma_wait3A_355 = arith.constant 0 : i32
      %dma_wait3A_356 = arith.constant 0 : i32
      %dma_wait3A_357 = tpu.memref_slice %arg6[%dma_wait3A_354, %dma_wait3A_355, %dma_wait3A_356] : memref<9x16x512xf32, #tpu.memory_space<vmem>> -> memref<1x8x512xf32, #tpu.memory_space<vmem>>
      %dma_wait3A_358 = tpu.memref_squeeze %dma_wait3A_357 : memref<1x8x512xf32, #tpu.memory_space<vmem>> -> memref<8x512xf32, #tpu.memory_space<vmem>>
      %dma_wait3A_359 = tpu.memref_slice %arg5[%add3A_138] : memref<2880xi32, #tpu.memory_space<vmem>> -> memref<8xi32, #tpu.memory_space<vmem>>
      %dma_wait3A_360 = arith.constant 0 : i32
      %dma_wait3A_361 = arith.constant 0 : i32
      %dma_wait3A_362 = tpu.memref_slice %arg3[%dma_wait3A_360, %dma_wait3A_361] : memref<90000x512xf32, #tpu.memory_space<hbm>> -> memref<90000x512xf32, #tpu.memory_space<hbm>>
      tpu.wait_indirect_dma semaphore(%arg8 : memref<!tpu.dma_semaphore, #tpu.memory_space<semaphore_mem>>) src(%dma_wait3A_362 : memref<90000x512xf32, #tpu.memory_space<hbm>>) dst(%dma_wait3A_358 : memref<8x512xf32, #tpu.memory_space<vmem>>)
      %dma_wait3A_363 = arith.constant 4 : i32
      %dma_wait3A_364 = arith.constant 8 : i32
      %dma_wait3A_365 = arith.constant 0 : i32
      %dma_wait3A_366 = tpu.memref_slice %arg6[%dma_wait3A_363, %dma_wait3A_364, %dma_wait3A_365] : memref<9x16x512xf32, #tpu.memory_space<vmem>> -> memref<1x8x512xf32, #tpu.memory_space<vmem>>
      %dma_wait3A_367 = tpu.memref_squeeze %dma_wait3A_366 : memref<1x8x512xf32, #tpu.memory_space<vmem>> -> memref<8x512xf32, #tpu.memory_space<vmem>>
      %dma_wait3A_368 = tpu.memref_slice %arg5[%add3A_153] : memref<2880xi32, #tpu.memory_space<vmem>> -> memref<8xi32, #tpu.memory_space<vmem>>
      %dma_wait3A_369 = arith.constant 0 : i32
      %dma_wait3A_370 = arith.constant 0 : i32
      %dma_wait3A_371 = tpu.memref_slice %arg3[%dma_wait3A_369, %dma_wait3A_370] : memref<90000x512xf32, #tpu.memory_space<hbm>> -> memref<90000x512xf32, #tpu.memory_space<hbm>>
      tpu.wait_indirect_dma semaphore(%arg8 : memref<!tpu.dma_semaphore, #tpu.memory_space<semaphore_mem>>) src(%dma_wait3A_371 : memref<90000x512xf32, #tpu.memory_space<hbm>>) dst(%dma_wait3A_367 : memref<8x512xf32, #tpu.memory_space<vmem>>)
      %dma_wait3A_372 = arith.constant 5 : i32
      %dma_wait3A_373 = arith.constant 0 : i32
      %dma_wait3A_374 = arith.constant 0 : i32
      %dma_wait3A_375 = tpu.memref_slice %arg6[%dma_wait3A_372, %dma_wait3A_373, %dma_wait3A_374] : memref<9x16x512xf32, #tpu.memory_space<vmem>> -> memref<1x8x512xf32, #tpu.memory_space<vmem>>
      %dma_wait3A_376 = tpu.memref_squeeze %dma_wait3A_375 : memref<1x8x512xf32, #tpu.memory_space<vmem>> -> memref<8x512xf32, #tpu.memory_space<vmem>>
      %dma_wait3A_377 = tpu.memref_slice %arg5[%add3A_168] : memref<2880xi32, #tpu.memory_space<vmem>> -> memref<8xi32, #tpu.memory_space<vmem>>
      %dma_wait3A_378 = arith.constant 0 : i32
      %dma_wait3A_379 = arith.constant 0 : i32
      %dma_wait3A_380 = tpu.memref_slice %arg3[%dma_wait3A_378, %dma_wait3A_379] : memref<90000x512xf32, #tpu.memory_space<hbm>> -> memref<90000x512xf32, #tpu.memory_space<hbm>>
      tpu.wait_indirect_dma semaphore(%arg8 : memref<!tpu.dma_semaphore, #tpu.memory_space<semaphore_mem>>) src(%dma_wait3A_380 : memref<90000x512xf32, #tpu.memory_space<hbm>>) dst(%dma_wait3A_376 : memref<8x512xf32, #tpu.memory_space<vmem>>)
      %dma_wait3A_381 = arith.constant 5 : i32
      %dma_wait3A_382 = arith.constant 8 : i32
      %dma_wait3A_383 = arith.constant 0 : i32
      %dma_wait3A_384 = tpu.memref_slice %arg6[%dma_wait3A_381, %dma_wait3A_382, %dma_wait3A_383] : memref<9x16x512xf32, #tpu.memory_space<vmem>> -> memref<1x8x512xf32, #tpu.memory_space<vmem>>
      %dma_wait3A_385 = tpu.memref_squeeze %dma_wait3A_384 : memref<1x8x512xf32, #tpu.memory_space<vmem>> -> memref<8x512xf32, #tpu.memory_space<vmem>>
      %dma_wait3A_386 = tpu.memref_slice %arg5[%add3A_183] : memref<2880xi32, #tpu.memory_space<vmem>> -> memref<8xi32, #tpu.memory_space<vmem>>
      %dma_wait3A_387 = arith.constant 0 : i32
      %dma_wait3A_388 = arith.constant 0 : i32
      %dma_wait3A_389 = tpu.memref_slice %arg3[%dma_wait3A_387, %dma_wait3A_388] : memref<90000x512xf32, #tpu.memory_space<hbm>> -> memref<90000x512xf32, #tpu.memory_space<hbm>>
      tpu.wait_indirect_dma semaphore(%arg8 : memref<!tpu.dma_semaphore, #tpu.memory_space<semaphore_mem>>) src(%dma_wait3A_389 : memref<90000x512xf32, #tpu.memory_space<hbm>>) dst(%dma_wait3A_385 : memref<8x512xf32, #tpu.memory_space<vmem>>)
      %dma_wait3A_390 = arith.constant 6 : i32
      %dma_wait3A_391 = arith.constant 0 : i32
      %dma_wait3A_392 = arith.constant 0 : i32
      %dma_wait3A_393 = tpu.memref_slice %arg6[%dma_wait3A_390, %dma_wait3A_391, %dma_wait3A_392] : memref<9x16x512xf32, #tpu.memory_space<vmem>> -> memref<1x8x512xf32, #tpu.memory_space<vmem>>
      %dma_wait3A_394 = tpu.memref_squeeze %dma_wait3A_393 : memref<1x8x512xf32, #tpu.memory_space<vmem>> -> memref<8x512xf32, #tpu.memory_space<vmem>>
      %dma_wait3A_395 = tpu.memref_slice %arg5[%add3A_198] : memref<2880xi32, #tpu.memory_space<vmem>> -> memref<8xi32, #tpu.memory_space<vmem>>
      %dma_wait3A_396 = arith.constant 0 : i32
      %dma_wait3A_397 = arith.constant 0 : i32
      %dma_wait3A_398 = tpu.memref_slice %arg3[%dma_wait3A_396, %dma_wait3A_397] : memref<90000x512xf32, #tpu.memory_space<hbm>> -> memref<90000x512xf32, #tpu.memory_space<hbm>>
      tpu.wait_indirect_dma semaphore(%arg8 : memref<!tpu.dma_semaphore, #tpu.memory_space<semaphore_mem>>) src(%dma_wait3A_398 : memref<90000x512xf32, #tpu.memory_space<hbm>>) dst(%dma_wait3A_394 : memref<8x512xf32, #tpu.memory_space<vmem>>)
      %dma_wait3A_399 = arith.constant 6 : i32
      %dma_wait3A_400 = arith.constant 8 : i32
      %dma_wait3A_401 = arith.constant 0 : i32
      %dma_wait3A_402 = tpu.memref_slice %arg6[%dma_wait3A_399, %dma_wait3A_400, %dma_wait3A_401] : memref<9x16x512xf32, #tpu.memory_space<vmem>> -> memref<1x8x512xf32, #tpu.memory_space<vmem>>
      %dma_wait3A_403 = tpu.memref_squeeze %dma_wait3A_402 : memref<1x8x512xf32, #tpu.memory_space<vmem>> -> memref<8x512xf32, #tpu.memory_space<vmem>>
      %dma_wait3A_404 = tpu.memref_slice %arg5[%add3A_213] : memref<2880xi32, #tpu.memory_space<vmem>> -> memref<8xi32, #tpu.memory_space<vmem>>
      %dma_wait3A_405 = arith.constant 0 : i32
      %dma_wait3A_406 = arith.constant 0 : i32
      %dma_wait3A_407 = tpu.memref_slice %arg3[%dma_wait3A_405, %dma_wait3A_406] : memref<90000x512xf32, #tpu.memory_space<hbm>> -> memref<90000x512xf32, #tpu.memory_space<hbm>>
      tpu.wait_indirect_dma semaphore(%arg8 : memref<!tpu.dma_semaphore, #tpu.memory_space<semaphore_mem>>) src(%dma_wait3A_407 : memref<90000x512xf32, #tpu.memory_space<hbm>>) dst(%dma_wait3A_403 : memref<8x512xf32, #tpu.memory_space<vmem>>)
      %dma_wait3A_408 = arith.constant 7 : i32
      %dma_wait3A_409 = arith.constant 0 : i32
      %dma_wait3A_410 = arith.constant 0 : i32
      %dma_wait3A_411 = tpu.memref_slice %arg6[%dma_wait3A_408, %dma_wait3A_409, %dma_wait3A_410] : memref<9x16x512xf32, #tpu.memory_space<vmem>> -> memref<1x8x512xf32, #tpu.memory_space<vmem>>
      %dma_wait3A_412 = tpu.memref_squeeze %dma_wait3A_411 : memref<1x8x512xf32, #tpu.memory_space<vmem>> -> memref<8x512xf32, #tpu.memory_space<vmem>>
      %dma_wait3A_413 = tpu.memref_slice %arg5[%add3A_228] : memref<2880xi32, #tpu.memory_space<vmem>> -> memref<8xi32, #tpu.memory_space<vmem>>
      %dma_wait3A_414 = arith.constant 0 : i32
      %dma_wait3A_415 = arith.constant 0 : i32
      %dma_wait3A_416 = tpu.memref_slice %arg3[%dma_wait3A_414, %dma_wait3A_415] : memref<90000x512xf32, #tpu.memory_space<hbm>> -> memref<90000x512xf32, #tpu.memory_space<hbm>>
      tpu.wait_indirect_dma semaphore(%arg8 : memref<!tpu.dma_semaphore, #tpu.memory_space<semaphore_mem>>) src(%dma_wait3A_416 : memref<90000x512xf32, #tpu.memory_space<hbm>>) dst(%dma_wait3A_412 : memref<8x512xf32, #tpu.memory_space<vmem>>)
      %dma_wait3A_417 = arith.constant 7 : i32
      %dma_wait3A_418 = arith.constant 8 : i32
      %dma_wait3A_419 = arith.constant 0 : i32
      %dma_wait3A_420 = tpu.memref_slice %arg6[%dma_wait3A_417, %dma_wait3A_418, %dma_wait3A_419] : memref<9x16x512xf32, #tpu.memory_space<vmem>> -> memref<1x8x512xf32, #tpu.memory_space<vmem>>
      %dma_wait3A_421 = tpu.memref_squeeze %dma_wait3A_420 : memref<1x8x512xf32, #tpu.memory_space<vmem>> -> memref<8x512xf32, #tpu.memory_space<vmem>>
      %dma_wait3A_422 = tpu.memref_slice %arg5[%add3A_243] : memref<2880xi32, #tpu.memory_space<vmem>> -> memref<8xi32, #tpu.memory_space<vmem>>
      %dma_wait3A_423 = arith.constant 0 : i32
      %dma_wait3A_424 = arith.constant 0 : i32
      %dma_wait3A_425 = tpu.memref_slice %arg3[%dma_wait3A_423, %dma_wait3A_424] : memref<90000x512xf32, #tpu.memory_space<hbm>> -> memref<90000x512xf32, #tpu.memory_space<hbm>>
      tpu.wait_indirect_dma semaphore(%arg8 : memref<!tpu.dma_semaphore, #tpu.memory_space<semaphore_mem>>) src(%dma_wait3A_425 : memref<90000x512xf32, #tpu.memory_space<hbm>>) dst(%dma_wait3A_421 : memref<8x512xf32, #tpu.memory_space<vmem>>)
      %dma_wait3A_426 = arith.constant 8 : i32
      %dma_wait3A_427 = arith.constant 0 : i32
      %dma_wait3A_428 = arith.constant 0 : i32
      %dma_wait3A_429 = tpu.memref_slice %arg6[%dma_wait3A_426, %dma_wait3A_427, %dma_wait3A_428] : memref<9x16x512xf32, #tpu.memory_space<vmem>> -> memref<1x8x512xf32, #tpu.memory_space<vmem>>
      %dma_wait3A_430 = tpu.memref_squeeze %dma_wait3A_429 : memref<1x8x512xf32, #tpu.memory_space<vmem>> -> memref<8x512xf32, #tpu.memory_space<vmem>>
      %dma_wait3A_431 = tpu.memref_slice %arg5[%add3A_258] : memref<2880xi32, #tpu.memory_space<vmem>> -> memref<8xi32, #tpu.memory_space<vmem>>
      %dma_wait3A_432 = arith.constant 0 : i32
      %dma_wait3A_433 = arith.constant 0 : i32
      %dma_wait3A_434 = tpu.memref_slice %arg3[%dma_wait3A_432, %dma_wait3A_433] : memref<90000x512xf32, #tpu.memory_space<hbm>> -> memref<90000x512xf32, #tpu.memory_space<hbm>>
      tpu.wait_indirect_dma semaphore(%arg8 : memref<!tpu.dma_semaphore, #tpu.memory_space<semaphore_mem>>) src(%dma_wait3A_434 : memref<90000x512xf32, #tpu.memory_space<hbm>>) dst(%dma_wait3A_430 : memref<8x512xf32, #tpu.memory_space<vmem>>)
      %dma_wait3A_435 = arith.constant 8 : i32
      %dma_wait3A_436 = arith.constant 8 : i32
      %dma_wait3A_437 = arith.constant 0 : i32
      %dma_wait3A_438 = tpu.memref_slice %arg6[%dma_wait3A_435, %dma_wait3A_436, %dma_wait3A_437] : memref<9x16x512xf32, #tpu.memory_space<vmem>> -> memref<1x8x512xf32, #tpu.memory_space<vmem>>
      %dma_wait3A_439 = tpu.memref_squeeze %dma_wait3A_438 : memref<1x8x512xf32, #tpu.memory_space<vmem>> -> memref<8x512xf32, #tpu.memory_space<vmem>>
      %dma_wait3A_440 = tpu.memref_slice %arg5[%add3A_273] : memref<2880xi32, #tpu.memory_space<vmem>> -> memref<8xi32, #tpu.memory_space<vmem>>
      %dma_wait3A_441 = arith.constant 0 : i32
      %dma_wait3A_442 = arith.constant 0 : i32
      %dma_wait3A_443 = tpu.memref_slice %arg3[%dma_wait3A_441, %dma_wait3A_442] : memref<90000x512xf32, #tpu.memory_space<hbm>> -> memref<90000x512xf32, #tpu.memory_space<hbm>>
      tpu.wait_indirect_dma semaphore(%arg8 : memref<!tpu.dma_semaphore, #tpu.memory_space<semaphore_mem>>) src(%dma_wait3A_443 : memref<90000x512xf32, #tpu.memory_space<hbm>>) dst(%dma_wait3A_439 : memref<8x512xf32, #tpu.memory_space<vmem>>)
      %parallel_loop3A = arith.constant 0 : i32
      %parallel_loop3A_444 = arith.constant 16 : i32
      %parallel_loop3A_445 = arith.constant 1 : i32
      scf.for %parallel_loop3A_453 = %parallel_loop3A to %parallel_loop3A_444 step %parallel_loop3A_445  : i32 {
        %parallel_loop3A_454 = arith.constant 0 : i32
        %parallel_loop3A_455 = arith.index_cast %parallel_loop3A_454 : i32 to index
        %parallel_loop3A_456 = arith.index_cast %parallel_loop3A_453 : i32 to index
        %parallel_loop3A_457 = arith.constant 0 : index
        %parallel_loop3A_458 = tpu.vector_load %arg6[%parallel_loop3A_455, %parallel_loop3A_456, %parallel_loop3A_457] {strides = array<i32>} : memref<9x16x512xf32, #tpu.memory_space<vmem>>, vector<1x1x16xf32>,
        %parallel_loop3A_459 = vector.shape_cast %parallel_loop3A_458 : vector<1x1x16xf32> to vector<16xf32>
        %parallel_loop3A_460 = arith.constant 1 : i32
        %parallel_loop3A_461 = arith.index_cast %parallel_loop3A_460 : i32 to index
        %parallel_loop3A_462 = arith.index_cast %parallel_loop3A_453 : i32 to index
        %parallel_loop3A_463 = arith.constant 0 : index
        %parallel_loop3A_464 = tpu.vector_load %arg6[%parallel_loop3A_461, %parallel_loop3A_462, %parallel_loop3A_463] {strides = array<i32>} : memref<9x16x512xf32, #tpu.memory_space<vmem>>, vector<1x1x16xf32>,
        %parallel_loop3A_465 = vector.shape_cast %parallel_loop3A_464 : vector<1x1x16xf32> to vector<16xf32>
        %parallel_loop3A_466 = arith.constant 2 : i32
        %parallel_loop3A_467 = arith.index_cast %parallel_loop3A_466 : i32 to index
        %parallel_loop3A_468 = arith.index_cast %parallel_loop3A_453 : i32 to index
        %parallel_loop3A_469 = arith.constant 0 : index
        %parallel_loop3A_470 = tpu.vector_load %arg6[%parallel_loop3A_467, %parallel_loop3A_468, %parallel_loop3A_469] {strides = array<i32>} : memref<9x16x512xf32, #tpu.memory_space<vmem>>, vector<1x1x16xf32>,
        %parallel_loop3A_471 = vector.shape_cast %parallel_loop3A_470 : vector<1x1x16xf32> to vector<16xf32>
        %parallel_loop3A_472 = arith.constant 3 : i32
        %parallel_loop3A_473 = arith.index_cast %parallel_loop3A_472 : i32 to index
        %parallel_loop3A_474 = arith.index_cast %parallel_loop3A_453 : i32 to index
        %parallel_loop3A_475 = arith.constant 0 : index
        %parallel_loop3A_476 = tpu.vector_load %arg6[%parallel_loop3A_473, %parallel_loop3A_474, %parallel_loop3A_475] {strides = array<i32>} : memref<9x16x512xf32, #tpu.memory_space<vmem>>, vector<1x1x16xf32>,
        %parallel_loop3A_477 = vector.shape_cast %parallel_loop3A_476 : vector<1x1x16xf32> to vector<16xf32>
        %parallel_loop3A_478 = arith.constant 4 : i32
        %parallel_loop3A_479 = arith.index_cast %parallel_loop3A_478 : i32 to index
        %parallel_loop3A_480 = arith.index_cast %parallel_loop3A_453 : i32 to index
        %parallel_loop3A_481 = arith.constant 0 : index
        %parallel_loop3A_482 = tpu.vector_load %arg6[%parallel_loop3A_479, %parallel_loop3A_480, %parallel_loop3A_481] {strides = array<i32>} : memref<9x16x512xf32, #tpu.memory_space<vmem>>, vector<1x1x16xf32>,
        %parallel_loop3A_483 = vector.shape_cast %parallel_loop3A_482 : vector<1x1x16xf32> to vector<16xf32>
        %parallel_loop3A_484 = arith.constant 5 : i32
        %parallel_loop3A_485 = arith.index_cast %parallel_loop3A_484 : i32 to index
        %parallel_loop3A_486 = arith.index_cast %parallel_loop3A_453 : i32 to index
        %parallel_loop3A_487 = arith.constant 0 : index
        %parallel_loop3A_488 = tpu.vector_load %arg6[%parallel_loop3A_485, %parallel_loop3A_486, %parallel_loop3A_487] {strides = array<i32>} : memref<9x16x512xf32, #tpu.memory_space<vmem>>, vector<1x1x16xf32>,
        %parallel_loop3A_489 = vector.shape_cast %parallel_loop3A_488 : vector<1x1x16xf32> to vector<16xf32>
        %parallel_loop3A_490 = arith.constant 6 : i32
        %parallel_loop3A_491 = arith.index_cast %parallel_loop3A_490 : i32 to index
        %parallel_loop3A_492 = arith.index_cast %parallel_loop3A_453 : i32 to index
        %parallel_loop3A_493 = arith.constant 0 : index
        %parallel_loop3A_494 = tpu.vector_load %arg6[%parallel_loop3A_491, %parallel_loop3A_492, %parallel_loop3A_493] {strides = array<i32>} : memref<9x16x512xf32, #tpu.memory_space<vmem>>, vector<1x1x16xf32>,
        %parallel_loop3A_495 = vector.shape_cast %parallel_loop3A_494 : vector<1x1x16xf32> to vector<16xf32>
        %parallel_loop3A_496 = arith.constant 7 : i32
        %parallel_loop3A_497 = arith.index_cast %parallel_loop3A_496 : i32 to index
        %parallel_loop3A_498 = arith.index_cast %parallel_loop3A_453 : i32 to index
        %parallel_loop3A_499 = arith.constant 0 : index
        %parallel_loop3A_500 = tpu.vector_load %arg6[%parallel_loop3A_497, %parallel_loop3A_498, %parallel_loop3A_499] {strides = array<i32>} : memref<9x16x512xf32, #tpu.memory_space<vmem>>, vector<1x1x16xf32>,
        %parallel_loop3A_501 = vector.shape_cast %parallel_loop3A_500 : vector<1x1x16xf32> to vector<16xf32>
        %parallel_loop3A_502 = arith.constant 8 : i32
        %parallel_loop3A_503 = arith.index_cast %parallel_loop3A_502 : i32 to index
        %parallel_loop3A_504 = arith.index_cast %parallel_loop3A_453 : i32 to index
        %parallel_loop3A_505 = arith.constant 0 : index
        %parallel_loop3A_506 = tpu.vector_load %arg6[%parallel_loop3A_503, %parallel_loop3A_504, %parallel_loop3A_505] {strides = array<i32>} : memref<9x16x512xf32, #tpu.memory_space<vmem>>, vector<1x1x16xf32>,
        %parallel_loop3A_507 = vector.shape_cast %parallel_loop3A_506 : vector<1x1x16xf32> to vector<16xf32>
        %parallel_loop3A_508 = arith.addf %parallel_loop3A_459, %parallel_loop3A_465 : vector<16xf32>
        %parallel_loop3A_509 = arith.addf %parallel_loop3A_471, %parallel_loop3A_477 : vector<16xf32>
        %parallel_loop3A_510 = arith.addf %parallel_loop3A_483, %parallel_loop3A_489 : vector<16xf32>
        %parallel_loop3A_511 = arith.addf %parallel_loop3A_495, %parallel_loop3A_501 : vector<16xf32>
        %parallel_loop3A_512 = arith.addf %parallel_loop3A_508, %parallel_loop3A_509 : vector<16xf32>
        %parallel_loop3A_513 = arith.addf %parallel_loop3A_510, %parallel_loop3A_511 : vector<16xf32>
        %parallel_loop3A_514 = arith.addf %parallel_loop3A_512, %parallel_loop3A_513 : vector<16xf32>
        %parallel_loop3A_515 = arith.addf %parallel_loop3A_514, %parallel_loop3A_507 : vector<16xf32>
        %parallel_loop3A_516 = arith.constant 0 : i32
        %parallel_loop3A_517 = arith.index_cast %parallel_loop3A_516 : i32 to index
        %parallel_loop3A_518 = arith.index_cast %parallel_loop3A_453 : i32 to index
        %parallel_loop3A_519 = arith.constant 0 : index
        %parallel_loop3A_520 = tpu.vector_load %arg7[%parallel_loop3A_517, %parallel_loop3A_518, %parallel_loop3A_519] {strides = array<i32>} : memref<4x16x128xf32, #tpu.memory_space<vmem>>, vector<1x1x16xf32>,
        %parallel_loop3A_521 = vector.shape_cast %parallel_loop3A_520 : vector<1x1x16xf32> to vector<16xf32>
        %parallel_loop3A_522 = vector.shape_cast %parallel_loop3A_515 : vector<16xf32> to vector<1x1x16xf32>
        tpu.vector_store %arg7[%parallel_loop3A_517, %parallel_loop3A_518, %parallel_loop3A_519], %parallel_loop3A_522 {strides = array<i32>} : memref<4x16x128xf32, #tpu.memory_space<vmem>>, vector<1x1x16xf32>,
        %parallel_loop3A_523 = arith.constant 0 : i32
        %parallel_loop3A_524 = arith.index_cast %parallel_loop3A_523 : i32 to index
        %parallel_loop3A_525 = arith.index_cast %parallel_loop3A_453 : i32 to index
        %parallel_loop3A_526 = arith.constant 16 : index
        %parallel_loop3A_527 = tpu.vector_load %arg6[%parallel_loop3A_524, %parallel_loop3A_525, %parallel_loop3A_526] {strides = array<i32>} : memref<9x16x512xf32, #tpu.memory_space<vmem>>, vector<1x1x16xf32>,
        %parallel_loop3A_528 = vector.shape_cast %parallel_loop3A_527 : vector<1x1x16xf32> to vector<16xf32>
        %parallel_loop3A_529 = arith.constant 1 : i32
        %parallel_loop3A_530 = arith.index_cast %parallel_loop3A_529 : i32 to index
        %parallel_loop3A_531 = arith.index_cast %parallel_loop3A_453 : i32 to index
        %parallel_loop3A_532 = arith.constant 16 : index
        %parallel_loop3A_533 = tpu.vector_load %arg6[%parallel_loop3A_530, %parallel_loop3A_531, %parallel_loop3A_532] {strides = array<i32>} : memref<9x16x512xf32, #tpu.memory_space<vmem>>, vector<1x1x16xf32>,
        %parallel_loop3A_534 = vector.shape_cast %parallel_loop3A_533 : vector<1x1x16xf32> to vector<16xf32>
        %parallel_loop3A_535 = arith.constant 2 : i32
        %parallel_loop3A_536 = arith.index_cast %parallel_loop3A_535 : i32 to index
        %parallel_loop3A_537 = arith.index_cast %parallel_loop3A_453 : i32 to index
        %parallel_loop3A_538 = arith.constant 16 : index
        %parallel_loop3A_539 = tpu.vector_load %arg6[%parallel_loop3A_536, %parallel_loop3A_537, %parallel_loop3A_538] {strides = array<i32>} : memref<9x16x512xf32, #tpu.memory_space<vmem>>, vector<1x1x16xf32>,
        %parallel_loop3A_540 = vector.shape_cast %parallel_loop3A_539 : vector<1x1x16xf32> to vector<16xf32>
        %parallel_loop3A_541 = arith.constant 3 : i32
        %parallel_loop3A_542 = arith.index_cast %parallel_loop3A_541 : i32 to index
        %parallel_loop3A_543 = arith.index_cast %parallel_loop3A_453 : i32 to index
        %parallel_loop3A_544 = arith.constant 16 : index
        %parallel_loop3A_545 = tpu.vector_load %arg6[%parallel_loop3A_542, %parallel_loop3A_543, %parallel_loop3A_544] {strides = array<i32>} : memref<9x16x512xf32, #tpu.memory_space<vmem>>, vector<1x1x16xf32>,
        %parallel_loop3A_546 = vector.shape_cast %parallel_loop3A_545 : vector<1x1x16xf32> to vector<16xf32>
        %parallel_loop3A_547 = arith.constant 4 : i32
        %parallel_loop3A_548 = arith.index_cast %parallel_loop3A_547 : i32 to index
        %parallel_loop3A_549 = arith.index_cast %parallel_loop3A_453 : i32 to index
        %parallel_loop3A_550 = arith.constant 16 : index
        %parallel_loop3A_551 = tpu.vector_load %arg6[%parallel_loop3A_548, %parallel_loop3A_549, %parallel_loop3A_550] {strides = array<i32>} : memref<9x16x512xf32, #tpu.memory_space<vmem>>, vector<1x1x16xf32>,
        %parallel_loop3A_552 = vector.shape_cast %parallel_loop3A_551 : vector<1x1x16xf32> to vector<16xf32>
        %parallel_loop3A_553 = arith.constant 5 : i32
        %parallel_loop3A_554 = arith.index_cast %parallel_loop3A_553 : i32 to index
        %parallel_loop3A_555 = arith.index_cast %parallel_loop3A_453 : i32 to index
        %parallel_loop3A_556 = arith.constant 16 : index
        %parallel_loop3A_557 = tpu.vector_load %arg6[%parallel_loop3A_554, %parallel_loop3A_555, %parallel_loop3A_556] {strides = array<i32>} : memref<9x16x512xf32, #tpu.memory_space<vmem>>, vector<1x1x16xf32>,
        %parallel_loop3A_558 = vector.shape_cast %parallel_loop3A_557 : vector<1x1x16xf32> to vector<16xf32>
        %parallel_loop3A_559 = arith.constant 6 : i32
        %parallel_loop3A_560 = arith.index_cast %parallel_loop3A_559 : i32 to index
        %parallel_loop3A_561 = arith.index_cast %parallel_loop3A_453 : i32 to index
        %parallel_loop3A_562 = arith.constant 16 : index
        %parallel_loop3A_563 = tpu.vector_load %arg6[%parallel_loop3A_560, %parallel_loop3A_561, %parallel_loop3A_562] {strides = array<i32>} : memref<9x16x512xf32, #tpu.memory_space<vmem>>, vector<1x1x16xf32>,
        %parallel_loop3A_564 = vector.shape_cast %parallel_loop3A_563 : vector<1x1x16xf32> to vector<16xf32>
        %parallel_loop3A_565 = arith.constant 7 : i32
        %parallel_loop3A_566 = arith.index_cast %parallel_loop3A_565 : i32 to index
        %parallel_loop3A_567 = arith.index_cast %parallel_loop3A_453 : i32 to index
        %parallel_loop3A_568 = arith.constant 16 : index
        %parallel_loop3A_569 = tpu.vector_load %arg6[%parallel_loop3A_566, %parallel_loop3A_567, %parallel_loop3A_568] {strides = array<i32>} : memref<9x16x512xf32, #tpu.memory_space<vmem>>, vector<1x1x16xf32>,
        %parallel_loop3A_570 = vector.shape_cast %parallel_loop3A_569 : vector<1x1x16xf32> to vector<16xf32>
        %parallel_loop3A_571 = arith.constant 8 : i32
        %parallel_loop3A_572 = arith.index_cast %parallel_loop3A_571 : i32 to index
        %parallel_loop3A_573 = arith.index_cast %parallel_loop3A_453 : i32 to index
        %parallel_loop3A_574 = arith.constant 16 : index
        %parallel_loop3A_575 = tpu.vector_load %arg6[%parallel_loop3A_572, %parallel_loop3A_573, %parallel_loop3A_574] {strides = array<i32>} : memref<9x16x512xf32, #tpu.memory_space<vmem>>, vector<1x1x16xf32>,
        %parallel_loop3A_576 = vector.shape_cast %parallel_loop3A_575 : vector<1x1x16xf32> to vector<16xf32>
        %parallel_loop3A_577 = arith.addf %parallel_loop3A_528, %parallel_loop3A_534 : vector<16xf32>
        %parallel_loop3A_578 = arith.addf %parallel_loop3A_540, %parallel_loop3A_546 : vector<16xf32>
        %parallel_loop3A_579 = arith.addf %parallel_loop3A_552, %parallel_loop3A_558 : vector<16xf32>
        %parallel_loop3A_580 = arith.addf %parallel_loop3A_564, %parallel_loop3A_570 : vector<16xf32>
        %parallel_loop3A_581 = arith.addf %parallel_loop3A_577, %parallel_loop3A_578 : vector<16xf32>
        %parallel_loop3A_582 = arith.addf %parallel_loop3A_579, %parallel_loop3A_580 : vector<16xf32>
        %parallel_loop3A_583 = arith.addf %parallel_loop3A_581, %parallel_loop3A_582 : vector<16xf32>
        %parallel_loop3A_584 = arith.addf %parallel_loop3A_583, %parallel_loop3A_576 : vector<16xf32>
        %parallel_loop3A_585 = arith.constant 0 : i32
        %parallel_loop3A_586 = arith.index_cast %parallel_loop3A_585 : i32 to index
        %parallel_loop3A_587 = arith.index_cast %parallel_loop3A_453 : i32 to index
        %parallel_loop3A_588 = arith.constant 16 : index
        %parallel_loop3A_589 = tpu.vector_load %arg7[%parallel_loop3A_586, %parallel_loop3A_587, %parallel_loop3A_588] {strides = array<i32>} : memref<4x16x128xf32, #tpu.memory_space<vmem>>, vector<1x1x16xf32>,
        %parallel_loop3A_590 = vector.shape_cast %parallel_loop3A_589 : vector<1x1x16xf32> to vector<16xf32>
        %parallel_loop3A_591 = vector.shape_cast %parallel_loop3A_584 : vector<16xf32> to vector<1x1x16xf32>
        tpu.vector_store %arg7[%parallel_loop3A_586, %parallel_loop3A_587, %parallel_loop3A_588], %parallel_loop3A_591 {strides = array<i32>} : memref<4x16x128xf32, #tpu.memory_space<vmem>>, vector<1x1x16xf32>,
        %parallel_loop3A_592 = arith.constant 0 : i32
        %parallel_loop3A_593 = arith.index_cast %parallel_loop3A_592 : i32 to index
        %parallel_loop3A_594 = arith.index_cast %parallel_loop3A_453 : i32 to index
        %parallel_loop3A_595 = arith.constant 32 : index
        %parallel_loop3A_596 = tpu.vector_load %arg6[%parallel_loop3A_593, %parallel_loop3A_594, %parallel_loop3A_595] {strides = array<i32>} : memref<9x16x512xf32, #tpu.memory_space<vmem>>, vector<1x1x16xf32>,
        %parallel_loop3A_597 = vector.shape_cast %parallel_loop3A_596 : vector<1x1x16xf32> to vector<16xf32>
        %parallel_loop3A_598 = arith.constant 1 : i32
        %parallel_loop3A_599 = arith.index_cast %parallel_loop3A_598 : i32 to index
        %parallel_loop3A_600 = arith.index_cast %parallel_loop3A_453 : i32 to index
        %parallel_loop3A_601 = arith.constant 32 : index
        %parallel_loop3A_602 = tpu.vector_load %arg6[%parallel_loop3A_599, %parallel_loop3A_600, %parallel_loop3A_601] {strides = array<i32>} : memref<9x16x512xf32, #tpu.memory_space<vmem>>, vector<1x1x16xf32>,
        %parallel_loop3A_603 = vector.shape_cast %parallel_loop3A_602 : vector<1x1x16xf32> to vector<16xf32>
        %parallel_loop3A_604 = arith.constant 2 : i32
        %parallel_loop3A_605 = arith.index_cast %parallel_loop3A_604 : i32 to index
        %parallel_loop3A_606 = arith.index_cast %parallel_loop3A_453 : i32 to index
        %parallel_loop3A_607 = arith.constant 32 : index
        %parallel_loop3A_608 = tpu.vector_load %arg6[%parallel_loop3A_605, %parallel_loop3A_606, %parallel_loop3A_607] {strides = array<i32>} : memref<9x16x512xf32, #tpu.memory_space<vmem>>, vector<1x1x16xf32>,
        %parallel_loop3A_609 = vector.shape_cast %parallel_loop3A_608 : vector<1x1x16xf32> to vector<16xf32>
        %parallel_loop3A_610 = arith.constant 3 : i32
        %parallel_loop3A_611 = arith.index_cast %parallel_loop3A_610 : i32 to index
        %parallel_loop3A_612 = arith.index_cast %parallel_loop3A_453 : i32 to index
        %parallel_loop3A_613 = arith.constant 32 : index
        %parallel_loop3A_614 = tpu.vector_load %arg6[%parallel_loop3A_611, %parallel_loop3A_612, %parallel_loop3A_613] {strides = array<i32>} : memref<9x16x512xf32, #tpu.memory_space<vmem>>, vector<1x1x16xf32>,
        %parallel_loop3A_615 = vector.shape_cast %parallel_loop3A_614 : vector<1x1x16xf32> to vector<16xf32>
        %parallel_loop3A_616 = arith.constant 4 : i32
        %parallel_loop3A_617 = arith.index_cast %parallel_loop3A_616 : i32 to index
        %parallel_loop3A_618 = arith.index_cast %parallel_loop3A_453 : i32 to index
        %parallel_loop3A_619 = arith.constant 32 : index
        %parallel_loop3A_620 = tpu.vector_load %arg6[%parallel_loop3A_617, %parallel_loop3A_618, %parallel_loop3A_619] {strides = array<i32>} : memref<9x16x512xf32, #tpu.memory_space<vmem>>, vector<1x1x16xf32>,
        %parallel_loop3A_621 = vector.shape_cast %parallel_loop3A_620 : vector<1x1x16xf32> to vector<16xf32>
        %parallel_loop3A_622 = arith.constant 5 : i32
        %parallel_loop3A_623 = arith.index_cast %parallel_loop3A_622 : i32 to index
        %parallel_loop3A_624 = arith.index_cast %parallel_loop3A_453 : i32 to index
        %parallel_loop3A_625 = arith.constant 32 : index
        %parallel_loop3A_626 = tpu.vector_load %arg6[%parallel_loop3A_623, %parallel_loop3A_624, %parallel_loop3A_625] {strides = array<i32>} : memref<9x16x512xf32, #tpu.memory_space<vmem>>, vector<1x1x16xf32>,
        %parallel_loop3A_627 = vector.shape_cast %parallel_loop3A_626 : vector<1x1x16xf32> to vector<16xf32>
        %parallel_loop3A_628 = arith.constant 6 : i32
        %parallel_loop3A_629 = arith.index_cast %parallel_loop3A_628 : i32 to index
        %parallel_loop3A_630 = arith.index_cast %parallel_loop3A_453 : i32 to index
        %parallel_loop3A_631 = arith.constant 32 : index
        %parallel_loop3A_632 = tpu.vector_load %arg6[%parallel_loop3A_629, %parallel_loop3A_630, %parallel_loop3A_631] {strides = array<i32>} : memref<9x16x512xf32, #tpu.memory_space<vmem>>, vector<1x1x16xf32>,
        %parallel_loop3A_633 = vector.shape_cast %parallel_loop3A_632 : vector<1x1x16xf32> to vector<16xf32>
        %parallel_loop3A_634 = arith.constant 7 : i32
        %parallel_loop3A_635 = arith.index_cast %parallel_loop3A_634 : i32 to index
        %parallel_loop3A_636 = arith.index_cast %parallel_loop3A_453 : i32 to index
        %parallel_loop3A_637 = arith.constant 32 : index
        %parallel_loop3A_638 = tpu.vector_load %arg6[%parallel_loop3A_635, %parallel_loop3A_636, %parallel_loop3A_637] {strides = array<i32>} : memref<9x16x512xf32, #tpu.memory_space<vmem>>, vector<1x1x16xf32>,
        %parallel_loop3A_639 = vector.shape_cast %parallel_loop3A_638 : vector<1x1x16xf32> to vector<16xf32>
        %parallel_loop3A_640 = arith.constant 8 : i32
        %parallel_loop3A_641 = arith.index_cast %parallel_loop3A_640 : i32 to index
        %parallel_loop3A_642 = arith.index_cast %parallel_loop3A_453 : i32 to index
        %parallel_loop3A_643 = arith.constant 32 : index
        %parallel_loop3A_644 = tpu.vector_load %arg6[%parallel_loop3A_641, %parallel_loop3A_642, %parallel_loop3A_643] {strides = array<i32>} : memref<9x16x512xf32, #tpu.memory_space<vmem>>, vector<1x1x16xf32>,
        %parallel_loop3A_645 = vector.shape_cast %parallel_loop3A_644 : vector<1x1x16xf32> to vector<16xf32>
        %parallel_loop3A_646 = arith.addf %parallel_loop3A_597, %parallel_loop3A_603 : vector<16xf32>
        %parallel_loop3A_647 = arith.addf %parallel_loop3A_609, %parallel_loop3A_615 : vector<16xf32>
        %parallel_loop3A_648 = arith.addf %parallel_loop3A_621, %parallel_loop3A_627 : vector<16xf32>
        %parallel_loop3A_649 = arith.addf %parallel_loop3A_633, %parallel_loop3A_639 : vector<16xf32>
        %parallel_loop3A_650 = arith.addf %parallel_loop3A_646, %parallel_loop3A_647 : vector<16xf32>
        %parallel_loop3A_651 = arith.addf %parallel_loop3A_648, %parallel_loop3A_649 : vector<16xf32>
        %parallel_loop3A_652 = arith.addf %parallel_loop3A_650, %parallel_loop3A_651 : vector<16xf32>
        %parallel_loop3A_653 = arith.addf %parallel_loop3A_652, %parallel_loop3A_645 : vector<16xf32>
        %parallel_loop3A_654 = arith.constant 0 : i32
        %parallel_loop3A_655 = arith.index_cast %parallel_loop3A_654 : i32 to index
        %parallel_loop3A_656 = arith.index_cast %parallel_loop3A_453 : i32 to index
        %parallel_loop3A_657 = arith.constant 32 : index
        %parallel_loop3A_658 = tpu.vector_load %arg7[%parallel_loop3A_655, %parallel_loop3A_656, %parallel_loop3A_657] {strides = array<i32>} : memref<4x16x128xf32, #tpu.memory_space<vmem>>, vector<1x1x16xf32>,
        %parallel_loop3A_659 = vector.shape_cast %parallel_loop3A_658 : vector<1x1x16xf32> to vector<16xf32>
        %parallel_loop3A_660 = vector.shape_cast %parallel_loop3A_653 : vector<16xf32> to vector<1x1x16xf32>
        tpu.vector_store %arg7[%parallel_loop3A_655, %parallel_loop3A_656, %parallel_loop3A_657], %parallel_loop3A_660 {strides = array<i32>} : memref<4x16x128xf32, #tpu.memory_space<vmem>>, vector<1x1x16xf32>,
        %parallel_loop3A_661 = arith.constant 0 : i32
        %parallel_loop3A_662 = arith.index_cast %parallel_loop3A_661 : i32 to index
        %parallel_loop3A_663 = arith.index_cast %parallel_loop3A_453 : i32 to index
        %parallel_loop3A_664 = arith.constant 48 : index
        %parallel_loop3A_665 = tpu.vector_load %arg6[%parallel_loop3A_662, %parallel_loop3A_663, %parallel_loop3A_664] {strides = array<i32>} : memref<9x16x512xf32, #tpu.memory_space<vmem>>, vector<1x1x16xf32>,
        %parallel_loop3A_666 = vector.shape_cast %parallel_loop3A_665 : vector<1x1x16xf32> to vector<16xf32>
        %parallel_loop3A_667 = arith.constant 1 : i32
        %parallel_loop3A_668 = arith.index_cast %parallel_loop3A_667 : i32 to index
        %parallel_loop3A_669 = arith.index_cast %parallel_loop3A_453 : i32 to index
        %parallel_loop3A_670 = arith.constant 48 : index
        %parallel_loop3A_671 = tpu.vector_load %arg6[%parallel_loop3A_668, %parallel_loop3A_669, %parallel_loop3A_670] {strides = array<i32>} : memref<9x16x512xf32, #tpu.memory_space<vmem>>, vector<1x1x16xf32>,
        %parallel_loop3A_672 = vector.shape_cast %parallel_loop3A_671 : vector<1x1x16xf32> to vector<16xf32>
        %parallel_loop3A_673 = arith.constant 2 : i32
        %parallel_loop3A_674 = arith.index_cast %parallel_loop3A_673 : i32 to index
        %parallel_loop3A_675 = arith.index_cast %parallel_loop3A_453 : i32 to index
        %parallel_loop3A_676 = arith.constant 48 : index
        %parallel_loop3A_677 = tpu.vector_load %arg6[%parallel_loop3A_674, %parallel_loop3A_675, %parallel_loop3A_676] {strides = array<i32>} : memref<9x16x512xf32, #tpu.memory_space<vmem>>, vector<1x1x16xf32>,
        %parallel_loop3A_678 = vector.shape_cast %parallel_loop3A_677 : vector<1x1x16xf32> to vector<16xf32>
        %parallel_loop3A_679 = arith.constant 3 : i32
        %parallel_loop3A_680 = arith.index_cast %parallel_loop3A_679 : i32 to index
        %parallel_loop3A_681 = arith.index_cast %parallel_loop3A_453 : i32 to index
        %parallel_loop3A_682 = arith.constant 48 : index
        %parallel_loop3A_683 = tpu.vector_load %arg6[%parallel_loop3A_680, %parallel_loop3A_681, %parallel_loop3A_682] {strides = array<i32>} : memref<9x16x512xf32, #tpu.memory_space<vmem>>, vector<1x1x16xf32>,
        %parallel_loop3A_684 = vector.shape_cast %parallel_loop3A_683 : vector<1x1x16xf32> to vector<16xf32>
        %parallel_loop3A_685 = arith.constant 4 : i32
        %parallel_loop3A_686 = arith.index_cast %parallel_loop3A_685 : i32 to index
        %parallel_loop3A_687 = arith.index_cast %parallel_loop3A_453 : i32 to index
        %parallel_loop3A_688 = arith.constant 48 : index
        %parallel_loop3A_689 = tpu.vector_load %arg6[%parallel_loop3A_686, %parallel_loop3A_687, %parallel_loop3A_688] {strides = array<i32>} : memref<9x16x512xf32, #tpu.memory_space<vmem>>, vector<1x1x16xf32>,
        %parallel_loop3A_690 = vector.shape_cast %parallel_loop3A_689 : vector<1x1x16xf32> to vector<16xf32>
        %parallel_loop3A_691 = arith.constant 5 : i32
        %parallel_loop3A_692 = arith.index_cast %parallel_loop3A_691 : i32 to index
        %parallel_loop3A_693 = arith.index_cast %parallel_loop3A_453 : i32 to index
        %parallel_loop3A_694 = arith.constant 48 : index
        %parallel_loop3A_695 = tpu.vector_load %arg6[%parallel_loop3A_692, %parallel_loop3A_693, %parallel_loop3A_694] {strides = array<i32>} : memref<9x16x512xf32, #tpu.memory_space<vmem>>, vector<1x1x16xf32>,
        %parallel_loop3A_696 = vector.shape_cast %parallel_loop3A_695 : vector<1x1x16xf32> to vector<16xf32>
        %parallel_loop3A_697 = arith.constant 6 : i32
        %parallel_loop3A_698 = arith.index_cast %parallel_loop3A_697 : i32 to index
        %parallel_loop3A_699 = arith.index_cast %parallel_loop3A_453 : i32 to index
        %parallel_loop3A_700 = arith.constant 48 : index
        %parallel_loop3A_701 = tpu.vector_load %arg6[%parallel_loop3A_698, %parallel_loop3A_699, %parallel_loop3A_700] {strides = array<i32>} : memref<9x16x512xf32, #tpu.memory_space<vmem>>, vector<1x1x16xf32>,
        %parallel_loop3A_702 = vector.shape_cast %parallel_loop3A_701 : vector<1x1x16xf32> to vector<16xf32>
        %parallel_loop3A_703 = arith.constant 7 : i32
        %parallel_loop3A_704 = arith.index_cast %parallel_loop3A_703 : i32 to index
        %parallel_loop3A_705 = arith.index_cast %parallel_loop3A_453 : i32 to index
        %parallel_loop3A_706 = arith.constant 48 : index
        %parallel_loop3A_707 = tpu.vector_load %arg6[%parallel_loop3A_704, %parallel_loop3A_705, %parallel_loop3A_706] {strides = array<i32>} : memref<9x16x512xf32, #tpu.memory_space<vmem>>, vector<1x1x16xf32>,
        %parallel_loop3A_708 = vector.shape_cast %parallel_loop3A_707 : vector<1x1x16xf32> to vector<16xf32>
        %parallel_loop3A_709 = arith.constant 8 : i32
        %parallel_loop3A_710 = arith.index_cast %parallel_loop3A_709 : i32 to index
        %parallel_loop3A_711 = arith.index_cast %parallel_loop3A_453 : i32 to index
        %parallel_loop3A_712 = arith.constant 48 : index
        %parallel_loop3A_713 = tpu.vector_load %arg6[%parallel_loop3A_710, %parallel_loop3A_711, %parallel_loop3A_712] {strides = array<i32>} : memref<9x16x512xf32, #tpu.memory_space<vmem>>, vector<1x1x16xf32>,
        %parallel_loop3A_714 = vector.shape_cast %parallel_loop3A_713 : vector<1x1x16xf32> to vector<16xf32>
        %parallel_loop3A_715 = arith.addf %parallel_loop3A_666, %parallel_loop3A_672 : vector<16xf32>
        %parallel_loop3A_716 = arith.addf %parallel_loop3A_678, %parallel_loop3A_684 : vector<16xf32>
        %parallel_loop3A_717 = arith.addf %parallel_loop3A_690, %parallel_loop3A_696 : vector<16xf32>
        %parallel_loop3A_718 = arith.addf %parallel_loop3A_702, %parallel_loop3A_708 : vector<16xf32>
        %parallel_loop3A_719 = arith.addf %parallel_loop3A_715, %parallel_loop3A_716 : vector<16xf32>
        %parallel_loop3A_720 = arith.addf %parallel_loop3A_717, %parallel_loop3A_718 : vector<16xf32>
        %parallel_loop3A_721 = arith.addf %parallel_loop3A_719, %parallel_loop3A_720 : vector<16xf32>
        %parallel_loop3A_722 = arith.addf %parallel_loop3A_721, %parallel_loop3A_714 : vector<16xf32>
        %parallel_loop3A_723 = arith.constant 0 : i32
        %parallel_loop3A_724 = arith.index_cast %parallel_loop3A_723 : i32 to index
        %parallel_loop3A_725 = arith.index_cast %parallel_loop3A_453 : i32 to index
        %parallel_loop3A_726 = arith.constant 48 : index
        %parallel_loop3A_727 = tpu.vector_load %arg7[%parallel_loop3A_724, %parallel_loop3A_725, %parallel_loop3A_726] {strides = array<i32>} : memref<4x16x128xf32, #tpu.memory_space<vmem>>, vector<1x1x16xf32>,
        %parallel_loop3A_728 = vector.shape_cast %parallel_loop3A_727 : vector<1x1x16xf32> to vector<16xf32>
        %parallel_loop3A_729 = vector.shape_cast %parallel_loop3A_722 : vector<16xf32> to vector<1x1x16xf32>
        tpu.vector_store %arg7[%parallel_loop3A_724, %parallel_loop3A_725, %parallel_loop3A_726], %parallel_loop3A_729 {strides = array<i32>} : memref<4x16x128xf32, #tpu.memory_space<vmem>>, vector<1x1x16xf32>,
        %parallel_loop3A_730 = arith.constant 0 : i32
        %parallel_loop3A_731 = arith.index_cast %parallel_loop3A_730 : i32 to index
        %parallel_loop3A_732 = arith.index_cast %parallel_loop3A_453 : i32 to index
        %parallel_loop3A_733 = arith.constant 64 : index
        %parallel_loop3A_734 = tpu.vector_load %arg6[%parallel_loop3A_731, %parallel_loop3A_732, %parallel_loop3A_733] {strides = array<i32>} : memref<9x16x512xf32, #tpu.memory_space<vmem>>, vector<1x1x16xf32>,
        %parallel_loop3A_735 = vector.shape_cast %parallel_loop3A_734 : vector<1x1x16xf32> to vector<16xf32>
        %parallel_loop3A_736 = arith.constant 1 : i32
        %parallel_loop3A_737 = arith.index_cast %parallel_loop3A_736 : i32 to index
        %parallel_loop3A_738 = arith.index_cast %parallel_loop3A_453 : i32 to index
        %parallel_loop3A_739 = arith.constant 64 : index
        %parallel_loop3A_740 = tpu.vector_load %arg6[%parallel_loop3A_737, %parallel_loop3A_738, %parallel_loop3A_739] {strides = array<i32>} : memref<9x16x512xf32, #tpu.memory_space<vmem>>, vector<1x1x16xf32>,
        %parallel_loop3A_741 = vector.shape_cast %parallel_loop3A_740 : vector<1x1x16xf32> to vector<16xf32>
        %parallel_loop3A_742 = arith.constant 2 : i32
        %parallel_loop3A_743 = arith.index_cast %parallel_loop3A_742 : i32 to index
        %parallel_loop3A_744 = arith.index_cast %parallel_loop3A_453 : i32 to index
        %parallel_loop3A_745 = arith.constant 64 : index
        %parallel_loop3A_746 = tpu.vector_load %arg6[%parallel_loop3A_743, %parallel_loop3A_744, %parallel_loop3A_745] {strides = array<i32>} : memref<9x16x512xf32, #tpu.memory_space<vmem>>, vector<1x1x16xf32>,
        %parallel_loop3A_747 = vector.shape_cast %parallel_loop3A_746 : vector<1x1x16xf32> to vector<16xf32>
        %parallel_loop3A_748 = arith.constant 3 : i32
        %parallel_loop3A_749 = arith.index_cast %parallel_loop3A_748 : i32 to index
        %parallel_loop3A_750 = arith.index_cast %parallel_loop3A_453 : i32 to index
        %parallel_loop3A_751 = arith.constant 64 : index
        %parallel_loop3A_752 = tpu.vector_load %arg6[%parallel_loop3A_749, %parallel_loop3A_750, %parallel_loop3A_751] {strides = array<i32>} : memref<9x16x512xf32, #tpu.memory_space<vmem>>, vector<1x1x16xf32>,
        %parallel_loop3A_753 = vector.shape_cast %parallel_loop3A_752 : vector<1x1x16xf32> to vector<16xf32>
        %parallel_loop3A_754 = arith.constant 4 : i32
        %parallel_loop3A_755 = arith.index_cast %parallel_loop3A_754 : i32 to index
        %parallel_loop3A_756 = arith.index_cast %parallel_loop3A_453 : i32 to index
        %parallel_loop3A_757 = arith.constant 64 : index
        %parallel_loop3A_758 = tpu.vector_load %arg6[%parallel_loop3A_755, %parallel_loop3A_756, %parallel_loop3A_757] {strides = array<i32>} : memref<9x16x512xf32, #tpu.memory_space<vmem>>, vector<1x1x16xf32>,
        %parallel_loop3A_759 = vector.shape_cast %parallel_loop3A_758 : vector<1x1x16xf32> to vector<16xf32>
        %parallel_loop3A_760 = arith.constant 5 : i32
        %parallel_loop3A_761 = arith.index_cast %parallel_loop3A_760 : i32 to index
        %parallel_loop3A_762 = arith.index_cast %parallel_loop3A_453 : i32 to index
        %parallel_loop3A_763 = arith.constant 64 : index
        %parallel_loop3A_764 = tpu.vector_load %arg6[%parallel_loop3A_761, %parallel_loop3A_762, %parallel_loop3A_763] {strides = array<i32>} : memref<9x16x512xf32, #tpu.memory_space<vmem>>, vector<1x1x16xf32>,
        %parallel_loop3A_765 = vector.shape_cast %parallel_loop3A_764 : vector<1x1x16xf32> to vector<16xf32>
        %parallel_loop3A_766 = arith.constant 6 : i32
        %parallel_loop3A_767 = arith.index_cast %parallel_loop3A_766 : i32 to index
        %parallel_loop3A_768 = arith.index_cast %parallel_loop3A_453 : i32 to index
        %parallel_loop3A_769 = arith.constant 64 : index
        %parallel_loop3A_770 = tpu.vector_load %arg6[%parallel_loop3A_767, %parallel_loop3A_768, %parallel_loop3A_769] {strides = array<i32>} : memref<9x16x512xf32, #tpu.memory_space<vmem>>, vector<1x1x16xf32>,
        %parallel_loop3A_771 = vector.shape_cast %parallel_loop3A_770 : vector<1x1x16xf32> to vector<16xf32>
        %parallel_loop3A_772 = arith.constant 7 : i32
        %parallel_loop3A_773 = arith.index_cast %parallel_loop3A_772 : i32 to index
        %parallel_loop3A_774 = arith.index_cast %parallel_loop3A_453 : i32 to index
        %parallel_loop3A_775 = arith.constant 64 : index
        %parallel_loop3A_776 = tpu.vector_load %arg6[%parallel_loop3A_773, %parallel_loop3A_774, %parallel_loop3A_775] {strides = array<i32>} : memref<9x16x512xf32, #tpu.memory_space<vmem>>, vector<1x1x16xf32>,
        %parallel_loop3A_777 = vector.shape_cast %parallel_loop3A_776 : vector<1x1x16xf32> to vector<16xf32>
        %parallel_loop3A_778 = arith.constant 8 : i32
        %parallel_loop3A_779 = arith.index_cast %parallel_loop3A_778 : i32 to index
        %parallel_loop3A_780 = arith.index_cast %parallel_loop3A_453 : i32 to index
        %parallel_loop3A_781 = arith.constant 64 : index
        %parallel_loop3A_782 = tpu.vector_load %arg6[%parallel_loop3A_779, %parallel_loop3A_780, %parallel_loop3A_781] {strides = array<i32>} : memref<9x16x512xf32, #tpu.memory_space<vmem>>, vector<1x1x16xf32>,
        %parallel_loop3A_783 = vector.shape_cast %parallel_loop3A_782 : vector<1x1x16xf32> to vector<16xf32>
        %parallel_loop3A_784 = arith.addf %parallel_loop3A_735, %parallel_loop3A_741 : vector<16xf32>
        %parallel_loop3A_785 = arith.addf %parallel_loop3A_747, %parallel_loop3A_753 : vector<16xf32>
        %parallel_loop3A_786 = arith.addf %parallel_loop3A_759, %parallel_loop3A_765 : vector<16xf32>
        %parallel_loop3A_787 = arith.addf %parallel_loop3A_771, %parallel_loop3A_777 : vector<16xf32>
        %parallel_loop3A_788 = arith.addf %parallel_loop3A_784, %parallel_loop3A_785 : vector<16xf32>
        %parallel_loop3A_789 = arith.addf %parallel_loop3A_786, %parallel_loop3A_787 : vector<16xf32>
        %parallel_loop3A_790 = arith.addf %parallel_loop3A_788, %parallel_loop3A_789 : vector<16xf32>
        %parallel_loop3A_791 = arith.addf %parallel_loop3A_790, %parallel_loop3A_783 : vector<16xf32>
        %parallel_loop3A_792 = arith.constant 0 : i32
        %parallel_loop3A_793 = arith.index_cast %parallel_loop3A_792 : i32 to index
        %parallel_loop3A_794 = arith.index_cast %parallel_loop3A_453 : i32 to index
        %parallel_loop3A_795 = arith.constant 64 : index
        %parallel_loop3A_796 = tpu.vector_load %arg7[%parallel_loop3A_793, %parallel_loop3A_794, %parallel_loop3A_795] {strides = array<i32>} : memref<4x16x128xf32, #tpu.memory_space<vmem>>, vector<1x1x16xf32>,
        %parallel_loop3A_797 = vector.shape_cast %parallel_loop3A_796 : vector<1x1x16xf32> to vector<16xf32>
        %parallel_loop3A_798 = vector.shape_cast %parallel_loop3A_791 : vector<16xf32> to vector<1x1x16xf32>
        tpu.vector_store %arg7[%parallel_loop3A_793, %parallel_loop3A_794, %parallel_loop3A_795], %parallel_loop3A_798 {strides = array<i32>} : memref<4x16x128xf32, #tpu.memory_space<vmem>>, vector<1x1x16xf32>,
        %parallel_loop3A_799 = arith.constant 0 : i32
        %parallel_loop3A_800 = arith.index_cast %parallel_loop3A_799 : i32 to index
        %parallel_loop3A_801 = arith.index_cast %parallel_loop3A_453 : i32 to index
        %parallel_loop3A_802 = arith.constant 80 : index
        %parallel_loop3A_803 = tpu.vector_load %arg6[%parallel_loop3A_800, %parallel_loop3A_801, %parallel_loop3A_802] {strides = array<i32>} : memref<9x16x512xf32, #tpu.memory_space<vmem>>, vector<1x1x16xf32>,
        %parallel_loop3A_804 = vector.shape_cast %parallel_loop3A_803 : vector<1x1x16xf32> to vector<16xf32>
        %parallel_loop3A_805 = arith.constant 1 : i32
        %parallel_loop3A_806 = arith.index_cast %parallel_loop3A_805 : i32 to index
        %parallel_loop3A_807 = arith.index_cast %parallel_loop3A_453 : i32 to index
        %parallel_loop3A_808 = arith.constant 80 : index
        %parallel_loop3A_809 = tpu.vector_load %arg6[%parallel_loop3A_806, %parallel_loop3A_807, %parallel_loop3A_808] {strides = array<i32>} : memref<9x16x512xf32, #tpu.memory_space<vmem>>, vector<1x1x16xf32>,
        %parallel_loop3A_810 = vector.shape_cast %parallel_loop3A_809 : vector<1x1x16xf32> to vector<16xf32>
        %parallel_loop3A_811 = arith.constant 2 : i32
        %parallel_loop3A_812 = arith.index_cast %parallel_loop3A_811 : i32 to index
        %parallel_loop3A_813 = arith.index_cast %parallel_loop3A_453 : i32 to index
        %parallel_loop3A_814 = arith.constant 80 : index
        %parallel_loop3A_815 = tpu.vector_load %arg6[%parallel_loop3A_812, %parallel_loop3A_813, %parallel_loop3A_814] {strides = array<i32>} : memref<9x16x512xf32, #tpu.memory_space<vmem>>, vector<1x1x16xf32>,
        %parallel_loop3A_816 = vector.shape_cast %parallel_loop3A_815 : vector<1x1x16xf32> to vector<16xf32>
        %parallel_loop3A_817 = arith.constant 3 : i32
        %parallel_loop3A_818 = arith.index_cast %parallel_loop3A_817 : i32 to index
        %parallel_loop3A_819 = arith.index_cast %parallel_loop3A_453 : i32 to index
        %parallel_loop3A_820 = arith.constant 80 : index
        %parallel_loop3A_821 = tpu.vector_load %arg6[%parallel_loop3A_818, %parallel_loop3A_819, %parallel_loop3A_820] {strides = array<i32>} : memref<9x16x512xf32, #tpu.memory_space<vmem>>, vector<1x1x16xf32>,
        %parallel_loop3A_822 = vector.shape_cast %parallel_loop3A_821 : vector<1x1x16xf32> to vector<16xf32>
        %parallel_loop3A_823 = arith.constant 4 : i32
        %parallel_loop3A_824 = arith.index_cast %parallel_loop3A_823 : i32 to index
        %parallel_loop3A_825 = arith.index_cast %parallel_loop3A_453 : i32 to index
        %parallel_loop3A_826 = arith.constant 80 : index
        %parallel_loop3A_827 = tpu.vector_load %arg6[%parallel_loop3A_824, %parallel_loop3A_825, %parallel_loop3A_826] {strides = array<i32>} : memref<9x16x512xf32, #tpu.memory_space<vmem>>, vector<1x1x16xf32>,
        %parallel_loop3A_828 = vector.shape_cast %parallel_loop3A_827 : vector<1x1x16xf32> to vector<16xf32>
        %parallel_loop3A_829 = arith.constant 5 : i32
        %parallel_loop3A_830 = arith.index_cast %parallel_loop3A_829 : i32 to index
        %parallel_loop3A_831 = arith.index_cast %parallel_loop3A_453 : i32 to index
        %parallel_loop3A_832 = arith.constant 80 : index
        %parallel_loop3A_833 = tpu.vector_load %arg6[%parallel_loop3A_830, %parallel_loop3A_831, %parallel_loop3A_832] {strides = array<i32>} : memref<9x16x512xf32, #tpu.memory_space<vmem>>, vector<1x1x16xf32>,
        %parallel_loop3A_834 = vector.shape_cast %parallel_loop3A_833 : vector<1x1x16xf32> to vector<16xf32>
        %parallel_loop3A_835 = arith.constant 6 : i32
        %parallel_loop3A_836 = arith.index_cast %parallel_loop3A_835 : i32 to index
        %parallel_loop3A_837 = arith.index_cast %parallel_loop3A_453 : i32 to index
        %parallel_loop3A_838 = arith.constant 80 : index
        %parallel_loop3A_839 = tpu.vector_load %arg6[%parallel_loop3A_836, %parallel_loop3A_837, %parallel_loop3A_838] {strides = array<i32>} : memref<9x16x512xf32, #tpu.memory_space<vmem>>, vector<1x1x16xf32>,
        %parallel_loop3A_840 = vector.shape_cast %parallel_loop3A_839 : vector<1x1x16xf32> to vector<16xf32>
        %parallel_loop3A_841 = arith.constant 7 : i32
        %parallel_loop3A_842 = arith.index_cast %parallel_loop3A_841 : i32 to index
        %parallel_loop3A_843 = arith.index_cast %parallel_loop3A_453 : i32 to index
        %parallel_loop3A_844 = arith.constant 80 : index
        %parallel_loop3A_845 = tpu.vector_load %arg6[%parallel_loop3A_842, %parallel_loop3A_843, %parallel_loop3A_844] {strides = array<i32>} : memref<9x16x512xf32, #tpu.memory_space<vmem>>, vector<1x1x16xf32>,
        %parallel_loop3A_846 = vector.shape_cast %parallel_loop3A_845 : vector<1x1x16xf32> to vector<16xf32>
        %parallel_loop3A_847 = arith.constant 8 : i32
        %parallel_loop3A_848 = arith.index_cast %parallel_loop3A_847 : i32 to index
        %parallel_loop3A_849 = arith.index_cast %parallel_loop3A_453 : i32 to index
        %parallel_loop3A_850 = arith.constant 80 : index
        %parallel_loop3A_851 = tpu.vector_load %arg6[%parallel_loop3A_848, %parallel_loop3A_849, %parallel_loop3A_850] {strides = array<i32>} : memref<9x16x512xf32, #tpu.memory_space<vmem>>, vector<1x1x16xf32>,
        %parallel_loop3A_852 = vector.shape_cast %parallel_loop3A_851 : vector<1x1x16xf32> to vector<16xf32>
        %parallel_loop3A_853 = arith.addf %parallel_loop3A_804, %parallel_loop3A_810 : vector<16xf32>
        %parallel_loop3A_854 = arith.addf %parallel_loop3A_816, %parallel_loop3A_822 : vector<16xf32>
        %parallel_loop3A_855 = arith.addf %parallel_loop3A_828, %parallel_loop3A_834 : vector<16xf32>
        %parallel_loop3A_856 = arith.addf %parallel_loop3A_840, %parallel_loop3A_846 : vector<16xf32>
        %parallel_loop3A_857 = arith.addf %parallel_loop3A_853, %parallel_loop3A_854 : vector<16xf32>
        %parallel_loop3A_858 = arith.addf %parallel_loop3A_855, %parallel_loop3A_856 : vector<16xf32>
        %parallel_loop3A_859 = arith.addf %parallel_loop3A_857, %parallel_loop3A_858 : vector<16xf32>
        %parallel_loop3A_860 = arith.addf %parallel_loop3A_859, %parallel_loop3A_852 : vector<16xf32>
        %parallel_loop3A_861 = arith.constant 0 : i32
        %parallel_loop3A_862 = arith.index_cast %parallel_loop3A_861 : i32 to index
        %parallel_loop3A_863 = arith.index_cast %parallel_loop3A_453 : i32 to index
        %parallel_loop3A_864 = arith.constant 80 : index
        %parallel_loop3A_865 = tpu.vector_load %arg7[%parallel_loop3A_862, %parallel_loop3A_863, %parallel_loop3A_864] {strides = array<i32>} : memref<4x16x128xf32, #tpu.memory_space<vmem>>, vector<1x1x16xf32>,
        %parallel_loop3A_866 = vector.shape_cast %parallel_loop3A_865 : vector<1x1x16xf32> to vector<16xf32>
        %parallel_loop3A_867 = vector.shape_cast %parallel_loop3A_860 : vector<16xf32> to vector<1x1x16xf32>
        tpu.vector_store %arg7[%parallel_loop3A_862, %parallel_loop3A_863, %parallel_loop3A_864], %parallel_loop3A_867 {strides = array<i32>} : memref<4x16x128xf32, #tpu.memory_space<vmem>>, vector<1x1x16xf32>,
        %parallel_loop3A_868 = arith.constant 0 : i32
        %parallel_loop3A_869 = arith.index_cast %parallel_loop3A_868 : i32 to index
        %parallel_loop3A_870 = arith.index_cast %parallel_loop3A_453 : i32 to index
        %parallel_loop3A_871 = arith.constant 96 : index
        %parallel_loop3A_872 = tpu.vector_load %arg6[%parallel_loop3A_869, %parallel_loop3A_870, %parallel_loop3A_871] {strides = array<i32>} : memref<9x16x512xf32, #tpu.memory_space<vmem>>, vector<1x1x16xf32>,
        %parallel_loop3A_873 = vector.shape_cast %parallel_loop3A_872 : vector<1x1x16xf32> to vector<16xf32>
        %parallel_loop3A_874 = arith.constant 1 : i32
        %parallel_loop3A_875 = arith.index_cast %parallel_loop3A_874 : i32 to index
        %parallel_loop3A_876 = arith.index_cast %parallel_loop3A_453 : i32 to index
        %parallel_loop3A_877 = arith.constant 96 : index
        %parallel_loop3A_878 = tpu.vector_load %arg6[%parallel_loop3A_875, %parallel_loop3A_876, %parallel_loop3A_877] {strides = array<i32>} : memref<9x16x512xf32, #tpu.memory_space<vmem>>, vector<1x1x16xf32>,
        %parallel_loop3A_879 = vector.shape_cast %parallel_loop3A_878 : vector<1x1x16xf32> to vector<16xf32>
        %parallel_loop3A_880 = arith.constant 2 : i32
        %parallel_loop3A_881 = arith.index_cast %parallel_loop3A_880 : i32 to index
        %parallel_loop3A_882 = arith.index_cast %parallel_loop3A_453 : i32 to index
        %parallel_loop3A_883 = arith.constant 96 : index
        %parallel_loop3A_884 = tpu.vector_load %arg6[%parallel_loop3A_881, %parallel_loop3A_882, %parallel_loop3A_883] {strides = array<i32>} : memref<9x16x512xf32, #tpu.memory_space<vmem>>, vector<1x1x16xf32>,
        %parallel_loop3A_885 = vector.shape_cast %parallel_loop3A_884 : vector<1x1x16xf32> to vector<16xf32>
        %parallel_loop3A_886 = arith.constant 3 : i32
        %parallel_loop3A_887 = arith.index_cast %parallel_loop3A_886 : i32 to index
        %parallel_loop3A_888 = arith.index_cast %parallel_loop3A_453 : i32 to index
        %parallel_loop3A_889 = arith.constant 96 : index
        %parallel_loop3A_890 = tpu.vector_load %arg6[%parallel_loop3A_887, %parallel_loop3A_888, %parallel_loop3A_889] {strides = array<i32>} : memref<9x16x512xf32, #tpu.memory_space<vmem>>, vector<1x1x16xf32>,
        %parallel_loop3A_891 = vector.shape_cast %parallel_loop3A_890 : vector<1x1x16xf32> to vector<16xf32>
        %parallel_loop3A_892 = arith.constant 4 : i32
        %parallel_loop3A_893 = arith.index_cast %parallel_loop3A_892 : i32 to index
        %parallel_loop3A_894 = arith.index_cast %parallel_loop3A_453 : i32 to index
        %parallel_loop3A_895 = arith.constant 96 : index
        %parallel_loop3A_896 = tpu.vector_load %arg6[%parallel_loop3A_893, %parallel_loop3A_894, %parallel_loop3A_895] {strides = array<i32>} : memref<9x16x512xf32, #tpu.memory_space<vmem>>, vector<1x1x16xf32>,
        %parallel_loop3A_897 = vector.shape_cast %parallel_loop3A_896 : vector<1x1x16xf32> to vector<16xf32>
        %parallel_loop3A_898 = arith.constant 5 : i32
        %parallel_loop3A_899 = arith.index_cast %parallel_loop3A_898 : i32 to index
        %parallel_loop3A_900 = arith.index_cast %parallel_loop3A_453 : i32 to index
        %parallel_loop3A_901 = arith.constant 96 : index
        %parallel_loop3A_902 = tpu.vector_load %arg6[%parallel_loop3A_899, %parallel_loop3A_900, %parallel_loop3A_901] {strides = array<i32>} : memref<9x16x512xf32, #tpu.memory_space<vmem>>, vector<1x1x16xf32>,
        %parallel_loop3A_903 = vector.shape_cast %parallel_loop3A_902 : vector<1x1x16xf32> to vector<16xf32>
        %parallel_loop3A_904 = arith.constant 6 : i32
        %parallel_loop3A_905 = arith.index_cast %parallel_loop3A_904 : i32 to index
        %parallel_loop3A_906 = arith.index_cast %parallel_loop3A_453 : i32 to index
        %parallel_loop3A_907 = arith.constant 96 : index
        %parallel_loop3A_908 = tpu.vector_load %arg6[%parallel_loop3A_905, %parallel_loop3A_906, %parallel_loop3A_907] {strides = array<i32>} : memref<9x16x512xf32, #tpu.memory_space<vmem>>, vector<1x1x16xf32>,
        %parallel_loop3A_909 = vector.shape_cast %parallel_loop3A_908 : vector<1x1x16xf32> to vector<16xf32>
        %parallel_loop3A_910 = arith.constant 7 : i32
        %parallel_loop3A_911 = arith.index_cast %parallel_loop3A_910 : i32 to index
        %parallel_loop3A_912 = arith.index_cast %parallel_loop3A_453 : i32 to index
        %parallel_loop3A_913 = arith.constant 96 : index
        %parallel_loop3A_914 = tpu.vector_load %arg6[%parallel_loop3A_911, %parallel_loop3A_912, %parallel_loop3A_913] {strides = array<i32>} : memref<9x16x512xf32, #tpu.memory_space<vmem>>, vector<1x1x16xf32>,
        %parallel_loop3A_915 = vector.shape_cast %parallel_loop3A_914 : vector<1x1x16xf32> to vector<16xf32>
        %parallel_loop3A_916 = arith.constant 8 : i32
        %parallel_loop3A_917 = arith.index_cast %parallel_loop3A_916 : i32 to index
        %parallel_loop3A_918 = arith.index_cast %parallel_loop3A_453 : i32 to index
        %parallel_loop3A_919 = arith.constant 96 : index
        %parallel_loop3A_920 = tpu.vector_load %arg6[%parallel_loop3A_917, %parallel_loop3A_918, %parallel_loop3A_919] {strides = array<i32>} : memref<9x16x512xf32, #tpu.memory_space<vmem>>, vector<1x1x16xf32>,
        %parallel_loop3A_921 = vector.shape_cast %parallel_loop3A_920 : vector<1x1x16xf32> to vector<16xf32>
        %parallel_loop3A_922 = arith.addf %parallel_loop3A_873, %parallel_loop3A_879 : vector<16xf32>
        %parallel_loop3A_923 = arith.addf %parallel_loop3A_885, %parallel_loop3A_891 : vector<16xf32>
        %parallel_loop3A_924 = arith.addf %parallel_loop3A_897, %parallel_loop3A_903 : vector<16xf32>
        %parallel_loop3A_925 = arith.addf %parallel_loop3A_909, %parallel_loop3A_915 : vector<16xf32>
        %parallel_loop3A_926 = arith.addf %parallel_loop3A_922, %parallel_loop3A_923 : vector<16xf32>
        %parallel_loop3A_927 = arith.addf %parallel_loop3A_924, %parallel_loop3A_925 : vector<16xf32>
        %parallel_loop3A_928 = arith.addf %parallel_loop3A_926, %parallel_loop3A_927 : vector<16xf32>
        %parallel_loop3A_929 = arith.addf %parallel_loop3A_928, %parallel_loop3A_921 : vector<16xf32>
        %parallel_loop3A_930 = arith.constant 0 : i32
        %parallel_loop3A_931 = arith.index_cast %parallel_loop3A_930 : i32 to index
        %parallel_loop3A_932 = arith.index_cast %parallel_loop3A_453 : i32 to index
        %parallel_loop3A_933 = arith.constant 96 : index
        %parallel_loop3A_934 = tpu.vector_load %arg7[%parallel_loop3A_931, %parallel_loop3A_932, %parallel_loop3A_933] {strides = array<i32>} : memref<4x16x128xf32, #tpu.memory_space<vmem>>, vector<1x1x16xf32>,
        %parallel_loop3A_935 = vector.shape_cast %parallel_loop3A_934 : vector<1x1x16xf32> to vector<16xf32>
        %parallel_loop3A_936 = vector.shape_cast %parallel_loop3A_929 : vector<16xf32> to vector<1x1x16xf32>
        tpu.vector_store %arg7[%parallel_loop3A_931, %parallel_loop3A_932, %parallel_loop3A_933], %parallel_loop3A_936 {strides = array<i32>} : memref<4x16x128xf32, #tpu.memory_space<vmem>>, vector<1x1x16xf32>,
        %parallel_loop3A_937 = arith.constant 0 : i32
        %parallel_loop3A_938 = arith.index_cast %parallel_loop3A_937 : i32 to index
        %parallel_loop3A_939 = arith.index_cast %parallel_loop3A_453 : i32 to index
        %parallel_loop3A_940 = arith.constant 112 : index
        %parallel_loop3A_941 = tpu.vector_load %arg6[%parallel_loop3A_938, %parallel_loop3A_939, %parallel_loop3A_940] {strides = array<i32>} : memref<9x16x512xf32, #tpu.memory_space<vmem>>, vector<1x1x16xf32>,
        %parallel_loop3A_942 = vector.shape_cast %parallel_loop3A_941 : vector<1x1x16xf32> to vector<16xf32>
        %parallel_loop3A_943 = arith.constant 1 : i32
        %parallel_loop3A_944 = arith.index_cast %parallel_loop3A_943 : i32 to index
        %parallel_loop3A_945 = arith.index_cast %parallel_loop3A_453 : i32 to index
        %parallel_loop3A_946 = arith.constant 112 : index
        %parallel_loop3A_947 = tpu.vector_load %arg6[%parallel_loop3A_944, %parallel_loop3A_945, %parallel_loop3A_946] {strides = array<i32>} : memref<9x16x512xf32, #tpu.memory_space<vmem>>, vector<1x1x16xf32>,
        %parallel_loop3A_948 = vector.shape_cast %parallel_loop3A_947 : vector<1x1x16xf32> to vector<16xf32>
        %parallel_loop3A_949 = arith.constant 2 : i32
        %parallel_loop3A_950 = arith.index_cast %parallel_loop3A_949 : i32 to index
        %parallel_loop3A_951 = arith.index_cast %parallel_loop3A_453 : i32 to index
        %parallel_loop3A_952 = arith.constant 112 : index
        %parallel_loop3A_953 = tpu.vector_load %arg6[%parallel_loop3A_950, %parallel_loop3A_951, %parallel_loop3A_952] {strides = array<i32>} : memref<9x16x512xf32, #tpu.memory_space<vmem>>, vector<1x1x16xf32>,
        %parallel_loop3A_954 = vector.shape_cast %parallel_loop3A_953 : vector<1x1x16xf32> to vector<16xf32>
        %parallel_loop3A_955 = arith.constant 3 : i32
        %parallel_loop3A_956 = arith.index_cast %parallel_loop3A_955 : i32 to index
        %parallel_loop3A_957 = arith.index_cast %parallel_loop3A_453 : i32 to index
        %parallel_loop3A_958 = arith.constant 112 : index
        %parallel_loop3A_959 = tpu.vector_load %arg6[%parallel_loop3A_956, %parallel_loop3A_957, %parallel_loop3A_958] {strides = array<i32>} : memref<9x16x512xf32, #tpu.memory_space<vmem>>, vector<1x1x16xf32>,
        %parallel_loop3A_960 = vector.shape_cast %parallel_loop3A_959 : vector<1x1x16xf32> to vector<16xf32>
        %parallel_loop3A_961 = arith.constant 4 : i32
        %parallel_loop3A_962 = arith.index_cast %parallel_loop3A_961 : i32 to index
        %parallel_loop3A_963 = arith.index_cast %parallel_loop3A_453 : i32 to index
        %parallel_loop3A_964 = arith.constant 112 : index
        %parallel_loop3A_965 = tpu.vector_load %arg6[%parallel_loop3A_962, %parallel_loop3A_963, %parallel_loop3A_964] {strides = array<i32>} : memref<9x16x512xf32, #tpu.memory_space<vmem>>, vector<1x1x16xf32>,
        %parallel_loop3A_966 = vector.shape_cast %parallel_loop3A_965 : vector<1x1x16xf32> to vector<16xf32>
        %parallel_loop3A_967 = arith.constant 5 : i32
        %parallel_loop3A_968 = arith.index_cast %parallel_loop3A_967 : i32 to index
        %parallel_loop3A_969 = arith.index_cast %parallel_loop3A_453 : i32 to index
        %parallel_loop3A_970 = arith.constant 112 : index
        %parallel_loop3A_971 = tpu.vector_load %arg6[%parallel_loop3A_968, %parallel_loop3A_969, %parallel_loop3A_970] {strides = array<i32>} : memref<9x16x512xf32, #tpu.memory_space<vmem>>, vector<1x1x16xf32>,
        %parallel_loop3A_972 = vector.shape_cast %parallel_loop3A_971 : vector<1x1x16xf32> to vector<16xf32>
        %parallel_loop3A_973 = arith.constant 6 : i32
        %parallel_loop3A_974 = arith.index_cast %parallel_loop3A_973 : i32 to index
        %parallel_loop3A_975 = arith.index_cast %parallel_loop3A_453 : i32 to index
        %parallel_loop3A_976 = arith.constant 112 : index
        %parallel_loop3A_977 = tpu.vector_load %arg6[%parallel_loop3A_974, %parallel_loop3A_975, %parallel_loop3A_976] {strides = array<i32>} : memref<9x16x512xf32, #tpu.memory_space<vmem>>, vector<1x1x16xf32>,
        %parallel_loop3A_978 = vector.shape_cast %parallel_loop3A_977 : vector<1x1x16xf32> to vector<16xf32>
        %parallel_loop3A_979 = arith.constant 7 : i32
        %parallel_loop3A_980 = arith.index_cast %parallel_loop3A_979 : i32 to index
        %parallel_loop3A_981 = arith.index_cast %parallel_loop3A_453 : i32 to index
        %parallel_loop3A_982 = arith.constant 112 : index
        %parallel_loop3A_983 = tpu.vector_load %arg6[%parallel_loop3A_980, %parallel_loop3A_981, %parallel_loop3A_982] {strides = array<i32>} : memref<9x16x512xf32, #tpu.memory_space<vmem>>, vector<1x1x16xf32>,
        %parallel_loop3A_984 = vector.shape_cast %parallel_loop3A_983 : vector<1x1x16xf32> to vector<16xf32>
        %parallel_loop3A_985 = arith.constant 8 : i32
        %parallel_loop3A_986 = arith.index_cast %parallel_loop3A_985 : i32 to index
        %parallel_loop3A_987 = arith.index_cast %parallel_loop3A_453 : i32 to index
        %parallel_loop3A_988 = arith.constant 112 : index
        %parallel_loop3A_989 = tpu.vector_load %arg6[%parallel_loop3A_986, %parallel_loop3A_987, %parallel_loop3A_988] {strides = array<i32>} : memref<9x16x512xf32, #tpu.memory_space<vmem>>, vector<1x1x16xf32>,
        %parallel_loop3A_990 = vector.shape_cast %parallel_loop3A_989 : vector<1x1x16xf32> to vector<16xf32>
        %parallel_loop3A_991 = arith.addf %parallel_loop3A_942, %parallel_loop3A_948 : vector<16xf32>
        %parallel_loop3A_992 = arith.addf %parallel_loop3A_954, %parallel_loop3A_960 : vector<16xf32>
        %parallel_loop3A_993 = arith.addf %parallel_loop3A_966, %parallel_loop3A_972 : vector<16xf32>
        %parallel_loop3A_994 = arith.addf %parallel_loop3A_978, %parallel_loop3A_984 : vector<16xf32>
        %parallel_loop3A_995 = arith.addf %parallel_loop3A_991, %parallel_loop3A_992 : vector<16xf32>
        %parallel_loop3A_996 = arith.addf %parallel_loop3A_993, %parallel_loop3A_994 : vector<16xf32>
        %parallel_loop3A_997 = arith.addf %parallel_loop3A_995, %parallel_loop3A_996 : vector<16xf32>
        %parallel_loop3A_998 = arith.addf %parallel_loop3A_997, %parallel_loop3A_990 : vector<16xf32>
        %parallel_loop3A_999 = arith.constant 0 : i32
        %parallel_loop3A_1000 = arith.index_cast %parallel_loop3A_999 : i32 to index
        %parallel_loop3A_1001 = arith.index_cast %parallel_loop3A_453 : i32 to index
        %parallel_loop3A_1002 = arith.constant 112 : index
        %parallel_loop3A_1003 = tpu.vector_load %arg7[%parallel_loop3A_1000, %parallel_loop3A_1001, %parallel_loop3A_1002] {strides = array<i32>} : memref<4x16x128xf32, #tpu.memory_space<vmem>>, vector<1x1x16xf32>,
        %parallel_loop3A_1004 = vector.shape_cast %parallel_loop3A_1003 : vector<1x1x16xf32> to vector<16xf32>
        %parallel_loop3A_1005 = vector.shape_cast %parallel_loop3A_998 : vector<16xf32> to vector<1x1x16xf32>
        tpu.vector_store %arg7[%parallel_loop3A_1000, %parallel_loop3A_1001, %parallel_loop3A_1002], %parallel_loop3A_1005 {strides = array<i32>} : memref<4x16x128xf32, #tpu.memory_space<vmem>>, vector<1x1x16xf32>,
        %parallel_loop3A_1006 = arith.constant 0 : i32
        %parallel_loop3A_1007 = arith.index_cast %parallel_loop3A_1006 : i32 to index
        %parallel_loop3A_1008 = arith.index_cast %parallel_loop3A_453 : i32 to index
        %parallel_loop3A_1009 = arith.constant 128 : index
        %parallel_loop3A_1010 = tpu.vector_load %arg6[%parallel_loop3A_1007, %parallel_loop3A_1008, %parallel_loop3A_1009] {strides = array<i32>} : memref<9x16x512xf32, #tpu.memory_space<vmem>>, vector<1x1x16xf32>,
        %parallel_loop3A_1011 = vector.shape_cast %parallel_loop3A_1010 : vector<1x1x16xf32> to vector<16xf32>
        %parallel_loop3A_1012 = arith.constant 1 : i32
        %parallel_loop3A_1013 = arith.index_cast %parallel_loop3A_1012 : i32 to index
        %parallel_loop3A_1014 = arith.index_cast %parallel_loop3A_453 : i32 to index
        %parallel_loop3A_1015 = arith.constant 128 : index
        %parallel_loop3A_1016 = tpu.vector_load %arg6[%parallel_loop3A_1013, %parallel_loop3A_1014, %parallel_loop3A_1015] {strides = array<i32>} : memref<9x16x512xf32, #tpu.memory_space<vmem>>, vector<1x1x16xf32>,
        %parallel_loop3A_1017 = vector.shape_cast %parallel_loop3A_1016 : vector<1x1x16xf32> to vector<16xf32>
        %parallel_loop3A_1018 = arith.constant 2 : i32
        %parallel_loop3A_1019 = arith.index_cast %parallel_loop3A_1018 : i32 to index
        %parallel_loop3A_1020 = arith.index_cast %parallel_loop3A_453 : i32 to index
        %parallel_loop3A_1021 = arith.constant 128 : index
        %parallel_loop3A_1022 = tpu.vector_load %arg6[%parallel_loop3A_1019, %parallel_loop3A_1020, %parallel_loop3A_1021] {strides = array<i32>} : memref<9x16x512xf32, #tpu.memory_space<vmem>>, vector<1x1x16xf32>,
        %parallel_loop3A_1023 = vector.shape_cast %parallel_loop3A_1022 : vector<1x1x16xf32> to vector<16xf32>
        %parallel_loop3A_1024 = arith.constant 3 : i32
        %parallel_loop3A_1025 = arith.index_cast %parallel_loop3A_1024 : i32 to index
        %parallel_loop3A_1026 = arith.index_cast %parallel_loop3A_453 : i32 to index
        %parallel_loop3A_1027 = arith.constant 128 : index
        %parallel_loop3A_1028 = tpu.vector_load %arg6[%parallel_loop3A_1025, %parallel_loop3A_1026, %parallel_loop3A_1027] {strides = array<i32>} : memref<9x16x512xf32, #tpu.memory_space<vmem>>, vector<1x1x16xf32>,
        %parallel_loop3A_1029 = vector.shape_cast %parallel_loop3A_1028 : vector<1x1x16xf32> to vector<16xf32>
        %parallel_loop3A_1030 = arith.constant 4 : i32
        %parallel_loop3A_1031 = arith.index_cast %parallel_loop3A_1030 : i32 to index
        %parallel_loop3A_1032 = arith.index_cast %parallel_loop3A_453 : i32 to index
        %parallel_loop3A_1033 = arith.constant 128 : index
        %parallel_loop3A_1034 = tpu.vector_load %arg6[%parallel_loop3A_1031, %parallel_loop3A_1032, %parallel_loop3A_1033] {strides = array<i32>} : memref<9x16x512xf32, #tpu.memory_space<vmem>>, vector<1x1x16xf32>,
        %parallel_loop3A_1035 = vector.shape_cast %parallel_loop3A_1034 : vector<1x1x16xf32> to vector<16xf32>
        %parallel_loop3A_1036 = arith.constant 5 : i32
        %parallel_loop3A_1037 = arith.index_cast %parallel_loop3A_1036 : i32 to index
        %parallel_loop3A_1038 = arith.index_cast %parallel_loop3A_453 : i32 to index
        %parallel_loop3A_1039 = arith.constant 128 : index
        %parallel_loop3A_1040 = tpu.vector_load %arg6[%parallel_loop3A_1037, %parallel_loop3A_1038, %parallel_loop3A_1039] {strides = array<i32>} : memref<9x16x512xf32, #tpu.memory_space<vmem>>, vector<1x1x16xf32>,
        %parallel_loop3A_1041 = vector.shape_cast %parallel_loop3A_1040 : vector<1x1x16xf32> to vector<16xf32>
        %parallel_loop3A_1042 = arith.constant 6 : i32
        %parallel_loop3A_1043 = arith.index_cast %parallel_loop3A_1042 : i32 to index
        %parallel_loop3A_1044 = arith.index_cast %parallel_loop3A_453 : i32 to index
        %parallel_loop3A_1045 = arith.constant 128 : index
        %parallel_loop3A_1046 = tpu.vector_load %arg6[%parallel_loop3A_1043, %parallel_loop3A_1044, %parallel_loop3A_1045] {strides = array<i32>} : memref<9x16x512xf32, #tpu.memory_space<vmem>>, vector<1x1x16xf32>,
        %parallel_loop3A_1047 = vector.shape_cast %parallel_loop3A_1046 : vector<1x1x16xf32> to vector<16xf32>
        %parallel_loop3A_1048 = arith.constant 7 : i32
        %parallel_loop3A_1049 = arith.index_cast %parallel_loop3A_1048 : i32 to index
        %parallel_loop3A_1050 = arith.index_cast %parallel_loop3A_453 : i32 to index
        %parallel_loop3A_1051 = arith.constant 128 : index
        %parallel_loop3A_1052 = tpu.vector_load %arg6[%parallel_loop3A_1049, %parallel_loop3A_1050, %parallel_loop3A_1051] {strides = array<i32>} : memref<9x16x512xf32, #tpu.memory_space<vmem>>, vector<1x1x16xf32>,
        %parallel_loop3A_1053 = vector.shape_cast %parallel_loop3A_1052 : vector<1x1x16xf32> to vector<16xf32>
        %parallel_loop3A_1054 = arith.constant 8 : i32
        %parallel_loop3A_1055 = arith.index_cast %parallel_loop3A_1054 : i32 to index
        %parallel_loop3A_1056 = arith.index_cast %parallel_loop3A_453 : i32 to index
        %parallel_loop3A_1057 = arith.constant 128 : index
        %parallel_loop3A_1058 = tpu.vector_load %arg6[%parallel_loop3A_1055, %parallel_loop3A_1056, %parallel_loop3A_1057] {strides = array<i32>} : memref<9x16x512xf32, #tpu.memory_space<vmem>>, vector<1x1x16xf32>,
        %parallel_loop3A_1059 = vector.shape_cast %parallel_loop3A_1058 : vector<1x1x16xf32> to vector<16xf32>
        %parallel_loop3A_1060 = arith.addf %parallel_loop3A_1011, %parallel_loop3A_1017 : vector<16xf32>
        %parallel_loop3A_1061 = arith.addf %parallel_loop3A_1023, %parallel_loop3A_1029 : vector<16xf32>
        %parallel_loop3A_1062 = arith.addf %parallel_loop3A_1035, %parallel_loop3A_1041 : vector<16xf32>
        %parallel_loop3A_1063 = arith.addf %parallel_loop3A_1047, %parallel_loop3A_1053 : vector<16xf32>
        %parallel_loop3A_1064 = arith.addf %parallel_loop3A_1060, %parallel_loop3A_1061 : vector<16xf32>
        %parallel_loop3A_1065 = arith.addf %parallel_loop3A_1062, %parallel_loop3A_1063 : vector<16xf32>
        %parallel_loop3A_1066 = arith.addf %parallel_loop3A_1064, %parallel_loop3A_1065 : vector<16xf32>
        %parallel_loop3A_1067 = arith.addf %parallel_loop3A_1066, %parallel_loop3A_1059 : vector<16xf32>
        %parallel_loop3A_1068 = arith.constant 1 : i32
        %parallel_loop3A_1069 = arith.index_cast %parallel_loop3A_1068 : i32 to index
        %parallel_loop3A_1070 = arith.index_cast %parallel_loop3A_453 : i32 to index
        %parallel_loop3A_1071 = arith.constant 0 : index
        %parallel_loop3A_1072 = tpu.vector_load %arg7[%parallel_loop3A_1069, %parallel_loop3A_1070, %parallel_loop3A_1071] {strides = array<i32>} : memref<4x16x128xf32, #tpu.memory_space<vmem>>, vector<1x1x16xf32>,
        %parallel_loop3A_1073 = vector.shape_cast %parallel_loop3A_1072 : vector<1x1x16xf32> to vector<16xf32>
        %parallel_loop3A_1074 = vector.shape_cast %parallel_loop3A_1067 : vector<16xf32> to vector<1x1x16xf32>
        tpu.vector_store %arg7[%parallel_loop3A_1069, %parallel_loop3A_1070, %parallel_loop3A_1071], %parallel_loop3A_1074 {strides = array<i32>} : memref<4x16x128xf32, #tpu.memory_space<vmem>>, vector<1x1x16xf32>,
        %parallel_loop3A_1075 = arith.constant 0 : i32
        %parallel_loop3A_1076 = arith.index_cast %parallel_loop3A_1075 : i32 to index
        %parallel_loop3A_1077 = arith.index_cast %parallel_loop3A_453 : i32 to index
        %parallel_loop3A_1078 = arith.constant 144 : index
        %parallel_loop3A_1079 = tpu.vector_load %arg6[%parallel_loop3A_1076, %parallel_loop3A_1077, %parallel_loop3A_1078] {strides = array<i32>} : memref<9x16x512xf32, #tpu.memory_space<vmem>>, vector<1x1x16xf32>,
        %parallel_loop3A_1080 = vector.shape_cast %parallel_loop3A_1079 : vector<1x1x16xf32> to vector<16xf32>
        %parallel_loop3A_1081 = arith.constant 1 : i32
        %parallel_loop3A_1082 = arith.index_cast %parallel_loop3A_1081 : i32 to index
        %parallel_loop3A_1083 = arith.index_cast %parallel_loop3A_453 : i32 to index
        %parallel_loop3A_1084 = arith.constant 144 : index
        %parallel_loop3A_1085 = tpu.vector_load %arg6[%parallel_loop3A_1082, %parallel_loop3A_1083, %parallel_loop3A_1084] {strides = array<i32>} : memref<9x16x512xf32, #tpu.memory_space<vmem>>, vector<1x1x16xf32>,
        %parallel_loop3A_1086 = vector.shape_cast %parallel_loop3A_1085 : vector<1x1x16xf32> to vector<16xf32>
        %parallel_loop3A_1087 = arith.constant 2 : i32
        %parallel_loop3A_1088 = arith.index_cast %parallel_loop3A_1087 : i32 to index
        %parallel_loop3A_1089 = arith.index_cast %parallel_loop3A_453 : i32 to index
        %parallel_loop3A_1090 = arith.constant 144 : index
        %parallel_loop3A_1091 = tpu.vector_load %arg6[%parallel_loop3A_1088, %parallel_loop3A_1089, %parallel_loop3A_1090] {strides = array<i32>} : memref<9x16x512xf32, #tpu.memory_space<vmem>>, vector<1x1x16xf32>,
        %parallel_loop3A_1092 = vector.shape_cast %parallel_loop3A_1091 : vector<1x1x16xf32> to vector<16xf32>
        %parallel_loop3A_1093 = arith.constant 3 : i32
        %parallel_loop3A_1094 = arith.index_cast %parallel_loop3A_1093 : i32 to index
        %parallel_loop3A_1095 = arith.index_cast %parallel_loop3A_453 : i32 to index
        %parallel_loop3A_1096 = arith.constant 144 : index
        %parallel_loop3A_1097 = tpu.vector_load %arg6[%parallel_loop3A_1094, %parallel_loop3A_1095, %parallel_loop3A_1096] {strides = array<i32>} : memref<9x16x512xf32, #tpu.memory_space<vmem>>, vector<1x1x16xf32>,
        %parallel_loop3A_1098 = vector.shape_cast %parallel_loop3A_1097 : vector<1x1x16xf32> to vector<16xf32>
        %parallel_loop3A_1099 = arith.constant 4 : i32
        %parallel_loop3A_1100 = arith.index_cast %parallel_loop3A_1099 : i32 to index
        %parallel_loop3A_1101 = arith.index_cast %parallel_loop3A_453 : i32 to index
        %parallel_loop3A_1102 = arith.constant 144 : index
        %parallel_loop3A_1103 = tpu.vector_load %arg6[%parallel_loop3A_1100, %parallel_loop3A_1101, %parallel_loop3A_1102] {strides = array<i32>} : memref<9x16x512xf32, #tpu.memory_space<vmem>>, vector<1x1x16xf32>,
        %parallel_loop3A_1104 = vector.shape_cast %parallel_loop3A_1103 : vector<1x1x16xf32> to vector<16xf32>
        %parallel_loop3A_1105 = arith.constant 5 : i32
        %parallel_loop3A_1106 = arith.index_cast %parallel_loop3A_1105 : i32 to index
        %parallel_loop3A_1107 = arith.index_cast %parallel_loop3A_453 : i32 to index
        %parallel_loop3A_1108 = arith.constant 144 : index
        %parallel_loop3A_1109 = tpu.vector_load %arg6[%parallel_loop3A_1106, %parallel_loop3A_1107, %parallel_loop3A_1108] {strides = array<i32>} : memref<9x16x512xf32, #tpu.memory_space<vmem>>, vector<1x1x16xf32>,
        %parallel_loop3A_1110 = vector.shape_cast %parallel_loop3A_1109 : vector<1x1x16xf32> to vector<16xf32>
        %parallel_loop3A_1111 = arith.constant 6 : i32
        %parallel_loop3A_1112 = arith.index_cast %parallel_loop3A_1111 : i32 to index
        %parallel_loop3A_1113 = arith.index_cast %parallel_loop3A_453 : i32 to index
        %parallel_loop3A_1114 = arith.constant 144 : index
        %parallel_loop3A_1115 = tpu.vector_load %arg6[%parallel_loop3A_1112, %parallel_loop3A_1113, %parallel_loop3A_1114] {strides = array<i32>} : memref<9x16x512xf32, #tpu.memory_space<vmem>>, vector<1x1x16xf32>,
        %parallel_loop3A_1116 = vector.shape_cast %parallel_loop3A_1115 : vector<1x1x16xf32> to vector<16xf32>
        %parallel_loop3A_1117 = arith.constant 7 : i32
        %parallel_loop3A_1118 = arith.index_cast %parallel_loop3A_1117 : i32 to index
        %parallel_loop3A_1119 = arith.index_cast %parallel_loop3A_453 : i32 to index
        %parallel_loop3A_1120 = arith.constant 144 : index
        %parallel_loop3A_1121 = tpu.vector_load %arg6[%parallel_loop3A_1118, %parallel_loop3A_1119, %parallel_loop3A_1120] {strides = array<i32>} : memref<9x16x512xf32, #tpu.memory_space<vmem>>, vector<1x1x16xf32>,
        %parallel_loop3A_1122 = vector.shape_cast %parallel_loop3A_1121 : vector<1x1x16xf32> to vector<16xf32>
        %parallel_loop3A_1123 = arith.constant 8 : i32
        %parallel_loop3A_1124 = arith.index_cast %parallel_loop3A_1123 : i32 to index
        %parallel_loop3A_1125 = arith.index_cast %parallel_loop3A_453 : i32 to index
        %parallel_loop3A_1126 = arith.constant 144 : index
        %parallel_loop3A_1127 = tpu.vector_load %arg6[%parallel_loop3A_1124, %parallel_loop3A_1125, %parallel_loop3A_1126] {strides = array<i32>} : memref<9x16x512xf32, #tpu.memory_space<vmem>>, vector<1x1x16xf32>,
        %parallel_loop3A_1128 = vector.shape_cast %parallel_loop3A_1127 : vector<1x1x16xf32> to vector<16xf32>
        %parallel_loop3A_1129 = arith.addf %parallel_loop3A_1080, %parallel_loop3A_1086 : vector<16xf32>
        %parallel_loop3A_1130 = arith.addf %parallel_loop3A_1092, %parallel_loop3A_1098 : vector<16xf32>
        %parallel_loop3A_1131 = arith.addf %parallel_loop3A_1104, %parallel_loop3A_1110 : vector<16xf32>
        %parallel_loop3A_1132 = arith.addf %parallel_loop3A_1116, %parallel_loop3A_1122 : vector<16xf32>
        %parallel_loop3A_1133 = arith.addf %parallel_loop3A_1129, %parallel_loop3A_1130 : vector<16xf32>
        %parallel_loop3A_1134 = arith.addf %parallel_loop3A_1131, %parallel_loop3A_1132 : vector<16xf32>
        %parallel_loop3A_1135 = arith.addf %parallel_loop3A_1133, %parallel_loop3A_1134 : vector<16xf32>
        %parallel_loop3A_1136 = arith.addf %parallel_loop3A_1135, %parallel_loop3A_1128 : vector<16xf32>
        %parallel_loop3A_1137 = arith.constant 1 : i32
        %parallel_loop3A_1138 = arith.index_cast %parallel_loop3A_1137 : i32 to index
        %parallel_loop3A_1139 = arith.index_cast %parallel_loop3A_453 : i32 to index
        %parallel_loop3A_1140 = arith.constant 16 : index
        %parallel_loop3A_1141 = tpu.vector_load %arg7[%parallel_loop3A_1138, %parallel_loop3A_1139, %parallel_loop3A_1140] {strides = array<i32>} : memref<4x16x128xf32, #tpu.memory_space<vmem>>, vector<1x1x16xf32>,
        %parallel_loop3A_1142 = vector.shape_cast %parallel_loop3A_1141 : vector<1x1x16xf32> to vector<16xf32>
        %parallel_loop3A_1143 = vector.shape_cast %parallel_loop3A_1136 : vector<16xf32> to vector<1x1x16xf32>
        tpu.vector_store %arg7[%parallel_loop3A_1138, %parallel_loop3A_1139, %parallel_loop3A_1140], %parallel_loop3A_1143 {strides = array<i32>} : memref<4x16x128xf32, #tpu.memory_space<vmem>>, vector<1x1x16xf32>,
        %parallel_loop3A_1144 = arith.constant 0 : i32
        %parallel_loop3A_1145 = arith.index_cast %parallel_loop3A_1144 : i32 to index
        %parallel_loop3A_1146 = arith.index_cast %parallel_loop3A_453 : i32 to index
        %parallel_loop3A_1147 = arith.constant 160 : index
        %parallel_loop3A_1148 = tpu.vector_load %arg6[%parallel_loop3A_1145, %parallel_loop3A_1146, %parallel_loop3A_1147] {strides = array<i32>} : memref<9x16x512xf32, #tpu.memory_space<vmem>>, vector<1x1x16xf32>,
        %parallel_loop3A_1149 = vector.shape_cast %parallel_loop3A_1148 : vector<1x1x16xf32> to vector<16xf32>
        %parallel_loop3A_1150 = arith.constant 1 : i32
        %parallel_loop3A_1151 = arith.index_cast %parallel_loop3A_1150 : i32 to index
        %parallel_loop3A_1152 = arith.index_cast %parallel_loop3A_453 : i32 to index
        %parallel_loop3A_1153 = arith.constant 160 : index
        %parallel_loop3A_1154 = tpu.vector_load %arg6[%parallel_loop3A_1151, %parallel_loop3A_1152, %parallel_loop3A_1153] {strides = array<i32>} : memref<9x16x512xf32, #tpu.memory_space<vmem>>, vector<1x1x16xf32>,
        %parallel_loop3A_1155 = vector.shape_cast %parallel_loop3A_1154 : vector<1x1x16xf32> to vector<16xf32>
        %parallel_loop3A_1156 = arith.constant 2 : i32
        %parallel_loop3A_1157 = arith.index_cast %parallel_loop3A_1156 : i32 to index
        %parallel_loop3A_1158 = arith.index_cast %parallel_loop3A_453 : i32 to index
        %parallel_loop3A_1159 = arith.constant 160 : index
        %parallel_loop3A_1160 = tpu.vector_load %arg6[%parallel_loop3A_1157, %parallel_loop3A_1158, %parallel_loop3A_1159] {strides = array<i32>} : memref<9x16x512xf32, #tpu.memory_space<vmem>>, vector<1x1x16xf32>,
        %parallel_loop3A_1161 = vector.shape_cast %parallel_loop3A_1160 : vector<1x1x16xf32> to vector<16xf32>
        %parallel_loop3A_1162 = arith.constant 3 : i32
        %parallel_loop3A_1163 = arith.index_cast %parallel_loop3A_1162 : i32 to index
        %parallel_loop3A_1164 = arith.index_cast %parallel_loop3A_453 : i32 to index
        %parallel_loop3A_1165 = arith.constant 160 : index
        %parallel_loop3A_1166 = tpu.vector_load %arg6[%parallel_loop3A_1163, %parallel_loop3A_1164, %parallel_loop3A_1165] {strides = array<i32>} : memref<9x16x512xf32, #tpu.memory_space<vmem>>, vector<1x1x16xf32>,
        %parallel_loop3A_1167 = vector.shape_cast %parallel_loop3A_1166 : vector<1x1x16xf32> to vector<16xf32>
        %parallel_loop3A_1168 = arith.constant 4 : i32
        %parallel_loop3A_1169 = arith.index_cast %parallel_loop3A_1168 : i32 to index
        %parallel_loop3A_1170 = arith.index_cast %parallel_loop3A_453 : i32 to index
        %parallel_loop3A_1171 = arith.constant 160 : index
        %parallel_loop3A_1172 = tpu.vector_load %arg6[%parallel_loop3A_1169, %parallel_loop3A_1170, %parallel_loop3A_1171] {strides = array<i32>} : memref<9x16x512xf32, #tpu.memory_space<vmem>>, vector<1x1x16xf32>,
        %parallel_loop3A_1173 = vector.shape_cast %parallel_loop3A_1172 : vector<1x1x16xf32> to vector<16xf32>
        %parallel_loop3A_1174 = arith.constant 5 : i32
        %parallel_loop3A_1175 = arith.index_cast %parallel_loop3A_1174 : i32 to index
        %parallel_loop3A_1176 = arith.index_cast %parallel_loop3A_453 : i32 to index
        %parallel_loop3A_1177 = arith.constant 160 : index
        %parallel_loop3A_1178 = tpu.vector_load %arg6[%parallel_loop3A_1175, %parallel_loop3A_1176, %parallel_loop3A_1177] {strides = array<i32>} : memref<9x16x512xf32, #tpu.memory_space<vmem>>, vector<1x1x16xf32>,
        %parallel_loop3A_1179 = vector.shape_cast %parallel_loop3A_1178 : vector<1x1x16xf32> to vector<16xf32>
        %parallel_loop3A_1180 = arith.constant 6 : i32
        %parallel_loop3A_1181 = arith.index_cast %parallel_loop3A_1180 : i32 to index
        %parallel_loop3A_1182 = arith.index_cast %parallel_loop3A_453 : i32 to index
        %parallel_loop3A_1183 = arith.constant 160 : index
        %parallel_loop3A_1184 = tpu.vector_load %arg6[%parallel_loop3A_1181, %parallel_loop3A_1182, %parallel_loop3A_1183] {strides = array<i32>} : memref<9x16x512xf32, #tpu.memory_space<vmem>>, vector<1x1x16xf32>,
        %parallel_loop3A_1185 = vector.shape_cast %parallel_loop3A_1184 : vector<1x1x16xf32> to vector<16xf32>
        %parallel_loop3A_1186 = arith.constant 7 : i32
        %parallel_loop3A_1187 = arith.index_cast %parallel_loop3A_1186 : i32 to index
        %parallel_loop3A_1188 = arith.index_cast %parallel_loop3A_453 : i32 to index
        %parallel_loop3A_1189 = arith.constant 160 : index
        %parallel_loop3A_1190 = tpu.vector_load %arg6[%parallel_loop3A_1187, %parallel_loop3A_1188, %parallel_loop3A_1189] {strides = array<i32>} : memref<9x16x512xf32, #tpu.memory_space<vmem>>, vector<1x1x16xf32>,
        %parallel_loop3A_1191 = vector.shape_cast %parallel_loop3A_1190 : vector<1x1x16xf32> to vector<16xf32>
        %parallel_loop3A_1192 = arith.constant 8 : i32
        %parallel_loop3A_1193 = arith.index_cast %parallel_loop3A_1192 : i32 to index
        %parallel_loop3A_1194 = arith.index_cast %parallel_loop3A_453 : i32 to index
        %parallel_loop3A_1195 = arith.constant 160 : index
        %parallel_loop3A_1196 = tpu.vector_load %arg6[%parallel_loop3A_1193, %parallel_loop3A_1194, %parallel_loop3A_1195] {strides = array<i32>} : memref<9x16x512xf32, #tpu.memory_space<vmem>>, vector<1x1x16xf32>,
        %parallel_loop3A_1197 = vector.shape_cast %parallel_loop3A_1196 : vector<1x1x16xf32> to vector<16xf32>
        %parallel_loop3A_1198 = arith.addf %parallel_loop3A_1149, %parallel_loop3A_1155 : vector<16xf32>
        %parallel_loop3A_1199 = arith.addf %parallel_loop3A_1161, %parallel_loop3A_1167 : vector<16xf32>
        %parallel_loop3A_1200 = arith.addf %parallel_loop3A_1173, %parallel_loop3A_1179 : vector<16xf32>
        %parallel_loop3A_1201 = arith.addf %parallel_loop3A_1185, %parallel_loop3A_1191 : vector<16xf32>
        %parallel_loop3A_1202 = arith.addf %parallel_loop3A_1198, %parallel_loop3A_1199 : vector<16xf32>
        %parallel_loop3A_1203 = arith.addf %parallel_loop3A_1200, %parallel_loop3A_1201 : vector<16xf32>
        %parallel_loop3A_1204 = arith.addf %parallel_loop3A_1202, %parallel_loop3A_1203 : vector<16xf32>
        %parallel_loop3A_1205 = arith.addf %parallel_loop3A_1204, %parallel_loop3A_1197 : vector<16xf32>
        %parallel_loop3A_1206 = arith.constant 1 : i32
        %parallel_loop3A_1207 = arith.index_cast %parallel_loop3A_1206 : i32 to index
        %parallel_loop3A_1208 = arith.index_cast %parallel_loop3A_453 : i32 to index
        %parallel_loop3A_1209 = arith.constant 32 : index
        %parallel_loop3A_1210 = tpu.vector_load %arg7[%parallel_loop3A_1207, %parallel_loop3A_1208, %parallel_loop3A_1209] {strides = array<i32>} : memref<4x16x128xf32, #tpu.memory_space<vmem>>, vector<1x1x16xf32>,
        %parallel_loop3A_1211 = vector.shape_cast %parallel_loop3A_1210 : vector<1x1x16xf32> to vector<16xf32>
        %parallel_loop3A_1212 = vector.shape_cast %parallel_loop3A_1205 : vector<16xf32> to vector<1x1x16xf32>
        tpu.vector_store %arg7[%parallel_loop3A_1207, %parallel_loop3A_1208, %parallel_loop3A_1209], %parallel_loop3A_1212 {strides = array<i32>} : memref<4x16x128xf32, #tpu.memory_space<vmem>>, vector<1x1x16xf32>,
        %parallel_loop3A_1213 = arith.constant 0 : i32
        %parallel_loop3A_1214 = arith.index_cast %parallel_loop3A_1213 : i32 to index
        %parallel_loop3A_1215 = arith.index_cast %parallel_loop3A_453 : i32 to index
        %parallel_loop3A_1216 = arith.constant 176 : index
        %parallel_loop3A_1217 = tpu.vector_load %arg6[%parallel_loop3A_1214, %parallel_loop3A_1215, %parallel_loop3A_1216] {strides = array<i32>} : memref<9x16x512xf32, #tpu.memory_space<vmem>>, vector<1x1x16xf32>,
        %parallel_loop3A_1218 = vector.shape_cast %parallel_loop3A_1217 : vector<1x1x16xf32> to vector<16xf32>
        %parallel_loop3A_1219 = arith.constant 1 : i32
        %parallel_loop3A_1220 = arith.index_cast %parallel_loop3A_1219 : i32 to index
        %parallel_loop3A_1221 = arith.index_cast %parallel_loop3A_453 : i32 to index
        %parallel_loop3A_1222 = arith.constant 176 : index
        %parallel_loop3A_1223 = tpu.vector_load %arg6[%parallel_loop3A_1220, %parallel_loop3A_1221, %parallel_loop3A_1222] {strides = array<i32>} : memref<9x16x512xf32, #tpu.memory_space<vmem>>, vector<1x1x16xf32>,
        %parallel_loop3A_1224 = vector.shape_cast %parallel_loop3A_1223 : vector<1x1x16xf32> to vector<16xf32>
        %parallel_loop3A_1225 = arith.constant 2 : i32
        %parallel_loop3A_1226 = arith.index_cast %parallel_loop3A_1225 : i32 to index
        %parallel_loop3A_1227 = arith.index_cast %parallel_loop3A_453 : i32 to index
        %parallel_loop3A_1228 = arith.constant 176 : index
        %parallel_loop3A_1229 = tpu.vector_load %arg6[%parallel_loop3A_1226, %parallel_loop3A_1227, %parallel_loop3A_1228] {strides = array<i32>} : memref<9x16x512xf32, #tpu.memory_space<vmem>>, vector<1x1x16xf32>,
        %parallel_loop3A_1230 = vector.shape_cast %parallel_loop3A_1229 : vector<1x1x16xf32> to vector<16xf32>
        %parallel_loop3A_1231 = arith.constant 3 : i32
        %parallel_loop3A_1232 = arith.index_cast %parallel_loop3A_1231 : i32 to index
        %parallel_loop3A_1233 = arith.index_cast %parallel_loop3A_453 : i32 to index
        %parallel_loop3A_1234 = arith.constant 176 : index
        %parallel_loop3A_1235 = tpu.vector_load %arg6[%parallel_loop3A_1232, %parallel_loop3A_1233, %parallel_loop3A_1234] {strides = array<i32>} : memref<9x16x512xf32, #tpu.memory_space<vmem>>, vector<1x1x16xf32>,
        %parallel_loop3A_1236 = vector.shape_cast %parallel_loop3A_1235 : vector<1x1x16xf32> to vector<16xf32>
        %parallel_loop3A_1237 = arith.constant 4 : i32
        %parallel_loop3A_1238 = arith.index_cast %parallel_loop3A_1237 : i32 to index
        %parallel_loop3A_1239 = arith.index_cast %parallel_loop3A_453 : i32 to index
        %parallel_loop3A_1240 = arith.constant 176 : index
        %parallel_loop3A_1241 = tpu.vector_load %arg6[%parallel_loop3A_1238, %parallel_loop3A_1239, %parallel_loop3A_1240] {strides = array<i32>} : memref<9x16x512xf32, #tpu.memory_space<vmem>>, vector<1x1x16xf32>,
        %parallel_loop3A_1242 = vector.shape_cast %parallel_loop3A_1241 : vector<1x1x16xf32> to vector<16xf32>
        %parallel_loop3A_1243 = arith.constant 5 : i32
        %parallel_loop3A_1244 = arith.index_cast %parallel_loop3A_1243 : i32 to index
        %parallel_loop3A_1245 = arith.index_cast %parallel_loop3A_453 : i32 to index
        %parallel_loop3A_1246 = arith.constant 176 : index
        %parallel_loop3A_1247 = tpu.vector_load %arg6[%parallel_loop3A_1244, %parallel_loop3A_1245, %parallel_loop3A_1246] {strides = array<i32>} : memref<9x16x512xf32, #tpu.memory_space<vmem>>, vector<1x1x16xf32>,
        %parallel_loop3A_1248 = vector.shape_cast %parallel_loop3A_1247 : vector<1x1x16xf32> to vector<16xf32>
        %parallel_loop3A_1249 = arith.constant 6 : i32
        %parallel_loop3A_1250 = arith.index_cast %parallel_loop3A_1249 : i32 to index
        %parallel_loop3A_1251 = arith.index_cast %parallel_loop3A_453 : i32 to index
        %parallel_loop3A_1252 = arith.constant 176 : index
        %parallel_loop3A_1253 = tpu.vector_load %arg6[%parallel_loop3A_1250, %parallel_loop3A_1251, %parallel_loop3A_1252] {strides = array<i32>} : memref<9x16x512xf32, #tpu.memory_space<vmem>>, vector<1x1x16xf32>,
        %parallel_loop3A_1254 = vector.shape_cast %parallel_loop3A_1253 : vector<1x1x16xf32> to vector<16xf32>
        %parallel_loop3A_1255 = arith.constant 7 : i32
        %parallel_loop3A_1256 = arith.index_cast %parallel_loop3A_1255 : i32 to index
        %parallel_loop3A_1257 = arith.index_cast %parallel_loop3A_453 : i32 to index
        %parallel_loop3A_1258 = arith.constant 176 : index
        %parallel_loop3A_1259 = tpu.vector_load %arg6[%parallel_loop3A_1256, %parallel_loop3A_1257, %parallel_loop3A_1258] {strides = array<i32>} : memref<9x16x512xf32, #tpu.memory_space<vmem>>, vector<1x1x16xf32>,
        %parallel_loop3A_1260 = vector.shape_cast %parallel_loop3A_1259 : vector<1x1x16xf32> to vector<16xf32>
        %parallel_loop3A_1261 = arith.constant 8 : i32
        %parallel_loop3A_1262 = arith.index_cast %parallel_loop3A_1261 : i32 to index
        %parallel_loop3A_1263 = arith.index_cast %parallel_loop3A_453 : i32 to index
        %parallel_loop3A_1264 = arith.constant 176 : index
        %parallel_loop3A_1265 = tpu.vector_load %arg6[%parallel_loop3A_1262, %parallel_loop3A_1263, %parallel_loop3A_1264] {strides = array<i32>} : memref<9x16x512xf32, #tpu.memory_space<vmem>>, vector<1x1x16xf32>,
        %parallel_loop3A_1266 = vector.shape_cast %parallel_loop3A_1265 : vector<1x1x16xf32> to vector<16xf32>
        %parallel_loop3A_1267 = arith.addf %parallel_loop3A_1218, %parallel_loop3A_1224 : vector<16xf32>
        %parallel_loop3A_1268 = arith.addf %parallel_loop3A_1230, %parallel_loop3A_1236 : vector<16xf32>
        %parallel_loop3A_1269 = arith.addf %parallel_loop3A_1242, %parallel_loop3A_1248 : vector<16xf32>
        %parallel_loop3A_1270 = arith.addf %parallel_loop3A_1254, %parallel_loop3A_1260 : vector<16xf32>
        %parallel_loop3A_1271 = arith.addf %parallel_loop3A_1267, %parallel_loop3A_1268 : vector<16xf32>
        %parallel_loop3A_1272 = arith.addf %parallel_loop3A_1269, %parallel_loop3A_1270 : vector<16xf32>
        %parallel_loop3A_1273 = arith.addf %parallel_loop3A_1271, %parallel_loop3A_1272 : vector<16xf32>
        %parallel_loop3A_1274 = arith.addf %parallel_loop3A_1273, %parallel_loop3A_1266 : vector<16xf32>
        %parallel_loop3A_1275 = arith.constant 1 : i32
        %parallel_loop3A_1276 = arith.index_cast %parallel_loop3A_1275 : i32 to index
        %parallel_loop3A_1277 = arith.index_cast %parallel_loop3A_453 : i32 to index
        %parallel_loop3A_1278 = arith.constant 48 : index
        %parallel_loop3A_1279 = tpu.vector_load %arg7[%parallel_loop3A_1276, %parallel_loop3A_1277, %parallel_loop3A_1278] {strides = array<i32>} : memref<4x16x128xf32, #tpu.memory_space<vmem>>, vector<1x1x16xf32>,
        %parallel_loop3A_1280 = vector.shape_cast %parallel_loop3A_1279 : vector<1x1x16xf32> to vector<16xf32>
        %parallel_loop3A_1281 = vector.shape_cast %parallel_loop3A_1274 : vector<16xf32> to vector<1x1x16xf32>
        tpu.vector_store %arg7[%parallel_loop3A_1276, %parallel_loop3A_1277, %parallel_loop3A_1278], %parallel_loop3A_1281 {strides = array<i32>} : memref<4x16x128xf32, #tpu.memory_space<vmem>>, vector<1x1x16xf32>,
        %parallel_loop3A_1282 = arith.constant 0 : i32
        %parallel_loop3A_1283 = arith.index_cast %parallel_loop3A_1282 : i32 to index
        %parallel_loop3A_1284 = arith.index_cast %parallel_loop3A_453 : i32 to index
        %parallel_loop3A_1285 = arith.constant 192 : index
        %parallel_loop3A_1286 = tpu.vector_load %arg6[%parallel_loop3A_1283, %parallel_loop3A_1284, %parallel_loop3A_1285] {strides = array<i32>} : memref<9x16x512xf32, #tpu.memory_space<vmem>>, vector<1x1x16xf32>,
        %parallel_loop3A_1287 = vector.shape_cast %parallel_loop3A_1286 : vector<1x1x16xf32> to vector<16xf32>
        %parallel_loop3A_1288 = arith.constant 1 : i32
        %parallel_loop3A_1289 = arith.index_cast %parallel_loop3A_1288 : i32 to index
        %parallel_loop3A_1290 = arith.index_cast %parallel_loop3A_453 : i32 to index
        %parallel_loop3A_1291 = arith.constant 192 : index
        %parallel_loop3A_1292 = tpu.vector_load %arg6[%parallel_loop3A_1289, %parallel_loop3A_1290, %parallel_loop3A_1291] {strides = array<i32>} : memref<9x16x512xf32, #tpu.memory_space<vmem>>, vector<1x1x16xf32>,
        %parallel_loop3A_1293 = vector.shape_cast %parallel_loop3A_1292 : vector<1x1x16xf32> to vector<16xf32>
        %parallel_loop3A_1294 = arith.constant 2 : i32
        %parallel_loop3A_1295 = arith.index_cast %parallel_loop3A_1294 : i32 to index
        %parallel_loop3A_1296 = arith.index_cast %parallel_loop3A_453 : i32 to index
        %parallel_loop3A_1297 = arith.constant 192 : index
        %parallel_loop3A_1298 = tpu.vector_load %arg6[%parallel_loop3A_1295, %parallel_loop3A_1296, %parallel_loop3A_1297] {strides = array<i32>} : memref<9x16x512xf32, #tpu.memory_space<vmem>>, vector<1x1x16xf32>,
        %parallel_loop3A_1299 = vector.shape_cast %parallel_loop3A_1298 : vector<1x1x16xf32> to vector<16xf32>
        %parallel_loop3A_1300 = arith.constant 3 : i32
        %parallel_loop3A_1301 = arith.index_cast %parallel_loop3A_1300 : i32 to index
        %parallel_loop3A_1302 = arith.index_cast %parallel_loop3A_453 : i32 to index
        %parallel_loop3A_1303 = arith.constant 192 : index
        %parallel_loop3A_1304 = tpu.vector_load %arg6[%parallel_loop3A_1301, %parallel_loop3A_1302, %parallel_loop3A_1303] {strides = array<i32>} : memref<9x16x512xf32, #tpu.memory_space<vmem>>, vector<1x1x16xf32>,
        %parallel_loop3A_1305 = vector.shape_cast %parallel_loop3A_1304 : vector<1x1x16xf32> to vector<16xf32>
        %parallel_loop3A_1306 = arith.constant 4 : i32
        %parallel_loop3A_1307 = arith.index_cast %parallel_loop3A_1306 : i32 to index
        %parallel_loop3A_1308 = arith.index_cast %parallel_loop3A_453 : i32 to index
        %parallel_loop3A_1309 = arith.constant 192 : index
        %parallel_loop3A_1310 = tpu.vector_load %arg6[%parallel_loop3A_1307, %parallel_loop3A_1308, %parallel_loop3A_1309] {strides = array<i32>} : memref<9x16x512xf32, #tpu.memory_space<vmem>>, vector<1x1x16xf32>,
        %parallel_loop3A_1311 = vector.shape_cast %parallel_loop3A_1310 : vector<1x1x16xf32> to vector<16xf32>
        %parallel_loop3A_1312 = arith.constant 5 : i32
        %parallel_loop3A_1313 = arith.index_cast %parallel_loop3A_1312 : i32 to index
        %parallel_loop3A_1314 = arith.index_cast %parallel_loop3A_453 : i32 to index
        %parallel_loop3A_1315 = arith.constant 192 : index
        %parallel_loop3A_1316 = tpu.vector_load %arg6[%parallel_loop3A_1313, %parallel_loop3A_1314, %parallel_loop3A_1315] {strides = array<i32>} : memref<9x16x512xf32, #tpu.memory_space<vmem>>, vector<1x1x16xf32>,
        %parallel_loop3A_1317 = vector.shape_cast %parallel_loop3A_1316 : vector<1x1x16xf32> to vector<16xf32>
        %parallel_loop3A_1318 = arith.constant 6 : i32
        %parallel_loop3A_1319 = arith.index_cast %parallel_loop3A_1318 : i32 to index
        %parallel_loop3A_1320 = arith.index_cast %parallel_loop3A_453 : i32 to index
        %parallel_loop3A_1321 = arith.constant 192 : index
        %parallel_loop3A_1322 = tpu.vector_load %arg6[%parallel_loop3A_1319, %parallel_loop3A_1320, %parallel_loop3A_1321] {strides = array<i32>} : memref<9x16x512xf32, #tpu.memory_space<vmem>>, vector<1x1x16xf32>,
        %parallel_loop3A_1323 = vector.shape_cast %parallel_loop3A_1322 : vector<1x1x16xf32> to vector<16xf32>
        %parallel_loop3A_1324 = arith.constant 7 : i32
        %parallel_loop3A_1325 = arith.index_cast %parallel_loop3A_1324 : i32 to index
        %parallel_loop3A_1326 = arith.index_cast %parallel_loop3A_453 : i32 to index
        %parallel_loop3A_1327 = arith.constant 192 : index
        %parallel_loop3A_1328 = tpu.vector_load %arg6[%parallel_loop3A_1325, %parallel_loop3A_1326, %parallel_loop3A_1327] {strides = array<i32>} : memref<9x16x512xf32, #tpu.memory_space<vmem>>, vector<1x1x16xf32>,
        %parallel_loop3A_1329 = vector.shape_cast %parallel_loop3A_1328 : vector<1x1x16xf32> to vector<16xf32>
        %parallel_loop3A_1330 = arith.constant 8 : i32
        %parallel_loop3A_1331 = arith.index_cast %parallel_loop3A_1330 : i32 to index
        %parallel_loop3A_1332 = arith.index_cast %parallel_loop3A_453 : i32 to index
        %parallel_loop3A_1333 = arith.constant 192 : index
        %parallel_loop3A_1334 = tpu.vector_load %arg6[%parallel_loop3A_1331, %parallel_loop3A_1332, %parallel_loop3A_1333] {strides = array<i32>} : memref<9x16x512xf32, #tpu.memory_space<vmem>>, vector<1x1x16xf32>,
        %parallel_loop3A_1335 = vector.shape_cast %parallel_loop3A_1334 : vector<1x1x16xf32> to vector<16xf32>
        %parallel_loop3A_1336 = arith.addf %parallel_loop3A_1287, %parallel_loop3A_1293 : vector<16xf32>
        %parallel_loop3A_1337 = arith.addf %parallel_loop3A_1299, %parallel_loop3A_1305 : vector<16xf32>
        %parallel_loop3A_1338 = arith.addf %parallel_loop3A_1311, %parallel_loop3A_1317 : vector<16xf32>
        %parallel_loop3A_1339 = arith.addf %parallel_loop3A_1323, %parallel_loop3A_1329 : vector<16xf32>
        %parallel_loop3A_1340 = arith.addf %parallel_loop3A_1336, %parallel_loop3A_1337 : vector<16xf32>
        %parallel_loop3A_1341 = arith.addf %parallel_loop3A_1338, %parallel_loop3A_1339 : vector<16xf32>
        %parallel_loop3A_1342 = arith.addf %parallel_loop3A_1340, %parallel_loop3A_1341 : vector<16xf32>
        %parallel_loop3A_1343 = arith.addf %parallel_loop3A_1342, %parallel_loop3A_1335 : vector<16xf32>
        %parallel_loop3A_1344 = arith.constant 1 : i32
        %parallel_loop3A_1345 = arith.index_cast %parallel_loop3A_1344 : i32 to index
        %parallel_loop3A_1346 = arith.index_cast %parallel_loop3A_453 : i32 to index
        %parallel_loop3A_1347 = arith.constant 64 : index
        %parallel_loop3A_1348 = tpu.vector_load %arg7[%parallel_loop3A_1345, %parallel_loop3A_1346, %parallel_loop3A_1347] {strides = array<i32>} : memref<4x16x128xf32, #tpu.memory_space<vmem>>, vector<1x1x16xf32>,
        %parallel_loop3A_1349 = vector.shape_cast %parallel_loop3A_1348 : vector<1x1x16xf32> to vector<16xf32>
        %parallel_loop3A_1350 = vector.shape_cast %parallel_loop3A_1343 : vector<16xf32> to vector<1x1x16xf32>
        tpu.vector_store %arg7[%parallel_loop3A_1345, %parallel_loop3A_1346, %parallel_loop3A_1347], %parallel_loop3A_1350 {strides = array<i32>} : memref<4x16x128xf32, #tpu.memory_space<vmem>>, vector<1x1x16xf32>,
        %parallel_loop3A_1351 = arith.constant 0 : i32
        %parallel_loop3A_1352 = arith.index_cast %parallel_loop3A_1351 : i32 to index
        %parallel_loop3A_1353 = arith.index_cast %parallel_loop3A_453 : i32 to index
        %parallel_loop3A_1354 = arith.constant 208 : index
        %parallel_loop3A_1355 = tpu.vector_load %arg6[%parallel_loop3A_1352, %parallel_loop3A_1353, %parallel_loop3A_1354] {strides = array<i32>} : memref<9x16x512xf32, #tpu.memory_space<vmem>>, vector<1x1x16xf32>,
        %parallel_loop3A_1356 = vector.shape_cast %parallel_loop3A_1355 : vector<1x1x16xf32> to vector<16xf32>
        %parallel_loop3A_1357 = arith.constant 1 : i32
        %parallel_loop3A_1358 = arith.index_cast %parallel_loop3A_1357 : i32 to index
        %parallel_loop3A_1359 = arith.index_cast %parallel_loop3A_453 : i32 to index
        %parallel_loop3A_1360 = arith.constant 208 : index
        %parallel_loop3A_1361 = tpu.vector_load %arg6[%parallel_loop3A_1358, %parallel_loop3A_1359, %parallel_loop3A_1360] {strides = array<i32>} : memref<9x16x512xf32, #tpu.memory_space<vmem>>, vector<1x1x16xf32>,
        %parallel_loop3A_1362 = vector.shape_cast %parallel_loop3A_1361 : vector<1x1x16xf32> to vector<16xf32>
        %parallel_loop3A_1363 = arith.constant 2 : i32
        %parallel_loop3A_1364 = arith.index_cast %parallel_loop3A_1363 : i32 to index
        %parallel_loop3A_1365 = arith.index_cast %parallel_loop3A_453 : i32 to index
        %parallel_loop3A_1366 = arith.constant 208 : index
        %parallel_loop3A_1367 = tpu.vector_load %arg6[%parallel_loop3A_1364, %parallel_loop3A_1365, %parallel_loop3A_1366] {strides = array<i32>} : memref<9x16x512xf32, #tpu.memory_space<vmem>>, vector<1x1x16xf32>,
        %parallel_loop3A_1368 = vector.shape_cast %parallel_loop3A_1367 : vector<1x1x16xf32> to vector<16xf32>
        %parallel_loop3A_1369 = arith.constant 3 : i32
        %parallel_loop3A_1370 = arith.index_cast %parallel_loop3A_1369 : i32 to index
        %parallel_loop3A_1371 = arith.index_cast %parallel_loop3A_453 : i32 to index
        %parallel_loop3A_1372 = arith.constant 208 : index
        %parallel_loop3A_1373 = tpu.vector_load %arg6[%parallel_loop3A_1370, %parallel_loop3A_1371, %parallel_loop3A_1372] {strides = array<i32>} : memref<9x16x512xf32, #tpu.memory_space<vmem>>, vector<1x1x16xf32>,
        %parallel_loop3A_1374 = vector.shape_cast %parallel_loop3A_1373 : vector<1x1x16xf32> to vector<16xf32>
        %parallel_loop3A_1375 = arith.constant 4 : i32
        %parallel_loop3A_1376 = arith.index_cast %parallel_loop3A_1375 : i32 to index
        %parallel_loop3A_1377 = arith.index_cast %parallel_loop3A_453 : i32 to index
        %parallel_loop3A_1378 = arith.constant 208 : index
        %parallel_loop3A_1379 = tpu.vector_load %arg6[%parallel_loop3A_1376, %parallel_loop3A_1377, %parallel_loop3A_1378] {strides = array<i32>} : memref<9x16x512xf32, #tpu.memory_space<vmem>>, vector<1x1x16xf32>,
        %parallel_loop3A_1380 = vector.shape_cast %parallel_loop3A_1379 : vector<1x1x16xf32> to vector<16xf32>
        %parallel_loop3A_1381 = arith.constant 5 : i32
        %parallel_loop3A_1382 = arith.index_cast %parallel_loop3A_1381 : i32 to index
        %parallel_loop3A_1383 = arith.index_cast %parallel_loop3A_453 : i32 to index
        %parallel_loop3A_1384 = arith.constant 208 : index
        %parallel_loop3A_1385 = tpu.vector_load %arg6[%parallel_loop3A_1382, %parallel_loop3A_1383, %parallel_loop3A_1384] {strides = array<i32>} : memref<9x16x512xf32, #tpu.memory_space<vmem>>, vector<1x1x16xf32>,
        %parallel_loop3A_1386 = vector.shape_cast %parallel_loop3A_1385 : vector<1x1x16xf32> to vector<16xf32>
        %parallel_loop3A_1387 = arith.constant 6 : i32
        %parallel_loop3A_1388 = arith.index_cast %parallel_loop3A_1387 : i32 to index
        %parallel_loop3A_1389 = arith.index_cast %parallel_loop3A_453 : i32 to index
        %parallel_loop3A_1390 = arith.constant 208 : index
        %parallel_loop3A_1391 = tpu.vector_load %arg6[%parallel_loop3A_1388, %parallel_loop3A_1389, %parallel_loop3A_1390] {strides = array<i32>} : memref<9x16x512xf32, #tpu.memory_space<vmem>>, vector<1x1x16xf32>,
        %parallel_loop3A_1392 = vector.shape_cast %parallel_loop3A_1391 : vector<1x1x16xf32> to vector<16xf32>
        %parallel_loop3A_1393 = arith.constant 7 : i32
        %parallel_loop3A_1394 = arith.index_cast %parallel_loop3A_1393 : i32 to index
        %parallel_loop3A_1395 = arith.index_cast %parallel_loop3A_453 : i32 to index
        %parallel_loop3A_1396 = arith.constant 208 : index
        %parallel_loop3A_1397 = tpu.vector_load %arg6[%parallel_loop3A_1394, %parallel_loop3A_1395, %parallel_loop3A_1396] {strides = array<i32>} : memref<9x16x512xf32, #tpu.memory_space<vmem>>, vector<1x1x16xf32>,
        %parallel_loop3A_1398 = vector.shape_cast %parallel_loop3A_1397 : vector<1x1x16xf32> to vector<16xf32>
        %parallel_loop3A_1399 = arith.constant 8 : i32
        %parallel_loop3A_1400 = arith.index_cast %parallel_loop3A_1399 : i32 to index
        %parallel_loop3A_1401 = arith.index_cast %parallel_loop3A_453 : i32 to index
        %parallel_loop3A_1402 = arith.constant 208 : index
        %parallel_loop3A_1403 = tpu.vector_load %arg6[%parallel_loop3A_1400, %parallel_loop3A_1401, %parallel_loop3A_1402] {strides = array<i32>} : memref<9x16x512xf32, #tpu.memory_space<vmem>>, vector<1x1x16xf32>,
        %parallel_loop3A_1404 = vector.shape_cast %parallel_loop3A_1403 : vector<1x1x16xf32> to vector<16xf32>
        %parallel_loop3A_1405 = arith.addf %parallel_loop3A_1356, %parallel_loop3A_1362 : vector<16xf32>
        %parallel_loop3A_1406 = arith.addf %parallel_loop3A_1368, %parallel_loop3A_1374 : vector<16xf32>
        %parallel_loop3A_1407 = arith.addf %parallel_loop3A_1380, %parallel_loop3A_1386 : vector<16xf32>
        %parallel_loop3A_1408 = arith.addf %parallel_loop3A_1392, %parallel_loop3A_1398 : vector<16xf32>
        %parallel_loop3A_1409 = arith.addf %parallel_loop3A_1405, %parallel_loop3A_1406 : vector<16xf32>
        %parallel_loop3A_1410 = arith.addf %parallel_loop3A_1407, %parallel_loop3A_1408 : vector<16xf32>
        %parallel_loop3A_1411 = arith.addf %parallel_loop3A_1409, %parallel_loop3A_1410 : vector<16xf32>
        %parallel_loop3A_1412 = arith.addf %parallel_loop3A_1411, %parallel_loop3A_1404 : vector<16xf32>
        %parallel_loop3A_1413 = arith.constant 1 : i32
        %parallel_loop3A_1414 = arith.index_cast %parallel_loop3A_1413 : i32 to index
        %parallel_loop3A_1415 = arith.index_cast %parallel_loop3A_453 : i32 to index
        %parallel_loop3A_1416 = arith.constant 80 : index
        %parallel_loop3A_1417 = tpu.vector_load %arg7[%parallel_loop3A_1414, %parallel_loop3A_1415, %parallel_loop3A_1416] {strides = array<i32>} : memref<4x16x128xf32, #tpu.memory_space<vmem>>, vector<1x1x16xf32>,
        %parallel_loop3A_1418 = vector.shape_cast %parallel_loop3A_1417 : vector<1x1x16xf32> to vector<16xf32>
        %parallel_loop3A_1419 = vector.shape_cast %parallel_loop3A_1412 : vector<16xf32> to vector<1x1x16xf32>
        tpu.vector_store %arg7[%parallel_loop3A_1414, %parallel_loop3A_1415, %parallel_loop3A_1416], %parallel_loop3A_1419 {strides = array<i32>} : memref<4x16x128xf32, #tpu.memory_space<vmem>>, vector<1x1x16xf32>,
        %parallel_loop3A_1420 = arith.constant 0 : i32
        %parallel_loop3A_1421 = arith.index_cast %parallel_loop3A_1420 : i32 to index
        %parallel_loop3A_1422 = arith.index_cast %parallel_loop3A_453 : i32 to index
        %parallel_loop3A_1423 = arith.constant 224 : index
        %parallel_loop3A_1424 = tpu.vector_load %arg6[%parallel_loop3A_1421, %parallel_loop3A_1422, %parallel_loop3A_1423] {strides = array<i32>} : memref<9x16x512xf32, #tpu.memory_space<vmem>>, vector<1x1x16xf32>,
        %parallel_loop3A_1425 = vector.shape_cast %parallel_loop3A_1424 : vector<1x1x16xf32> to vector<16xf32>
        %parallel_loop3A_1426 = arith.constant 1 : i32
        %parallel_loop3A_1427 = arith.index_cast %parallel_loop3A_1426 : i32 to index
        %parallel_loop3A_1428 = arith.index_cast %parallel_loop3A_453 : i32 to index
        %parallel_loop3A_1429 = arith.constant 224 : index
        %parallel_loop3A_1430 = tpu.vector_load %arg6[%parallel_loop3A_1427, %parallel_loop3A_1428, %parallel_loop3A_1429] {strides = array<i32>} : memref<9x16x512xf32, #tpu.memory_space<vmem>>, vector<1x1x16xf32>,
        %parallel_loop3A_1431 = vector.shape_cast %parallel_loop3A_1430 : vector<1x1x16xf32> to vector<16xf32>
        %parallel_loop3A_1432 = arith.constant 2 : i32
        %parallel_loop3A_1433 = arith.index_cast %parallel_loop3A_1432 : i32 to index
        %parallel_loop3A_1434 = arith.index_cast %parallel_loop3A_453 : i32 to index
        %parallel_loop3A_1435 = arith.constant 224 : index
        %parallel_loop3A_1436 = tpu.vector_load %arg6[%parallel_loop3A_1433, %parallel_loop3A_1434, %parallel_loop3A_1435] {strides = array<i32>} : memref<9x16x512xf32, #tpu.memory_space<vmem>>, vector<1x1x16xf32>,
        %parallel_loop3A_1437 = vector.shape_cast %parallel_loop3A_1436 : vector<1x1x16xf32> to vector<16xf32>
        %parallel_loop3A_1438 = arith.constant 3 : i32
        %parallel_loop3A_1439 = arith.index_cast %parallel_loop3A_1438 : i32 to index
        %parallel_loop3A_1440 = arith.index_cast %parallel_loop3A_453 : i32 to index
        %parallel_loop3A_1441 = arith.constant 224 : index
        %parallel_loop3A_1442 = tpu.vector_load %arg6[%parallel_loop3A_1439, %parallel_loop3A_1440, %parallel_loop3A_1441] {strides = array<i32>} : memref<9x16x512xf32, #tpu.memory_space<vmem>>, vector<1x1x16xf32>,
        %parallel_loop3A_1443 = vector.shape_cast %parallel_loop3A_1442 : vector<1x1x16xf32> to vector<16xf32>
        %parallel_loop3A_1444 = arith.constant 4 : i32
        %parallel_loop3A_1445 = arith.index_cast %parallel_loop3A_1444 : i32 to index
        %parallel_loop3A_1446 = arith.index_cast %parallel_loop3A_453 : i32 to index
        %parallel_loop3A_1447 = arith.constant 224 : index
        %parallel_loop3A_1448 = tpu.vector_load %arg6[%parallel_loop3A_1445, %parallel_loop3A_1446, %parallel_loop3A_1447] {strides = array<i32>} : memref<9x16x512xf32, #tpu.memory_space<vmem>>, vector<1x1x16xf32>,
        %parallel_loop3A_1449 = vector.shape_cast %parallel_loop3A_1448 : vector<1x1x16xf32> to vector<16xf32>
        %parallel_loop3A_1450 = arith.constant 5 : i32
        %parallel_loop3A_1451 = arith.index_cast %parallel_loop3A_1450 : i32 to index
        %parallel_loop3A_1452 = arith.index_cast %parallel_loop3A_453 : i32 to index
        %parallel_loop3A_1453 = arith.constant 224 : index
        %parallel_loop3A_1454 = tpu.vector_load %arg6[%parallel_loop3A_1451, %parallel_loop3A_1452, %parallel_loop3A_1453] {strides = array<i32>} : memref<9x16x512xf32, #tpu.memory_space<vmem>>, vector<1x1x16xf32>,
        %parallel_loop3A_1455 = vector.shape_cast %parallel_loop3A_1454 : vector<1x1x16xf32> to vector<16xf32>
        %parallel_loop3A_1456 = arith.constant 6 : i32
        %parallel_loop3A_1457 = arith.index_cast %parallel_loop3A_1456 : i32 to index
        %parallel_loop3A_1458 = arith.index_cast %parallel_loop3A_453 : i32 to index
        %parallel_loop3A_1459 = arith.constant 224 : index
        %parallel_loop3A_1460 = tpu.vector_load %arg6[%parallel_loop3A_1457, %parallel_loop3A_1458, %parallel_loop3A_1459] {strides = array<i32>} : memref<9x16x512xf32, #tpu.memory_space<vmem>>, vector<1x1x16xf32>,
        %parallel_loop3A_1461 = vector.shape_cast %parallel_loop3A_1460 : vector<1x1x16xf32> to vector<16xf32>
        %parallel_loop3A_1462 = arith.constant 7 : i32
        %parallel_loop3A_1463 = arith.index_cast %parallel_loop3A_1462 : i32 to index
        %parallel_loop3A_1464 = arith.index_cast %parallel_loop3A_453 : i32 to index
        %parallel_loop3A_1465 = arith.constant 224 : index
        %parallel_loop3A_1466 = tpu.vector_load %arg6[%parallel_loop3A_1463, %parallel_loop3A_1464, %parallel_loop3A_1465] {strides = array<i32>} : memref<9x16x512xf32, #tpu.memory_space<vmem>>, vector<1x1x16xf32>,
        %parallel_loop3A_1467 = vector.shape_cast %parallel_loop3A_1466 : vector<1x1x16xf32> to vector<16xf32>
        %parallel_loop3A_1468 = arith.constant 8 : i32
        %parallel_loop3A_1469 = arith.index_cast %parallel_loop3A_1468 : i32 to index
        %parallel_loop3A_1470 = arith.index_cast %parallel_loop3A_453 : i32 to index
        %parallel_loop3A_1471 = arith.constant 224 : index
        %parallel_loop3A_1472 = tpu.vector_load %arg6[%parallel_loop3A_1469, %parallel_loop3A_1470, %parallel_loop3A_1471] {strides = array<i32>} : memref<9x16x512xf32, #tpu.memory_space<vmem>>, vector<1x1x16xf32>,
        %parallel_loop3A_1473 = vector.shape_cast %parallel_loop3A_1472 : vector<1x1x16xf32> to vector<16xf32>
        %parallel_loop3A_1474 = arith.addf %parallel_loop3A_1425, %parallel_loop3A_1431 : vector<16xf32>
        %parallel_loop3A_1475 = arith.addf %parallel_loop3A_1437, %parallel_loop3A_1443 : vector<16xf32>
        %parallel_loop3A_1476 = arith.addf %parallel_loop3A_1449, %parallel_loop3A_1455 : vector<16xf32>
        %parallel_loop3A_1477 = arith.addf %parallel_loop3A_1461, %parallel_loop3A_1467 : vector<16xf32>
        %parallel_loop3A_1478 = arith.addf %parallel_loop3A_1474, %parallel_loop3A_1475 : vector<16xf32>
        %parallel_loop3A_1479 = arith.addf %parallel_loop3A_1476, %parallel_loop3A_1477 : vector<16xf32>
        %parallel_loop3A_1480 = arith.addf %parallel_loop3A_1478, %parallel_loop3A_1479 : vector<16xf32>
        %parallel_loop3A_1481 = arith.addf %parallel_loop3A_1480, %parallel_loop3A_1473 : vector<16xf32>
        %parallel_loop3A_1482 = arith.constant 1 : i32
        %parallel_loop3A_1483 = arith.index_cast %parallel_loop3A_1482 : i32 to index
        %parallel_loop3A_1484 = arith.index_cast %parallel_loop3A_453 : i32 to index
        %parallel_loop3A_1485 = arith.constant 96 : index
        %parallel_loop3A_1486 = tpu.vector_load %arg7[%parallel_loop3A_1483, %parallel_loop3A_1484, %parallel_loop3A_1485] {strides = array<i32>} : memref<4x16x128xf32, #tpu.memory_space<vmem>>, vector<1x1x16xf32>,
        %parallel_loop3A_1487 = vector.shape_cast %parallel_loop3A_1486 : vector<1x1x16xf32> to vector<16xf32>
        %parallel_loop3A_1488 = vector.shape_cast %parallel_loop3A_1481 : vector<16xf32> to vector<1x1x16xf32>
        tpu.vector_store %arg7[%parallel_loop3A_1483, %parallel_loop3A_1484, %parallel_loop3A_1485], %parallel_loop3A_1488 {strides = array<i32>} : memref<4x16x128xf32, #tpu.memory_space<vmem>>, vector<1x1x16xf32>,
        %parallel_loop3A_1489 = arith.constant 0 : i32
        %parallel_loop3A_1490 = arith.index_cast %parallel_loop3A_1489 : i32 to index
        %parallel_loop3A_1491 = arith.index_cast %parallel_loop3A_453 : i32 to index
        %parallel_loop3A_1492 = arith.constant 240 : index
        %parallel_loop3A_1493 = tpu.vector_load %arg6[%parallel_loop3A_1490, %parallel_loop3A_1491, %parallel_loop3A_1492] {strides = array<i32>} : memref<9x16x512xf32, #tpu.memory_space<vmem>>, vector<1x1x16xf32>,
        %parallel_loop3A_1494 = vector.shape_cast %parallel_loop3A_1493 : vector<1x1x16xf32> to vector<16xf32>
        %parallel_loop3A_1495 = arith.constant 1 : i32
        %parallel_loop3A_1496 = arith.index_cast %parallel_loop3A_1495 : i32 to index
        %parallel_loop3A_1497 = arith.index_cast %parallel_loop3A_453 : i32 to index
        %parallel_loop3A_1498 = arith.constant 240 : index
        %parallel_loop3A_1499 = tpu.vector_load %arg6[%parallel_loop3A_1496, %parallel_loop3A_1497, %parallel_loop3A_1498] {strides = array<i32>} : memref<9x16x512xf32, #tpu.memory_space<vmem>>, vector<1x1x16xf32>,
        %parallel_loop3A_1500 = vector.shape_cast %parallel_loop3A_1499 : vector<1x1x16xf32> to vector<16xf32>
        %parallel_loop3A_1501 = arith.constant 2 : i32
        %parallel_loop3A_1502 = arith.index_cast %parallel_loop3A_1501 : i32 to index
        %parallel_loop3A_1503 = arith.index_cast %parallel_loop3A_453 : i32 to index
        %parallel_loop3A_1504 = arith.constant 240 : index
        %parallel_loop3A_1505 = tpu.vector_load %arg6[%parallel_loop3A_1502, %parallel_loop3A_1503, %parallel_loop3A_1504] {strides = array<i32>} : memref<9x16x512xf32, #tpu.memory_space<vmem>>, vector<1x1x16xf32>,
        %parallel_loop3A_1506 = vector.shape_cast %parallel_loop3A_1505 : vector<1x1x16xf32> to vector<16xf32>
        %parallel_loop3A_1507 = arith.constant 3 : i32
        %parallel_loop3A_1508 = arith.index_cast %parallel_loop3A_1507 : i32 to index
        %parallel_loop3A_1509 = arith.index_cast %parallel_loop3A_453 : i32 to index
        %parallel_loop3A_1510 = arith.constant 240 : index
        %parallel_loop3A_1511 = tpu.vector_load %arg6[%parallel_loop3A_1508, %parallel_loop3A_1509, %parallel_loop3A_1510] {strides = array<i32>} : memref<9x16x512xf32, #tpu.memory_space<vmem>>, vector<1x1x16xf32>,
        %parallel_loop3A_1512 = vector.shape_cast %parallel_loop3A_1511 : vector<1x1x16xf32> to vector<16xf32>
        %parallel_loop3A_1513 = arith.constant 4 : i32
        %parallel_loop3A_1514 = arith.index_cast %parallel_loop3A_1513 : i32 to index
        %parallel_loop3A_1515 = arith.index_cast %parallel_loop3A_453 : i32 to index
        %parallel_loop3A_1516 = arith.constant 240 : index
        %parallel_loop3A_1517 = tpu.vector_load %arg6[%parallel_loop3A_1514, %parallel_loop3A_1515, %parallel_loop3A_1516] {strides = array<i32>} : memref<9x16x512xf32, #tpu.memory_space<vmem>>, vector<1x1x16xf32>,
        %parallel_loop3A_1518 = vector.shape_cast %parallel_loop3A_1517 : vector<1x1x16xf32> to vector<16xf32>
        %parallel_loop3A_1519 = arith.constant 5 : i32
        %parallel_loop3A_1520 = arith.index_cast %parallel_loop3A_1519 : i32 to index
        %parallel_loop3A_1521 = arith.index_cast %parallel_loop3A_453 : i32 to index
        %parallel_loop3A_1522 = arith.constant 240 : index
        %parallel_loop3A_1523 = tpu.vector_load %arg6[%parallel_loop3A_1520, %parallel_loop3A_1521, %parallel_loop3A_1522] {strides = array<i32>} : memref<9x16x512xf32, #tpu.memory_space<vmem>>, vector<1x1x16xf32>,
        %parallel_loop3A_1524 = vector.shape_cast %parallel_loop3A_1523 : vector<1x1x16xf32> to vector<16xf32>
        %parallel_loop3A_1525 = arith.constant 6 : i32
        %parallel_loop3A_1526 = arith.index_cast %parallel_loop3A_1525 : i32 to index
        %parallel_loop3A_1527 = arith.index_cast %parallel_loop3A_453 : i32 to index
        %parallel_loop3A_1528 = arith.constant 240 : index
        %parallel_loop3A_1529 = tpu.vector_load %arg6[%parallel_loop3A_1526, %parallel_loop3A_1527, %parallel_loop3A_1528] {strides = array<i32>} : memref<9x16x512xf32, #tpu.memory_space<vmem>>, vector<1x1x16xf32>,
        %parallel_loop3A_1530 = vector.shape_cast %parallel_loop3A_1529 : vector<1x1x16xf32> to vector<16xf32>
        %parallel_loop3A_1531 = arith.constant 7 : i32
        %parallel_loop3A_1532 = arith.index_cast %parallel_loop3A_1531 : i32 to index
        %parallel_loop3A_1533 = arith.index_cast %parallel_loop3A_453 : i32 to index
        %parallel_loop3A_1534 = arith.constant 240 : index
        %parallel_loop3A_1535 = tpu.vector_load %arg6[%parallel_loop3A_1532, %parallel_loop3A_1533, %parallel_loop3A_1534] {strides = array<i32>} : memref<9x16x512xf32, #tpu.memory_space<vmem>>, vector<1x1x16xf32>,
        %parallel_loop3A_1536 = vector.shape_cast %parallel_loop3A_1535 : vector<1x1x16xf32> to vector<16xf32>
        %parallel_loop3A_1537 = arith.constant 8 : i32
        %parallel_loop3A_1538 = arith.index_cast %parallel_loop3A_1537 : i32 to index
        %parallel_loop3A_1539 = arith.index_cast %parallel_loop3A_453 : i32 to index
        %parallel_loop3A_1540 = arith.constant 240 : index
        %parallel_loop3A_1541 = tpu.vector_load %arg6[%parallel_loop3A_1538, %parallel_loop3A_1539, %parallel_loop3A_1540] {strides = array<i32>} : memref<9x16x512xf32, #tpu.memory_space<vmem>>, vector<1x1x16xf32>,
        %parallel_loop3A_1542 = vector.shape_cast %parallel_loop3A_1541 : vector<1x1x16xf32> to vector<16xf32>
        %parallel_loop3A_1543 = arith.addf %parallel_loop3A_1494, %parallel_loop3A_1500 : vector<16xf32>
        %parallel_loop3A_1544 = arith.addf %parallel_loop3A_1506, %parallel_loop3A_1512 : vector<16xf32>
        %parallel_loop3A_1545 = arith.addf %parallel_loop3A_1518, %parallel_loop3A_1524 : vector<16xf32>
        %parallel_loop3A_1546 = arith.addf %parallel_loop3A_1530, %parallel_loop3A_1536 : vector<16xf32>
        %parallel_loop3A_1547 = arith.addf %parallel_loop3A_1543, %parallel_loop3A_1544 : vector<16xf32>
        %parallel_loop3A_1548 = arith.addf %parallel_loop3A_1545, %parallel_loop3A_1546 : vector<16xf32>
        %parallel_loop3A_1549 = arith.addf %parallel_loop3A_1547, %parallel_loop3A_1548 : vector<16xf32>
        %parallel_loop3A_1550 = arith.addf %parallel_loop3A_1549, %parallel_loop3A_1542 : vector<16xf32>
        %parallel_loop3A_1551 = arith.constant 1 : i32
        %parallel_loop3A_1552 = arith.index_cast %parallel_loop3A_1551 : i32 to index
        %parallel_loop3A_1553 = arith.index_cast %parallel_loop3A_453 : i32 to index
        %parallel_loop3A_1554 = arith.constant 112 : index
        %parallel_loop3A_1555 = tpu.vector_load %arg7[%parallel_loop3A_1552, %parallel_loop3A_1553, %parallel_loop3A_1554] {strides = array<i32>} : memref<4x16x128xf32, #tpu.memory_space<vmem>>, vector<1x1x16xf32>,
        %parallel_loop3A_1556 = vector.shape_cast %parallel_loop3A_1555 : vector<1x1x16xf32> to vector<16xf32>
        %parallel_loop3A_1557 = vector.shape_cast %parallel_loop3A_1550 : vector<16xf32> to vector<1x1x16xf32>
        tpu.vector_store %arg7[%parallel_loop3A_1552, %parallel_loop3A_1553, %parallel_loop3A_1554], %parallel_loop3A_1557 {strides = array<i32>} : memref<4x16x128xf32, #tpu.memory_space<vmem>>, vector<1x1x16xf32>,
        %parallel_loop3A_1558 = arith.constant 0 : i32
        %parallel_loop3A_1559 = arith.index_cast %parallel_loop3A_1558 : i32 to index
        %parallel_loop3A_1560 = arith.index_cast %parallel_loop3A_453 : i32 to index
        %parallel_loop3A_1561 = arith.constant 256 : index
        %parallel_loop3A_1562 = tpu.vector_load %arg6[%parallel_loop3A_1559, %parallel_loop3A_1560, %parallel_loop3A_1561] {strides = array<i32>} : memref<9x16x512xf32, #tpu.memory_space<vmem>>, vector<1x1x16xf32>,
        %parallel_loop3A_1563 = vector.shape_cast %parallel_loop3A_1562 : vector<1x1x16xf32> to vector<16xf32>
        %parallel_loop3A_1564 = arith.constant 1 : i32
        %parallel_loop3A_1565 = arith.index_cast %parallel_loop3A_1564 : i32 to index
        %parallel_loop3A_1566 = arith.index_cast %parallel_loop3A_453 : i32 to index
        %parallel_loop3A_1567 = arith.constant 256 : index
        %parallel_loop3A_1568 = tpu.vector_load %arg6[%parallel_loop3A_1565, %parallel_loop3A_1566, %parallel_loop3A_1567] {strides = array<i32>} : memref<9x16x512xf32, #tpu.memory_space<vmem>>, vector<1x1x16xf32>,
        %parallel_loop3A_1569 = vector.shape_cast %parallel_loop3A_1568 : vector<1x1x16xf32> to vector<16xf32>
        %parallel_loop3A_1570 = arith.constant 2 : i32
        %parallel_loop3A_1571 = arith.index_cast %parallel_loop3A_1570 : i32 to index
        %parallel_loop3A_1572 = arith.index_cast %parallel_loop3A_453 : i32 to index
        %parallel_loop3A_1573 = arith.constant 256 : index
        %parallel_loop3A_1574 = tpu.vector_load %arg6[%parallel_loop3A_1571, %parallel_loop3A_1572, %parallel_loop3A_1573] {strides = array<i32>} : memref<9x16x512xf32, #tpu.memory_space<vmem>>, vector<1x1x16xf32>,
        %parallel_loop3A_1575 = vector.shape_cast %parallel_loop3A_1574 : vector<1x1x16xf32> to vector<16xf32>
        %parallel_loop3A_1576 = arith.constant 3 : i32
        %parallel_loop3A_1577 = arith.index_cast %parallel_loop3A_1576 : i32 to index
        %parallel_loop3A_1578 = arith.index_cast %parallel_loop3A_453 : i32 to index
        %parallel_loop3A_1579 = arith.constant 256 : index
        %parallel_loop3A_1580 = tpu.vector_load %arg6[%parallel_loop3A_1577, %parallel_loop3A_1578, %parallel_loop3A_1579] {strides = array<i32>} : memref<9x16x512xf32, #tpu.memory_space<vmem>>, vector<1x1x16xf32>,
        %parallel_loop3A_1581 = vector.shape_cast %parallel_loop3A_1580 : vector<1x1x16xf32> to vector<16xf32>
        %parallel_loop3A_1582 = arith.constant 4 : i32
        %parallel_loop3A_1583 = arith.index_cast %parallel_loop3A_1582 : i32 to index
        %parallel_loop3A_1584 = arith.index_cast %parallel_loop3A_453 : i32 to index
        %parallel_loop3A_1585 = arith.constant 256 : index
        %parallel_loop3A_1586 = tpu.vector_load %arg6[%parallel_loop3A_1583, %parallel_loop3A_1584, %parallel_loop3A_1585] {strides = array<i32>} : memref<9x16x512xf32, #tpu.memory_space<vmem>>, vector<1x1x16xf32>,
        %parallel_loop3A_1587 = vector.shape_cast %parallel_loop3A_1586 : vector<1x1x16xf32> to vector<16xf32>
        %parallel_loop3A_1588 = arith.constant 5 : i32
        %parallel_loop3A_1589 = arith.index_cast %parallel_loop3A_1588 : i32 to index
        %parallel_loop3A_1590 = arith.index_cast %parallel_loop3A_453 : i32 to index
        %parallel_loop3A_1591 = arith.constant 256 : index
        %parallel_loop3A_1592 = tpu.vector_load %arg6[%parallel_loop3A_1589, %parallel_loop3A_1590, %parallel_loop3A_1591] {strides = array<i32>} : memref<9x16x512xf32, #tpu.memory_space<vmem>>, vector<1x1x16xf32>,
        %parallel_loop3A_1593 = vector.shape_cast %parallel_loop3A_1592 : vector<1x1x16xf32> to vector<16xf32>
        %parallel_loop3A_1594 = arith.constant 6 : i32
        %parallel_loop3A_1595 = arith.index_cast %parallel_loop3A_1594 : i32 to index
        %parallel_loop3A_1596 = arith.index_cast %parallel_loop3A_453 : i32 to index
        %parallel_loop3A_1597 = arith.constant 256 : index
        %parallel_loop3A_1598 = tpu.vector_load %arg6[%parallel_loop3A_1595, %parallel_loop3A_1596, %parallel_loop3A_1597] {strides = array<i32>} : memref<9x16x512xf32, #tpu.memory_space<vmem>>, vector<1x1x16xf32>,
        %parallel_loop3A_1599 = vector.shape_cast %parallel_loop3A_1598 : vector<1x1x16xf32> to vector<16xf32>
        %parallel_loop3A_1600 = arith.constant 7 : i32
        %parallel_loop3A_1601 = arith.index_cast %parallel_loop3A_1600 : i32 to index
        %parallel_loop3A_1602 = arith.index_cast %parallel_loop3A_453 : i32 to index
        %parallel_loop3A_1603 = arith.constant 256 : index
        %parallel_loop3A_1604 = tpu.vector_load %arg6[%parallel_loop3A_1601, %parallel_loop3A_1602, %parallel_loop3A_1603] {strides = array<i32>} : memref<9x16x512xf32, #tpu.memory_space<vmem>>, vector<1x1x16xf32>,
        %parallel_loop3A_1605 = vector.shape_cast %parallel_loop3A_1604 : vector<1x1x16xf32> to vector<16xf32>
        %parallel_loop3A_1606 = arith.constant 8 : i32
        %parallel_loop3A_1607 = arith.index_cast %parallel_loop3A_1606 : i32 to index
        %parallel_loop3A_1608 = arith.index_cast %parallel_loop3A_453 : i32 to index
        %parallel_loop3A_1609 = arith.constant 256 : index
        %parallel_loop3A_1610 = tpu.vector_load %arg6[%parallel_loop3A_1607, %parallel_loop3A_1608, %parallel_loop3A_1609] {strides = array<i32>} : memref<9x16x512xf32, #tpu.memory_space<vmem>>, vector<1x1x16xf32>,
        %parallel_loop3A_1611 = vector.shape_cast %parallel_loop3A_1610 : vector<1x1x16xf32> to vector<16xf32>
        %parallel_loop3A_1612 = arith.addf %parallel_loop3A_1563, %parallel_loop3A_1569 : vector<16xf32>
        %parallel_loop3A_1613 = arith.addf %parallel_loop3A_1575, %parallel_loop3A_1581 : vector<16xf32>
        %parallel_loop3A_1614 = arith.addf %parallel_loop3A_1587, %parallel_loop3A_1593 : vector<16xf32>
        %parallel_loop3A_1615 = arith.addf %parallel_loop3A_1599, %parallel_loop3A_1605 : vector<16xf32>
        %parallel_loop3A_1616 = arith.addf %parallel_loop3A_1612, %parallel_loop3A_1613 : vector<16xf32>
        %parallel_loop3A_1617 = arith.addf %parallel_loop3A_1614, %parallel_loop3A_1615 : vector<16xf32>
        %parallel_loop3A_1618 = arith.addf %parallel_loop3A_1616, %parallel_loop3A_1617 : vector<16xf32>
        %parallel_loop3A_1619 = arith.addf %parallel_loop3A_1618, %parallel_loop3A_1611 : vector<16xf32>
        %parallel_loop3A_1620 = arith.constant 2 : i32
        %parallel_loop3A_1621 = arith.index_cast %parallel_loop3A_1620 : i32 to index
        %parallel_loop3A_1622 = arith.index_cast %parallel_loop3A_453 : i32 to index
        %parallel_loop3A_1623 = arith.constant 0 : index
        %parallel_loop3A_1624 = tpu.vector_load %arg7[%parallel_loop3A_1621, %parallel_loop3A_1622, %parallel_loop3A_1623] {strides = array<i32>} : memref<4x16x128xf32, #tpu.memory_space<vmem>>, vector<1x1x16xf32>,
        %parallel_loop3A_1625 = vector.shape_cast %parallel_loop3A_1624 : vector<1x1x16xf32> to vector<16xf32>
        %parallel_loop3A_1626 = vector.shape_cast %parallel_loop3A_1619 : vector<16xf32> to vector<1x1x16xf32>
        tpu.vector_store %arg7[%parallel_loop3A_1621, %parallel_loop3A_1622, %parallel_loop3A_1623], %parallel_loop3A_1626 {strides = array<i32>} : memref<4x16x128xf32, #tpu.memory_space<vmem>>, vector<1x1x16xf32>,
        %parallel_loop3A_1627 = arith.constant 0 : i32
        %parallel_loop3A_1628 = arith.index_cast %parallel_loop3A_1627 : i32 to index
        %parallel_loop3A_1629 = arith.index_cast %parallel_loop3A_453 : i32 to index
        %parallel_loop3A_1630 = arith.constant 272 : index
        %parallel_loop3A_1631 = tpu.vector_load %arg6[%parallel_loop3A_1628, %parallel_loop3A_1629, %parallel_loop3A_1630] {strides = array<i32>} : memref<9x16x512xf32, #tpu.memory_space<vmem>>, vector<1x1x16xf32>,
        %parallel_loop3A_1632 = vector.shape_cast %parallel_loop3A_1631 : vector<1x1x16xf32> to vector<16xf32>
        %parallel_loop3A_1633 = arith.constant 1 : i32
        %parallel_loop3A_1634 = arith.index_cast %parallel_loop3A_1633 : i32 to index
        %parallel_loop3A_1635 = arith.index_cast %parallel_loop3A_453 : i32 to index
        %parallel_loop3A_1636 = arith.constant 272 : index
        %parallel_loop3A_1637 = tpu.vector_load %arg6[%parallel_loop3A_1634, %parallel_loop3A_1635, %parallel_loop3A_1636] {strides = array<i32>} : memref<9x16x512xf32, #tpu.memory_space<vmem>>, vector<1x1x16xf32>,
        %parallel_loop3A_1638 = vector.shape_cast %parallel_loop3A_1637 : vector<1x1x16xf32> to vector<16xf32>
        %parallel_loop3A_1639 = arith.constant 2 : i32
        %parallel_loop3A_1640 = arith.index_cast %parallel_loop3A_1639 : i32 to index
        %parallel_loop3A_1641 = arith.index_cast %parallel_loop3A_453 : i32 to index
        %parallel_loop3A_1642 = arith.constant 272 : index
        %parallel_loop3A_1643 = tpu.vector_load %arg6[%parallel_loop3A_1640, %parallel_loop3A_1641, %parallel_loop3A_1642] {strides = array<i32>} : memref<9x16x512xf32, #tpu.memory_space<vmem>>, vector<1x1x16xf32>,
        %parallel_loop3A_1644 = vector.shape_cast %parallel_loop3A_1643 : vector<1x1x16xf32> to vector<16xf32>
        %parallel_loop3A_1645 = arith.constant 3 : i32
        %parallel_loop3A_1646 = arith.index_cast %parallel_loop3A_1645 : i32 to index
        %parallel_loop3A_1647 = arith.index_cast %parallel_loop3A_453 : i32 to index
        %parallel_loop3A_1648 = arith.constant 272 : index
        %parallel_loop3A_1649 = tpu.vector_load %arg6[%parallel_loop3A_1646, %parallel_loop3A_1647, %parallel_loop3A_1648] {strides = array<i32>} : memref<9x16x512xf32, #tpu.memory_space<vmem>>, vector<1x1x16xf32>,
        %parallel_loop3A_1650 = vector.shape_cast %parallel_loop3A_1649 : vector<1x1x16xf32> to vector<16xf32>
        %parallel_loop3A_1651 = arith.constant 4 : i32
        %parallel_loop3A_1652 = arith.index_cast %parallel_loop3A_1651 : i32 to index
        %parallel_loop3A_1653 = arith.index_cast %parallel_loop3A_453 : i32 to index
        %parallel_loop3A_1654 = arith.constant 272 : index
        %parallel_loop3A_1655 = tpu.vector_load %arg6[%parallel_loop3A_1652, %parallel_loop3A_1653, %parallel_loop3A_1654] {strides = array<i32>} : memref<9x16x512xf32, #tpu.memory_space<vmem>>, vector<1x1x16xf32>,
        %parallel_loop3A_1656 = vector.shape_cast %parallel_loop3A_1655 : vector<1x1x16xf32> to vector<16xf32>
        %parallel_loop3A_1657 = arith.constant 5 : i32
        %parallel_loop3A_1658 = arith.index_cast %parallel_loop3A_1657 : i32 to index
        %parallel_loop3A_1659 = arith.index_cast %parallel_loop3A_453 : i32 to index
        %parallel_loop3A_1660 = arith.constant 272 : index
        %parallel_loop3A_1661 = tpu.vector_load %arg6[%parallel_loop3A_1658, %parallel_loop3A_1659, %parallel_loop3A_1660] {strides = array<i32>} : memref<9x16x512xf32, #tpu.memory_space<vmem>>, vector<1x1x16xf32>,
        %parallel_loop3A_1662 = vector.shape_cast %parallel_loop3A_1661 : vector<1x1x16xf32> to vector<16xf32>
        %parallel_loop3A_1663 = arith.constant 6 : i32
        %parallel_loop3A_1664 = arith.index_cast %parallel_loop3A_1663 : i32 to index
        %parallel_loop3A_1665 = arith.index_cast %parallel_loop3A_453 : i32 to index
        %parallel_loop3A_1666 = arith.constant 272 : index
        %parallel_loop3A_1667 = tpu.vector_load %arg6[%parallel_loop3A_1664, %parallel_loop3A_1665, %parallel_loop3A_1666] {strides = array<i32>} : memref<9x16x512xf32, #tpu.memory_space<vmem>>, vector<1x1x16xf32>,
        %parallel_loop3A_1668 = vector.shape_cast %parallel_loop3A_1667 : vector<1x1x16xf32> to vector<16xf32>
        %parallel_loop3A_1669 = arith.constant 7 : i32
        %parallel_loop3A_1670 = arith.index_cast %parallel_loop3A_1669 : i32 to index
        %parallel_loop3A_1671 = arith.index_cast %parallel_loop3A_453 : i32 to index
        %parallel_loop3A_1672 = arith.constant 272 : index
        %parallel_loop3A_1673 = tpu.vector_load %arg6[%parallel_loop3A_1670, %parallel_loop3A_1671, %parallel_loop3A_1672] {strides = array<i32>} : memref<9x16x512xf32, #tpu.memory_space<vmem>>, vector<1x1x16xf32>,
        %parallel_loop3A_1674 = vector.shape_cast %parallel_loop3A_1673 : vector<1x1x16xf32> to vector<16xf32>
        %parallel_loop3A_1675 = arith.constant 8 : i32
        %parallel_loop3A_1676 = arith.index_cast %parallel_loop3A_1675 : i32 to index
        %parallel_loop3A_1677 = arith.index_cast %parallel_loop3A_453 : i32 to index
        %parallel_loop3A_1678 = arith.constant 272 : index
        %parallel_loop3A_1679 = tpu.vector_load %arg6[%parallel_loop3A_1676, %parallel_loop3A_1677, %parallel_loop3A_1678] {strides = array<i32>} : memref<9x16x512xf32, #tpu.memory_space<vmem>>, vector<1x1x16xf32>,
        %parallel_loop3A_1680 = vector.shape_cast %parallel_loop3A_1679 : vector<1x1x16xf32> to vector<16xf32>
        %parallel_loop3A_1681 = arith.addf %parallel_loop3A_1632, %parallel_loop3A_1638 : vector<16xf32>
        %parallel_loop3A_1682 = arith.addf %parallel_loop3A_1644, %parallel_loop3A_1650 : vector<16xf32>
        %parallel_loop3A_1683 = arith.addf %parallel_loop3A_1656, %parallel_loop3A_1662 : vector<16xf32>
        %parallel_loop3A_1684 = arith.addf %parallel_loop3A_1668, %parallel_loop3A_1674 : vector<16xf32>
        %parallel_loop3A_1685 = arith.addf %parallel_loop3A_1681, %parallel_loop3A_1682 : vector<16xf32>
        %parallel_loop3A_1686 = arith.addf %parallel_loop3A_1683, %parallel_loop3A_1684 : vector<16xf32>
        %parallel_loop3A_1687 = arith.addf %parallel_loop3A_1685, %parallel_loop3A_1686 : vector<16xf32>
        %parallel_loop3A_1688 = arith.addf %parallel_loop3A_1687, %parallel_loop3A_1680 : vector<16xf32>
        %parallel_loop3A_1689 = arith.constant 2 : i32
        %parallel_loop3A_1690 = arith.index_cast %parallel_loop3A_1689 : i32 to index
        %parallel_loop3A_1691 = arith.index_cast %parallel_loop3A_453 : i32 to index
        %parallel_loop3A_1692 = arith.constant 16 : index
        %parallel_loop3A_1693 = tpu.vector_load %arg7[%parallel_loop3A_1690, %parallel_loop3A_1691, %parallel_loop3A_1692] {strides = array<i32>} : memref<4x16x128xf32, #tpu.memory_space<vmem>>, vector<1x1x16xf32>,
        %parallel_loop3A_1694 = vector.shape_cast %parallel_loop3A_1693 : vector<1x1x16xf32> to vector<16xf32>
        %parallel_loop3A_1695 = vector.shape_cast %parallel_loop3A_1688 : vector<16xf32> to vector<1x1x16xf32>
        tpu.vector_store %arg7[%parallel_loop3A_1690, %parallel_loop3A_1691, %parallel_loop3A_1692], %parallel_loop3A_1695 {strides = array<i32>} : memref<4x16x128xf32, #tpu.memory_space<vmem>>, vector<1x1x16xf32>,
        %parallel_loop3A_1696 = arith.constant 0 : i32
        %parallel_loop3A_1697 = arith.index_cast %parallel_loop3A_1696 : i32 to index
        %parallel_loop3A_1698 = arith.index_cast %parallel_loop3A_453 : i32 to index
        %parallel_loop3A_1699 = arith.constant 288 : index
        %parallel_loop3A_1700 = tpu.vector_load %arg6[%parallel_loop3A_1697, %parallel_loop3A_1698, %parallel_loop3A_1699] {strides = array<i32>} : memref<9x16x512xf32, #tpu.memory_space<vmem>>, vector<1x1x16xf32>,
        %parallel_loop3A_1701 = vector.shape_cast %parallel_loop3A_1700 : vector<1x1x16xf32> to vector<16xf32>
        %parallel_loop3A_1702 = arith.constant 1 : i32
        %parallel_loop3A_1703 = arith.index_cast %parallel_loop3A_1702 : i32 to index
        %parallel_loop3A_1704 = arith.index_cast %parallel_loop3A_453 : i32 to index
        %parallel_loop3A_1705 = arith.constant 288 : index
        %parallel_loop3A_1706 = tpu.vector_load %arg6[%parallel_loop3A_1703, %parallel_loop3A_1704, %parallel_loop3A_1705] {strides = array<i32>} : memref<9x16x512xf32, #tpu.memory_space<vmem>>, vector<1x1x16xf32>,
        %parallel_loop3A_1707 = vector.shape_cast %parallel_loop3A_1706 : vector<1x1x16xf32> to vector<16xf32>
        %parallel_loop3A_1708 = arith.constant 2 : i32
        %parallel_loop3A_1709 = arith.index_cast %parallel_loop3A_1708 : i32 to index
        %parallel_loop3A_1710 = arith.index_cast %parallel_loop3A_453 : i32 to index
        %parallel_loop3A_1711 = arith.constant 288 : index
        %parallel_loop3A_1712 = tpu.vector_load %arg6[%parallel_loop3A_1709, %parallel_loop3A_1710, %parallel_loop3A_1711] {strides = array<i32>} : memref<9x16x512xf32, #tpu.memory_space<vmem>>, vector<1x1x16xf32>,
        %parallel_loop3A_1713 = vector.shape_cast %parallel_loop3A_1712 : vector<1x1x16xf32> to vector<16xf32>
        %parallel_loop3A_1714 = arith.constant 3 : i32
        %parallel_loop3A_1715 = arith.index_cast %parallel_loop3A_1714 : i32 to index
        %parallel_loop3A_1716 = arith.index_cast %parallel_loop3A_453 : i32 to index
        %parallel_loop3A_1717 = arith.constant 288 : index
        %parallel_loop3A_1718 = tpu.vector_load %arg6[%parallel_loop3A_1715, %parallel_loop3A_1716, %parallel_loop3A_1717] {strides = array<i32>} : memref<9x16x512xf32, #tpu.memory_space<vmem>>, vector<1x1x16xf32>,
        %parallel_loop3A_1719 = vector.shape_cast %parallel_loop3A_1718 : vector<1x1x16xf32> to vector<16xf32>
        %parallel_loop3A_1720 = arith.constant 4 : i32
        %parallel_loop3A_1721 = arith.index_cast %parallel_loop3A_1720 : i32 to index
        %parallel_loop3A_1722 = arith.index_cast %parallel_loop3A_453 : i32 to index
        %parallel_loop3A_1723 = arith.constant 288 : index
        %parallel_loop3A_1724 = tpu.vector_load %arg6[%parallel_loop3A_1721, %parallel_loop3A_1722, %parallel_loop3A_1723] {strides = array<i32>} : memref<9x16x512xf32, #tpu.memory_space<vmem>>, vector<1x1x16xf32>,
        %parallel_loop3A_1725 = vector.shape_cast %parallel_loop3A_1724 : vector<1x1x16xf32> to vector<16xf32>
        %parallel_loop3A_1726 = arith.constant 5 : i32
        %parallel_loop3A_1727 = arith.index_cast %parallel_loop3A_1726 : i32 to index
        %parallel_loop3A_1728 = arith.index_cast %parallel_loop3A_453 : i32 to index
        %parallel_loop3A_1729 = arith.constant 288 : index
        %parallel_loop3A_1730 = tpu.vector_load %arg6[%parallel_loop3A_1727, %parallel_loop3A_1728, %parallel_loop3A_1729] {strides = array<i32>} : memref<9x16x512xf32, #tpu.memory_space<vmem>>, vector<1x1x16xf32>,
        %parallel_loop3A_1731 = vector.shape_cast %parallel_loop3A_1730 : vector<1x1x16xf32> to vector<16xf32>
        %parallel_loop3A_1732 = arith.constant 6 : i32
        %parallel_loop3A_1733 = arith.index_cast %parallel_loop3A_1732 : i32 to index
        %parallel_loop3A_1734 = arith.index_cast %parallel_loop3A_453 : i32 to index
        %parallel_loop3A_1735 = arith.constant 288 : index
        %parallel_loop3A_1736 = tpu.vector_load %arg6[%parallel_loop3A_1733, %parallel_loop3A_1734, %parallel_loop3A_1735] {strides = array<i32>} : memref<9x16x512xf32, #tpu.memory_space<vmem>>, vector<1x1x16xf32>,
        %parallel_loop3A_1737 = vector.shape_cast %parallel_loop3A_1736 : vector<1x1x16xf32> to vector<16xf32>
        %parallel_loop3A_1738 = arith.constant 7 : i32
        %parallel_loop3A_1739 = arith.index_cast %parallel_loop3A_1738 : i32 to index
        %parallel_loop3A_1740 = arith.index_cast %parallel_loop3A_453 : i32 to index
        %parallel_loop3A_1741 = arith.constant 288 : index
        %parallel_loop3A_1742 = tpu.vector_load %arg6[%parallel_loop3A_1739, %parallel_loop3A_1740, %parallel_loop3A_1741] {strides = array<i32>} : memref<9x16x512xf32, #tpu.memory_space<vmem>>, vector<1x1x16xf32>,
        %parallel_loop3A_1743 = vector.shape_cast %parallel_loop3A_1742 : vector<1x1x16xf32> to vector<16xf32>
        %parallel_loop3A_1744 = arith.constant 8 : i32
        %parallel_loop3A_1745 = arith.index_cast %parallel_loop3A_1744 : i32 to index
        %parallel_loop3A_1746 = arith.index_cast %parallel_loop3A_453 : i32 to index
        %parallel_loop3A_1747 = arith.constant 288 : index
        %parallel_loop3A_1748 = tpu.vector_load %arg6[%parallel_loop3A_1745, %parallel_loop3A_1746, %parallel_loop3A_1747] {strides = array<i32>} : memref<9x16x512xf32, #tpu.memory_space<vmem>>, vector<1x1x16xf32>,
        %parallel_loop3A_1749 = vector.shape_cast %parallel_loop3A_1748 : vector<1x1x16xf32> to vector<16xf32>
        %parallel_loop3A_1750 = arith.addf %parallel_loop3A_1701, %parallel_loop3A_1707 : vector<16xf32>
        %parallel_loop3A_1751 = arith.addf %parallel_loop3A_1713, %parallel_loop3A_1719 : vector<16xf32>
        %parallel_loop3A_1752 = arith.addf %parallel_loop3A_1725, %parallel_loop3A_1731 : vector<16xf32>
        %parallel_loop3A_1753 = arith.addf %parallel_loop3A_1737, %parallel_loop3A_1743 : vector<16xf32>
        %parallel_loop3A_1754 = arith.addf %parallel_loop3A_1750, %parallel_loop3A_1751 : vector<16xf32>
        %parallel_loop3A_1755 = arith.addf %parallel_loop3A_1752, %parallel_loop3A_1753 : vector<16xf32>
        %parallel_loop3A_1756 = arith.addf %parallel_loop3A_1754, %parallel_loop3A_1755 : vector<16xf32>
        %parallel_loop3A_1757 = arith.addf %parallel_loop3A_1756, %parallel_loop3A_1749 : vector<16xf32>
        %parallel_loop3A_1758 = arith.constant 2 : i32
        %parallel_loop3A_1759 = arith.index_cast %parallel_loop3A_1758 : i32 to index
        %parallel_loop3A_1760 = arith.index_cast %parallel_loop3A_453 : i32 to index
        %parallel_loop3A_1761 = arith.constant 32 : index
        %parallel_loop3A_1762 = tpu.vector_load %arg7[%parallel_loop3A_1759, %parallel_loop3A_1760, %parallel_loop3A_1761] {strides = array<i32>} : memref<4x16x128xf32, #tpu.memory_space<vmem>>, vector<1x1x16xf32>,
        %parallel_loop3A_1763 = vector.shape_cast %parallel_loop3A_1762 : vector<1x1x16xf32> to vector<16xf32>
        %parallel_loop3A_1764 = vector.shape_cast %parallel_loop3A_1757 : vector<16xf32> to vector<1x1x16xf32>
        tpu.vector_store %arg7[%parallel_loop3A_1759, %parallel_loop3A_1760, %parallel_loop3A_1761], %parallel_loop3A_1764 {strides = array<i32>} : memref<4x16x128xf32, #tpu.memory_space<vmem>>, vector<1x1x16xf32>,
        %parallel_loop3A_1765 = arith.constant 0 : i32
        %parallel_loop3A_1766 = arith.index_cast %parallel_loop3A_1765 : i32 to index
        %parallel_loop3A_1767 = arith.index_cast %parallel_loop3A_453 : i32 to index
        %parallel_loop3A_1768 = arith.constant 304 : index
        %parallel_loop3A_1769 = tpu.vector_load %arg6[%parallel_loop3A_1766, %parallel_loop3A_1767, %parallel_loop3A_1768] {strides = array<i32>} : memref<9x16x512xf32, #tpu.memory_space<vmem>>, vector<1x1x16xf32>,
        %parallel_loop3A_1770 = vector.shape_cast %parallel_loop3A_1769 : vector<1x1x16xf32> to vector<16xf32>
        %parallel_loop3A_1771 = arith.constant 1 : i32
        %parallel_loop3A_1772 = arith.index_cast %parallel_loop3A_1771 : i32 to index
        %parallel_loop3A_1773 = arith.index_cast %parallel_loop3A_453 : i32 to index
        %parallel_loop3A_1774 = arith.constant 304 : index
        %parallel_loop3A_1775 = tpu.vector_load %arg6[%parallel_loop3A_1772, %parallel_loop3A_1773, %parallel_loop3A_1774] {strides = array<i32>} : memref<9x16x512xf32, #tpu.memory_space<vmem>>, vector<1x1x16xf32>,
        %parallel_loop3A_1776 = vector.shape_cast %parallel_loop3A_1775 : vector<1x1x16xf32> to vector<16xf32>
        %parallel_loop3A_1777 = arith.constant 2 : i32
        %parallel_loop3A_1778 = arith.index_cast %parallel_loop3A_1777 : i32 to index
        %parallel_loop3A_1779 = arith.index_cast %parallel_loop3A_453 : i32 to index
        %parallel_loop3A_1780 = arith.constant 304 : index
        %parallel_loop3A_1781 = tpu.vector_load %arg6[%parallel_loop3A_1778, %parallel_loop3A_1779, %parallel_loop3A_1780] {strides = array<i32>} : memref<9x16x512xf32, #tpu.memory_space<vmem>>, vector<1x1x16xf32>,
        %parallel_loop3A_1782 = vector.shape_cast %parallel_loop3A_1781 : vector<1x1x16xf32> to vector<16xf32>
        %parallel_loop3A_1783 = arith.constant 3 : i32
        %parallel_loop3A_1784 = arith.index_cast %parallel_loop3A_1783 : i32 to index
        %parallel_loop3A_1785 = arith.index_cast %parallel_loop3A_453 : i32 to index
        %parallel_loop3A_1786 = arith.constant 304 : index
        %parallel_loop3A_1787 = tpu.vector_load %arg6[%parallel_loop3A_1784, %parallel_loop3A_1785, %parallel_loop3A_1786] {strides = array<i32>} : memref<9x16x512xf32, #tpu.memory_space<vmem>>, vector<1x1x16xf32>,
        %parallel_loop3A_1788 = vector.shape_cast %parallel_loop3A_1787 : vector<1x1x16xf32> to vector<16xf32>
        %parallel_loop3A_1789 = arith.constant 4 : i32
        %parallel_loop3A_1790 = arith.index_cast %parallel_loop3A_1789 : i32 to index
        %parallel_loop3A_1791 = arith.index_cast %parallel_loop3A_453 : i32 to index
        %parallel_loop3A_1792 = arith.constant 304 : index
        %parallel_loop3A_1793 = tpu.vector_load %arg6[%parallel_loop3A_1790, %parallel_loop3A_1791, %parallel_loop3A_1792] {strides = array<i32>} : memref<9x16x512xf32, #tpu.memory_space<vmem>>, vector<1x1x16xf32>,
        %parallel_loop3A_1794 = vector.shape_cast %parallel_loop3A_1793 : vector<1x1x16xf32> to vector<16xf32>
        %parallel_loop3A_1795 = arith.constant 5 : i32
        %parallel_loop3A_1796 = arith.index_cast %parallel_loop3A_1795 : i32 to index
        %parallel_loop3A_1797 = arith.index_cast %parallel_loop3A_453 : i32 to index
        %parallel_loop3A_1798 = arith.constant 304 : index
        %parallel_loop3A_1799 = tpu.vector_load %arg6[%parallel_loop3A_1796, %parallel_loop3A_1797, %parallel_loop3A_1798] {strides = array<i32>} : memref<9x16x512xf32, #tpu.memory_space<vmem>>, vector<1x1x16xf32>,
        %parallel_loop3A_1800 = vector.shape_cast %parallel_loop3A_1799 : vector<1x1x16xf32> to vector<16xf32>
        %parallel_loop3A_1801 = arith.constant 6 : i32
        %parallel_loop3A_1802 = arith.index_cast %parallel_loop3A_1801 : i32 to index
        %parallel_loop3A_1803 = arith.index_cast %parallel_loop3A_453 : i32 to index
        %parallel_loop3A_1804 = arith.constant 304 : index
        %parallel_loop3A_1805 = tpu.vector_load %arg6[%parallel_loop3A_1802, %parallel_loop3A_1803, %parallel_loop3A_1804] {strides = array<i32>} : memref<9x16x512xf32, #tpu.memory_space<vmem>>, vector<1x1x16xf32>,
        %parallel_loop3A_1806 = vector.shape_cast %parallel_loop3A_1805 : vector<1x1x16xf32> to vector<16xf32>
        %parallel_loop3A_1807 = arith.constant 7 : i32
        %parallel_loop3A_1808 = arith.index_cast %parallel_loop3A_1807 : i32 to index
        %parallel_loop3A_1809 = arith.index_cast %parallel_loop3A_453 : i32 to index
        %parallel_loop3A_1810 = arith.constant 304 : index
        %parallel_loop3A_1811 = tpu.vector_load %arg6[%parallel_loop3A_1808, %parallel_loop3A_1809, %parallel_loop3A_1810] {strides = array<i32>} : memref<9x16x512xf32, #tpu.memory_space<vmem>>, vector<1x1x16xf32>,
        %parallel_loop3A_1812 = vector.shape_cast %parallel_loop3A_1811 : vector<1x1x16xf32> to vector<16xf32>
        %parallel_loop3A_1813 = arith.constant 8 : i32
        %parallel_loop3A_1814 = arith.index_cast %parallel_loop3A_1813 : i32 to index
        %parallel_loop3A_1815 = arith.index_cast %parallel_loop3A_453 : i32 to index
        %parallel_loop3A_1816 = arith.constant 304 : index
        %parallel_loop3A_1817 = tpu.vector_load %arg6[%parallel_loop3A_1814, %parallel_loop3A_1815, %parallel_loop3A_1816] {strides = array<i32>} : memref<9x16x512xf32, #tpu.memory_space<vmem>>, vector<1x1x16xf32>,
        %parallel_loop3A_1818 = vector.shape_cast %parallel_loop3A_1817 : vector<1x1x16xf32> to vector<16xf32>
        %parallel_loop3A_1819 = arith.addf %parallel_loop3A_1770, %parallel_loop3A_1776 : vector<16xf32>
        %parallel_loop3A_1820 = arith.addf %parallel_loop3A_1782, %parallel_loop3A_1788 : vector<16xf32>
        %parallel_loop3A_1821 = arith.addf %parallel_loop3A_1794, %parallel_loop3A_1800 : vector<16xf32>
        %parallel_loop3A_1822 = arith.addf %parallel_loop3A_1806, %parallel_loop3A_1812 : vector<16xf32>
        %parallel_loop3A_1823 = arith.addf %parallel_loop3A_1819, %parallel_loop3A_1820 : vector<16xf32>
        %parallel_loop3A_1824 = arith.addf %parallel_loop3A_1821, %parallel_loop3A_1822 : vector<16xf32>
        %parallel_loop3A_1825 = arith.addf %parallel_loop3A_1823, %parallel_loop3A_1824 : vector<16xf32>
        %parallel_loop3A_1826 = arith.addf %parallel_loop3A_1825, %parallel_loop3A_1818 : vector<16xf32>
        %parallel_loop3A_1827 = arith.constant 2 : i32
        %parallel_loop3A_1828 = arith.index_cast %parallel_loop3A_1827 : i32 to index
        %parallel_loop3A_1829 = arith.index_cast %parallel_loop3A_453 : i32 to index
        %parallel_loop3A_1830 = arith.constant 48 : index
        %parallel_loop3A_1831 = tpu.vector_load %arg7[%parallel_loop3A_1828, %parallel_loop3A_1829, %parallel_loop3A_1830] {strides = array<i32>} : memref<4x16x128xf32, #tpu.memory_space<vmem>>, vector<1x1x16xf32>,
        %parallel_loop3A_1832 = vector.shape_cast %parallel_loop3A_1831 : vector<1x1x16xf32> to vector<16xf32>
        %parallel_loop3A_1833 = vector.shape_cast %parallel_loop3A_1826 : vector<16xf32> to vector<1x1x16xf32>
        tpu.vector_store %arg7[%parallel_loop3A_1828, %parallel_loop3A_1829, %parallel_loop3A_1830], %parallel_loop3A_1833 {strides = array<i32>} : memref<4x16x128xf32, #tpu.memory_space<vmem>>, vector<1x1x16xf32>,
        %parallel_loop3A_1834 = arith.constant 0 : i32
        %parallel_loop3A_1835 = arith.index_cast %parallel_loop3A_1834 : i32 to index
        %parallel_loop3A_1836 = arith.index_cast %parallel_loop3A_453 : i32 to index
        %parallel_loop3A_1837 = arith.constant 320 : index
        %parallel_loop3A_1838 = tpu.vector_load %arg6[%parallel_loop3A_1835, %parallel_loop3A_1836, %parallel_loop3A_1837] {strides = array<i32>} : memref<9x16x512xf32, #tpu.memory_space<vmem>>, vector<1x1x16xf32>,
        %parallel_loop3A_1839 = vector.shape_cast %parallel_loop3A_1838 : vector<1x1x16xf32> to vector<16xf32>
        %parallel_loop3A_1840 = arith.constant 1 : i32
        %parallel_loop3A_1841 = arith.index_cast %parallel_loop3A_1840 : i32 to index
        %parallel_loop3A_1842 = arith.index_cast %parallel_loop3A_453 : i32 to index
        %parallel_loop3A_1843 = arith.constant 320 : index
        %parallel_loop3A_1844 = tpu.vector_load %arg6[%parallel_loop3A_1841, %parallel_loop3A_1842, %parallel_loop3A_1843] {strides = array<i32>} : memref<9x16x512xf32, #tpu.memory_space<vmem>>, vector<1x1x16xf32>,
        %parallel_loop3A_1845 = vector.shape_cast %parallel_loop3A_1844 : vector<1x1x16xf32> to vector<16xf32>
        %parallel_loop3A_1846 = arith.constant 2 : i32
        %parallel_loop3A_1847 = arith.index_cast %parallel_loop3A_1846 : i32 to index
        %parallel_loop3A_1848 = arith.index_cast %parallel_loop3A_453 : i32 to index
        %parallel_loop3A_1849 = arith.constant 320 : index
        %parallel_loop3A_1850 = tpu.vector_load %arg6[%parallel_loop3A_1847, %parallel_loop3A_1848, %parallel_loop3A_1849] {strides = array<i32>} : memref<9x16x512xf32, #tpu.memory_space<vmem>>, vector<1x1x16xf32>,
        %parallel_loop3A_1851 = vector.shape_cast %parallel_loop3A_1850 : vector<1x1x16xf32> to vector<16xf32>
        %parallel_loop3A_1852 = arith.constant 3 : i32
        %parallel_loop3A_1853 = arith.index_cast %parallel_loop3A_1852 : i32 to index
        %parallel_loop3A_1854 = arith.index_cast %parallel_loop3A_453 : i32 to index
        %parallel_loop3A_1855 = arith.constant 320 : index
        %parallel_loop3A_1856 = tpu.vector_load %arg6[%parallel_loop3A_1853, %parallel_loop3A_1854, %parallel_loop3A_1855] {strides = array<i32>} : memref<9x16x512xf32, #tpu.memory_space<vmem>>, vector<1x1x16xf32>,
        %parallel_loop3A_1857 = vector.shape_cast %parallel_loop3A_1856 : vector<1x1x16xf32> to vector<16xf32>
        %parallel_loop3A_1858 = arith.constant 4 : i32
        %parallel_loop3A_1859 = arith.index_cast %parallel_loop3A_1858 : i32 to index
        %parallel_loop3A_1860 = arith.index_cast %parallel_loop3A_453 : i32 to index
        %parallel_loop3A_1861 = arith.constant 320 : index
        %parallel_loop3A_1862 = tpu.vector_load %arg6[%parallel_loop3A_1859, %parallel_loop3A_1860, %parallel_loop3A_1861] {strides = array<i32>} : memref<9x16x512xf32, #tpu.memory_space<vmem>>, vector<1x1x16xf32>,
        %parallel_loop3A_1863 = vector.shape_cast %parallel_loop3A_1862 : vector<1x1x16xf32> to vector<16xf32>
        %parallel_loop3A_1864 = arith.constant 5 : i32
        %parallel_loop3A_1865 = arith.index_cast %parallel_loop3A_1864 : i32 to index
        %parallel_loop3A_1866 = arith.index_cast %parallel_loop3A_453 : i32 to index
        %parallel_loop3A_1867 = arith.constant 320 : index
        %parallel_loop3A_1868 = tpu.vector_load %arg6[%parallel_loop3A_1865, %parallel_loop3A_1866, %parallel_loop3A_1867] {strides = array<i32>} : memref<9x16x512xf32, #tpu.memory_space<vmem>>, vector<1x1x16xf32>,
        %parallel_loop3A_1869 = vector.shape_cast %parallel_loop3A_1868 : vector<1x1x16xf32> to vector<16xf32>
        %parallel_loop3A_1870 = arith.constant 6 : i32
        %parallel_loop3A_1871 = arith.index_cast %parallel_loop3A_1870 : i32 to index
        %parallel_loop3A_1872 = arith.index_cast %parallel_loop3A_453 : i32 to index
        %parallel_loop3A_1873 = arith.constant 320 : index
        %parallel_loop3A_1874 = tpu.vector_load %arg6[%parallel_loop3A_1871, %parallel_loop3A_1872, %parallel_loop3A_1873] {strides = array<i32>} : memref<9x16x512xf32, #tpu.memory_space<vmem>>, vector<1x1x16xf32>,
        %parallel_loop3A_1875 = vector.shape_cast %parallel_loop3A_1874 : vector<1x1x16xf32> to vector<16xf32>
        %parallel_loop3A_1876 = arith.constant 7 : i32
        %parallel_loop3A_1877 = arith.index_cast %parallel_loop3A_1876 : i32 to index
        %parallel_loop3A_1878 = arith.index_cast %parallel_loop3A_453 : i32 to index
        %parallel_loop3A_1879 = arith.constant 320 : index
        %parallel_loop3A_1880 = tpu.vector_load %arg6[%parallel_loop3A_1877, %parallel_loop3A_1878, %parallel_loop3A_1879] {strides = array<i32>} : memref<9x16x512xf32, #tpu.memory_space<vmem>>, vector<1x1x16xf32>,
        %parallel_loop3A_1881 = vector.shape_cast %parallel_loop3A_1880 : vector<1x1x16xf32> to vector<16xf32>
        %parallel_loop3A_1882 = arith.constant 8 : i32
        %parallel_loop3A_1883 = arith.index_cast %parallel_loop3A_1882 : i32 to index
        %parallel_loop3A_1884 = arith.index_cast %parallel_loop3A_453 : i32 to index
        %parallel_loop3A_1885 = arith.constant 320 : index
        %parallel_loop3A_1886 = tpu.vector_load %arg6[%parallel_loop3A_1883, %parallel_loop3A_1884, %parallel_loop3A_1885] {strides = array<i32>} : memref<9x16x512xf32, #tpu.memory_space<vmem>>, vector<1x1x16xf32>,
        %parallel_loop3A_1887 = vector.shape_cast %parallel_loop3A_1886 : vector<1x1x16xf32> to vector<16xf32>
        %parallel_loop3A_1888 = arith.addf %parallel_loop3A_1839, %parallel_loop3A_1845 : vector<16xf32>
        %parallel_loop3A_1889 = arith.addf %parallel_loop3A_1851, %parallel_loop3A_1857 : vector<16xf32>
        %parallel_loop3A_1890 = arith.addf %parallel_loop3A_1863, %parallel_loop3A_1869 : vector<16xf32>
        %parallel_loop3A_1891 = arith.addf %parallel_loop3A_1875, %parallel_loop3A_1881 : vector<16xf32>
        %parallel_loop3A_1892 = arith.addf %parallel_loop3A_1888, %parallel_loop3A_1889 : vector<16xf32>
        %parallel_loop3A_1893 = arith.addf %parallel_loop3A_1890, %parallel_loop3A_1891 : vector<16xf32>
        %parallel_loop3A_1894 = arith.addf %parallel_loop3A_1892, %parallel_loop3A_1893 : vector<16xf32>
        %parallel_loop3A_1895 = arith.addf %parallel_loop3A_1894, %parallel_loop3A_1887 : vector<16xf32>
        %parallel_loop3A_1896 = arith.constant 2 : i32
        %parallel_loop3A_1897 = arith.index_cast %parallel_loop3A_1896 : i32 to index
        %parallel_loop3A_1898 = arith.index_cast %parallel_loop3A_453 : i32 to index
        %parallel_loop3A_1899 = arith.constant 64 : index
        %parallel_loop3A_1900 = tpu.vector_load %arg7[%parallel_loop3A_1897, %parallel_loop3A_1898, %parallel_loop3A_1899] {strides = array<i32>} : memref<4x16x128xf32, #tpu.memory_space<vmem>>, vector<1x1x16xf32>,
        %parallel_loop3A_1901 = vector.shape_cast %parallel_loop3A_1900 : vector<1x1x16xf32> to vector<16xf32>
        %parallel_loop3A_1902 = vector.shape_cast %parallel_loop3A_1895 : vector<16xf32> to vector<1x1x16xf32>
        tpu.vector_store %arg7[%parallel_loop3A_1897, %parallel_loop3A_1898, %parallel_loop3A_1899], %parallel_loop3A_1902 {strides = array<i32>} : memref<4x16x128xf32, #tpu.memory_space<vmem>>, vector<1x1x16xf32>,
        %parallel_loop3A_1903 = arith.constant 0 : i32
        %parallel_loop3A_1904 = arith.index_cast %parallel_loop3A_1903 : i32 to index
        %parallel_loop3A_1905 = arith.index_cast %parallel_loop3A_453 : i32 to index
        %parallel_loop3A_1906 = arith.constant 336 : index
        %parallel_loop3A_1907 = tpu.vector_load %arg6[%parallel_loop3A_1904, %parallel_loop3A_1905, %parallel_loop3A_1906] {strides = array<i32>} : memref<9x16x512xf32, #tpu.memory_space<vmem>>, vector<1x1x16xf32>,
        %parallel_loop3A_1908 = vector.shape_cast %parallel_loop3A_1907 : vector<1x1x16xf32> to vector<16xf32>
        %parallel_loop3A_1909 = arith.constant 1 : i32
        %parallel_loop3A_1910 = arith.index_cast %parallel_loop3A_1909 : i32 to index
        %parallel_loop3A_1911 = arith.index_cast %parallel_loop3A_453 : i32 to index
        %parallel_loop3A_1912 = arith.constant 336 : index
        %parallel_loop3A_1913 = tpu.vector_load %arg6[%parallel_loop3A_1910, %parallel_loop3A_1911, %parallel_loop3A_1912] {strides = array<i32>} : memref<9x16x512xf32, #tpu.memory_space<vmem>>, vector<1x1x16xf32>,
        %parallel_loop3A_1914 = vector.shape_cast %parallel_loop3A_1913 : vector<1x1x16xf32> to vector<16xf32>
        %parallel_loop3A_1915 = arith.constant 2 : i32
        %parallel_loop3A_1916 = arith.index_cast %parallel_loop3A_1915 : i32 to index
        %parallel_loop3A_1917 = arith.index_cast %parallel_loop3A_453 : i32 to index
        %parallel_loop3A_1918 = arith.constant 336 : index
        %parallel_loop3A_1919 = tpu.vector_load %arg6[%parallel_loop3A_1916, %parallel_loop3A_1917, %parallel_loop3A_1918] {strides = array<i32>} : memref<9x16x512xf32, #tpu.memory_space<vmem>>, vector<1x1x16xf32>,
        %parallel_loop3A_1920 = vector.shape_cast %parallel_loop3A_1919 : vector<1x1x16xf32> to vector<16xf32>
        %parallel_loop3A_1921 = arith.constant 3 : i32
        %parallel_loop3A_1922 = arith.index_cast %parallel_loop3A_1921 : i32 to index
        %parallel_loop3A_1923 = arith.index_cast %parallel_loop3A_453 : i32 to index
        %parallel_loop3A_1924 = arith.constant 336 : index
        %parallel_loop3A_1925 = tpu.vector_load %arg6[%parallel_loop3A_1922, %parallel_loop3A_1923, %parallel_loop3A_1924] {strides = array<i32>} : memref<9x16x512xf32, #tpu.memory_space<vmem>>, vector<1x1x16xf32>,
        %parallel_loop3A_1926 = vector.shape_cast %parallel_loop3A_1925 : vector<1x1x16xf32> to vector<16xf32>
        %parallel_loop3A_1927 = arith.constant 4 : i32
        %parallel_loop3A_1928 = arith.index_cast %parallel_loop3A_1927 : i32 to index
        %parallel_loop3A_1929 = arith.index_cast %parallel_loop3A_453 : i32 to index
        %parallel_loop3A_1930 = arith.constant 336 : index
        %parallel_loop3A_1931 = tpu.vector_load %arg6[%parallel_loop3A_1928, %parallel_loop3A_1929, %parallel_loop3A_1930] {strides = array<i32>} : memref<9x16x512xf32, #tpu.memory_space<vmem>>, vector<1x1x16xf32>,
        %parallel_loop3A_1932 = vector.shape_cast %parallel_loop3A_1931 : vector<1x1x16xf32> to vector<16xf32>
        %parallel_loop3A_1933 = arith.constant 5 : i32
        %parallel_loop3A_1934 = arith.index_cast %parallel_loop3A_1933 : i32 to index
        %parallel_loop3A_1935 = arith.index_cast %parallel_loop3A_453 : i32 to index
        %parallel_loop3A_1936 = arith.constant 336 : index
        %parallel_loop3A_1937 = tpu.vector_load %arg6[%parallel_loop3A_1934, %parallel_loop3A_1935, %parallel_loop3A_1936] {strides = array<i32>} : memref<9x16x512xf32, #tpu.memory_space<vmem>>, vector<1x1x16xf32>,
        %parallel_loop3A_1938 = vector.shape_cast %parallel_loop3A_1937 : vector<1x1x16xf32> to vector<16xf32>
        %parallel_loop3A_1939 = arith.constant 6 : i32
        %parallel_loop3A_1940 = arith.index_cast %parallel_loop3A_1939 : i32 to index
        %parallel_loop3A_1941 = arith.index_cast %parallel_loop3A_453 : i32 to index
        %parallel_loop3A_1942 = arith.constant 336 : index
        %parallel_loop3A_1943 = tpu.vector_load %arg6[%parallel_loop3A_1940, %parallel_loop3A_1941, %parallel_loop3A_1942] {strides = array<i32>} : memref<9x16x512xf32, #tpu.memory_space<vmem>>, vector<1x1x16xf32>,
        %parallel_loop3A_1944 = vector.shape_cast %parallel_loop3A_1943 : vector<1x1x16xf32> to vector<16xf32>
        %parallel_loop3A_1945 = arith.constant 7 : i32
        %parallel_loop3A_1946 = arith.index_cast %parallel_loop3A_1945 : i32 to index
        %parallel_loop3A_1947 = arith.index_cast %parallel_loop3A_453 : i32 to index
        %parallel_loop3A_1948 = arith.constant 336 : index
        %parallel_loop3A_1949 = tpu.vector_load %arg6[%parallel_loop3A_1946, %parallel_loop3A_1947, %parallel_loop3A_1948] {strides = array<i32>} : memref<9x16x512xf32, #tpu.memory_space<vmem>>, vector<1x1x16xf32>,
        %parallel_loop3A_1950 = vector.shape_cast %parallel_loop3A_1949 : vector<1x1x16xf32> to vector<16xf32>
        %parallel_loop3A_1951 = arith.constant 8 : i32
        %parallel_loop3A_1952 = arith.index_cast %parallel_loop3A_1951 : i32 to index
        %parallel_loop3A_1953 = arith.index_cast %parallel_loop3A_453 : i32 to index
        %parallel_loop3A_1954 = arith.constant 336 : index
        %parallel_loop3A_1955 = tpu.vector_load %arg6[%parallel_loop3A_1952, %parallel_loop3A_1953, %parallel_loop3A_1954] {strides = array<i32>} : memref<9x16x512xf32, #tpu.memory_space<vmem>>, vector<1x1x16xf32>,
        %parallel_loop3A_1956 = vector.shape_cast %parallel_loop3A_1955 : vector<1x1x16xf32> to vector<16xf32>
        %parallel_loop3A_1957 = arith.addf %parallel_loop3A_1908, %parallel_loop3A_1914 : vector<16xf32>
        %parallel_loop3A_1958 = arith.addf %parallel_loop3A_1920, %parallel_loop3A_1926 : vector<16xf32>
        %parallel_loop3A_1959 = arith.addf %parallel_loop3A_1932, %parallel_loop3A_1938 : vector<16xf32>
        %parallel_loop3A_1960 = arith.addf %parallel_loop3A_1944, %parallel_loop3A_1950 : vector<16xf32>
        %parallel_loop3A_1961 = arith.addf %parallel_loop3A_1957, %parallel_loop3A_1958 : vector<16xf32>
        %parallel_loop3A_1962 = arith.addf %parallel_loop3A_1959, %parallel_loop3A_1960 : vector<16xf32>
        %parallel_loop3A_1963 = arith.addf %parallel_loop3A_1961, %parallel_loop3A_1962 : vector<16xf32>
        %parallel_loop3A_1964 = arith.addf %parallel_loop3A_1963, %parallel_loop3A_1956 : vector<16xf32>
        %parallel_loop3A_1965 = arith.constant 2 : i32
        %parallel_loop3A_1966 = arith.index_cast %parallel_loop3A_1965 : i32 to index
        %parallel_loop3A_1967 = arith.index_cast %parallel_loop3A_453 : i32 to index
        %parallel_loop3A_1968 = arith.constant 80 : index
        %parallel_loop3A_1969 = tpu.vector_load %arg7[%parallel_loop3A_1966, %parallel_loop3A_1967, %parallel_loop3A_1968] {strides = array<i32>} : memref<4x16x128xf32, #tpu.memory_space<vmem>>, vector<1x1x16xf32>,
        %parallel_loop3A_1970 = vector.shape_cast %parallel_loop3A_1969 : vector<1x1x16xf32> to vector<16xf32>
        %parallel_loop3A_1971 = vector.shape_cast %parallel_loop3A_1964 : vector<16xf32> to vector<1x1x16xf32>
        tpu.vector_store %arg7[%parallel_loop3A_1966, %parallel_loop3A_1967, %parallel_loop3A_1968], %parallel_loop3A_1971 {strides = array<i32>} : memref<4x16x128xf32, #tpu.memory_space<vmem>>, vector<1x1x16xf32>,
        %parallel_loop3A_1972 = arith.constant 0 : i32
        %parallel_loop3A_1973 = arith.index_cast %parallel_loop3A_1972 : i32 to index
        %parallel_loop3A_1974 = arith.index_cast %parallel_loop3A_453 : i32 to index
        %parallel_loop3A_1975 = arith.constant 352 : index
        %parallel_loop3A_1976 = tpu.vector_load %arg6[%parallel_loop3A_1973, %parallel_loop3A_1974, %parallel_loop3A_1975] {strides = array<i32>} : memref<9x16x512xf32, #tpu.memory_space<vmem>>, vector<1x1x16xf32>,
        %parallel_loop3A_1977 = vector.shape_cast %parallel_loop3A_1976 : vector<1x1x16xf32> to vector<16xf32>
        %parallel_loop3A_1978 = arith.constant 1 : i32
        %parallel_loop3A_1979 = arith.index_cast %parallel_loop3A_1978 : i32 to index
        %parallel_loop3A_1980 = arith.index_cast %parallel_loop3A_453 : i32 to index
        %parallel_loop3A_1981 = arith.constant 352 : index
        %parallel_loop3A_1982 = tpu.vector_load %arg6[%parallel_loop3A_1979, %parallel_loop3A_1980, %parallel_loop3A_1981] {strides = array<i32>} : memref<9x16x512xf32, #tpu.memory_space<vmem>>, vector<1x1x16xf32>,
        %parallel_loop3A_1983 = vector.shape_cast %parallel_loop3A_1982 : vector<1x1x16xf32> to vector<16xf32>
        %parallel_loop3A_1984 = arith.constant 2 : i32
        %parallel_loop3A_1985 = arith.index_cast %parallel_loop3A_1984 : i32 to index
        %parallel_loop3A_1986 = arith.index_cast %parallel_loop3A_453 : i32 to index
        %parallel_loop3A_1987 = arith.constant 352 : index
        %parallel_loop3A_1988 = tpu.vector_load %arg6[%parallel_loop3A_1985, %parallel_loop3A_1986, %parallel_loop3A_1987] {strides = array<i32>} : memref<9x16x512xf32, #tpu.memory_space<vmem>>, vector<1x1x16xf32>,
        %parallel_loop3A_1989 = vector.shape_cast %parallel_loop3A_1988 : vector<1x1x16xf32> to vector<16xf32>
        %parallel_loop3A_1990 = arith.constant 3 : i32
        %parallel_loop3A_1991 = arith.index_cast %parallel_loop3A_1990 : i32 to index
        %parallel_loop3A_1992 = arith.index_cast %parallel_loop3A_453 : i32 to index
        %parallel_loop3A_1993 = arith.constant 352 : index
        %parallel_loop3A_1994 = tpu.vector_load %arg6[%parallel_loop3A_1991, %parallel_loop3A_1992, %parallel_loop3A_1993] {strides = array<i32>} : memref<9x16x512xf32, #tpu.memory_space<vmem>>, vector<1x1x16xf32>,
        %parallel_loop3A_1995 = vector.shape_cast %parallel_loop3A_1994 : vector<1x1x16xf32> to vector<16xf32>
        %parallel_loop3A_1996 = arith.constant 4 : i32
        %parallel_loop3A_1997 = arith.index_cast %parallel_loop3A_1996 : i32 to index
        %parallel_loop3A_1998 = arith.index_cast %parallel_loop3A_453 : i32 to index
        %parallel_loop3A_1999 = arith.constant 352 : index
        %parallel_loop3A_2000 = tpu.vector_load %arg6[%parallel_loop3A_1997, %parallel_loop3A_1998, %parallel_loop3A_1999] {strides = array<i32>} : memref<9x16x512xf32, #tpu.memory_space<vmem>>, vector<1x1x16xf32>,
        %parallel_loop3A_2001 = vector.shape_cast %parallel_loop3A_2000 : vector<1x1x16xf32> to vector<16xf32>
        %parallel_loop3A_2002 = arith.constant 5 : i32
        %parallel_loop3A_2003 = arith.index_cast %parallel_loop3A_2002 : i32 to index
        %parallel_loop3A_2004 = arith.index_cast %parallel_loop3A_453 : i32 to index
        %parallel_loop3A_2005 = arith.constant 352 : index
        %parallel_loop3A_2006 = tpu.vector_load %arg6[%parallel_loop3A_2003, %parallel_loop3A_2004, %parallel_loop3A_2005] {strides = array<i32>} : memref<9x16x512xf32, #tpu.memory_space<vmem>>, vector<1x1x16xf32>,
        %parallel_loop3A_2007 = vector.shape_cast %parallel_loop3A_2006 : vector<1x1x16xf32> to vector<16xf32>
        %parallel_loop3A_2008 = arith.constant 6 : i32
        %parallel_loop3A_2009 = arith.index_cast %parallel_loop3A_2008 : i32 to index
        %parallel_loop3A_2010 = arith.index_cast %parallel_loop3A_453 : i32 to index
        %parallel_loop3A_2011 = arith.constant 352 : index
        %parallel_loop3A_2012 = tpu.vector_load %arg6[%parallel_loop3A_2009, %parallel_loop3A_2010, %parallel_loop3A_2011] {strides = array<i32>} : memref<9x16x512xf32, #tpu.memory_space<vmem>>, vector<1x1x16xf32>,
        %parallel_loop3A_2013 = vector.shape_cast %parallel_loop3A_2012 : vector<1x1x16xf32> to vector<16xf32>
        %parallel_loop3A_2014 = arith.constant 7 : i32
        %parallel_loop3A_2015 = arith.index_cast %parallel_loop3A_2014 : i32 to index
        %parallel_loop3A_2016 = arith.index_cast %parallel_loop3A_453 : i32 to index
        %parallel_loop3A_2017 = arith.constant 352 : index
        %parallel_loop3A_2018 = tpu.vector_load %arg6[%parallel_loop3A_2015, %parallel_loop3A_2016, %parallel_loop3A_2017] {strides = array<i32>} : memref<9x16x512xf32, #tpu.memory_space<vmem>>, vector<1x1x16xf32>,
        %parallel_loop3A_2019 = vector.shape_cast %parallel_loop3A_2018 : vector<1x1x16xf32> to vector<16xf32>
        %parallel_loop3A_2020 = arith.constant 8 : i32
        %parallel_loop3A_2021 = arith.index_cast %parallel_loop3A_2020 : i32 to index
        %parallel_loop3A_2022 = arith.index_cast %parallel_loop3A_453 : i32 to index
        %parallel_loop3A_2023 = arith.constant 352 : index
        %parallel_loop3A_2024 = tpu.vector_load %arg6[%parallel_loop3A_2021, %parallel_loop3A_2022, %parallel_loop3A_2023] {strides = array<i32>} : memref<9x16x512xf32, #tpu.memory_space<vmem>>, vector<1x1x16xf32>,
        %parallel_loop3A_2025 = vector.shape_cast %parallel_loop3A_2024 : vector<1x1x16xf32> to vector<16xf32>
        %parallel_loop3A_2026 = arith.addf %parallel_loop3A_1977, %parallel_loop3A_1983 : vector<16xf32>
        %parallel_loop3A_2027 = arith.addf %parallel_loop3A_1989, %parallel_loop3A_1995 : vector<16xf32>
        %parallel_loop3A_2028 = arith.addf %parallel_loop3A_2001, %parallel_loop3A_2007 : vector<16xf32>
        %parallel_loop3A_2029 = arith.addf %parallel_loop3A_2013, %parallel_loop3A_2019 : vector<16xf32>
        %parallel_loop3A_2030 = arith.addf %parallel_loop3A_2026, %parallel_loop3A_2027 : vector<16xf32>
        %parallel_loop3A_2031 = arith.addf %parallel_loop3A_2028, %parallel_loop3A_2029 : vector<16xf32>
        %parallel_loop3A_2032 = arith.addf %parallel_loop3A_2030, %parallel_loop3A_2031 : vector<16xf32>
        %parallel_loop3A_2033 = arith.addf %parallel_loop3A_2032, %parallel_loop3A_2025 : vector<16xf32>
        %parallel_loop3A_2034 = arith.constant 2 : i32
        %parallel_loop3A_2035 = arith.index_cast %parallel_loop3A_2034 : i32 to index
        %parallel_loop3A_2036 = arith.index_cast %parallel_loop3A_453 : i32 to index
        %parallel_loop3A_2037 = arith.constant 96 : index
        %parallel_loop3A_2038 = tpu.vector_load %arg7[%parallel_loop3A_2035, %parallel_loop3A_2036, %parallel_loop3A_2037] {strides = array<i32>} : memref<4x16x128xf32, #tpu.memory_space<vmem>>, vector<1x1x16xf32>,
        %parallel_loop3A_2039 = vector.shape_cast %parallel_loop3A_2038 : vector<1x1x16xf32> to vector<16xf32>
        %parallel_loop3A_2040 = vector.shape_cast %parallel_loop3A_2033 : vector<16xf32> to vector<1x1x16xf32>
        tpu.vector_store %arg7[%parallel_loop3A_2035, %parallel_loop3A_2036, %parallel_loop3A_2037], %parallel_loop3A_2040 {strides = array<i32>} : memref<4x16x128xf32, #tpu.memory_space<vmem>>, vector<1x1x16xf32>,
        %parallel_loop3A_2041 = arith.constant 0 : i32
        %parallel_loop3A_2042 = arith.index_cast %parallel_loop3A_2041 : i32 to index
        %parallel_loop3A_2043 = arith.index_cast %parallel_loop3A_453 : i32 to index
        %parallel_loop3A_2044 = arith.constant 368 : index
        %parallel_loop3A_2045 = tpu.vector_load %arg6[%parallel_loop3A_2042, %parallel_loop3A_2043, %parallel_loop3A_2044] {strides = array<i32>} : memref<9x16x512xf32, #tpu.memory_space<vmem>>, vector<1x1x16xf32>,
        %parallel_loop3A_2046 = vector.shape_cast %parallel_loop3A_2045 : vector<1x1x16xf32> to vector<16xf32>
        %parallel_loop3A_2047 = arith.constant 1 : i32
        %parallel_loop3A_2048 = arith.index_cast %parallel_loop3A_2047 : i32 to index
        %parallel_loop3A_2049 = arith.index_cast %parallel_loop3A_453 : i32 to index
        %parallel_loop3A_2050 = arith.constant 368 : index
        %parallel_loop3A_2051 = tpu.vector_load %arg6[%parallel_loop3A_2048, %parallel_loop3A_2049, %parallel_loop3A_2050] {strides = array<i32>} : memref<9x16x512xf32, #tpu.memory_space<vmem>>, vector<1x1x16xf32>,
        %parallel_loop3A_2052 = vector.shape_cast %parallel_loop3A_2051 : vector<1x1x16xf32> to vector<16xf32>
        %parallel_loop3A_2053 = arith.constant 2 : i32
        %parallel_loop3A_2054 = arith.index_cast %parallel_loop3A_2053 : i32 to index
        %parallel_loop3A_2055 = arith.index_cast %parallel_loop3A_453 : i32 to index
        %parallel_loop3A_2056 = arith.constant 368 : index
        %parallel_loop3A_2057 = tpu.vector_load %arg6[%parallel_loop3A_2054, %parallel_loop3A_2055, %parallel_loop3A_2056] {strides = array<i32>} : memref<9x16x512xf32, #tpu.memory_space<vmem>>, vector<1x1x16xf32>,
        %parallel_loop3A_2058 = vector.shape_cast %parallel_loop3A_2057 : vector<1x1x16xf32> to vector<16xf32>
        %parallel_loop3A_2059 = arith.constant 3 : i32
        %parallel_loop3A_2060 = arith.index_cast %parallel_loop3A_2059 : i32 to index
        %parallel_loop3A_2061 = arith.index_cast %parallel_loop3A_453 : i32 to index
        %parallel_loop3A_2062 = arith.constant 368 : index
        %parallel_loop3A_2063 = tpu.vector_load %arg6[%parallel_loop3A_2060, %parallel_loop3A_2061, %parallel_loop3A_2062] {strides = array<i32>} : memref<9x16x512xf32, #tpu.memory_space<vmem>>, vector<1x1x16xf32>,
        %parallel_loop3A_2064 = vector.shape_cast %parallel_loop3A_2063 : vector<1x1x16xf32> to vector<16xf32>
        %parallel_loop3A_2065 = arith.constant 4 : i32
        %parallel_loop3A_2066 = arith.index_cast %parallel_loop3A_2065 : i32 to index
        %parallel_loop3A_2067 = arith.index_cast %parallel_loop3A_453 : i32 to index
        %parallel_loop3A_2068 = arith.constant 368 : index
        %parallel_loop3A_2069 = tpu.vector_load %arg6[%parallel_loop3A_2066, %parallel_loop3A_2067, %parallel_loop3A_2068] {strides = array<i32>} : memref<9x16x512xf32, #tpu.memory_space<vmem>>, vector<1x1x16xf32>,
        %parallel_loop3A_2070 = vector.shape_cast %parallel_loop3A_2069 : vector<1x1x16xf32> to vector<16xf32>
        %parallel_loop3A_2071 = arith.constant 5 : i32
        %parallel_loop3A_2072 = arith.index_cast %parallel_loop3A_2071 : i32 to index
        %parallel_loop3A_2073 = arith.index_cast %parallel_loop3A_453 : i32 to index
        %parallel_loop3A_2074 = arith.constant 368 : index
        %parallel_loop3A_2075 = tpu.vector_load %arg6[%parallel_loop3A_2072, %parallel_loop3A_2073, %parallel_loop3A_2074] {strides = array<i32>} : memref<9x16x512xf32, #tpu.memory_space<vmem>>, vector<1x1x16xf32>,
        %parallel_loop3A_2076 = vector.shape_cast %parallel_loop3A_2075 : vector<1x1x16xf32> to vector<16xf32>
        %parallel_loop3A_2077 = arith.constant 6 : i32
        %parallel_loop3A_2078 = arith.index_cast %parallel_loop3A_2077 : i32 to index
        %parallel_loop3A_2079 = arith.index_cast %parallel_loop3A_453 : i32 to index
        %parallel_loop3A_2080 = arith.constant 368 : index
        %parallel_loop3A_2081 = tpu.vector_load %arg6[%parallel_loop3A_2078, %parallel_loop3A_2079, %parallel_loop3A_2080] {strides = array<i32>} : memref<9x16x512xf32, #tpu.memory_space<vmem>>, vector<1x1x16xf32>,
        %parallel_loop3A_2082 = vector.shape_cast %parallel_loop3A_2081 : vector<1x1x16xf32> to vector<16xf32>
        %parallel_loop3A_2083 = arith.constant 7 : i32
        %parallel_loop3A_2084 = arith.index_cast %parallel_loop3A_2083 : i32 to index
        %parallel_loop3A_2085 = arith.index_cast %parallel_loop3A_453 : i32 to index
        %parallel_loop3A_2086 = arith.constant 368 : index
        %parallel_loop3A_2087 = tpu.vector_load %arg6[%parallel_loop3A_2084, %parallel_loop3A_2085, %parallel_loop3A_2086] {strides = array<i32>} : memref<9x16x512xf32, #tpu.memory_space<vmem>>, vector<1x1x16xf32>,
        %parallel_loop3A_2088 = vector.shape_cast %parallel_loop3A_2087 : vector<1x1x16xf32> to vector<16xf32>
        %parallel_loop3A_2089 = arith.constant 8 : i32
        %parallel_loop3A_2090 = arith.index_cast %parallel_loop3A_2089 : i32 to index
        %parallel_loop3A_2091 = arith.index_cast %parallel_loop3A_453 : i32 to index
        %parallel_loop3A_2092 = arith.constant 368 : index
        %parallel_loop3A_2093 = tpu.vector_load %arg6[%parallel_loop3A_2090, %parallel_loop3A_2091, %parallel_loop3A_2092] {strides = array<i32>} : memref<9x16x512xf32, #tpu.memory_space<vmem>>, vector<1x1x16xf32>,
        %parallel_loop3A_2094 = vector.shape_cast %parallel_loop3A_2093 : vector<1x1x16xf32> to vector<16xf32>
        %parallel_loop3A_2095 = arith.addf %parallel_loop3A_2046, %parallel_loop3A_2052 : vector<16xf32>
        %parallel_loop3A_2096 = arith.addf %parallel_loop3A_2058, %parallel_loop3A_2064 : vector<16xf32>
        %parallel_loop3A_2097 = arith.addf %parallel_loop3A_2070, %parallel_loop3A_2076 : vector<16xf32>
        %parallel_loop3A_2098 = arith.addf %parallel_loop3A_2082, %parallel_loop3A_2088 : vector<16xf32>
        %parallel_loop3A_2099 = arith.addf %parallel_loop3A_2095, %parallel_loop3A_2096 : vector<16xf32>
        %parallel_loop3A_2100 = arith.addf %parallel_loop3A_2097, %parallel_loop3A_2098 : vector<16xf32>
        %parallel_loop3A_2101 = arith.addf %parallel_loop3A_2099, %parallel_loop3A_2100 : vector<16xf32>
        %parallel_loop3A_2102 = arith.addf %parallel_loop3A_2101, %parallel_loop3A_2094 : vector<16xf32>
        %parallel_loop3A_2103 = arith.constant 2 : i32
        %parallel_loop3A_2104 = arith.index_cast %parallel_loop3A_2103 : i32 to index
        %parallel_loop3A_2105 = arith.index_cast %parallel_loop3A_453 : i32 to index
        %parallel_loop3A_2106 = arith.constant 112 : index
        %parallel_loop3A_2107 = tpu.vector_load %arg7[%parallel_loop3A_2104, %parallel_loop3A_2105, %parallel_loop3A_2106] {strides = array<i32>} : memref<4x16x128xf32, #tpu.memory_space<vmem>>, vector<1x1x16xf32>,
        %parallel_loop3A_2108 = vector.shape_cast %parallel_loop3A_2107 : vector<1x1x16xf32> to vector<16xf32>
        %parallel_loop3A_2109 = vector.shape_cast %parallel_loop3A_2102 : vector<16xf32> to vector<1x1x16xf32>
        tpu.vector_store %arg7[%parallel_loop3A_2104, %parallel_loop3A_2105, %parallel_loop3A_2106], %parallel_loop3A_2109 {strides = array<i32>} : memref<4x16x128xf32, #tpu.memory_space<vmem>>, vector<1x1x16xf32>,
        %parallel_loop3A_2110 = arith.constant 0 : i32
        %parallel_loop3A_2111 = arith.index_cast %parallel_loop3A_2110 : i32 to index
        %parallel_loop3A_2112 = arith.index_cast %parallel_loop3A_453 : i32 to index
        %parallel_loop3A_2113 = arith.constant 384 : index
        %parallel_loop3A_2114 = tpu.vector_load %arg6[%parallel_loop3A_2111, %parallel_loop3A_2112, %parallel_loop3A_2113] {strides = array<i32>} : memref<9x16x512xf32, #tpu.memory_space<vmem>>, vector<1x1x16xf32>,
        %parallel_loop3A_2115 = vector.shape_cast %parallel_loop3A_2114 : vector<1x1x16xf32> to vector<16xf32>
        %parallel_loop3A_2116 = arith.constant 1 : i32
        %parallel_loop3A_2117 = arith.index_cast %parallel_loop3A_2116 : i32 to index
        %parallel_loop3A_2118 = arith.index_cast %parallel_loop3A_453 : i32 to index
        %parallel_loop3A_2119 = arith.constant 384 : index
        %parallel_loop3A_2120 = tpu.vector_load %arg6[%parallel_loop3A_2117, %parallel_loop3A_2118, %parallel_loop3A_2119] {strides = array<i32>} : memref<9x16x512xf32, #tpu.memory_space<vmem>>, vector<1x1x16xf32>,
        %parallel_loop3A_2121 = vector.shape_cast %parallel_loop3A_2120 : vector<1x1x16xf32> to vector<16xf32>
        %parallel_loop3A_2122 = arith.constant 2 : i32
        %parallel_loop3A_2123 = arith.index_cast %parallel_loop3A_2122 : i32 to index
        %parallel_loop3A_2124 = arith.index_cast %parallel_loop3A_453 : i32 to index
        %parallel_loop3A_2125 = arith.constant 384 : index
        %parallel_loop3A_2126 = tpu.vector_load %arg6[%parallel_loop3A_2123, %parallel_loop3A_2124, %parallel_loop3A_2125] {strides = array<i32>} : memref<9x16x512xf32, #tpu.memory_space<vmem>>, vector<1x1x16xf32>,
        %parallel_loop3A_2127 = vector.shape_cast %parallel_loop3A_2126 : vector<1x1x16xf32> to vector<16xf32>
        %parallel_loop3A_2128 = arith.constant 3 : i32
        %parallel_loop3A_2129 = arith.index_cast %parallel_loop3A_2128 : i32 to index
        %parallel_loop3A_2130 = arith.index_cast %parallel_loop3A_453 : i32 to index
        %parallel_loop3A_2131 = arith.constant 384 : index
        %parallel_loop3A_2132 = tpu.vector_load %arg6[%parallel_loop3A_2129, %parallel_loop3A_2130, %parallel_loop3A_2131] {strides = array<i32>} : memref<9x16x512xf32, #tpu.memory_space<vmem>>, vector<1x1x16xf32>,
        %parallel_loop3A_2133 = vector.shape_cast %parallel_loop3A_2132 : vector<1x1x16xf32> to vector<16xf32>
        %parallel_loop3A_2134 = arith.constant 4 : i32
        %parallel_loop3A_2135 = arith.index_cast %parallel_loop3A_2134 : i32 to index
        %parallel_loop3A_2136 = arith.index_cast %parallel_loop3A_453 : i32 to index
        %parallel_loop3A_2137 = arith.constant 384 : index
        %parallel_loop3A_2138 = tpu.vector_load %arg6[%parallel_loop3A_2135, %parallel_loop3A_2136, %parallel_loop3A_2137] {strides = array<i32>} : memref<9x16x512xf32, #tpu.memory_space<vmem>>, vector<1x1x16xf32>,
        %parallel_loop3A_2139 = vector.shape_cast %parallel_loop3A_2138 : vector<1x1x16xf32> to vector<16xf32>
        %parallel_loop3A_2140 = arith.constant 5 : i32
        %parallel_loop3A_2141 = arith.index_cast %parallel_loop3A_2140 : i32 to index
        %parallel_loop3A_2142 = arith.index_cast %parallel_loop3A_453 : i32 to index
        %parallel_loop3A_2143 = arith.constant 384 : index
        %parallel_loop3A_2144 = tpu.vector_load %arg6[%parallel_loop3A_2141, %parallel_loop3A_2142, %parallel_loop3A_2143] {strides = array<i32>} : memref<9x16x512xf32, #tpu.memory_space<vmem>>, vector<1x1x16xf32>,
        %parallel_loop3A_2145 = vector.shape_cast %parallel_loop3A_2144 : vector<1x1x16xf32> to vector<16xf32>
        %parallel_loop3A_2146 = arith.constant 6 : i32
        %parallel_loop3A_2147 = arith.index_cast %parallel_loop3A_2146 : i32 to index
        %parallel_loop3A_2148 = arith.index_cast %parallel_loop3A_453 : i32 to index
        %parallel_loop3A_2149 = arith.constant 384 : index
        %parallel_loop3A_2150 = tpu.vector_load %arg6[%parallel_loop3A_2147, %parallel_loop3A_2148, %parallel_loop3A_2149] {strides = array<i32>} : memref<9x16x512xf32, #tpu.memory_space<vmem>>, vector<1x1x16xf32>,
        %parallel_loop3A_2151 = vector.shape_cast %parallel_loop3A_2150 : vector<1x1x16xf32> to vector<16xf32>
        %parallel_loop3A_2152 = arith.constant 7 : i32
        %parallel_loop3A_2153 = arith.index_cast %parallel_loop3A_2152 : i32 to index
        %parallel_loop3A_2154 = arith.index_cast %parallel_loop3A_453 : i32 to index
        %parallel_loop3A_2155 = arith.constant 384 : index
        %parallel_loop3A_2156 = tpu.vector_load %arg6[%parallel_loop3A_2153, %parallel_loop3A_2154, %parallel_loop3A_2155] {strides = array<i32>} : memref<9x16x512xf32, #tpu.memory_space<vmem>>, vector<1x1x16xf32>,
        %parallel_loop3A_2157 = vector.shape_cast %parallel_loop3A_2156 : vector<1x1x16xf32> to vector<16xf32>
        %parallel_loop3A_2158 = arith.constant 8 : i32
        %parallel_loop3A_2159 = arith.index_cast %parallel_loop3A_2158 : i32 to index
        %parallel_loop3A_2160 = arith.index_cast %parallel_loop3A_453 : i32 to index
        %parallel_loop3A_2161 = arith.constant 384 : index
        %parallel_loop3A_2162 = tpu.vector_load %arg6[%parallel_loop3A_2159, %parallel_loop3A_2160, %parallel_loop3A_2161] {strides = array<i32>} : memref<9x16x512xf32, #tpu.memory_space<vmem>>, vector<1x1x16xf32>,
        %parallel_loop3A_2163 = vector.shape_cast %parallel_loop3A_2162 : vector<1x1x16xf32> to vector<16xf32>
        %parallel_loop3A_2164 = arith.addf %parallel_loop3A_2115, %parallel_loop3A_2121 : vector<16xf32>
        %parallel_loop3A_2165 = arith.addf %parallel_loop3A_2127, %parallel_loop3A_2133 : vector<16xf32>
        %parallel_loop3A_2166 = arith.addf %parallel_loop3A_2139, %parallel_loop3A_2145 : vector<16xf32>
        %parallel_loop3A_2167 = arith.addf %parallel_loop3A_2151, %parallel_loop3A_2157 : vector<16xf32>
        %parallel_loop3A_2168 = arith.addf %parallel_loop3A_2164, %parallel_loop3A_2165 : vector<16xf32>
        %parallel_loop3A_2169 = arith.addf %parallel_loop3A_2166, %parallel_loop3A_2167 : vector<16xf32>
        %parallel_loop3A_2170 = arith.addf %parallel_loop3A_2168, %parallel_loop3A_2169 : vector<16xf32>
        %parallel_loop3A_2171 = arith.addf %parallel_loop3A_2170, %parallel_loop3A_2163 : vector<16xf32>
        %parallel_loop3A_2172 = arith.constant 3 : i32
        %parallel_loop3A_2173 = arith.index_cast %parallel_loop3A_2172 : i32 to index
        %parallel_loop3A_2174 = arith.index_cast %parallel_loop3A_453 : i32 to index
        %parallel_loop3A_2175 = arith.constant 0 : index
        %parallel_loop3A_2176 = tpu.vector_load %arg7[%parallel_loop3A_2173, %parallel_loop3A_2174, %parallel_loop3A_2175] {strides = array<i32>} : memref<4x16x128xf32, #tpu.memory_space<vmem>>, vector<1x1x16xf32>,
        %parallel_loop3A_2177 = vector.shape_cast %parallel_loop3A_2176 : vector<1x1x16xf32> to vector<16xf32>
        %parallel_loop3A_2178 = vector.shape_cast %parallel_loop3A_2171 : vector<16xf32> to vector<1x1x16xf32>
        tpu.vector_store %arg7[%parallel_loop3A_2173, %parallel_loop3A_2174, %parallel_loop3A_2175], %parallel_loop3A_2178 {strides = array<i32>} : memref<4x16x128xf32, #tpu.memory_space<vmem>>, vector<1x1x16xf32>,
        %parallel_loop3A_2179 = arith.constant 0 : i32
        %parallel_loop3A_2180 = arith.index_cast %parallel_loop3A_2179 : i32 to index
        %parallel_loop3A_2181 = arith.index_cast %parallel_loop3A_453 : i32 to index
        %parallel_loop3A_2182 = arith.constant 400 : index
        %parallel_loop3A_2183 = tpu.vector_load %arg6[%parallel_loop3A_2180, %parallel_loop3A_2181, %parallel_loop3A_2182] {strides = array<i32>} : memref<9x16x512xf32, #tpu.memory_space<vmem>>, vector<1x1x16xf32>,
        %parallel_loop3A_2184 = vector.shape_cast %parallel_loop3A_2183 : vector<1x1x16xf32> to vector<16xf32>
        %parallel_loop3A_2185 = arith.constant 1 : i32
        %parallel_loop3A_2186 = arith.index_cast %parallel_loop3A_2185 : i32 to index
        %parallel_loop3A_2187 = arith.index_cast %parallel_loop3A_453 : i32 to index
        %parallel_loop3A_2188 = arith.constant 400 : index
        %parallel_loop3A_2189 = tpu.vector_load %arg6[%parallel_loop3A_2186, %parallel_loop3A_2187, %parallel_loop3A_2188] {strides = array<i32>} : memref<9x16x512xf32, #tpu.memory_space<vmem>>, vector<1x1x16xf32>,
        %parallel_loop3A_2190 = vector.shape_cast %parallel_loop3A_2189 : vector<1x1x16xf32> to vector<16xf32>
        %parallel_loop3A_2191 = arith.constant 2 : i32
        %parallel_loop3A_2192 = arith.index_cast %parallel_loop3A_2191 : i32 to index
        %parallel_loop3A_2193 = arith.index_cast %parallel_loop3A_453 : i32 to index
        %parallel_loop3A_2194 = arith.constant 400 : index
        %parallel_loop3A_2195 = tpu.vector_load %arg6[%parallel_loop3A_2192, %parallel_loop3A_2193, %parallel_loop3A_2194] {strides = array<i32>} : memref<9x16x512xf32, #tpu.memory_space<vmem>>, vector<1x1x16xf32>,
        %parallel_loop3A_2196 = vector.shape_cast %parallel_loop3A_2195 : vector<1x1x16xf32> to vector<16xf32>
        %parallel_loop3A_2197 = arith.constant 3 : i32
        %parallel_loop3A_2198 = arith.index_cast %parallel_loop3A_2197 : i32 to index
        %parallel_loop3A_2199 = arith.index_cast %parallel_loop3A_453 : i32 to index
        %parallel_loop3A_2200 = arith.constant 400 : index
        %parallel_loop3A_2201 = tpu.vector_load %arg6[%parallel_loop3A_2198, %parallel_loop3A_2199, %parallel_loop3A_2200] {strides = array<i32>} : memref<9x16x512xf32, #tpu.memory_space<vmem>>, vector<1x1x16xf32>,
        %parallel_loop3A_2202 = vector.shape_cast %parallel_loop3A_2201 : vector<1x1x16xf32> to vector<16xf32>
        %parallel_loop3A_2203 = arith.constant 4 : i32
        %parallel_loop3A_2204 = arith.index_cast %parallel_loop3A_2203 : i32 to index
        %parallel_loop3A_2205 = arith.index_cast %parallel_loop3A_453 : i32 to index
        %parallel_loop3A_2206 = arith.constant 400 : index
        %parallel_loop3A_2207 = tpu.vector_load %arg6[%parallel_loop3A_2204, %parallel_loop3A_2205, %parallel_loop3A_2206] {strides = array<i32>} : memref<9x16x512xf32, #tpu.memory_space<vmem>>, vector<1x1x16xf32>,
        %parallel_loop3A_2208 = vector.shape_cast %parallel_loop3A_2207 : vector<1x1x16xf32> to vector<16xf32>
        %parallel_loop3A_2209 = arith.constant 5 : i32
        %parallel_loop3A_2210 = arith.index_cast %parallel_loop3A_2209 : i32 to index
        %parallel_loop3A_2211 = arith.index_cast %parallel_loop3A_453 : i32 to index
        %parallel_loop3A_2212 = arith.constant 400 : index
        %parallel_loop3A_2213 = tpu.vector_load %arg6[%parallel_loop3A_2210, %parallel_loop3A_2211, %parallel_loop3A_2212] {strides = array<i32>} : memref<9x16x512xf32, #tpu.memory_space<vmem>>, vector<1x1x16xf32>,
        %parallel_loop3A_2214 = vector.shape_cast %parallel_loop3A_2213 : vector<1x1x16xf32> to vector<16xf32>
        %parallel_loop3A_2215 = arith.constant 6 : i32
        %parallel_loop3A_2216 = arith.index_cast %parallel_loop3A_2215 : i32 to index
        %parallel_loop3A_2217 = arith.index_cast %parallel_loop3A_453 : i32 to index
        %parallel_loop3A_2218 = arith.constant 400 : index
        %parallel_loop3A_2219 = tpu.vector_load %arg6[%parallel_loop3A_2216, %parallel_loop3A_2217, %parallel_loop3A_2218] {strides = array<i32>} : memref<9x16x512xf32, #tpu.memory_space<vmem>>, vector<1x1x16xf32>,
        %parallel_loop3A_2220 = vector.shape_cast %parallel_loop3A_2219 : vector<1x1x16xf32> to vector<16xf32>
        %parallel_loop3A_2221 = arith.constant 7 : i32
        %parallel_loop3A_2222 = arith.index_cast %parallel_loop3A_2221 : i32 to index
        %parallel_loop3A_2223 = arith.index_cast %parallel_loop3A_453 : i32 to index
        %parallel_loop3A_2224 = arith.constant 400 : index
        %parallel_loop3A_2225 = tpu.vector_load %arg6[%parallel_loop3A_2222, %parallel_loop3A_2223, %parallel_loop3A_2224] {strides = array<i32>} : memref<9x16x512xf32, #tpu.memory_space<vmem>>, vector<1x1x16xf32>,
        %parallel_loop3A_2226 = vector.shape_cast %parallel_loop3A_2225 : vector<1x1x16xf32> to vector<16xf32>
        %parallel_loop3A_2227 = arith.constant 8 : i32
        %parallel_loop3A_2228 = arith.index_cast %parallel_loop3A_2227 : i32 to index
        %parallel_loop3A_2229 = arith.index_cast %parallel_loop3A_453 : i32 to index
        %parallel_loop3A_2230 = arith.constant 400 : index
        %parallel_loop3A_2231 = tpu.vector_load %arg6[%parallel_loop3A_2228, %parallel_loop3A_2229, %parallel_loop3A_2230] {strides = array<i32>} : memref<9x16x512xf32, #tpu.memory_space<vmem>>, vector<1x1x16xf32>,
        %parallel_loop3A_2232 = vector.shape_cast %parallel_loop3A_2231 : vector<1x1x16xf32> to vector<16xf32>
        %parallel_loop3A_2233 = arith.addf %parallel_loop3A_2184, %parallel_loop3A_2190 : vector<16xf32>
        %parallel_loop3A_2234 = arith.addf %parallel_loop3A_2196, %parallel_loop3A_2202 : vector<16xf32>
        %parallel_loop3A_2235 = arith.addf %parallel_loop3A_2208, %parallel_loop3A_2214 : vector<16xf32>
        %parallel_loop3A_2236 = arith.addf %parallel_loop3A_2220, %parallel_loop3A_2226 : vector<16xf32>
        %parallel_loop3A_2237 = arith.addf %parallel_loop3A_2233, %parallel_loop3A_2234 : vector<16xf32>
        %parallel_loop3A_2238 = arith.addf %parallel_loop3A_2235, %parallel_loop3A_2236 : vector<16xf32>
        %parallel_loop3A_2239 = arith.addf %parallel_loop3A_2237, %parallel_loop3A_2238 : vector<16xf32>
        %parallel_loop3A_2240 = arith.addf %parallel_loop3A_2239, %parallel_loop3A_2232 : vector<16xf32>
        %parallel_loop3A_2241 = arith.constant 3 : i32
        %parallel_loop3A_2242 = arith.index_cast %parallel_loop3A_2241 : i32 to index
        %parallel_loop3A_2243 = arith.index_cast %parallel_loop3A_453 : i32 to index
        %parallel_loop3A_2244 = arith.constant 16 : index
        %parallel_loop3A_2245 = tpu.vector_load %arg7[%parallel_loop3A_2242, %parallel_loop3A_2243, %parallel_loop3A_2244] {strides = array<i32>} : memref<4x16x128xf32, #tpu.memory_space<vmem>>, vector<1x1x16xf32>,
        %parallel_loop3A_2246 = vector.shape_cast %parallel_loop3A_2245 : vector<1x1x16xf32> to vector<16xf32>
        %parallel_loop3A_2247 = vector.shape_cast %parallel_loop3A_2240 : vector<16xf32> to vector<1x1x16xf32>
        tpu.vector_store %arg7[%parallel_loop3A_2242, %parallel_loop3A_2243, %parallel_loop3A_2244], %parallel_loop3A_2247 {strides = array<i32>} : memref<4x16x128xf32, #tpu.memory_space<vmem>>, vector<1x1x16xf32>,
        %parallel_loop3A_2248 = arith.constant 0 : i32
        %parallel_loop3A_2249 = arith.index_cast %parallel_loop3A_2248 : i32 to index
        %parallel_loop3A_2250 = arith.index_cast %parallel_loop3A_453 : i32 to index
        %parallel_loop3A_2251 = arith.constant 416 : index
        %parallel_loop3A_2252 = tpu.vector_load %arg6[%parallel_loop3A_2249, %parallel_loop3A_2250, %parallel_loop3A_2251] {strides = array<i32>} : memref<9x16x512xf32, #tpu.memory_space<vmem>>, vector<1x1x16xf32>,
        %parallel_loop3A_2253 = vector.shape_cast %parallel_loop3A_2252 : vector<1x1x16xf32> to vector<16xf32>
        %parallel_loop3A_2254 = arith.constant 1 : i32
        %parallel_loop3A_2255 = arith.index_cast %parallel_loop3A_2254 : i32 to index
        %parallel_loop3A_2256 = arith.index_cast %parallel_loop3A_453 : i32 to index
        %parallel_loop3A_2257 = arith.constant 416 : index
        %parallel_loop3A_2258 = tpu.vector_load %arg6[%parallel_loop3A_2255, %parallel_loop3A_2256, %parallel_loop3A_2257] {strides = array<i32>} : memref<9x16x512xf32, #tpu.memory_space<vmem>>, vector<1x1x16xf32>,
        %parallel_loop3A_2259 = vector.shape_cast %parallel_loop3A_2258 : vector<1x1x16xf32> to vector<16xf32>
        %parallel_loop3A_2260 = arith.constant 2 : i32
        %parallel_loop3A_2261 = arith.index_cast %parallel_loop3A_2260 : i32 to index
        %parallel_loop3A_2262 = arith.index_cast %parallel_loop3A_453 : i32 to index
        %parallel_loop3A_2263 = arith.constant 416 : index
        %parallel_loop3A_2264 = tpu.vector_load %arg6[%parallel_loop3A_2261, %parallel_loop3A_2262, %parallel_loop3A_2263] {strides = array<i32>} : memref<9x16x512xf32, #tpu.memory_space<vmem>>, vector<1x1x16xf32>,
        %parallel_loop3A_2265 = vector.shape_cast %parallel_loop3A_2264 : vector<1x1x16xf32> to vector<16xf32>
        %parallel_loop3A_2266 = arith.constant 3 : i32
        %parallel_loop3A_2267 = arith.index_cast %parallel_loop3A_2266 : i32 to index
        %parallel_loop3A_2268 = arith.index_cast %parallel_loop3A_453 : i32 to index
        %parallel_loop3A_2269 = arith.constant 416 : index
        %parallel_loop3A_2270 = tpu.vector_load %arg6[%parallel_loop3A_2267, %parallel_loop3A_2268, %parallel_loop3A_2269] {strides = array<i32>} : memref<9x16x512xf32, #tpu.memory_space<vmem>>, vector<1x1x16xf32>,
        %parallel_loop3A_2271 = vector.shape_cast %parallel_loop3A_2270 : vector<1x1x16xf32> to vector<16xf32>
        %parallel_loop3A_2272 = arith.constant 4 : i32
        %parallel_loop3A_2273 = arith.index_cast %parallel_loop3A_2272 : i32 to index
        %parallel_loop3A_2274 = arith.index_cast %parallel_loop3A_453 : i32 to index
        %parallel_loop3A_2275 = arith.constant 416 : index
        %parallel_loop3A_2276 = tpu.vector_load %arg6[%parallel_loop3A_2273, %parallel_loop3A_2274, %parallel_loop3A_2275] {strides = array<i32>} : memref<9x16x512xf32, #tpu.memory_space<vmem>>, vector<1x1x16xf32>,
        %parallel_loop3A_2277 = vector.shape_cast %parallel_loop3A_2276 : vector<1x1x16xf32> to vector<16xf32>
        %parallel_loop3A_2278 = arith.constant 5 : i32
        %parallel_loop3A_2279 = arith.index_cast %parallel_loop3A_2278 : i32 to index
        %parallel_loop3A_2280 = arith.index_cast %parallel_loop3A_453 : i32 to index
        %parallel_loop3A_2281 = arith.constant 416 : index
        %parallel_loop3A_2282 = tpu.vector_load %arg6[%parallel_loop3A_2279, %parallel_loop3A_2280, %parallel_loop3A_2281] {strides = array<i32>} : memref<9x16x512xf32, #tpu.memory_space<vmem>>, vector<1x1x16xf32>,
        %parallel_loop3A_2283 = vector.shape_cast %parallel_loop3A_2282 : vector<1x1x16xf32> to vector<16xf32>
        %parallel_loop3A_2284 = arith.constant 6 : i32
        %parallel_loop3A_2285 = arith.index_cast %parallel_loop3A_2284 : i32 to index
        %parallel_loop3A_2286 = arith.index_cast %parallel_loop3A_453 : i32 to index
        %parallel_loop3A_2287 = arith.constant 416 : index
        %parallel_loop3A_2288 = tpu.vector_load %arg6[%parallel_loop3A_2285, %parallel_loop3A_2286, %parallel_loop3A_2287] {strides = array<i32>} : memref<9x16x512xf32, #tpu.memory_space<vmem>>, vector<1x1x16xf32>,
        %parallel_loop3A_2289 = vector.shape_cast %parallel_loop3A_2288 : vector<1x1x16xf32> to vector<16xf32>
        %parallel_loop3A_2290 = arith.constant 7 : i32
        %parallel_loop3A_2291 = arith.index_cast %parallel_loop3A_2290 : i32 to index
        %parallel_loop3A_2292 = arith.index_cast %parallel_loop3A_453 : i32 to index
        %parallel_loop3A_2293 = arith.constant 416 : index
        %parallel_loop3A_2294 = tpu.vector_load %arg6[%parallel_loop3A_2291, %parallel_loop3A_2292, %parallel_loop3A_2293] {strides = array<i32>} : memref<9x16x512xf32, #tpu.memory_space<vmem>>, vector<1x1x16xf32>,
        %parallel_loop3A_2295 = vector.shape_cast %parallel_loop3A_2294 : vector<1x1x16xf32> to vector<16xf32>
        %parallel_loop3A_2296 = arith.constant 8 : i32
        %parallel_loop3A_2297 = arith.index_cast %parallel_loop3A_2296 : i32 to index
        %parallel_loop3A_2298 = arith.index_cast %parallel_loop3A_453 : i32 to index
        %parallel_loop3A_2299 = arith.constant 416 : index
        %parallel_loop3A_2300 = tpu.vector_load %arg6[%parallel_loop3A_2297, %parallel_loop3A_2298, %parallel_loop3A_2299] {strides = array<i32>} : memref<9x16x512xf32, #tpu.memory_space<vmem>>, vector<1x1x16xf32>,
        %parallel_loop3A_2301 = vector.shape_cast %parallel_loop3A_2300 : vector<1x1x16xf32> to vector<16xf32>
        %parallel_loop3A_2302 = arith.addf %parallel_loop3A_2253, %parallel_loop3A_2259 : vector<16xf32>
        %parallel_loop3A_2303 = arith.addf %parallel_loop3A_2265, %parallel_loop3A_2271 : vector<16xf32>
        %parallel_loop3A_2304 = arith.addf %parallel_loop3A_2277, %parallel_loop3A_2283 : vector<16xf32>
        %parallel_loop3A_2305 = arith.addf %parallel_loop3A_2289, %parallel_loop3A_2295 : vector<16xf32>
        %parallel_loop3A_2306 = arith.addf %parallel_loop3A_2302, %parallel_loop3A_2303 : vector<16xf32>
        %parallel_loop3A_2307 = arith.addf %parallel_loop3A_2304, %parallel_loop3A_2305 : vector<16xf32>
        %parallel_loop3A_2308 = arith.addf %parallel_loop3A_2306, %parallel_loop3A_2307 : vector<16xf32>
        %parallel_loop3A_2309 = arith.addf %parallel_loop3A_2308, %parallel_loop3A_2301 : vector<16xf32>
        %parallel_loop3A_2310 = arith.constant 3 : i32
        %parallel_loop3A_2311 = arith.index_cast %parallel_loop3A_2310 : i32 to index
        %parallel_loop3A_2312 = arith.index_cast %parallel_loop3A_453 : i32 to index
        %parallel_loop3A_2313 = arith.constant 32 : index
        %parallel_loop3A_2314 = tpu.vector_load %arg7[%parallel_loop3A_2311, %parallel_loop3A_2312, %parallel_loop3A_2313] {strides = array<i32>} : memref<4x16x128xf32, #tpu.memory_space<vmem>>, vector<1x1x16xf32>,
        %parallel_loop3A_2315 = vector.shape_cast %parallel_loop3A_2314 : vector<1x1x16xf32> to vector<16xf32>
        %parallel_loop3A_2316 = vector.shape_cast %parallel_loop3A_2309 : vector<16xf32> to vector<1x1x16xf32>
        tpu.vector_store %arg7[%parallel_loop3A_2311, %parallel_loop3A_2312, %parallel_loop3A_2313], %parallel_loop3A_2316 {strides = array<i32>} : memref<4x16x128xf32, #tpu.memory_space<vmem>>, vector<1x1x16xf32>,
        %parallel_loop3A_2317 = arith.constant 0 : i32
        %parallel_loop3A_2318 = arith.index_cast %parallel_loop3A_2317 : i32 to index
        %parallel_loop3A_2319 = arith.index_cast %parallel_loop3A_453 : i32 to index
        %parallel_loop3A_2320 = arith.constant 432 : index
        %parallel_loop3A_2321 = tpu.vector_load %arg6[%parallel_loop3A_2318, %parallel_loop3A_2319, %parallel_loop3A_2320] {strides = array<i32>} : memref<9x16x512xf32, #tpu.memory_space<vmem>>, vector<1x1x16xf32>,
        %parallel_loop3A_2322 = vector.shape_cast %parallel_loop3A_2321 : vector<1x1x16xf32> to vector<16xf32>
        %parallel_loop3A_2323 = arith.constant 1 : i32
        %parallel_loop3A_2324 = arith.index_cast %parallel_loop3A_2323 : i32 to index
        %parallel_loop3A_2325 = arith.index_cast %parallel_loop3A_453 : i32 to index
        %parallel_loop3A_2326 = arith.constant 432 : index
        %parallel_loop3A_2327 = tpu.vector_load %arg6[%parallel_loop3A_2324, %parallel_loop3A_2325, %parallel_loop3A_2326] {strides = array<i32>} : memref<9x16x512xf32, #tpu.memory_space<vmem>>, vector<1x1x16xf32>,
        %parallel_loop3A_2328 = vector.shape_cast %parallel_loop3A_2327 : vector<1x1x16xf32> to vector<16xf32>
        %parallel_loop3A_2329 = arith.constant 2 : i32
        %parallel_loop3A_2330 = arith.index_cast %parallel_loop3A_2329 : i32 to index
        %parallel_loop3A_2331 = arith.index_cast %parallel_loop3A_453 : i32 to index
        %parallel_loop3A_2332 = arith.constant 432 : index
        %parallel_loop3A_2333 = tpu.vector_load %arg6[%parallel_loop3A_2330, %parallel_loop3A_2331, %parallel_loop3A_2332] {strides = array<i32>} : memref<9x16x512xf32, #tpu.memory_space<vmem>>, vector<1x1x16xf32>,
        %parallel_loop3A_2334 = vector.shape_cast %parallel_loop3A_2333 : vector<1x1x16xf32> to vector<16xf32>
        %parallel_loop3A_2335 = arith.constant 3 : i32
        %parallel_loop3A_2336 = arith.index_cast %parallel_loop3A_2335 : i32 to index
        %parallel_loop3A_2337 = arith.index_cast %parallel_loop3A_453 : i32 to index
        %parallel_loop3A_2338 = arith.constant 432 : index
        %parallel_loop3A_2339 = tpu.vector_load %arg6[%parallel_loop3A_2336, %parallel_loop3A_2337, %parallel_loop3A_2338] {strides = array<i32>} : memref<9x16x512xf32, #tpu.memory_space<vmem>>, vector<1x1x16xf32>,
        %parallel_loop3A_2340 = vector.shape_cast %parallel_loop3A_2339 : vector<1x1x16xf32> to vector<16xf32>
        %parallel_loop3A_2341 = arith.constant 4 : i32
        %parallel_loop3A_2342 = arith.index_cast %parallel_loop3A_2341 : i32 to index
        %parallel_loop3A_2343 = arith.index_cast %parallel_loop3A_453 : i32 to index
        %parallel_loop3A_2344 = arith.constant 432 : index
        %parallel_loop3A_2345 = tpu.vector_load %arg6[%parallel_loop3A_2342, %parallel_loop3A_2343, %parallel_loop3A_2344] {strides = array<i32>} : memref<9x16x512xf32, #tpu.memory_space<vmem>>, vector<1x1x16xf32>,
        %parallel_loop3A_2346 = vector.shape_cast %parallel_loop3A_2345 : vector<1x1x16xf32> to vector<16xf32>
        %parallel_loop3A_2347 = arith.constant 5 : i32
        %parallel_loop3A_2348 = arith.index_cast %parallel_loop3A_2347 : i32 to index
        %parallel_loop3A_2349 = arith.index_cast %parallel_loop3A_453 : i32 to index
        %parallel_loop3A_2350 = arith.constant 432 : index
        %parallel_loop3A_2351 = tpu.vector_load %arg6[%parallel_loop3A_2348, %parallel_loop3A_2349, %parallel_loop3A_2350] {strides = array<i32>} : memref<9x16x512xf32, #tpu.memory_space<vmem>>, vector<1x1x16xf32>,
        %parallel_loop3A_2352 = vector.shape_cast %parallel_loop3A_2351 : vector<1x1x16xf32> to vector<16xf32>
        %parallel_loop3A_2353 = arith.constant 6 : i32
        %parallel_loop3A_2354 = arith.index_cast %parallel_loop3A_2353 : i32 to index
        %parallel_loop3A_2355 = arith.index_cast %parallel_loop3A_453 : i32 to index
        %parallel_loop3A_2356 = arith.constant 432 : index
        %parallel_loop3A_2357 = tpu.vector_load %arg6[%parallel_loop3A_2354, %parallel_loop3A_2355, %parallel_loop3A_2356] {strides = array<i32>} : memref<9x16x512xf32, #tpu.memory_space<vmem>>, vector<1x1x16xf32>,
        %parallel_loop3A_2358 = vector.shape_cast %parallel_loop3A_2357 : vector<1x1x16xf32> to vector<16xf32>
        %parallel_loop3A_2359 = arith.constant 7 : i32
        %parallel_loop3A_2360 = arith.index_cast %parallel_loop3A_2359 : i32 to index
        %parallel_loop3A_2361 = arith.index_cast %parallel_loop3A_453 : i32 to index
        %parallel_loop3A_2362 = arith.constant 432 : index
        %parallel_loop3A_2363 = tpu.vector_load %arg6[%parallel_loop3A_2360, %parallel_loop3A_2361, %parallel_loop3A_2362] {strides = array<i32>} : memref<9x16x512xf32, #tpu.memory_space<vmem>>, vector<1x1x16xf32>,
        %parallel_loop3A_2364 = vector.shape_cast %parallel_loop3A_2363 : vector<1x1x16xf32> to vector<16xf32>
        %parallel_loop3A_2365 = arith.constant 8 : i32
        %parallel_loop3A_2366 = arith.index_cast %parallel_loop3A_2365 : i32 to index
        %parallel_loop3A_2367 = arith.index_cast %parallel_loop3A_453 : i32 to index
        %parallel_loop3A_2368 = arith.constant 432 : index
        %parallel_loop3A_2369 = tpu.vector_load %arg6[%parallel_loop3A_2366, %parallel_loop3A_2367, %parallel_loop3A_2368] {strides = array<i32>} : memref<9x16x512xf32, #tpu.memory_space<vmem>>, vector<1x1x16xf32>,
        %parallel_loop3A_2370 = vector.shape_cast %parallel_loop3A_2369 : vector<1x1x16xf32> to vector<16xf32>
        %parallel_loop3A_2371 = arith.addf %parallel_loop3A_2322, %parallel_loop3A_2328 : vector<16xf32>
        %parallel_loop3A_2372 = arith.addf %parallel_loop3A_2334, %parallel_loop3A_2340 : vector<16xf32>
        %parallel_loop3A_2373 = arith.addf %parallel_loop3A_2346, %parallel_loop3A_2352 : vector<16xf32>
        %parallel_loop3A_2374 = arith.addf %parallel_loop3A_2358, %parallel_loop3A_2364 : vector<16xf32>
        %parallel_loop3A_2375 = arith.addf %parallel_loop3A_2371, %parallel_loop3A_2372 : vector<16xf32>
        %parallel_loop3A_2376 = arith.addf %parallel_loop3A_2373, %parallel_loop3A_2374 : vector<16xf32>
        %parallel_loop3A_2377 = arith.addf %parallel_loop3A_2375, %parallel_loop3A_2376 : vector<16xf32>
        %parallel_loop3A_2378 = arith.addf %parallel_loop3A_2377, %parallel_loop3A_2370 : vector<16xf32>
        %parallel_loop3A_2379 = arith.constant 3 : i32
        %parallel_loop3A_2380 = arith.index_cast %parallel_loop3A_2379 : i32 to index
        %parallel_loop3A_2381 = arith.index_cast %parallel_loop3A_453 : i32 to index
        %parallel_loop3A_2382 = arith.constant 48 : index
        %parallel_loop3A_2383 = tpu.vector_load %arg7[%parallel_loop3A_2380, %parallel_loop3A_2381, %parallel_loop3A_2382] {strides = array<i32>} : memref<4x16x128xf32, #tpu.memory_space<vmem>>, vector<1x1x16xf32>,
        %parallel_loop3A_2384 = vector.shape_cast %parallel_loop3A_2383 : vector<1x1x16xf32> to vector<16xf32>
        %parallel_loop3A_2385 = vector.shape_cast %parallel_loop3A_2378 : vector<16xf32> to vector<1x1x16xf32>
        tpu.vector_store %arg7[%parallel_loop3A_2380, %parallel_loop3A_2381, %parallel_loop3A_2382], %parallel_loop3A_2385 {strides = array<i32>} : memref<4x16x128xf32, #tpu.memory_space<vmem>>, vector<1x1x16xf32>,
        %parallel_loop3A_2386 = arith.constant 0 : i32
        %parallel_loop3A_2387 = arith.index_cast %parallel_loop3A_2386 : i32 to index
        %parallel_loop3A_2388 = arith.index_cast %parallel_loop3A_453 : i32 to index
        %parallel_loop3A_2389 = arith.constant 448 : index
        %parallel_loop3A_2390 = tpu.vector_load %arg6[%parallel_loop3A_2387, %parallel_loop3A_2388, %parallel_loop3A_2389] {strides = array<i32>} : memref<9x16x512xf32, #tpu.memory_space<vmem>>, vector<1x1x16xf32>,
        %parallel_loop3A_2391 = vector.shape_cast %parallel_loop3A_2390 : vector<1x1x16xf32> to vector<16xf32>
        %parallel_loop3A_2392 = arith.constant 1 : i32
        %parallel_loop3A_2393 = arith.index_cast %parallel_loop3A_2392 : i32 to index
        %parallel_loop3A_2394 = arith.index_cast %parallel_loop3A_453 : i32 to index
        %parallel_loop3A_2395 = arith.constant 448 : index
        %parallel_loop3A_2396 = tpu.vector_load %arg6[%parallel_loop3A_2393, %parallel_loop3A_2394, %parallel_loop3A_2395] {strides = array<i32>} : memref<9x16x512xf32, #tpu.memory_space<vmem>>, vector<1x1x16xf32>,
        %parallel_loop3A_2397 = vector.shape_cast %parallel_loop3A_2396 : vector<1x1x16xf32> to vector<16xf32>
        %parallel_loop3A_2398 = arith.constant 2 : i32
        %parallel_loop3A_2399 = arith.index_cast %parallel_loop3A_2398 : i32 to index
        %parallel_loop3A_2400 = arith.index_cast %parallel_loop3A_453 : i32 to index
        %parallel_loop3A_2401 = arith.constant 448 : index
        %parallel_loop3A_2402 = tpu.vector_load %arg6[%parallel_loop3A_2399, %parallel_loop3A_2400, %parallel_loop3A_2401] {strides = array<i32>} : memref<9x16x512xf32, #tpu.memory_space<vmem>>, vector<1x1x16xf32>,
        %parallel_loop3A_2403 = vector.shape_cast %parallel_loop3A_2402 : vector<1x1x16xf32> to vector<16xf32>
        %parallel_loop3A_2404 = arith.constant 3 : i32
        %parallel_loop3A_2405 = arith.index_cast %parallel_loop3A_2404 : i32 to index
        %parallel_loop3A_2406 = arith.index_cast %parallel_loop3A_453 : i32 to index
        %parallel_loop3A_2407 = arith.constant 448 : index
        %parallel_loop3A_2408 = tpu.vector_load %arg6[%parallel_loop3A_2405, %parallel_loop3A_2406, %parallel_loop3A_2407] {strides = array<i32>} : memref<9x16x512xf32, #tpu.memory_space<vmem>>, vector<1x1x16xf32>,
        %parallel_loop3A_2409 = vector.shape_cast %parallel_loop3A_2408 : vector<1x1x16xf32> to vector<16xf32>
        %parallel_loop3A_2410 = arith.constant 4 : i32
        %parallel_loop3A_2411 = arith.index_cast %parallel_loop3A_2410 : i32 to index
        %parallel_loop3A_2412 = arith.index_cast %parallel_loop3A_453 : i32 to index
        %parallel_loop3A_2413 = arith.constant 448 : index
        %parallel_loop3A_2414 = tpu.vector_load %arg6[%parallel_loop3A_2411, %parallel_loop3A_2412, %parallel_loop3A_2413] {strides = array<i32>} : memref<9x16x512xf32, #tpu.memory_space<vmem>>, vector<1x1x16xf32>,
        %parallel_loop3A_2415 = vector.shape_cast %parallel_loop3A_2414 : vector<1x1x16xf32> to vector<16xf32>
        %parallel_loop3A_2416 = arith.constant 5 : i32
        %parallel_loop3A_2417 = arith.index_cast %parallel_loop3A_2416 : i32 to index
        %parallel_loop3A_2418 = arith.index_cast %parallel_loop3A_453 : i32 to index
        %parallel_loop3A_2419 = arith.constant 448 : index
        %parallel_loop3A_2420 = tpu.vector_load %arg6[%parallel_loop3A_2417, %parallel_loop3A_2418, %parallel_loop3A_2419] {strides = array<i32>} : memref<9x16x512xf32, #tpu.memory_space<vmem>>, vector<1x1x16xf32>,
        %parallel_loop3A_2421 = vector.shape_cast %parallel_loop3A_2420 : vector<1x1x16xf32> to vector<16xf32>
        %parallel_loop3A_2422 = arith.constant 6 : i32
        %parallel_loop3A_2423 = arith.index_cast %parallel_loop3A_2422 : i32 to index
        %parallel_loop3A_2424 = arith.index_cast %parallel_loop3A_453 : i32 to index
        %parallel_loop3A_2425 = arith.constant 448 : index
        %parallel_loop3A_2426 = tpu.vector_load %arg6[%parallel_loop3A_2423, %parallel_loop3A_2424, %parallel_loop3A_2425] {strides = array<i32>} : memref<9x16x512xf32, #tpu.memory_space<vmem>>, vector<1x1x16xf32>,
        %parallel_loop3A_2427 = vector.shape_cast %parallel_loop3A_2426 : vector<1x1x16xf32> to vector<16xf32>
        %parallel_loop3A_2428 = arith.constant 7 : i32
        %parallel_loop3A_2429 = arith.index_cast %parallel_loop3A_2428 : i32 to index
        %parallel_loop3A_2430 = arith.index_cast %parallel_loop3A_453 : i32 to index
        %parallel_loop3A_2431 = arith.constant 448 : index
        %parallel_loop3A_2432 = tpu.vector_load %arg6[%parallel_loop3A_2429, %parallel_loop3A_2430, %parallel_loop3A_2431] {strides = array<i32>} : memref<9x16x512xf32, #tpu.memory_space<vmem>>, vector<1x1x16xf32>,
        %parallel_loop3A_2433 = vector.shape_cast %parallel_loop3A_2432 : vector<1x1x16xf32> to vector<16xf32>
        %parallel_loop3A_2434 = arith.constant 8 : i32
        %parallel_loop3A_2435 = arith.index_cast %parallel_loop3A_2434 : i32 to index
        %parallel_loop3A_2436 = arith.index_cast %parallel_loop3A_453 : i32 to index
        %parallel_loop3A_2437 = arith.constant 448 : index
        %parallel_loop3A_2438 = tpu.vector_load %arg6[%parallel_loop3A_2435, %parallel_loop3A_2436, %parallel_loop3A_2437] {strides = array<i32>} : memref<9x16x512xf32, #tpu.memory_space<vmem>>, vector<1x1x16xf32>,
        %parallel_loop3A_2439 = vector.shape_cast %parallel_loop3A_2438 : vector<1x1x16xf32> to vector<16xf32>
        %parallel_loop3A_2440 = arith.addf %parallel_loop3A_2391, %parallel_loop3A_2397 : vector<16xf32>
        %parallel_loop3A_2441 = arith.addf %parallel_loop3A_2403, %parallel_loop3A_2409 : vector<16xf32>
        %parallel_loop3A_2442 = arith.addf %parallel_loop3A_2415, %parallel_loop3A_2421 : vector<16xf32>
        %parallel_loop3A_2443 = arith.addf %parallel_loop3A_2427, %parallel_loop3A_2433 : vector<16xf32>
        %parallel_loop3A_2444 = arith.addf %parallel_loop3A_2440, %parallel_loop3A_2441 : vector<16xf32>
        %parallel_loop3A_2445 = arith.addf %parallel_loop3A_2442, %parallel_loop3A_2443 : vector<16xf32>
        %parallel_loop3A_2446 = arith.addf %parallel_loop3A_2444, %parallel_loop3A_2445 : vector<16xf32>
        %parallel_loop3A_2447 = arith.addf %parallel_loop3A_2446, %parallel_loop3A_2439 : vector<16xf32>
        %parallel_loop3A_2448 = arith.constant 3 : i32
        %parallel_loop3A_2449 = arith.index_cast %parallel_loop3A_2448 : i32 to index
        %parallel_loop3A_2450 = arith.index_cast %parallel_loop3A_453 : i32 to index
        %parallel_loop3A_2451 = arith.constant 64 : index
        %parallel_loop3A_2452 = tpu.vector_load %arg7[%parallel_loop3A_2449, %parallel_loop3A_2450, %parallel_loop3A_2451] {strides = array<i32>} : memref<4x16x128xf32, #tpu.memory_space<vmem>>, vector<1x1x16xf32>,
        %parallel_loop3A_2453 = vector.shape_cast %parallel_loop3A_2452 : vector<1x1x16xf32> to vector<16xf32>
        %parallel_loop3A_2454 = vector.shape_cast %parallel_loop3A_2447 : vector<16xf32> to vector<1x1x16xf32>
        tpu.vector_store %arg7[%parallel_loop3A_2449, %parallel_loop3A_2450, %parallel_loop3A_2451], %parallel_loop3A_2454 {strides = array<i32>} : memref<4x16x128xf32, #tpu.memory_space<vmem>>, vector<1x1x16xf32>,
        %parallel_loop3A_2455 = arith.constant 0 : i32
        %parallel_loop3A_2456 = arith.index_cast %parallel_loop3A_2455 : i32 to index
        %parallel_loop3A_2457 = arith.index_cast %parallel_loop3A_453 : i32 to index
        %parallel_loop3A_2458 = arith.constant 464 : index
        %parallel_loop3A_2459 = tpu.vector_load %arg6[%parallel_loop3A_2456, %parallel_loop3A_2457, %parallel_loop3A_2458] {strides = array<i32>} : memref<9x16x512xf32, #tpu.memory_space<vmem>>, vector<1x1x16xf32>,
        %parallel_loop3A_2460 = vector.shape_cast %parallel_loop3A_2459 : vector<1x1x16xf32> to vector<16xf32>
        %parallel_loop3A_2461 = arith.constant 1 : i32
        %parallel_loop3A_2462 = arith.index_cast %parallel_loop3A_2461 : i32 to index
        %parallel_loop3A_2463 = arith.index_cast %parallel_loop3A_453 : i32 to index
        %parallel_loop3A_2464 = arith.constant 464 : index
        %parallel_loop3A_2465 = tpu.vector_load %arg6[%parallel_loop3A_2462, %parallel_loop3A_2463, %parallel_loop3A_2464] {strides = array<i32>} : memref<9x16x512xf32, #tpu.memory_space<vmem>>, vector<1x1x16xf32>,
        %parallel_loop3A_2466 = vector.shape_cast %parallel_loop3A_2465 : vector<1x1x16xf32> to vector<16xf32>
        %parallel_loop3A_2467 = arith.constant 2 : i32
        %parallel_loop3A_2468 = arith.index_cast %parallel_loop3A_2467 : i32 to index
        %parallel_loop3A_2469 = arith.index_cast %parallel_loop3A_453 : i32 to index
        %parallel_loop3A_2470 = arith.constant 464 : index
        %parallel_loop3A_2471 = tpu.vector_load %arg6[%parallel_loop3A_2468, %parallel_loop3A_2469, %parallel_loop3A_2470] {strides = array<i32>} : memref<9x16x512xf32, #tpu.memory_space<vmem>>, vector<1x1x16xf32>,
        %parallel_loop3A_2472 = vector.shape_cast %parallel_loop3A_2471 : vector<1x1x16xf32> to vector<16xf32>
        %parallel_loop3A_2473 = arith.constant 3 : i32
        %parallel_loop3A_2474 = arith.index_cast %parallel_loop3A_2473 : i32 to index
        %parallel_loop3A_2475 = arith.index_cast %parallel_loop3A_453 : i32 to index
        %parallel_loop3A_2476 = arith.constant 464 : index
        %parallel_loop3A_2477 = tpu.vector_load %arg6[%parallel_loop3A_2474, %parallel_loop3A_2475, %parallel_loop3A_2476] {strides = array<i32>} : memref<9x16x512xf32, #tpu.memory_space<vmem>>, vector<1x1x16xf32>,
        %parallel_loop3A_2478 = vector.shape_cast %parallel_loop3A_2477 : vector<1x1x16xf32> to vector<16xf32>
        %parallel_loop3A_2479 = arith.constant 4 : i32
        %parallel_loop3A_2480 = arith.index_cast %parallel_loop3A_2479 : i32 to index
        %parallel_loop3A_2481 = arith.index_cast %parallel_loop3A_453 : i32 to index
        %parallel_loop3A_2482 = arith.constant 464 : index
        %parallel_loop3A_2483 = tpu.vector_load %arg6[%parallel_loop3A_2480, %parallel_loop3A_2481, %parallel_loop3A_2482] {strides = array<i32>} : memref<9x16x512xf32, #tpu.memory_space<vmem>>, vector<1x1x16xf32>,
        %parallel_loop3A_2484 = vector.shape_cast %parallel_loop3A_2483 : vector<1x1x16xf32> to vector<16xf32>
        %parallel_loop3A_2485 = arith.constant 5 : i32
        %parallel_loop3A_2486 = arith.index_cast %parallel_loop3A_2485 : i32 to index
        %parallel_loop3A_2487 = arith.index_cast %parallel_loop3A_453 : i32 to index
        %parallel_loop3A_2488 = arith.constant 464 : index
        %parallel_loop3A_2489 = tpu.vector_load %arg6[%parallel_loop3A_2486, %parallel_loop3A_2487, %parallel_loop3A_2488] {strides = array<i32>} : memref<9x16x512xf32, #tpu.memory_space<vmem>>, vector<1x1x16xf32>,
        %parallel_loop3A_2490 = vector.shape_cast %parallel_loop3A_2489 : vector<1x1x16xf32> to vector<16xf32>
        %parallel_loop3A_2491 = arith.constant 6 : i32
        %parallel_loop3A_2492 = arith.index_cast %parallel_loop3A_2491 : i32 to index
        %parallel_loop3A_2493 = arith.index_cast %parallel_loop3A_453 : i32 to index
        %parallel_loop3A_2494 = arith.constant 464 : index
        %parallel_loop3A_2495 = tpu.vector_load %arg6[%parallel_loop3A_2492, %parallel_loop3A_2493, %parallel_loop3A_2494] {strides = array<i32>} : memref<9x16x512xf32, #tpu.memory_space<vmem>>, vector<1x1x16xf32>,
        %parallel_loop3A_2496 = vector.shape_cast %parallel_loop3A_2495 : vector<1x1x16xf32> to vector<16xf32>
        %parallel_loop3A_2497 = arith.constant 7 : i32
        %parallel_loop3A_2498 = arith.index_cast %parallel_loop3A_2497 : i32 to index
        %parallel_loop3A_2499 = arith.index_cast %parallel_loop3A_453 : i32 to index
        %parallel_loop3A_2500 = arith.constant 464 : index
        %parallel_loop3A_2501 = tpu.vector_load %arg6[%parallel_loop3A_2498, %parallel_loop3A_2499, %parallel_loop3A_2500] {strides = array<i32>} : memref<9x16x512xf32, #tpu.memory_space<vmem>>, vector<1x1x16xf32>,
        %parallel_loop3A_2502 = vector.shape_cast %parallel_loop3A_2501 : vector<1x1x16xf32> to vector<16xf32>
        %parallel_loop3A_2503 = arith.constant 8 : i32
        %parallel_loop3A_2504 = arith.index_cast %parallel_loop3A_2503 : i32 to index
        %parallel_loop3A_2505 = arith.index_cast %parallel_loop3A_453 : i32 to index
        %parallel_loop3A_2506 = arith.constant 464 : index
        %parallel_loop3A_2507 = tpu.vector_load %arg6[%parallel_loop3A_2504, %parallel_loop3A_2505, %parallel_loop3A_2506] {strides = array<i32>} : memref<9x16x512xf32, #tpu.memory_space<vmem>>, vector<1x1x16xf32>,
        %parallel_loop3A_2508 = vector.shape_cast %parallel_loop3A_2507 : vector<1x1x16xf32> to vector<16xf32>
        %parallel_loop3A_2509 = arith.addf %parallel_loop3A_2460, %parallel_loop3A_2466 : vector<16xf32>
        %parallel_loop3A_2510 = arith.addf %parallel_loop3A_2472, %parallel_loop3A_2478 : vector<16xf32>
        %parallel_loop3A_2511 = arith.addf %parallel_loop3A_2484, %parallel_loop3A_2490 : vector<16xf32>
        %parallel_loop3A_2512 = arith.addf %parallel_loop3A_2496, %parallel_loop3A_2502 : vector<16xf32>
        %parallel_loop3A_2513 = arith.addf %parallel_loop3A_2509, %parallel_loop3A_2510 : vector<16xf32>
        %parallel_loop3A_2514 = arith.addf %parallel_loop3A_2511, %parallel_loop3A_2512 : vector<16xf32>
        %parallel_loop3A_2515 = arith.addf %parallel_loop3A_2513, %parallel_loop3A_2514 : vector<16xf32>
        %parallel_loop3A_2516 = arith.addf %parallel_loop3A_2515, %parallel_loop3A_2508 : vector<16xf32>
        %parallel_loop3A_2517 = arith.constant 3 : i32
        %parallel_loop3A_2518 = arith.index_cast %parallel_loop3A_2517 : i32 to index
        %parallel_loop3A_2519 = arith.index_cast %parallel_loop3A_453 : i32 to index
        %parallel_loop3A_2520 = arith.constant 80 : index
        %parallel_loop3A_2521 = tpu.vector_load %arg7[%parallel_loop3A_2518, %parallel_loop3A_2519, %parallel_loop3A_2520] {strides = array<i32>} : memref<4x16x128xf32, #tpu.memory_space<vmem>>, vector<1x1x16xf32>,
        %parallel_loop3A_2522 = vector.shape_cast %parallel_loop3A_2521 : vector<1x1x16xf32> to vector<16xf32>
        %parallel_loop3A_2523 = vector.shape_cast %parallel_loop3A_2516 : vector<16xf32> to vector<1x1x16xf32>
        tpu.vector_store %arg7[%parallel_loop3A_2518, %parallel_loop3A_2519, %parallel_loop3A_2520], %parallel_loop3A_2523 {strides = array<i32>} : memref<4x16x128xf32, #tpu.memory_space<vmem>>, vector<1x1x16xf32>,
        %parallel_loop3A_2524 = arith.constant 0 : i32
        %parallel_loop3A_2525 = arith.index_cast %parallel_loop3A_2524 : i32 to index
        %parallel_loop3A_2526 = arith.index_cast %parallel_loop3A_453 : i32 to index
        %parallel_loop3A_2527 = arith.constant 480 : index
        %parallel_loop3A_2528 = tpu.vector_load %arg6[%parallel_loop3A_2525, %parallel_loop3A_2526, %parallel_loop3A_2527] {strides = array<i32>} : memref<9x16x512xf32, #tpu.memory_space<vmem>>, vector<1x1x16xf32>,
        %parallel_loop3A_2529 = vector.shape_cast %parallel_loop3A_2528 : vector<1x1x16xf32> to vector<16xf32>
        %parallel_loop3A_2530 = arith.constant 1 : i32
        %parallel_loop3A_2531 = arith.index_cast %parallel_loop3A_2530 : i32 to index
        %parallel_loop3A_2532 = arith.index_cast %parallel_loop3A_453 : i32 to index
        %parallel_loop3A_2533 = arith.constant 480 : index
        %parallel_loop3A_2534 = tpu.vector_load %arg6[%parallel_loop3A_2531, %parallel_loop3A_2532, %parallel_loop3A_2533] {strides = array<i32>} : memref<9x16x512xf32, #tpu.memory_space<vmem>>, vector<1x1x16xf32>,
        %parallel_loop3A_2535 = vector.shape_cast %parallel_loop3A_2534 : vector<1x1x16xf32> to vector<16xf32>
        %parallel_loop3A_2536 = arith.constant 2 : i32
        %parallel_loop3A_2537 = arith.index_cast %parallel_loop3A_2536 : i32 to index
        %parallel_loop3A_2538 = arith.index_cast %parallel_loop3A_453 : i32 to index
        %parallel_loop3A_2539 = arith.constant 480 : index
        %parallel_loop3A_2540 = tpu.vector_load %arg6[%parallel_loop3A_2537, %parallel_loop3A_2538, %parallel_loop3A_2539] {strides = array<i32>} : memref<9x16x512xf32, #tpu.memory_space<vmem>>, vector<1x1x16xf32>,
        %parallel_loop3A_2541 = vector.shape_cast %parallel_loop3A_2540 : vector<1x1x16xf32> to vector<16xf32>
        %parallel_loop3A_2542 = arith.constant 3 : i32
        %parallel_loop3A_2543 = arith.index_cast %parallel_loop3A_2542 : i32 to index
        %parallel_loop3A_2544 = arith.index_cast %parallel_loop3A_453 : i32 to index
        %parallel_loop3A_2545 = arith.constant 480 : index
        %parallel_loop3A_2546 = tpu.vector_load %arg6[%parallel_loop3A_2543, %parallel_loop3A_2544, %parallel_loop3A_2545] {strides = array<i32>} : memref<9x16x512xf32, #tpu.memory_space<vmem>>, vector<1x1x16xf32>,
        %parallel_loop3A_2547 = vector.shape_cast %parallel_loop3A_2546 : vector<1x1x16xf32> to vector<16xf32>
        %parallel_loop3A_2548 = arith.constant 4 : i32
        %parallel_loop3A_2549 = arith.index_cast %parallel_loop3A_2548 : i32 to index
        %parallel_loop3A_2550 = arith.index_cast %parallel_loop3A_453 : i32 to index
        %parallel_loop3A_2551 = arith.constant 480 : index
        %parallel_loop3A_2552 = tpu.vector_load %arg6[%parallel_loop3A_2549, %parallel_loop3A_2550, %parallel_loop3A_2551] {strides = array<i32>} : memref<9x16x512xf32, #tpu.memory_space<vmem>>, vector<1x1x16xf32>,
        %parallel_loop3A_2553 = vector.shape_cast %parallel_loop3A_2552 : vector<1x1x16xf32> to vector<16xf32>
        %parallel_loop3A_2554 = arith.constant 5 : i32
        %parallel_loop3A_2555 = arith.index_cast %parallel_loop3A_2554 : i32 to index
        %parallel_loop3A_2556 = arith.index_cast %parallel_loop3A_453 : i32 to index
        %parallel_loop3A_2557 = arith.constant 480 : index
        %parallel_loop3A_2558 = tpu.vector_load %arg6[%parallel_loop3A_2555, %parallel_loop3A_2556, %parallel_loop3A_2557] {strides = array<i32>} : memref<9x16x512xf32, #tpu.memory_space<vmem>>, vector<1x1x16xf32>,
        %parallel_loop3A_2559 = vector.shape_cast %parallel_loop3A_2558 : vector<1x1x16xf32> to vector<16xf32>
        %parallel_loop3A_2560 = arith.constant 6 : i32
        %parallel_loop3A_2561 = arith.index_cast %parallel_loop3A_2560 : i32 to index
        %parallel_loop3A_2562 = arith.index_cast %parallel_loop3A_453 : i32 to index
        %parallel_loop3A_2563 = arith.constant 480 : index
        %parallel_loop3A_2564 = tpu.vector_load %arg6[%parallel_loop3A_2561, %parallel_loop3A_2562, %parallel_loop3A_2563] {strides = array<i32>} : memref<9x16x512xf32, #tpu.memory_space<vmem>>, vector<1x1x16xf32>,
        %parallel_loop3A_2565 = vector.shape_cast %parallel_loop3A_2564 : vector<1x1x16xf32> to vector<16xf32>
        %parallel_loop3A_2566 = arith.constant 7 : i32
        %parallel_loop3A_2567 = arith.index_cast %parallel_loop3A_2566 : i32 to index
        %parallel_loop3A_2568 = arith.index_cast %parallel_loop3A_453 : i32 to index
        %parallel_loop3A_2569 = arith.constant 480 : index
        %parallel_loop3A_2570 = tpu.vector_load %arg6[%parallel_loop3A_2567, %parallel_loop3A_2568, %parallel_loop3A_2569] {strides = array<i32>} : memref<9x16x512xf32, #tpu.memory_space<vmem>>, vector<1x1x16xf32>,
        %parallel_loop3A_2571 = vector.shape_cast %parallel_loop3A_2570 : vector<1x1x16xf32> to vector<16xf32>
        %parallel_loop3A_2572 = arith.constant 8 : i32
        %parallel_loop3A_2573 = arith.index_cast %parallel_loop3A_2572 : i32 to index
        %parallel_loop3A_2574 = arith.index_cast %parallel_loop3A_453 : i32 to index
        %parallel_loop3A_2575 = arith.constant 480 : index
        %parallel_loop3A_2576 = tpu.vector_load %arg6[%parallel_loop3A_2573, %parallel_loop3A_2574, %parallel_loop3A_2575] {strides = array<i32>} : memref<9x16x512xf32, #tpu.memory_space<vmem>>, vector<1x1x16xf32>,
        %parallel_loop3A_2577 = vector.shape_cast %parallel_loop3A_2576 : vector<1x1x16xf32> to vector<16xf32>
        %parallel_loop3A_2578 = arith.addf %parallel_loop3A_2529, %parallel_loop3A_2535 : vector<16xf32>
        %parallel_loop3A_2579 = arith.addf %parallel_loop3A_2541, %parallel_loop3A_2547 : vector<16xf32>
        %parallel_loop3A_2580 = arith.addf %parallel_loop3A_2553, %parallel_loop3A_2559 : vector<16xf32>
        %parallel_loop3A_2581 = arith.addf %parallel_loop3A_2565, %parallel_loop3A_2571 : vector<16xf32>
        %parallel_loop3A_2582 = arith.addf %parallel_loop3A_2578, %parallel_loop3A_2579 : vector<16xf32>
        %parallel_loop3A_2583 = arith.addf %parallel_loop3A_2580, %parallel_loop3A_2581 : vector<16xf32>
        %parallel_loop3A_2584 = arith.addf %parallel_loop3A_2582, %parallel_loop3A_2583 : vector<16xf32>
        %parallel_loop3A_2585 = arith.addf %parallel_loop3A_2584, %parallel_loop3A_2577 : vector<16xf32>
        %parallel_loop3A_2586 = arith.constant 3 : i32
        %parallel_loop3A_2587 = arith.index_cast %parallel_loop3A_2586 : i32 to index
        %parallel_loop3A_2588 = arith.index_cast %parallel_loop3A_453 : i32 to index
        %parallel_loop3A_2589 = arith.constant 96 : index
        %parallel_loop3A_2590 = tpu.vector_load %arg7[%parallel_loop3A_2587, %parallel_loop3A_2588, %parallel_loop3A_2589] {strides = array<i32>} : memref<4x16x128xf32, #tpu.memory_space<vmem>>, vector<1x1x16xf32>,
        %parallel_loop3A_2591 = vector.shape_cast %parallel_loop3A_2590 : vector<1x1x16xf32> to vector<16xf32>
        %parallel_loop3A_2592 = vector.shape_cast %parallel_loop3A_2585 : vector<16xf32> to vector<1x1x16xf32>
        tpu.vector_store %arg7[%parallel_loop3A_2587, %parallel_loop3A_2588, %parallel_loop3A_2589], %parallel_loop3A_2592 {strides = array<i32>} : memref<4x16x128xf32, #tpu.memory_space<vmem>>, vector<1x1x16xf32>,
        %parallel_loop3A_2593 = arith.constant 0 : i32
        %parallel_loop3A_2594 = arith.index_cast %parallel_loop3A_2593 : i32 to index
        %parallel_loop3A_2595 = arith.index_cast %parallel_loop3A_453 : i32 to index
        %parallel_loop3A_2596 = arith.constant 496 : index
        %parallel_loop3A_2597 = tpu.vector_load %arg6[%parallel_loop3A_2594, %parallel_loop3A_2595, %parallel_loop3A_2596] {strides = array<i32>} : memref<9x16x512xf32, #tpu.memory_space<vmem>>, vector<1x1x16xf32>,
        %parallel_loop3A_2598 = vector.shape_cast %parallel_loop3A_2597 : vector<1x1x16xf32> to vector<16xf32>
        %parallel_loop3A_2599 = arith.constant 1 : i32
        %parallel_loop3A_2600 = arith.index_cast %parallel_loop3A_2599 : i32 to index
        %parallel_loop3A_2601 = arith.index_cast %parallel_loop3A_453 : i32 to index
        %parallel_loop3A_2602 = arith.constant 496 : index
        %parallel_loop3A_2603 = tpu.vector_load %arg6[%parallel_loop3A_2600, %parallel_loop3A_2601, %parallel_loop3A_2602] {strides = array<i32>} : memref<9x16x512xf32, #tpu.memory_space<vmem>>, vector<1x1x16xf32>,
        %parallel_loop3A_2604 = vector.shape_cast %parallel_loop3A_2603 : vector<1x1x16xf32> to vector<16xf32>
        %parallel_loop3A_2605 = arith.constant 2 : i32
        %parallel_loop3A_2606 = arith.index_cast %parallel_loop3A_2605 : i32 to index
        %parallel_loop3A_2607 = arith.index_cast %parallel_loop3A_453 : i32 to index
        %parallel_loop3A_2608 = arith.constant 496 : index
        %parallel_loop3A_2609 = tpu.vector_load %arg6[%parallel_loop3A_2606, %parallel_loop3A_2607, %parallel_loop3A_2608] {strides = array<i32>} : memref<9x16x512xf32, #tpu.memory_space<vmem>>, vector<1x1x16xf32>,
        %parallel_loop3A_2610 = vector.shape_cast %parallel_loop3A_2609 : vector<1x1x16xf32> to vector<16xf32>
        %parallel_loop3A_2611 = arith.constant 3 : i32
        %parallel_loop3A_2612 = arith.index_cast %parallel_loop3A_2611 : i32 to index
        %parallel_loop3A_2613 = arith.index_cast %parallel_loop3A_453 : i32 to index
        %parallel_loop3A_2614 = arith.constant 496 : index
        %parallel_loop3A_2615 = tpu.vector_load %arg6[%parallel_loop3A_2612, %parallel_loop3A_2613, %parallel_loop3A_2614] {strides = array<i32>} : memref<9x16x512xf32, #tpu.memory_space<vmem>>, vector<1x1x16xf32>,
        %parallel_loop3A_2616 = vector.shape_cast %parallel_loop3A_2615 : vector<1x1x16xf32> to vector<16xf32>
        %parallel_loop3A_2617 = arith.constant 4 : i32
        %parallel_loop3A_2618 = arith.index_cast %parallel_loop3A_2617 : i32 to index
        %parallel_loop3A_2619 = arith.index_cast %parallel_loop3A_453 : i32 to index
        %parallel_loop3A_2620 = arith.constant 496 : index
        %parallel_loop3A_2621 = tpu.vector_load %arg6[%parallel_loop3A_2618, %parallel_loop3A_2619, %parallel_loop3A_2620] {strides = array<i32>} : memref<9x16x512xf32, #tpu.memory_space<vmem>>, vector<1x1x16xf32>,
        %parallel_loop3A_2622 = vector.shape_cast %parallel_loop3A_2621 : vector<1x1x16xf32> to vector<16xf32>
        %parallel_loop3A_2623 = arith.constant 5 : i32
        %parallel_loop3A_2624 = arith.index_cast %parallel_loop3A_2623 : i32 to index
        %parallel_loop3A_2625 = arith.index_cast %parallel_loop3A_453 : i32 to index
        %parallel_loop3A_2626 = arith.constant 496 : index
        %parallel_loop3A_2627 = tpu.vector_load %arg6[%parallel_loop3A_2624, %parallel_loop3A_2625, %parallel_loop3A_2626] {strides = array<i32>} : memref<9x16x512xf32, #tpu.memory_space<vmem>>, vector<1x1x16xf32>,
        %parallel_loop3A_2628 = vector.shape_cast %parallel_loop3A_2627 : vector<1x1x16xf32> to vector<16xf32>
        %parallel_loop3A_2629 = arith.constant 6 : i32
        %parallel_loop3A_2630 = arith.index_cast %parallel_loop3A_2629 : i32 to index
        %parallel_loop3A_2631 = arith.index_cast %parallel_loop3A_453 : i32 to index
        %parallel_loop3A_2632 = arith.constant 496 : index
        %parallel_loop3A_2633 = tpu.vector_load %arg6[%parallel_loop3A_2630, %parallel_loop3A_2631, %parallel_loop3A_2632] {strides = array<i32>} : memref<9x16x512xf32, #tpu.memory_space<vmem>>, vector<1x1x16xf32>,
        %parallel_loop3A_2634 = vector.shape_cast %parallel_loop3A_2633 : vector<1x1x16xf32> to vector<16xf32>
        %parallel_loop3A_2635 = arith.constant 7 : i32
        %parallel_loop3A_2636 = arith.index_cast %parallel_loop3A_2635 : i32 to index
        %parallel_loop3A_2637 = arith.index_cast %parallel_loop3A_453 : i32 to index
        %parallel_loop3A_2638 = arith.constant 496 : index
        %parallel_loop3A_2639 = tpu.vector_load %arg6[%parallel_loop3A_2636, %parallel_loop3A_2637, %parallel_loop3A_2638] {strides = array<i32>} : memref<9x16x512xf32, #tpu.memory_space<vmem>>, vector<1x1x16xf32>,
        %parallel_loop3A_2640 = vector.shape_cast %parallel_loop3A_2639 : vector<1x1x16xf32> to vector<16xf32>
        %parallel_loop3A_2641 = arith.constant 8 : i32
        %parallel_loop3A_2642 = arith.index_cast %parallel_loop3A_2641 : i32 to index
        %parallel_loop3A_2643 = arith.index_cast %parallel_loop3A_453 : i32 to index
        %parallel_loop3A_2644 = arith.constant 496 : index
        %parallel_loop3A_2645 = tpu.vector_load %arg6[%parallel_loop3A_2642, %parallel_loop3A_2643, %parallel_loop3A_2644] {strides = array<i32>} : memref<9x16x512xf32, #tpu.memory_space<vmem>>, vector<1x1x16xf32>,
        %parallel_loop3A_2646 = vector.shape_cast %parallel_loop3A_2645 : vector<1x1x16xf32> to vector<16xf32>
        %parallel_loop3A_2647 = arith.addf %parallel_loop3A_2598, %parallel_loop3A_2604 : vector<16xf32>
        %parallel_loop3A_2648 = arith.addf %parallel_loop3A_2610, %parallel_loop3A_2616 : vector<16xf32>
        %parallel_loop3A_2649 = arith.addf %parallel_loop3A_2622, %parallel_loop3A_2628 : vector<16xf32>
        %parallel_loop3A_2650 = arith.addf %parallel_loop3A_2634, %parallel_loop3A_2640 : vector<16xf32>
        %parallel_loop3A_2651 = arith.addf %parallel_loop3A_2647, %parallel_loop3A_2648 : vector<16xf32>
        %parallel_loop3A_2652 = arith.addf %parallel_loop3A_2649, %parallel_loop3A_2650 : vector<16xf32>
        %parallel_loop3A_2653 = arith.addf %parallel_loop3A_2651, %parallel_loop3A_2652 : vector<16xf32>
        %parallel_loop3A_2654 = arith.addf %parallel_loop3A_2653, %parallel_loop3A_2646 : vector<16xf32>
        %parallel_loop3A_2655 = arith.constant 3 : i32
        %parallel_loop3A_2656 = arith.index_cast %parallel_loop3A_2655 : i32 to index
        %parallel_loop3A_2657 = arith.index_cast %parallel_loop3A_453 : i32 to index
        %parallel_loop3A_2658 = arith.constant 112 : index
        %parallel_loop3A_2659 = tpu.vector_load %arg7[%parallel_loop3A_2656, %parallel_loop3A_2657, %parallel_loop3A_2658] {strides = array<i32>} : memref<4x16x128xf32, #tpu.memory_space<vmem>>, vector<1x1x16xf32>,
        %parallel_loop3A_2660 = vector.shape_cast %parallel_loop3A_2659 : vector<1x1x16xf32> to vector<16xf32>
        %parallel_loop3A_2661 = vector.shape_cast %parallel_loop3A_2654 : vector<16xf32> to vector<1x1x16xf32>
        tpu.vector_store %arg7[%parallel_loop3A_2656, %parallel_loop3A_2657, %parallel_loop3A_2658], %parallel_loop3A_2661 {strides = array<i32>} : memref<4x16x128xf32, #tpu.memory_space<vmem>>, vector<1x1x16xf32>,
      } {sc.loop_unroll_factor = 1 : i64, sc.parallel_access}
      %run_scoped3A = arith.constant 0 : i32
      %run_scoped3A_446 = arith.constant 0 : i32
      "tpu.region"() ({
        %run_scoped3A_453 = tpu.sem_alloc : memref<!tpu.dma_semaphore, #tpu.memory_space<semaphore_mem>>
        %dma_start3A_454 = arith.constant 0 : i32
        %dma_start3A_455 = arith.constant 0 : i32
        %dma_start3A_456 = tpu.memref_slice %arg7[%run_scoped3A, %dma_start3A_454, %dma_start3A_455] : memref<4x16x128xf32, #tpu.memory_space<vmem>> -> memref<1x16x128xf32, #tpu.memory_space<vmem>>
        %dma_start3A_457 = tpu.memref_squeeze %dma_start3A_456 : memref<1x16x128xf32, #tpu.memory_space<vmem>> -> memref<16x128xf32, #tpu.memory_space<vmem>>
        %dma_start3A_458 = arith.constant 0 : i32
        %dma_start3A_459 = tpu.memref_slice %arg4[%run_scoped3A_446, %add3A_13, %dma_start3A_458] : memref<4x10240x128xf32, #tpu.memory_space<hbm>> -> memref<1x16x128xf32, #tpu.memory_space<hbm>>
        %dma_start3A_460 = tpu.memref_squeeze %dma_start3A_459 : memref<1x16x128xf32, #tpu.memory_space<hbm>> -> memref<16x128xf32, #tpu.memory_space<hbm>>
        %dma_start3A_461 = arith.constant 0 : i32
        %dma_start3A_462 = tpu.memref_slice %arg4[%run_scoped3A_446, %add3A_13, %dma_start3A_461] : memref<4x10240x128xf32, #tpu.memory_space<hbm>> -> memref<1x16x128xf32, #tpu.memory_space<hbm>>
        %dma_start3A_463 = tpu.memref_squeeze %dma_start3A_462 : memref<1x16x128xf32, #tpu.memory_space<hbm>> -> memref<16x128xf32, #tpu.memory_space<hbm>>
        %dma_start3A_464 = arith.constant 0 : i32
        %dma_start3A_465 = arith.constant 0 : i32
        %dma_start3A_466 = tpu.memref_slice %arg7[%run_scoped3A, %dma_start3A_464, %dma_start3A_465] : memref<4x16x128xf32, #tpu.memory_space<vmem>> -> memref<1x16x128xf32, #tpu.memory_space<vmem>>
        %dma_start3A_467 = tpu.memref_squeeze %dma_start3A_466 : memref<1x16x128xf32, #tpu.memory_space<vmem>> -> memref<16x128xf32, #tpu.memory_space<vmem>>
        tpu.enqueue_dma source(%dma_start3A_467 : memref<16x128xf32, #tpu.memory_space<vmem>>) target(%dma_start3A_463 : memref<16x128xf32, #tpu.memory_space<hbm>>) target_semaphore(%run_scoped3A_453 : memref<!tpu.dma_semaphore, #tpu.memory_space<semaphore_mem>>)
        %dma_wait3A_468 = arith.constant 0 : i32
        %dma_wait3A_469 = arith.constant 0 : i32
        %dma_wait3A_470 = tpu.memref_slice %arg7[%run_scoped3A, %dma_wait3A_468, %dma_wait3A_469] : memref<4x16x128xf32, #tpu.memory_space<vmem>> -> memref<1x16x128xf32, #tpu.memory_space<vmem>>
        %dma_wait3A_471 = tpu.memref_squeeze %dma_wait3A_470 : memref<1x16x128xf32, #tpu.memory_space<vmem>> -> memref<16x128xf32, #tpu.memory_space<vmem>>
        %dma_wait3A_472 = arith.constant 0 : i32
        %dma_wait3A_473 = tpu.memref_slice %arg4[%run_scoped3A_446, %add3A_13, %dma_wait3A_472] : memref<4x10240x128xf32, #tpu.memory_space<hbm>> -> memref<1x16x128xf32, #tpu.memory_space<hbm>>
        %dma_wait3A_474 = tpu.memref_squeeze %dma_wait3A_473 : memref<1x16x128xf32, #tpu.memory_space<hbm>> -> memref<16x128xf32, #tpu.memory_space<hbm>>
        %dma_wait3A_475 = arith.constant 0 : i32
        %dma_wait3A_476 = tpu.memref_slice %arg4[%run_scoped3A_446, %add3A_13, %dma_wait3A_475] : memref<4x10240x128xf32, #tpu.memory_space<hbm>> -> memref<1x16x128xf32, #tpu.memory_space<hbm>>
        %dma_wait3A_477 = tpu.memref_squeeze %dma_wait3A_476 : memref<1x16x128xf32, #tpu.memory_space<hbm>> -> memref<16x128xf32, #tpu.memory_space<hbm>>
        %dma_wait3A_478 = arith.constant 0 : i32
        %dma_wait3A_479 = arith.constant 0 : i32
        %dma_wait3A_480 = tpu.memref_slice %arg7[%run_scoped3A, %dma_wait3A_478, %dma_wait3A_479] : memref<4x16x128xf32, #tpu.memory_space<vmem>> -> memref<1x16x128xf32, #tpu.memory_space<vmem>>
        %dma_wait3A_481 = tpu.memref_squeeze %dma_wait3A_480 : memref<1x16x128xf32, #tpu.memory_space<vmem>> -> memref<16x128xf32, #tpu.memory_space<vmem>>
        tpu.wait_dma2 semaphore(%run_scoped3A_453 : memref<!tpu.dma_semaphore, #tpu.memory_space<semaphore_mem>>) src(%dma_wait3A_481 : memref<16x128xf32, #tpu.memory_space<vmem>>) dst(%dma_wait3A_477 : memref<16x128xf32, #tpu.memory_space<hbm>>)
        tpu.yield
      }) : () -> ()
      %run_scoped3A_447 = arith.constant 1 : i32
      %run_scoped3A_448 = arith.constant 1 : i32
      "tpu.region"() ({
        %run_scoped3A_453 = tpu.sem_alloc : memref<!tpu.dma_semaphore, #tpu.memory_space<semaphore_mem>>
        %dma_start3A_454 = arith.constant 0 : i32
        %dma_start3A_455 = arith.constant 0 : i32
        %dma_start3A_456 = tpu.memref_slice %arg7[%run_scoped3A_447, %dma_start3A_454, %dma_start3A_455] : memref<4x16x128xf32, #tpu.memory_space<vmem>> -> memref<1x16x128xf32, #tpu.memory_space<vmem>>
        %dma_start3A_457 = tpu.memref_squeeze %dma_start3A_456 : memref<1x16x128xf32, #tpu.memory_space<vmem>> -> memref<16x128xf32, #tpu.memory_space<vmem>>
        %dma_start3A_458 = arith.constant 0 : i32
        %dma_start3A_459 = tpu.memref_slice %arg4[%run_scoped3A_448, %add3A_13, %dma_start3A_458] : memref<4x10240x128xf32, #tpu.memory_space<hbm>> -> memref<1x16x128xf32, #tpu.memory_space<hbm>>
        %dma_start3A_460 = tpu.memref_squeeze %dma_start3A_459 : memref<1x16x128xf32, #tpu.memory_space<hbm>> -> memref<16x128xf32, #tpu.memory_space<hbm>>
        %dma_start3A_461 = arith.constant 0 : i32
        %dma_start3A_462 = tpu.memref_slice %arg4[%run_scoped3A_448, %add3A_13, %dma_start3A_461] : memref<4x10240x128xf32, #tpu.memory_space<hbm>> -> memref<1x16x128xf32, #tpu.memory_space<hbm>>
        %dma_start3A_463 = tpu.memref_squeeze %dma_start3A_462 : memref<1x16x128xf32, #tpu.memory_space<hbm>> -> memref<16x128xf32, #tpu.memory_space<hbm>>
        %dma_start3A_464 = arith.constant 0 : i32
        %dma_start3A_465 = arith.constant 0 : i32
        %dma_start3A_466 = tpu.memref_slice %arg7[%run_scoped3A_447, %dma_start3A_464, %dma_start3A_465] : memref<4x16x128xf32, #tpu.memory_space<vmem>> -> memref<1x16x128xf32, #tpu.memory_space<vmem>>
        %dma_start3A_467 = tpu.memref_squeeze %dma_start3A_466 : memref<1x16x128xf32, #tpu.memory_space<vmem>> -> memref<16x128xf32, #tpu.memory_space<vmem>>
        tpu.enqueue_dma source(%dma_start3A_467 : memref<16x128xf32, #tpu.memory_space<vmem>>) target(%dma_start3A_463 : memref<16x128xf32, #tpu.memory_space<hbm>>) target_semaphore(%run_scoped3A_453 : memref<!tpu.dma_semaphore, #tpu.memory_space<semaphore_mem>>)
        %dma_wait3A_468 = arith.constant 0 : i32
        %dma_wait3A_469 = arith.constant 0 : i32
        %dma_wait3A_470 = tpu.memref_slice %arg7[%run_scoped3A_447, %dma_wait3A_468, %dma_wait3A_469] : memref<4x16x128xf32, #tpu.memory_space<vmem>> -> memref<1x16x128xf32, #tpu.memory_space<vmem>>
        %dma_wait3A_471 = tpu.memref_squeeze %dma_wait3A_470 : memref<1x16x128xf32, #tpu.memory_space<vmem>> -> memref<16x128xf32, #tpu.memory_space<vmem>>
        %dma_wait3A_472 = arith.constant 0 : i32
        %dma_wait3A_473 = tpu.memref_slice %arg4[%run_scoped3A_448, %add3A_13, %dma_wait3A_472] : memref<4x10240x128xf32, #tpu.memory_space<hbm>> -> memref<1x16x128xf32, #tpu.memory_space<hbm>>
        %dma_wait3A_474 = tpu.memref_squeeze %dma_wait3A_473 : memref<1x16x128xf32, #tpu.memory_space<hbm>> -> memref<16x128xf32, #tpu.memory_space<hbm>>
        %dma_wait3A_475 = arith.constant 0 : i32
        %dma_wait3A_476 = tpu.memref_slice %arg4[%run_scoped3A_448, %add3A_13, %dma_wait3A_475] : memref<4x10240x128xf32, #tpu.memory_space<hbm>> -> memref<1x16x128xf32, #tpu.memory_space<hbm>>
        %dma_wait3A_477 = tpu.memref_squeeze %dma_wait3A_476 : memref<1x16x128xf32, #tpu.memory_space<hbm>> -> memref<16x128xf32, #tpu.memory_space<hbm>>
        %dma_wait3A_478 = arith.constant 0 : i32
        %dma_wait3A_479 = arith.constant 0 : i32
        %dma_wait3A_480 = tpu.memref_slice %arg7[%run_scoped3A_447, %dma_wait3A_478, %dma_wait3A_479] : memref<4x16x128xf32, #tpu.memory_space<vmem>> -> memref<1x16x128xf32, #tpu.memory_space<vmem>>
        %dma_wait3A_481 = tpu.memref_squeeze %dma_wait3A_480 : memref<1x16x128xf32, #tpu.memory_space<vmem>> -> memref<16x128xf32, #tpu.memory_space<vmem>>
        tpu.wait_dma2 semaphore(%run_scoped3A_453 : memref<!tpu.dma_semaphore, #tpu.memory_space<semaphore_mem>>) src(%dma_wait3A_481 : memref<16x128xf32, #tpu.memory_space<vmem>>) dst(%dma_wait3A_477 : memref<16x128xf32, #tpu.memory_space<hbm>>)
        tpu.yield
      }) : () -> ()
      %run_scoped3A_449 = arith.constant 2 : i32
      %run_scoped3A_450 = arith.constant 2 : i32
      "tpu.region"() ({
        %run_scoped3A_453 = tpu.sem_alloc : memref<!tpu.dma_semaphore, #tpu.memory_space<semaphore_mem>>
        %dma_start3A_454 = arith.constant 0 : i32
        %dma_start3A_455 = arith.constant 0 : i32
        %dma_start3A_456 = tpu.memref_slice %arg7[%run_scoped3A_449, %dma_start3A_454, %dma_start3A_455] : memref<4x16x128xf32, #tpu.memory_space<vmem>> -> memref<1x16x128xf32, #tpu.memory_space<vmem>>
        %dma_start3A_457 = tpu.memref_squeeze %dma_start3A_456 : memref<1x16x128xf32, #tpu.memory_space<vmem>> -> memref<16x128xf32, #tpu.memory_space<vmem>>
        %dma_start3A_458 = arith.constant 0 : i32
        %dma_start3A_459 = tpu.memref_slice %arg4[%run_scoped3A_450, %add3A_13, %dma_start3A_458] : memref<4x10240x128xf32, #tpu.memory_space<hbm>> -> memref<1x16x128xf32, #tpu.memory_space<hbm>>
        %dma_start3A_460 = tpu.memref_squeeze %dma_start3A_459 : memref<1x16x128xf32, #tpu.memory_space<hbm>> -> memref<16x128xf32, #tpu.memory_space<hbm>>
        %dma_start3A_461 = arith.constant 0 : i32
        %dma_start3A_462 = tpu.memref_slice %arg4[%run_scoped3A_450, %add3A_13, %dma_start3A_461] : memref<4x10240x128xf32, #tpu.memory_space<hbm>> -> memref<1x16x128xf32, #tpu.memory_space<hbm>>
        %dma_start3A_463 = tpu.memref_squeeze %dma_start3A_462 : memref<1x16x128xf32, #tpu.memory_space<hbm>> -> memref<16x128xf32, #tpu.memory_space<hbm>>
        %dma_start3A_464 = arith.constant 0 : i32
        %dma_start3A_465 = arith.constant 0 : i32
        %dma_start3A_466 = tpu.memref_slice %arg7[%run_scoped3A_449, %dma_start3A_464, %dma_start3A_465] : memref<4x16x128xf32, #tpu.memory_space<vmem>> -> memref<1x16x128xf32, #tpu.memory_space<vmem>>
        %dma_start3A_467 = tpu.memref_squeeze %dma_start3A_466 : memref<1x16x128xf32, #tpu.memory_space<vmem>> -> memref<16x128xf32, #tpu.memory_space<vmem>>
        tpu.enqueue_dma source(%dma_start3A_467 : memref<16x128xf32, #tpu.memory_space<vmem>>) target(%dma_start3A_463 : memref<16x128xf32, #tpu.memory_space<hbm>>) target_semaphore(%run_scoped3A_453 : memref<!tpu.dma_semaphore, #tpu.memory_space<semaphore_mem>>)
        %dma_wait3A_468 = arith.constant 0 : i32
        %dma_wait3A_469 = arith.constant 0 : i32
        %dma_wait3A_470 = tpu.memref_slice %arg7[%run_scoped3A_449, %dma_wait3A_468, %dma_wait3A_469] : memref<4x16x128xf32, #tpu.memory_space<vmem>> -> memref<1x16x128xf32, #tpu.memory_space<vmem>>
        %dma_wait3A_471 = tpu.memref_squeeze %dma_wait3A_470 : memref<1x16x128xf32, #tpu.memory_space<vmem>> -> memref<16x128xf32, #tpu.memory_space<vmem>>
        %dma_wait3A_472 = arith.constant 0 : i32
        %dma_wait3A_473 = tpu.memref_slice %arg4[%run_scoped3A_450, %add3A_13, %dma_wait3A_472] : memref<4x10240x128xf32, #tpu.memory_space<hbm>> -> memref<1x16x128xf32, #tpu.memory_space<hbm>>
        %dma_wait3A_474 = tpu.memref_squeeze %dma_wait3A_473 : memref<1x16x128xf32, #tpu.memory_space<hbm>> -> memref<16x128xf32, #tpu.memory_space<hbm>>
        %dma_wait3A_475 = arith.constant 0 : i32
        %dma_wait3A_476 = tpu.memref_slice %arg4[%run_scoped3A_450, %add3A_13, %dma_wait3A_475] : memref<4x10240x128xf32, #tpu.memory_space<hbm>> -> memref<1x16x128xf32, #tpu.memory_space<hbm>>
        %dma_wait3A_477 = tpu.memref_squeeze %dma_wait3A_476 : memref<1x16x128xf32, #tpu.memory_space<hbm>> -> memref<16x128xf32, #tpu.memory_space<hbm>>
        %dma_wait3A_478 = arith.constant 0 : i32
        %dma_wait3A_479 = arith.constant 0 : i32
        %dma_wait3A_480 = tpu.memref_slice %arg7[%run_scoped3A_449, %dma_wait3A_478, %dma_wait3A_479] : memref<4x16x128xf32, #tpu.memory_space<vmem>> -> memref<1x16x128xf32, #tpu.memory_space<vmem>>
        %dma_wait3A_481 = tpu.memref_squeeze %dma_wait3A_480 : memref<1x16x128xf32, #tpu.memory_space<vmem>> -> memref<16x128xf32, #tpu.memory_space<vmem>>
        tpu.wait_dma2 semaphore(%run_scoped3A_453 : memref<!tpu.dma_semaphore, #tpu.memory_space<semaphore_mem>>) src(%dma_wait3A_481 : memref<16x128xf32, #tpu.memory_space<vmem>>) dst(%dma_wait3A_477 : memref<16x128xf32, #tpu.memory_space<hbm>>)
        tpu.yield
      }) : () -> ()
      %run_scoped3A_451 = arith.constant 3 : i32
      %run_scoped3A_452 = arith.constant 3 : i32
      "tpu.region"() ({
        %run_scoped3A_453 = tpu.sem_alloc : memref<!tpu.dma_semaphore, #tpu.memory_space<semaphore_mem>>
        %dma_start3A_454 = arith.constant 0 : i32
        %dma_start3A_455 = arith.constant 0 : i32
        %dma_start3A_456 = tpu.memref_slice %arg7[%run_scoped3A_451, %dma_start3A_454, %dma_start3A_455] : memref<4x16x128xf32, #tpu.memory_space<vmem>> -> memref<1x16x128xf32, #tpu.memory_space<vmem>>
        %dma_start3A_457 = tpu.memref_squeeze %dma_start3A_456 : memref<1x16x128xf32, #tpu.memory_space<vmem>> -> memref<16x128xf32, #tpu.memory_space<vmem>>
        %dma_start3A_458 = arith.constant 0 : i32
        %dma_start3A_459 = tpu.memref_slice %arg4[%run_scoped3A_452, %add3A_13, %dma_start3A_458] : memref<4x10240x128xf32, #tpu.memory_space<hbm>> -> memref<1x16x128xf32, #tpu.memory_space<hbm>>
        %dma_start3A_460 = tpu.memref_squeeze %dma_start3A_459 : memref<1x16x128xf32, #tpu.memory_space<hbm>> -> memref<16x128xf32, #tpu.memory_space<hbm>>
        %dma_start3A_461 = arith.constant 0 : i32
        %dma_start3A_462 = tpu.memref_slice %arg4[%run_scoped3A_452, %add3A_13, %dma_start3A_461] : memref<4x10240x128xf32, #tpu.memory_space<hbm>> -> memref<1x16x128xf32, #tpu.memory_space<hbm>>
        %dma_start3A_463 = tpu.memref_squeeze %dma_start3A_462 : memref<1x16x128xf32, #tpu.memory_space<hbm>> -> memref<16x128xf32, #tpu.memory_space<hbm>>
        %dma_start3A_464 = arith.constant 0 : i32
        %dma_start3A_465 = arith.constant 0 : i32
        %dma_start3A_466 = tpu.memref_slice %arg7[%run_scoped3A_451, %dma_start3A_464, %dma_start3A_465] : memref<4x16x128xf32, #tpu.memory_space<vmem>> -> memref<1x16x128xf32, #tpu.memory_space<vmem>>
        %dma_start3A_467 = tpu.memref_squeeze %dma_start3A_466 : memref<1x16x128xf32, #tpu.memory_space<vmem>> -> memref<16x128xf32, #tpu.memory_space<vmem>>
        tpu.enqueue_dma source(%dma_start3A_467 : memref<16x128xf32, #tpu.memory_space<vmem>>) target(%dma_start3A_463 : memref<16x128xf32, #tpu.memory_space<hbm>>) target_semaphore(%run_scoped3A_453 : memref<!tpu.dma_semaphore, #tpu.memory_space<semaphore_mem>>)
        %dma_wait3A_468 = arith.constant 0 : i32
        %dma_wait3A_469 = arith.constant 0 : i32
        %dma_wait3A_470 = tpu.memref_slice %arg7[%run_scoped3A_451, %dma_wait3A_468, %dma_wait3A_469] : memref<4x16x128xf32, #tpu.memory_space<vmem>> -> memref<1x16x128xf32, #tpu.memory_space<vmem>>
        %dma_wait3A_471 = tpu.memref_squeeze %dma_wait3A_470 : memref<1x16x128xf32, #tpu.memory_space<vmem>> -> memref<16x128xf32, #tpu.memory_space<vmem>>
        %dma_wait3A_472 = arith.constant 0 : i32
        %dma_wait3A_473 = tpu.memref_slice %arg4[%run_scoped3A_452, %add3A_13, %dma_wait3A_472] : memref<4x10240x128xf32, #tpu.memory_space<hbm>> -> memref<1x16x128xf32, #tpu.memory_space<hbm>>
        %dma_wait3A_474 = tpu.memref_squeeze %dma_wait3A_473 : memref<1x16x128xf32, #tpu.memory_space<hbm>> -> memref<16x128xf32, #tpu.memory_space<hbm>>
        %dma_wait3A_475 = arith.constant 0 : i32
        %dma_wait3A_476 = tpu.memref_slice %arg4[%run_scoped3A_452, %add3A_13, %dma_wait3A_475] : memref<4x10240x128xf32, #tpu.memory_space<hbm>> -> memref<1x16x128xf32, #tpu.memory_space<hbm>>
        %dma_wait3A_477 = tpu.memref_squeeze %dma_wait3A_476 : memref<1x16x128xf32, #tpu.memory_space<hbm>> -> memref<16x128xf32, #tpu.memory_space<hbm>>
        %dma_wait3A_478 = arith.constant 0 : i32
        %dma_wait3A_479 = arith.constant 0 : i32
        %dma_wait3A_480 = tpu.memref_slice %arg7[%run_scoped3A_451, %dma_wait3A_478, %dma_wait3A_479] : memref<4x16x128xf32, #tpu.memory_space<vmem>> -> memref<1x16x128xf32, #tpu.memory_space<vmem>>
        %dma_wait3A_481 = tpu.memref_squeeze %dma_wait3A_480 : memref<1x16x128xf32, #tpu.memory_space<vmem>> -> memref<16x128xf32, #tpu.memory_space<vmem>>
        tpu.wait_dma2 semaphore(%run_scoped3A_453 : memref<!tpu.dma_semaphore, #tpu.memory_space<semaphore_mem>>) src(%dma_wait3A_481 : memref<16x128xf32, #tpu.memory_space<vmem>>) dst(%dma_wait3A_477 : memref<16x128xf32, #tpu.memory_space<hbm>>)
        tpu.yield
      }) : () -> ()
    }
    %scan3A_9 = arith.constant 20 : i32
    return
  }
}

module attributes {stable_mosaic.version = 14 : i64} {
  func.func @body(%arg0: i32, %arg1: memref<2500x512xf32, #tpu.memory_space<vmem>>, %arg2: memref<4x512x128xf32, #tpu.memory_space<vmem>>, %arg3: memref<1x128xf32, #tpu.memory_space<vmem>>, %arg4: memref<4x2500x128xf32, #tpu.memory_space<vmem>>) attributes {dimension_semantics = [#tpu.dimension_semantics<arbitrary>], iteration_bounds = array<i64: 20>, scalar_prefetch = 0 : i64, scratch_operands = 0 : i64, tpu.core_type = #tpu.core_type<tc>, window_params = [{transform_indices = @transform_0, window_bounds = array<i64: 2500, 512>}, {transform_indices = @transform_1, window_bounds = array<i64: 4, 512, 128>}, {pipeline_mode = #tpu.pipeline_mode<synchronous>, transform_indices = @transform_2, window_bounds = array<i64: 1, 128>}, {pipeline_mode = #tpu.pipeline_mode<synchronous>, transform_indices = @transform_3, window_bounds = array<i64: 4, 2500, 128>}]} {
    %eq3A = arith.constant 0 : i32
    %eq3A_0 = arith.cmpi eq, %arg0, %eq3A : i32
    %convert_element_type3A = arith.extui %eq3A_0 : i1 to i32
    %cond3A = arith.constant 0 : i32
    %cond3A_1 = arith.cmpi ne, %convert_element_type3A, %cond3A : i32
    scf.if %cond3A_1 {
      %broadcast_in_dim3A_94 = arith.constant 0.000000e+00 : f32
      %broadcast_in_dim3A_95 = vector.broadcast %broadcast_in_dim3A_94 : f32 to vector<4x2500x128xf32>
      %swap3A_96 = arith.constant 0 : index
      %swap3A_97 = arith.constant 0 : index
      %swap3A_98 = arith.constant 0 : index
      %swap3A_99 = vector.load %arg4[%swap3A_96, %swap3A_97, %swap3A_98] : memref<4x2500x128xf32, #tpu.memory_space<vmem>>, vector<4x2500x128xf32>
      tpu.vector_store %arg4[%swap3A_96, %swap3A_97, %swap3A_98], %broadcast_in_dim3A_95 {strides = array<i32>} : memref<4x2500x128xf32, #tpu.memory_space<vmem>>, vector<4x2500x128xf32>,
    } else {
    }
    %mul3A = arith.constant 512 : i32
    %mul3A_2 = arith.muli %arg0, %mul3A : i32
    %sub3A = arith.constant 10000 : i32
    %sub3A_3 = arith.subi %sub3A, %mul3A_2 : i32
    %iota3A = tpu.iota {dimensions = array<i32: 1>} : vector<1x512xi32>
    %lt3A = vector.broadcast %sub3A_3 : i32 to vector<1x512xi32>
    %lt3A_4 = arith.cmpi slt, %iota3A, %lt3A : vector<1x512xi32>
    %get3A = arith.constant 0 : index
    %get3A_5 = arith.constant 0 : index
    %get3A_6 = vector.load %arg1[%get3A, %get3A_5] : memref<2500x512xf32, #tpu.memory_space<vmem>>, vector<2500x512xf32>
    %jit3A = arith.constant 0.000000e+00 : f32
    %broadcast_in_dim3A = vector.shape_cast %lt3A_4 : vector<1x512xi1> to vector<1x512xi1>
    %broadcast_in_dim3A_7 = vector.broadcast %broadcast_in_dim3A : vector<1x512xi1> to vector<2500x512xi1>
    %broadcast_in_dim3A_8 = vector.broadcast %jit3A : f32 to vector<2500x512xf32>
    %select_n3A = arith.select %broadcast_in_dim3A_7, %get3A_6, %broadcast_in_dim3A_8 : vector<2500x512xi1>, vector<2500x512xf32>
    %get3A_9 = arith.constant 0 : index
    %get3A_10 = arith.constant 0 : index
    %get3A_11 = arith.constant 0 : index
    %get3A_12 = vector.load %arg2[%get3A_9, %get3A_10, %get3A_11] : memref<4x512x128xf32, #tpu.memory_space<vmem>>, vector<4x512x128xf32>
    %get3A_13 = arith.constant 0 : index
    %get3A_14 = arith.constant 0 : index
    %get3A_15 = vector.load %arg3[%get3A_13, %get3A_14] : memref<1x128xf32, #tpu.memory_space<vmem>>, vector<1x128xf32>
    %broadcast_in_dim3A_16 = vector.shape_cast %get3A_15 : vector<1x128xf32> to vector<1x1x128xf32>
    %add3A = vector.broadcast %broadcast_in_dim3A_16 : vector<1x1x128xf32> to vector<4x512x128xf32>
    %add3A_17 = arith.addf %get3A_12, %add3A : vector<4x512x128xf32>
    %gt3A = arith.constant 0.000000e+00 : f32
    %gt3A_18 = vector.broadcast %gt3A : f32 to vector<4x512x128xf32>
    %gt3A_19 = arith.cmpf ogt, %add3A_17, %gt3A_18 : vector<4x512x128xf32>
    %min3A = arith.constant 0.000000e+00 : f32
    %min3A_20 = vector.broadcast %min3A : f32 to vector<4x512x128xf32>
    %min3A_21 = arith.minimumf %add3A_17, %min3A_20 : vector<4x512x128xf32>
    %exp3A = math.exp %min3A_21 : vector<4x512x128xf32>
    %sub3A_22 = arith.constant 1.000000e+00 : f32
    %sub3A_23 = vector.broadcast %sub3A_22 : f32 to vector<4x512x128xf32>
    %sub3A_24 = arith.subf %exp3A, %sub3A_23 : vector<4x512x128xf32>
    %select_n3A_25 = arith.select %gt3A_19, %add3A_17, %sub3A_24 : vector<4x512x128xi1>, vector<4x512x128xf32>
    %iota3A_26 = tpu.iota {dimensions = array<i32: 1>} : vector<1x512x1xi32>
    %lt3A_27 = vector.broadcast %sub3A_3 : i32 to vector<1x512x1xi32>
    %lt3A_28 = arith.cmpi slt, %iota3A_26, %lt3A_27 : vector<1x512x1xi32>
    %jit3A_29 = arith.constant 0.000000e+00 : f32
    %broadcast_in_dim3A_30 = vector.shape_cast %lt3A_28 : vector<1x512x1xi1> to vector<1x512x1xi1>
    %broadcast_in_dim3A_31 = vector.broadcast %broadcast_in_dim3A_30 : vector<1x512x1xi1> to vector<4x512x128xi1>
    %broadcast_in_dim3A_32 = vector.broadcast %jit3A_29 : f32 to vector<4x512x128xf32>
    %select_n3A_33 = arith.select %broadcast_in_dim3A_31, %select_n3A_25, %broadcast_in_dim3A_32 : vector<4x512x128xi1>, vector<4x512x128xf32>
    %get3A_34 = arith.constant 0 : index
    %get3A_35 = arith.constant 0 : index
    %get3A_36 = arith.constant 0 : index
    %get3A_37 = vector.load %arg4[%get3A_34, %get3A_35, %get3A_36] : memref<4x2500x128xf32, #tpu.memory_space<vmem>>, vector<1x2500x128xf32>
    %get3A_38 = vector.shape_cast %get3A_37 : vector<1x2500x128xf32> to vector<2500x128xf32>
    %slice3A = vector.extract_strided_slice %select_n3A_33 {offsets = [0, 0, 0], sizes = [1, 512, 128], strides = [1, 1, 1]} : vector<4x512x128xf32> to vector<1x512x128xf32>
    %squeeze3A = vector.shape_cast %slice3A : vector<1x512x128xf32> to vector<512x128xf32>
    %dot_general3A = arith.constant dense<0.000000e+00> : vector<2500x128xf32>
    %dot_general3A_39 = tpu.matmul %select_n3A, %squeeze3A, %dot_general3A {dimension_numbers = #tpu.dot_dimension_numbers<[1], [0], [0], [1], [0, 0, 1, 1], [], []>, transpose_lhs_hint = false} : vector<2500x512xf32>, vector<512x128xf32>, vector<2500x128xf32> -> vector<2500x128xf32>
    %add3A_40 = arith.addf %get3A_38, %dot_general3A_39 : vector<2500x128xf32>
    %swap3A = arith.constant 0 : index
    %swap3A_41 = arith.constant 0 : index
    %swap3A_42 = arith.constant 0 : index
    %swap3A_43 = vector.load %arg4[%swap3A, %swap3A_41, %swap3A_42] : memref<4x2500x128xf32, #tpu.memory_space<vmem>>, vector<1x2500x128xf32>
    %swap3A_44 = vector.shape_cast %swap3A_43 : vector<1x2500x128xf32> to vector<2500x128xf32>
    %swap3A_45 = vector.shape_cast %add3A_40 : vector<2500x128xf32> to vector<1x2500x128xf32>
    tpu.vector_store %arg4[%swap3A, %swap3A_41, %swap3A_42], %swap3A_45 {strides = array<i32>} : memref<4x2500x128xf32, #tpu.memory_space<vmem>>, vector<1x2500x128xf32>,
    %get3A_46 = arith.constant 1 : index
    %get3A_47 = arith.constant 0 : index
    %get3A_48 = arith.constant 0 : index
    %get3A_49 = vector.load %arg4[%get3A_46, %get3A_47, %get3A_48] : memref<4x2500x128xf32, #tpu.memory_space<vmem>>, vector<1x2500x128xf32>
    %get3A_50 = vector.shape_cast %get3A_49 : vector<1x2500x128xf32> to vector<2500x128xf32>
    %slice3A_51 = vector.extract_strided_slice %select_n3A_33 {offsets = [1, 0, 0], sizes = [1, 512, 128], strides = [1, 1, 1]} : vector<4x512x128xf32> to vector<1x512x128xf32>
    %squeeze3A_52 = vector.shape_cast %slice3A_51 : vector<1x512x128xf32> to vector<512x128xf32>
    %dot_general3A_53 = arith.constant dense<0.000000e+00> : vector<2500x128xf32>
    %dot_general3A_54 = tpu.matmul %select_n3A, %squeeze3A_52, %dot_general3A_53 {dimension_numbers = #tpu.dot_dimension_numbers<[1], [0], [0], [1], [0, 0, 1, 1], [], []>, transpose_lhs_hint = false} : vector<2500x512xf32>, vector<512x128xf32>, vector<2500x128xf32> -> vector<2500x128xf32>
    %add3A_55 = arith.addf %get3A_50, %dot_general3A_54 : vector<2500x128xf32>
    %swap3A_56 = arith.constant 1 : index
    %swap3A_57 = arith.constant 0 : index
    %swap3A_58 = arith.constant 0 : index
    %swap3A_59 = vector.load %arg4[%swap3A_56, %swap3A_57, %swap3A_58] : memref<4x2500x128xf32, #tpu.memory_space<vmem>>, vector<1x2500x128xf32>
    %swap3A_60 = vector.shape_cast %swap3A_59 : vector<1x2500x128xf32> to vector<2500x128xf32>
    %swap3A_61 = vector.shape_cast %add3A_55 : vector<2500x128xf32> to vector<1x2500x128xf32>
    tpu.vector_store %arg4[%swap3A_56, %swap3A_57, %swap3A_58], %swap3A_61 {strides = array<i32>} : memref<4x2500x128xf32, #tpu.memory_space<vmem>>, vector<1x2500x128xf32>,
    %get3A_62 = arith.constant 2 : index
    %get3A_63 = arith.constant 0 : index
    %get3A_64 = arith.constant 0 : index
    %get3A_65 = vector.load %arg4[%get3A_62, %get3A_63, %get3A_64] : memref<4x2500x128xf32, #tpu.memory_space<vmem>>, vector<1x2500x128xf32>
    %get3A_66 = vector.shape_cast %get3A_65 : vector<1x2500x128xf32> to vector<2500x128xf32>
    %slice3A_67 = vector.extract_strided_slice %select_n3A_33 {offsets = [2, 0, 0], sizes = [1, 512, 128], strides = [1, 1, 1]} : vector<4x512x128xf32> to vector<1x512x128xf32>
    %squeeze3A_68 = vector.shape_cast %slice3A_67 : vector<1x512x128xf32> to vector<512x128xf32>
    %dot_general3A_69 = arith.constant dense<0.000000e+00> : vector<2500x128xf32>
    %dot_general3A_70 = tpu.matmul %select_n3A, %squeeze3A_68, %dot_general3A_69 {dimension_numbers = #tpu.dot_dimension_numbers<[1], [0], [0], [1], [0, 0, 1, 1], [], []>, transpose_lhs_hint = false} : vector<2500x512xf32>, vector<512x128xf32>, vector<2500x128xf32> -> vector<2500x128xf32>
    %add3A_71 = arith.addf %get3A_66, %dot_general3A_70 : vector<2500x128xf32>
    %swap3A_72 = arith.constant 2 : index
    %swap3A_73 = arith.constant 0 : index
    %swap3A_74 = arith.constant 0 : index
    %swap3A_75 = vector.load %arg4[%swap3A_72, %swap3A_73, %swap3A_74] : memref<4x2500x128xf32, #tpu.memory_space<vmem>>, vector<1x2500x128xf32>
    %swap3A_76 = vector.shape_cast %swap3A_75 : vector<1x2500x128xf32> to vector<2500x128xf32>
    %swap3A_77 = vector.shape_cast %add3A_71 : vector<2500x128xf32> to vector<1x2500x128xf32>
    tpu.vector_store %arg4[%swap3A_72, %swap3A_73, %swap3A_74], %swap3A_77 {strides = array<i32>} : memref<4x2500x128xf32, #tpu.memory_space<vmem>>, vector<1x2500x128xf32>,
    %get3A_78 = arith.constant 3 : index
    %get3A_79 = arith.constant 0 : index
    %get3A_80 = arith.constant 0 : index
    %get3A_81 = vector.load %arg4[%get3A_78, %get3A_79, %get3A_80] : memref<4x2500x128xf32, #tpu.memory_space<vmem>>, vector<1x2500x128xf32>
    %get3A_82 = vector.shape_cast %get3A_81 : vector<1x2500x128xf32> to vector<2500x128xf32>
    %slice3A_83 = vector.extract_strided_slice %select_n3A_33 {offsets = [3, 0, 0], sizes = [1, 512, 128], strides = [1, 1, 1]} : vector<4x512x128xf32> to vector<1x512x128xf32>
    %squeeze3A_84 = vector.shape_cast %slice3A_83 : vector<1x512x128xf32> to vector<512x128xf32>
    %dot_general3A_85 = arith.constant dense<0.000000e+00> : vector<2500x128xf32>
    %dot_general3A_86 = tpu.matmul %select_n3A, %squeeze3A_84, %dot_general3A_85 {dimension_numbers = #tpu.dot_dimension_numbers<[1], [0], [0], [1], [0, 0, 1, 1], [], []>, transpose_lhs_hint = false} : vector<2500x512xf32>, vector<512x128xf32>, vector<2500x128xf32> -> vector<2500x128xf32>
    %add3A_87 = arith.addf %get3A_82, %dot_general3A_86 : vector<2500x128xf32>
    %swap3A_88 = arith.constant 3 : index
    %swap3A_89 = arith.constant 0 : index
    %swap3A_90 = arith.constant 0 : index
    %swap3A_91 = vector.load %arg4[%swap3A_88, %swap3A_89, %swap3A_90] : memref<4x2500x128xf32, #tpu.memory_space<vmem>>, vector<1x2500x128xf32>
    %swap3A_92 = vector.shape_cast %swap3A_91 : vector<1x2500x128xf32> to vector<2500x128xf32>
    %swap3A_93 = vector.shape_cast %add3A_87 : vector<2500x128xf32> to vector<1x2500x128xf32>
    tpu.vector_store %arg4[%swap3A_88, %swap3A_89, %swap3A_90], %swap3A_93 {strides = array<i32>} : memref<4x2500x128xf32, #tpu.memory_space<vmem>>, vector<1x2500x128xf32>,
    return
  }
  func.func @transform_0(%arg0: i32) -> (i32, i32) {
    %c0_i32 = arith.constant 0 : i32
    %c0_i32_0 = arith.constant 0 : i32
    return %c0_i32, %arg0 : i32, i32
  }
  func.func @transform_1(%arg0: i32) -> (i32, i32, i32) {
    %c0_i32 = arith.constant 0 : i32
    %c0_i32_0 = arith.constant 0 : i32
    %c0_i32_1 = arith.constant 0 : i32
    return %c0_i32, %arg0, %c0_i32_0 : i32, i32, i32
  }
  func.func @transform_2(%arg0: i32) -> (i32, i32) {
    %c0_i32 = arith.constant 0 : i32
    %c0_i32_0 = arith.constant 0 : i32
    %c0_i32_1 = arith.constant 0 : i32
    return %c0_i32, %c0_i32_0 : i32, i32
  }
  func.func @transform_3(%arg0: i32) -> (i32, i32, i32) {
    %c0_i32 = arith.constant 0 : i32
    %c0_i32_0 = arith.constant 0 : i32
    %c0_i32_1 = arith.constant 0 : i32
    %c0_i32_2 = arith.constant 0 : i32
    return %c0_i32, %c0_i32_0, %c0_i32_1 : i32, i32, i32
  }
}

module attributes {stable_mosaic.version = 14 : i64} {
  func.func @body(%arg0: i32, %arg1: i32, %arg2: memref<4x2000x128xf32, #tpu.memory_space<vmem>>, %arg3: memref<1x128x128xf32, #tpu.memory_space<vmem>>, %arg4: memref<1x2000x512xf32, #tpu.memory_space<vmem>>) attributes {dimension_semantics = [#tpu.dimension_semantics<arbitrary>, #tpu.dimension_semantics<arbitrary>], iteration_bounds = array<i64: 5, 9>, scalar_prefetch = 0 : i64, scratch_operands = 0 : i64, tpu.core_type = #tpu.core_type<tc>, window_params = [{transform_indices = @transform_0, window_bounds = array<i64: 4, 2000, 128>}, {transform_indices = @transform_1, window_bounds = array<i64: 1, 128, 128>}, {transform_indices = @transform_2, window_bounds = array<i64: 1, 2000, 512>}]} {
    %get3A = arith.constant 0 : index
    %get3A_0 = arith.constant 0 : index
    %get3A_1 = arith.constant 0 : index
    %get3A_2 = vector.load %arg2[%get3A, %get3A_0, %get3A_1] : memref<4x2000x128xf32, #tpu.memory_space<vmem>>, vector<1x2000x128xf32>
    %get3A_3 = vector.shape_cast %get3A_2 : vector<1x2000x128xf32> to vector<2000x128xf32>
    %get3A_4 = arith.constant 0 : index
    %get3A_5 = arith.constant 0 : index
    %get3A_6 = arith.constant 0 : index
    %get3A_7 = vector.load %arg3[%get3A_4, %get3A_5, %get3A_6] : memref<1x128x128xf32, #tpu.memory_space<vmem>>, vector<1x128x128xf32>
    %get3A_8 = vector.shape_cast %get3A_7 : vector<1x128x128xf32> to vector<128x128xf32>
    %dot_general3A = arith.constant dense<0.000000e+00> : vector<2000x128xf32>
    %dot_general3A_9 = tpu.matmul %get3A_3, %get3A_8, %dot_general3A {dimension_numbers = #tpu.dot_dimension_numbers<[1], [0], [0], [1], [0, 0, 1, 1], [], []>, transpose_lhs_hint = false} : vector<2000x128xf32>, vector<128x128xf32>, vector<2000x128xf32> -> vector<2000x128xf32>
    %swap3A = arith.constant 0 : index
    %swap3A_10 = arith.constant 0 : index
    %swap3A_11 = arith.constant 0 : index
    %swap3A_12 = vector.load %arg4[%swap3A, %swap3A_10, %swap3A_11] : memref<1x2000x512xf32, #tpu.memory_space<vmem>>, vector<1x2000x128xf32>
    %swap3A_13 = vector.shape_cast %swap3A_12 : vector<1x2000x128xf32> to vector<2000x128xf32>
    %swap3A_14 = vector.shape_cast %dot_general3A_9 : vector<2000x128xf32> to vector<1x2000x128xf32>
    tpu.vector_store %arg4[%swap3A, %swap3A_10, %swap3A_11], %swap3A_14 {strides = array<i32>} : memref<1x2000x512xf32, #tpu.memory_space<vmem>>, vector<1x2000x128xf32>,
    %get3A_15 = arith.constant 1 : index
    %get3A_16 = arith.constant 0 : index
    %get3A_17 = arith.constant 0 : index
    %get3A_18 = vector.load %arg2[%get3A_15, %get3A_16, %get3A_17] : memref<4x2000x128xf32, #tpu.memory_space<vmem>>, vector<1x2000x128xf32>
    %get3A_19 = vector.shape_cast %get3A_18 : vector<1x2000x128xf32> to vector<2000x128xf32>
    %get3A_20 = arith.constant 0 : index
    %get3A_21 = arith.constant 0 : index
    %get3A_22 = arith.constant 0 : index
    %get3A_23 = vector.load %arg3[%get3A_20, %get3A_21, %get3A_22] : memref<1x128x128xf32, #tpu.memory_space<vmem>>, vector<1x128x128xf32>
    %get3A_24 = vector.shape_cast %get3A_23 : vector<1x128x128xf32> to vector<128x128xf32>
    %dot_general3A_25 = arith.constant dense<0.000000e+00> : vector<2000x128xf32>
    %dot_general3A_26 = tpu.matmul %get3A_19, %get3A_24, %dot_general3A_25 {dimension_numbers = #tpu.dot_dimension_numbers<[1], [0], [0], [1], [0, 0, 1, 1], [], []>, transpose_lhs_hint = false} : vector<2000x128xf32>, vector<128x128xf32>, vector<2000x128xf32> -> vector<2000x128xf32>
    %swap3A_27 = arith.constant 0 : index
    %swap3A_28 = arith.constant 0 : index
    %swap3A_29 = arith.constant 128 : index
    %swap3A_30 = vector.load %arg4[%swap3A_27, %swap3A_28, %swap3A_29] : memref<1x2000x512xf32, #tpu.memory_space<vmem>>, vector<1x2000x128xf32>
    %swap3A_31 = vector.shape_cast %swap3A_30 : vector<1x2000x128xf32> to vector<2000x128xf32>
    %swap3A_32 = vector.shape_cast %dot_general3A_26 : vector<2000x128xf32> to vector<1x2000x128xf32>
    tpu.vector_store %arg4[%swap3A_27, %swap3A_28, %swap3A_29], %swap3A_32 {strides = array<i32>} : memref<1x2000x512xf32, #tpu.memory_space<vmem>>, vector<1x2000x128xf32>,
    %get3A_33 = arith.constant 2 : index
    %get3A_34 = arith.constant 0 : index
    %get3A_35 = arith.constant 0 : index
    %get3A_36 = vector.load %arg2[%get3A_33, %get3A_34, %get3A_35] : memref<4x2000x128xf32, #tpu.memory_space<vmem>>, vector<1x2000x128xf32>
    %get3A_37 = vector.shape_cast %get3A_36 : vector<1x2000x128xf32> to vector<2000x128xf32>
    %get3A_38 = arith.constant 0 : index
    %get3A_39 = arith.constant 0 : index
    %get3A_40 = arith.constant 0 : index
    %get3A_41 = vector.load %arg3[%get3A_38, %get3A_39, %get3A_40] : memref<1x128x128xf32, #tpu.memory_space<vmem>>, vector<1x128x128xf32>
    %get3A_42 = vector.shape_cast %get3A_41 : vector<1x128x128xf32> to vector<128x128xf32>
    %dot_general3A_43 = arith.constant dense<0.000000e+00> : vector<2000x128xf32>
    %dot_general3A_44 = tpu.matmul %get3A_37, %get3A_42, %dot_general3A_43 {dimension_numbers = #tpu.dot_dimension_numbers<[1], [0], [0], [1], [0, 0, 1, 1], [], []>, transpose_lhs_hint = false} : vector<2000x128xf32>, vector<128x128xf32>, vector<2000x128xf32> -> vector<2000x128xf32>
    %swap3A_45 = arith.constant 0 : index
    %swap3A_46 = arith.constant 0 : index
    %swap3A_47 = arith.constant 256 : index
    %swap3A_48 = vector.load %arg4[%swap3A_45, %swap3A_46, %swap3A_47] : memref<1x2000x512xf32, #tpu.memory_space<vmem>>, vector<1x2000x128xf32>
    %swap3A_49 = vector.shape_cast %swap3A_48 : vector<1x2000x128xf32> to vector<2000x128xf32>
    %swap3A_50 = vector.shape_cast %dot_general3A_44 : vector<2000x128xf32> to vector<1x2000x128xf32>
    tpu.vector_store %arg4[%swap3A_45, %swap3A_46, %swap3A_47], %swap3A_50 {strides = array<i32>} : memref<1x2000x512xf32, #tpu.memory_space<vmem>>, vector<1x2000x128xf32>,
    %get3A_51 = arith.constant 3 : index
    %get3A_52 = arith.constant 0 : index
    %get3A_53 = arith.constant 0 : index
    %get3A_54 = vector.load %arg2[%get3A_51, %get3A_52, %get3A_53] : memref<4x2000x128xf32, #tpu.memory_space<vmem>>, vector<1x2000x128xf32>
    %get3A_55 = vector.shape_cast %get3A_54 : vector<1x2000x128xf32> to vector<2000x128xf32>
    %get3A_56 = arith.constant 0 : index
    %get3A_57 = arith.constant 0 : index
    %get3A_58 = arith.constant 0 : index
    %get3A_59 = vector.load %arg3[%get3A_56, %get3A_57, %get3A_58] : memref<1x128x128xf32, #tpu.memory_space<vmem>>, vector<1x128x128xf32>
    %get3A_60 = vector.shape_cast %get3A_59 : vector<1x128x128xf32> to vector<128x128xf32>
    %dot_general3A_61 = arith.constant dense<0.000000e+00> : vector<2000x128xf32>
    %dot_general3A_62 = tpu.matmul %get3A_55, %get3A_60, %dot_general3A_61 {dimension_numbers = #tpu.dot_dimension_numbers<[1], [0], [0], [1], [0, 0, 1, 1], [], []>, transpose_lhs_hint = false} : vector<2000x128xf32>, vector<128x128xf32>, vector<2000x128xf32> -> vector<2000x128xf32>
    %swap3A_63 = arith.constant 0 : index
    %swap3A_64 = arith.constant 0 : index
    %swap3A_65 = arith.constant 384 : index
    %swap3A_66 = vector.load %arg4[%swap3A_63, %swap3A_64, %swap3A_65] : memref<1x2000x512xf32, #tpu.memory_space<vmem>>, vector<1x2000x128xf32>
    %swap3A_67 = vector.shape_cast %swap3A_66 : vector<1x2000x128xf32> to vector<2000x128xf32>
    %swap3A_68 = vector.shape_cast %dot_general3A_62 : vector<2000x128xf32> to vector<1x2000x128xf32>
    tpu.vector_store %arg4[%swap3A_63, %swap3A_64, %swap3A_65], %swap3A_68 {strides = array<i32>} : memref<1x2000x512xf32, #tpu.memory_space<vmem>>, vector<1x2000x128xf32>,
    return
  }
  func.func @transform_0(%arg0: i32, %arg1: i32) -> (i32, i32, i32) {
    %c0_i32 = arith.constant 0 : i32
    %c0_i32_0 = arith.constant 0 : i32
    %c0_i32_1 = arith.constant 0 : i32
    return %c0_i32, %arg0, %c0_i32_0 : i32, i32, i32
  }
  func.func @transform_1(%arg0: i32, %arg1: i32) -> (i32, i32, i32) {
    %c0_i32 = arith.constant 0 : i32
    %c0_i32_0 = arith.constant 0 : i32
    %c0_i32_1 = arith.constant 0 : i32
    return %arg1, %c0_i32, %c0_i32_0 : i32, i32, i32
  }
  func.func @transform_2(%arg0: i32, %arg1: i32) -> (i32, i32, i32) {
    %c0_i32 = arith.constant 0 : i32
    %c0_i32_0 = arith.constant 0 : i32
    return %arg1, %arg0, %c0_i32 : i32, i32, i32
  }
}

</mosaic_0001>

<sc_bundles>
// kernel: kernel.5.cloned.1.call-start
scs
__scs_entry_jumppad:
0x0: {  	(pc) =	sbr.rel $0x88, $3  }
0x1: {  	(tag) =	ssettag $0x0;
	lr =	simm.s32 $0x1  }
0x2: {  	[smem:$0x3F9C] =	sst lr;
	_ =	strace $0xD0000000  }
0x3: {  	_ = 	snop  }
0x4: {  	_ = 	snop  }
0x5: {  	_ = 	snop  }
0x6: {  	_ = 	snop  }
0x7: {  	_ = 	snop  }
__scs_overlays_trampoline_lowered:
0x8: {  	[smem:$0x3FAB] =	sst s0  }
0x9: {  	[smem:$0x3FAC] =	sst s1  }
0xa: {  	[smem:$0x3FAD] =	sst s2  }
0xb: {  	[smem:$0x3FAE] =	sst s3  }
0xc: {  	[smem:$0x3FAF] =	sst s4  }
0xd: {  	[smem:$0x3FB0] =	sst s5  }
0xe: {  	[smem:$0x3FB1] =	sst s6  }
0xf: {  	[smem:$0x3FB2] =	sst s7  }
0x10: {  	[smem:$0x3FB3] =	sst s8  }
0x11: {  	[smem:$0x3FB4] =	sst s9;
	s0 =	simm.s32 @!p0 $0x0  }
0x12: {  	s1 =	sld [smem:$0x3F9A];
	s0 =	simm.s32 @p0 $0x1  }
0x13: {  	[smem:$0x3FB5] =	sst s0;
	s0 =	simm.s32 @!p1 $0x0  }
0x14: {  	s2 =	sld [smem:$0x3F99];
	s0 =	simm.s32 @p1 $0x1  }
0x15: {  	[smem:$0x3FB6] =	sst s0;
	s0 =	simm.s32 @!p2 $0x0  }
0x16: {  	s3 =	sld [smem:$0x3FDB];
	s0 =	simm.s32 @p2 $0x1  }
0x17: {  	s4 =	simm.s32 $0x1BF5;
	[smem:$0x3FB8] =	sst s0  }
0x18: {  	s0 =	sld [smem:$0x3F9B];
	_ =	swait.ge [sflag:s4], $0x0  }
0x19: {  	s7 =	sld [smem:$0x3F9C]  }
0x1a: {  	s8 =	sadd.s32 $0xFFFFE003, lr  }
0x1b: {  	s9 =	sadd.s32 $0xFFFFFEF7, lr;
	s5 =	simm.s32 $0xFFFFFFFF;
	p2 =	slt.u32 s8, $0xFFFFF086  }
0x1c: {  	p1 =	slt.u32 s9, $0xF7A;
	s5 =	simm.s32 @!p2 $0x0  }
0x1d: {  	s5 =	simm.s32 @p1 $0x1;
	p0 =	seq.s32 s7, s2  }
0x1e: {  	s7 =	smul.u32 @!p0 $0xF7A, s2;
	p2 =	seq.s32 @!p0 s5, $0x0  }
0x1f: {  	s9 =	smul.u32 $0xF7A, s1;
	s8 =	simm.s32 @!p0 $0x1BF5;
	p2 =	por !p2, p0  }
0x20: {  	[sflag:s8] =	ssyncset.s32 @!p0 $0xFFFFF086;
	s6 =	sadd.s32 @!p0 s3, s7;
	s7 =	simm.s32 @!p0 $0x108  }
0x21: {  	s3 =	sadd.s32 s3, s9;
	s6 =	sadd.s32 @!p0 $0x88, s6;
	s7 =	simm.s32 @p2 $0x1082  }
0x22: {  	[simem:s7], [sflag:s8] =	dma.local @!p0 [hbm:s6], $0xF7A  }
0x23: {  	s9 =	sor.u32 $0xD0000000, s2;
	s6 =	simm.s32 $0x108;
	_ =	swait.ge @!p0 [sflag:s8], $0x0  }
0x24: {  	s3 =	sadd.s32 $0x88, s3;
	s6 =	simm.s32 @!p1 $0x1082;
	[sflag:s4] =	ssyncset.s32 $0xFFFFF086  }
0x25: {  	[simem:s6], [sflag:s4] =	dma.local [hbm:s3], $0xF7A  }
0x26: {  	[smem:$0x3F9C] =	sst s1;
	(tag) =	ssettag s2;
	_ =	strace s9  }
0x27: {  	s1 =	sld [smem:$0x3FAC]  }
0x28: {  	s2 =	sld [smem:$0x3FAD]  }
0x29: {  	s4 =	sld [smem:$0x3FAF]  }
0x2a: {  	p0 =	seq.s32 s5, $0x0;
	s5 =	sld [smem:$0x3FB0]  }
0x2b: {  	s6 =	sld [smem:$0x3FB1]  }
0x2c: {  	s7 =	sld [smem:$0x3FB2]  }
0x2d: {  	s3 =	simm.s32 $0x108;
	s8 =	sld [smem:$0x3FB3]  }
0x2e: {  	s3 =	simm.s32 @!p0 $0x1082;
	s9 =	sld [smem:$0x3FB4]  }
0x2f: {  	lr =	sadd.s32 s0, s3;
	s0 =	sld [smem:$0x3FAB]  }
0x30: {  	s3 =	sld [smem:$0x3FAE]  }
0x31: {  	[smem:$0x3FB7] =	sst s10  }
0x32: {  	s10 =	sld [smem:$0x3FB5];
	_ =	sdelay $0x3  }
0x33: {  	p0 =	seq.s32 s10, $0x1;
	s10 =	sld [smem:$0x3FB7];
	_ =	sdelay $0x3  }
0x34: {  	[smem:$0x3FB7] =	sst s10  }
0x35: {  	s10 =	sld [smem:$0x3FB6];
	_ =	sdelay $0x3  }
0x36: {  	p1 =	seq.s32 s10, $0x1;
	s10 =	sld [smem:$0x3FB7];
	_ =	sdelay $0x3  }
0x37: {  	[smem:$0x3FB7] =	sst s10  }
0x38: {  	s10 =	sld [smem:$0x3FB8]  }
0x39: {  	_ = 	snop;
	(pc) =	sbr.ind lr, $3  }
0x3a: {  	_ = 	snop  }
0x3b: {  	_ = 	snop  }
0x3c: {  	p2 =	seq.s32 s10, $0x1;
	s10 =	sld [smem:$0x3FB7]  }
0x3d: {  	_ =	shalt  }
0x3e: {  	_ =	shalt  }
0x3f: {  	_ =	shalt  }
0x40: {  	_ =	shalt  }
0x41: {  	_ =	shalt  }
0x42: {  	_ =	shalt  }
0x43: {  	_ =	shalt  }
0x44: {  	_ =	shalt  }
0x45: {  	_ =	shalt  }
0x46: {  	_ =	shalt  }
0x47: {  	_ =	shalt  }
0x48: {  	_ =	shalt  }
0x49: {  	_ =	shalt  }
0x4a: {  	_ =	shalt  }
0x4b: {  	_ =	shalt  }
0x4c: {  	_ =	shalt  }
0x4d: {  	_ =	shalt  }
0x4e: {  	_ =	shalt  }
0x4f: {  	_ =	shalt  }
0x50: {  	_ =	shalt  }
0x51: {  	_ =	shalt  }
0x52: {  	_ =	shalt  }
0x53: {  	_ =	shalt  }
0x54: {  	_ =	shalt  }
0x55: {  	_ =	shalt  }
0x56: {  	_ =	shalt  }
0x57: {  	_ =	shalt  }
0x58: {  	_ =	shalt  }
0x59: {  	_ =	shalt  }
0x5a: {  	_ =	shalt  }
0x5b: {  	_ =	shalt  }
0x5c: {  	_ =	shalt  }
0x5d: {  	_ =	shalt  }
0x5e: {  	_ =	shalt  }
0x5f: {  	_ =	shalt  }
0x60: {  	_ =	shalt  }
0x61: {  	_ =	shalt  }
0x62: {  	_ =	shalt  }
0x63: {  	_ =	shalt  }
0x64: {  	_ =	shalt  }
0x65: {  	_ =	shalt  }
0x66: {  	_ =	shalt  }
0x67: {  	_ =	shalt  }
0x68: {  	_ =	shalt  }
0x69: {  	_ =	shalt  }
0x6a: {  	_ =	shalt  }
0x6b: {  	_ =	shalt  }
0x6c: {  	_ =	shalt  }
0x6d: {  	_ =	shalt  }
0x6e: {  	_ =	shalt  }
0x6f: {  	_ =	shalt  }
0x70: {  	_ =	shalt  }
0x71: {  	_ =	shalt  }
0x72: {  	_ =	shalt  }
0x73: {  	_ =	shalt  }
0x74: {  	_ =	shalt  }
0x75: {  	_ =	shalt  }
0x76: {  	_ =	shalt  }
0x77: {  	_ =	shalt  }
0x78: {  	_ =	shalt  }
0x79: {  	_ =	shalt  }
0x7a: {  	_ =	shalt  }
0x7b: {  	_ =	shalt  }
0x7c: {  	_ =	shalt  }
0x7d: {  	_ =	shalt  }
0x7e: {  	_ =	shalt  }
0x7f: {  	_ =	shalt  }
0x80: {  	_ =	shalt  }
0x81: {  	_ =	shalt  }
0x82: {  	_ =	shalt  }
0x83: {  	_ =	shalt  }
0x84: {  	_ =	shalt  }
0x85: {  	_ =	shalt  }
0x86: {  	_ =	shalt  }
0x87: {  	_ =	shalt  }
.Lfunc_end0:
.L_simem_size_0:
called_computation_lowered:
.L_overlay_start_0:
0x88: {  	s2 =	sld [smem:$0x3FD9]  }
0x89: {  	s3 =	sld [smem:$0x3FFE];
	_ =	sdelay $0x1  }
0x8a: {  	s1 =	srdreg.scid  }
0x8b: {  	s0 =	sand.u32 $0x1, s1  }
0x8c: {  	s17 =	sshll.u32 s0, $0xA;
	s2 =	sadd.s32 s3, s2  }
0x8d: {  	s2 =	sadd.s32 s2, s17  }
0x8e: {  	[smem:$0x3FC3] =	sst s2  }
0x8f: {  	_ = 	snop  }
0x90: {  	s2 =	sld [smem:$0x3FD0];
	(tm) =	ssettm $0x1  }
0x91: {  	s18 =	sld [smem:$0x3FFB];
	_ =	sdelay $0x3  }
0x92: {  	_ =	strace s18  }
0x93: {  	s3 =	sld [smem:$0x3FFC];
	_ =	sdelay $0x3  }
0x94: {  	_ =	strace s3  }
0x95: {  	s3 =	sld [smem:$0x3FFD];
	_ =	sdelay $0x3  }
0x96: {  	_ =	strace s3  }
0x97: {  	_ =	strace $0x8FFFFFFF  }
0x98: {  	s19 =	sld [smem:$0x3FDB];
	_ =	sdelay $0x1  }
0x99: {  	s4 =	simm.s32 $_scs_section_size  }
0x9a: {  	s5 =	simm.s32 $_size__tile_overlayer_lowered;
	s6 =	simm.s32 $_tile_overlayer_lowered  }
0x9b: {  	s22 =	simm.s32 $0x1BFF;
	s21 =	sshll.u32 s6, $0x1;
	s3 =	sadd.s32 s4, s19  }
0x9c: {  	s7 =	simm.s32 $0x0;
	s20 =	sshll.u32 s5, $0x1;
	s5 =	sadd.s32 s21, s3  }
0x9d: {  	[timem:s7], [sflag:s22] =	dma.local [hbm:s5], s20  }
0x9e: {  	_ =	swait.ge [sflag:s22], s20  }
0x9f: {  	s4 =	ssub.s32 $0x0, s20;
	[sflag:s22] =	ssyncset.done $0x0  }
0xa0: {  	[sflag:s22] =	ssyncadd.s32 s4;
	_ =	sdelay $0x1  }
0xa1: {  	s23 =	simm.s32 $0x1B8B  }
0xa2: {  	_ =	swait.ge [sflag:s23], $0x1  }
0xa3: {  	[sflag:s23] =	ssyncset.done $0x0  }
0xa4: {  	s25 =	simm.s32 $0x1B8E;
	s24 =	sld [smem:$0x3FFE];
	[sflag:s23] =	ssyncadd.s32 $0xFFFFFFFF  }
0xa5: {  	s26 =	simm.s32 $execute0_lowered;
	[smem:$0x3FD2] =	sst s25  }
0xa6: {  	s5 =	sshll.u32 s26, $0x1;
	_ =	strace $0x80000046;
	[dreg:$0x1] =	wrdreg $0xFFFFFFFF  }
0xa7: {  	s28 =	simm.s32 $_size_execute0_lowered;
	s3 =	sadd.s32 s3, s5;
	[dreg:$0x0] =	wrdreg $0x0  }
0xa8: {  	s5 =	sshll.u32 s28, $0x1;
	[dreg:$0x2] =	wrdreg s3  }
0xa9: {  	[dreg:$0x3] =	wrdreg s5  }
0xaa: {  	[dreg:$0x4] =	wrdreg $0xC0  }
0xab: {  	_ =	task [dreg:s7], $0x5FFFF  }
0xac: {  	[dreg:$0x1] =	wrdreg $0xFFFFFFFF  }
0xad: {  	[dreg:$0x0] =	wrdreg $0x60  }
0xae: {  	[dreg:$0x2] =	wrdreg s2  }
0xaf: {  	[dreg:$0x3] =	wrdreg s24  }
0xb0: {  	[dreg:$0x4] =	wrdreg $0x9  }
0xb1: {  	_ =	task.clear_ibuf [dreg:s7], $0x5FFFF;
	_ =	strace $0x90000046  }
0xb2: {  	s29 =	simm.s32 $0x9;
	_ =	strace $0x80000048  }
0xb3: {  	_ =	swait.ge [sflag:s29], $0x1  }
0xb4: {  	[sflag:s29] =	ssyncadd.s32 $0xFFFFFFFF  }
0xb5: {  	_ =	strace $0x90000048  }
0xb6: {  	_ =	sfence  }
0xb7: {  	s30 =	sld [smem:$0x0];
	_ =	sdelay $0x2  }
0xb8: {  	s31 =	sshll.u32 s1, $0xD;
	s1 =	sshrl.u32 s1, $0x2  }
0xb9: {  	s3 =	sand.u32 $0x4000, s31;
	s1 =	sadd.s32 s1, s30  }
0xba: {  	s0 =	sor.u32 s3, s0;
	s1 =	sshll.u32 s1, $0x11  }
0xbb: {  	s0 =	sor.u32 s1, s0  }
0xbc: {  	s0 =	sadd.s32 $0x8F2B, s0  }
0xbd: {  	[sflag:s0] =	ssyncadd.remote.s32 $0x1  }
0xbe: {  	_ =	sfence.sel $0xFFFF  }
0xbf: {  	[dreg:$0x0] =	wrdreg $0xFFFFFFFF;
	(pc) =	sbr.abs _section_cstart, $3  }
0xc0: {  	[dreg:$0x1] =	wrdreg $0xFFFFFFFF  }
0xc1: {  	_ =	task.clear_ibuf [dreg:s7], $0x2FFFF;
	_ =	strace $0x9FFFFFFF  }
0xc2: {  	(tm) =	ssettm $0x7FFFFFFF  }
0xc3: {  	_ =	shalt  }
tec
execute0_lowered:
.L_overlay_start_1:
0x0: {  	(tag) =	ssettag $0x1  }
0x1: {  	s0 =	rddreg [dreg:$0x0]  }
0x2: {  	s1 =	rddreg [dreg:$0x1]  }
0x3: {  	s2 =	srdreg.scid;
	s3 =	stileid.u32  }
0x4: {  	s4 =	simm.s32 $0x0;
	s2 =	sand.u32 $0x1, s2;
	s3 =	sshll.u32 s3, $0x1  }
0x5: {  	s8 =	simm.s32 $0x0;
	s9 =	simm.s32 $0x2;
	s29 =	sor.u32 s2, s3  }
0x6: {  	s21 =	simm.s32 $0x1;
	[smem:$0x7FF] =	sst s4;
	s5 =	smul.u32 $0x168, s29  }
0x7: {  	s6 =	sadd.s32 $0x57EC00, s1;
	s2 =	ssub.s32 $0x2, s2;
	s4 =	smul.u32 $0x140, s29  }
0x8: {  	_ =	strace $0x80000047;
	[dreg:$0x3] =	wrdreg s6;
	s30 =	sshrl.u32 s2, $0x1  }
0x9: {  	v0 =	vlaneseq.u32;
	s2 =	ssub.s32 s2, s30;
	[dreg:$0x4] =	wrdreg s4;
	s0 =	sadd.s32 s0, s5  }
0xa: {  	s7 =	sadd.s32 $0x900, s1;
	v1 =	vshrl.u32 v0, $0x3;
	s31 =	smax.u32 s2, $0x1;
	[dreg:$0x5] =	wrdreg s0  }
0xb: {  	vm0 =	vmmov $0xffff;
	v0 =	vand.u32 $0x7, v0;
	s3 =	sadd.s32 $0x800, s1;
	v1 =	vmul.u32 $0x8, v1;
	s1 =	simm.s32 $0x0;
	[dreg:$0x6] =	wrdreg s31  }
.LBB2_1:
0xc: {  	[dreg:$0x7] =	wrdreg s1  }
0xd: {  	s0 =	rddreg [dreg:$0x5]  }
0xe: {  	[tilespmem:s8], [sflag:$0x2] =	stream.linear.gather [hbm4b:s0+s8], $0xB40, $0x38;
	[tilespmem:$0x14B80] =	vst v63  }
0xf: {  	_ =	swait.ge [sflag:s9], $0xB40  }
0x10: {  	[sflag:s9] =	ssyncset.done $0x0  }
0x11: {  	s26 =	simm.s32 $0x0;
	[sflag:s9] =	ssyncadd.s32 $0xFFFFF4C0  }
.LBB2_2:
0x12: {  	s28 =	sshll.u32 s26, $0x4  }
0x13: {  	v2 =	vld.msk [tilespmem:s28+$0x0], $0xff;
	_ =	sdelay $0x4  }
0x14: {  	v3 =	vshll.u32 v2, $0x2  }
0x15: {  	v2 =	vand.u32 $0x7, v2;
	v3 =	vand.u32 $0xFFFFFFE0, v3  }
0x16: {  	v2 =	vor.u32 v2, v3  }
0x17: {  	v2 =	vperm.xlane v2, v0;
	_ =	sdelay $0x1  }
0x18: {  	v2 =	vadd.s32 v1, v2;
	_ =	sdelay $0x3  }
0x19: {  	s0 =	simm.s32 $0x0;
	s1 =	simm.s32 $0xB80  }
0x1a: {  	[tilespmem:s1], [sflag:$0x1] =	stream.indirect_vreg.gather [hbm4b:s3+s0], $0x80, v2, vm0, $0xb8;
	[tilespmem:$0x14B80] =	vst v63  }
0x1b: {  	s2 =	simm.s32 $0x1380;
	s4 =	sor.u32 $0x8, s28  }
0x1c: {  	[tilespmem:s2], [sflag:$0x1] =	stream.indirect_vreg.gather [hbm4b:s7+s0], $0x80, v2, vm0, $0xb8;
	[tilespmem:$0x14B80] =	vst v63  }
0x1d: {  	v2 =	vld.msk [tilespmem:s4+$0x0], $0xff;
	_ =	sdelay $0x4  }
0x1e: {  	v3 =	vshll.u32 v2, $0x2  }
0x1f: {  	v2 =	vand.u32 $0x7, v2;
	v3 =	vand.u32 $0xFFFFFFE0, v3  }
0x20: {  	v2 =	vor.u32 v2, v3  }
0x21: {  	v2 =	vperm.xlane v2, v0;
	_ =	sdelay $0x1  }
0x22: {  	v2 =	vadd.s32 v1, v2;
	_ =	sdelay $0x3  }
0x23: {  	s5 =	simm.s32 $0x1B80  }
0x24: {  	[tilespmem:s5], [sflag:$0x1] =	stream.indirect_vreg.gather [hbm4b:s3+s0], $0x80, v2, vm0, $0xb8;
	[tilespmem:$0x14B80] =	vst v63  }
0x25: {  	s6 =	simm.s32 $0x2380  }
0x26: {  	[tilespmem:s6], [sflag:$0x1] =	stream.indirect_vreg.gather [hbm4b:s7+s0], $0x80, v2, vm0, $0xb8;
	[tilespmem:$0x14B80] =	vst v63  }
0x27: {  	v2 =	vld.msk [tilespmem:s28+$0x140], $0xff;
	_ =	sdelay $0x4  }
0x28: {  	v3 =	vshll.u32 v2, $0x2  }
0x29: {  	v2 =	vand.u32 $0x7, v2;
	v3 =	vand.u32 $0xFFFFFFE0, v3  }
0x2a: {  	v2 =	vor.u32 v2, v3  }
0x2b: {  	v2 =	vperm.xlane v2, v0;
	_ =	sdelay $0x1  }
0x2c: {  	v2 =	vadd.s32 v1, v2;
	_ =	sdelay $0x3  }
0x2d: {  	s8 =	simm.s32 $0x2B80  }
0x2e: {  	[tilespmem:s8], [sflag:$0x1] =	stream.indirect_vreg.gather [hbm4b:s3+s0], $0x80, v2, vm0, $0xb8;
	[tilespmem:$0x14B80] =	vst v63  }
0x2f: {  	s10 =	simm.s32 $0x3380  }
0x30: {  	[tilespmem:s10], [sflag:$0x1] =	stream.indirect_vreg.gather [hbm4b:s7+s0], $0x80, v2, vm0, $0xb8;
	[tilespmem:$0x14B80] =	vst v63  }
0x31: {  	v2 =	vld.msk [tilespmem:s28+$0x148], $0xff;
	_ =	sdelay $0x4  }
0x32: {  	v3 =	vshll.u32 v2, $0x2  }
0x33: {  	v2 =	vand.u32 $0x7, v2;
	v3 =	vand.u32 $0xFFFFFFE0, v3  }
0x34: {  	v2 =	vor.u32 v2, v3  }
0x35: {  	v2 =	vperm.xlane v2, v0;
	_ =	sdelay $0x1  }
0x36: {  	v2 =	vadd.s32 v1, v2;
	_ =	sdelay $0x3  }
0x37: {  	s11 =	simm.s32 $0x3B80  }
0x38: {  	[tilespmem:s11], [sflag:$0x1] =	stream.indirect_vreg.gather [hbm4b:s3+s0], $0x80, v2, vm0, $0xb8;
	[tilespmem:$0x14B80] =	vst v63  }
0x39: {  	s12 =	simm.s32 $0x4380  }
0x3a: {  	[tilespmem:s12], [sflag:$0x1] =	stream.indirect_vreg.gather [hbm4b:s7+s0], $0x80, v2, vm0, $0xb8;
	[tilespmem:$0x14B80] =	vst v63  }
0x3b: {  	v2 =	vld.msk [tilespmem:s28+$0x280], $0xff;
	_ =	sdelay $0x4  }
0x3c: {  	v3 =	vshll.u32 v2, $0x2  }
0x3d: {  	v2 =	vand.u32 $0x7, v2;
	v3 =	vand.u32 $0xFFFFFFE0, v3  }
0x3e: {  	v2 =	vor.u32 v2, v3  }
0x3f: {  	v2 =	vperm.xlane v2, v0;
	_ =	sdelay $0x1  }
0x40: {  	v2 =	vadd.s32 v1, v2;
	_ =	sdelay $0x3  }
0x41: {  	s13 =	simm.s32 $0x4B80  }
0x42: {  	[tilespmem:s13], [sflag:$0x1] =	stream.indirect_vreg.gather [hbm4b:s3+s0], $0x80, v2, vm0, $0xb8;
	[tilespmem:$0x14B80] =	vst v63  }
0x43: {  	s14 =	simm.s32 $0x5380  }
0x44: {  	[tilespmem:s14], [sflag:$0x1] =	stream.indirect_vreg.gather [hbm4b:s7+s0], $0x80, v2, vm0, $0xb8;
	[tilespmem:$0x14B80] =	vst v63  }
0x45: {  	v2 =	vld.msk [tilespmem:s28+$0x288], $0xff;
	_ =	sdelay $0x4  }
0x46: {  	v3 =	vshll.u32 v2, $0x2  }
0x47: {  	v2 =	vand.u32 $0x7, v2;
	v3 =	vand.u32 $0xFFFFFFE0, v3  }
0x48: {  	v2 =	vor.u32 v2, v3  }
0x49: {  	v2 =	vperm.xlane v2, v0;
	_ =	sdelay $0x1  }
0x4a: {  	v2 =	vadd.s32 v1, v2;
	_ =	sdelay $0x3  }
0x4b: {  	s15 =	simm.s32 $0x5B80  }
0x4c: {  	[tilespmem:s15], [sflag:$0x1] =	stream.indirect_vreg.gather [hbm4b:s3+s0], $0x80, v2, vm0, $0xb8;
	[tilespmem:$0x14B80] =	vst v63  }
0x4d: {  	s16 =	simm.s32 $0x6380  }
0x4e: {  	[tilespmem:s16], [sflag:$0x1] =	stream.indirect_vreg.gather [hbm4b:s7+s0], $0x80, v2, vm0, $0xb8;
	[tilespmem:$0x14B80] =	vst v63  }
0x4f: {  	v2 =	vld.msk [tilespmem:s28+$0x3C0], $0xff;
	_ =	sdelay $0x4  }
0x50: {  	v3 =	vshll.u32 v2, $0x2  }
0x51: {  	v2 =	vand.u32 $0x7, v2;
	v3 =	vand.u32 $0xFFFFFFE0, v3  }
0x52: {  	v2 =	vor.u32 v2, v3  }
0x53: {  	v2 =	vperm.xlane v2, v0;
	_ =	sdelay $0x1  }
0x54: {  	v2 =	vadd.s32 v1, v2;
	_ =	sdelay $0x3  }
0x55: {  	s17 =	simm.s32 $0x6B80  }
0x56: {  	[tilespmem:s17], [sflag:$0x1] =	stream.indirect_vreg.gather [hbm4b:s3+s0], $0x80, v2, vm0, $0xb8;
	[tilespmem:$0x14B80] =	vst v63  }
0x57: {  	s18 =	simm.s32 $0x7380  }
0x58: {  	[tilespmem:s18], [sflag:$0x1] =	stream.indirect_vreg.gather [hbm4b:s7+s0], $0x80, v2, vm0, $0xb8;
	[tilespmem:$0x14B80] =	vst v63  }
0x59: {  	v2 =	vld.msk [tilespmem:s28+$0x3C8], $0xff;
	_ =	sdelay $0x4  }
0x5a: {  	v3 =	vshll.u32 v2, $0x2  }
0x5b: {  	v2 =	vand.u32 $0x7, v2;
	v3 =	vand.u32 $0xFFFFFFE0, v3  }
0x5c: {  	v2 =	vor.u32 v2, v3  }
0x5d: {  	v2 =	vperm.xlane v2, v0;
	_ =	sdelay $0x1  }
0x5e: {  	v2 =	vadd.s32 v1, v2;
	_ =	sdelay $0x3  }
0x5f: {  	s19 =	simm.s32 $0x7B80  }
0x60: {  	[tilespmem:s19], [sflag:$0x1] =	stream.indirect_vreg.gather [hbm4b:s3+s0], $0x80, v2, vm0, $0xb8;
	[tilespmem:$0x14B80] =	vst v63  }
0x61: {  	s20 =	simm.s32 $0x8380  }
0x62: {  	[tilespmem:s20], [sflag:$0x1] =	stream.indirect_vreg.gather [hbm4b:s7+s0], $0x80, v2, vm0, $0xb8;
	[tilespmem:$0x14B80] =	vst v63  }
0x63: {  	v2 =	vld.msk [tilespmem:s28+$0x500], $0xff;
	_ =	sdelay $0x4  }
0x64: {  	v3 =	vshll.u32 v2, $0x2  }
0x65: {  	v2 =	vand.u32 $0x7, v2;
	v3 =	vand.u32 $0xFFFFFFE0, v3  }
0x66: {  	v2 =	vor.u32 v2, v3  }
0x67: {  	v2 =	vperm.xlane v2, v0;
	_ =	sdelay $0x1  }
0x68: {  	v2 =	vadd.s32 v1, v2;
	_ =	sdelay $0x3  }
0x69: {  	s22 =	simm.s32 $0x8B80  }
0x6a: {  	[tilespmem:s22], [sflag:$0x1] =	stream.indirect_vreg.gather [hbm4b:s3+s0], $0x80, v2, vm0, $0xb8;
	[tilespmem:$0x14B80] =	vst v63  }
0x6b: {  	s23 =	simm.s32 $0x9380  }
0x6c: {  	[tilespmem:s23], [sflag:$0x1] =	stream.indirect_vreg.gather [hbm4b:s7+s0], $0x80, v2, vm0, $0xb8;
	[tilespmem:$0x14B80] =	vst v63  }
0x6d: {  	v2 =	vld.msk [tilespmem:s28+$0x508], $0xff;
	_ =	sdelay $0x4  }
0x6e: {  	v3 =	vshll.u32 v2, $0x2  }
0x6f: {  	v2 =	vand.u32 $0x7, v2;
	v3 =	vand.u32 $0xFFFFFFE0, v3  }
0x70: {  	v2 =	vor.u32 v2, v3  }
0x71: {  	v2 =	vperm.xlane v2, v0;
	_ =	sdelay $0x1  }
0x72: {  	v2 =	vadd.s32 v1, v2;
	_ =	sdelay $0x3  }
0x73: {  	s24 =	simm.s32 $0x9B80  }
0x74: {  	[tilespmem:s24], [sflag:$0x1] =	stream.indirect_vreg.gather [hbm4b:s3+s0], $0x80, v2, vm0, $0xb8;
	[tilespmem:$0x14B80] =	vst v63  }
0x75: {  	s25 =	simm.s32 $0xA380  }
0x76: {  	[tilespmem:s25], [sflag:$0x1] =	stream.indirect_vreg.gather [hbm4b:s7+s0], $0x80, v2, vm0, $0xb8;
	[tilespmem:$0x14B80] =	vst v63  }
0x77: {  	v2 =	vld.msk [tilespmem:s28+$0x640], $0xff;
	_ =	sdelay $0x4  }
0x78: {  	v3 =	vshll.u32 v2, $0x2  }
0x79: {  	v2 =	vand.u32 $0x7, v2;
	v3 =	vand.u32 $0xFFFFFFE0, v3  }
0x7a: {  	v2 =	vor.u32 v2, v3  }
0x7b: {  	v2 =	vperm.xlane v2, v0;
	_ =	sdelay $0x1  }
0x7c: {  	v2 =	vadd.s32 v1, v2;
	_ =	sdelay $0x3  }
0x7d: {  	s2 =	simm.s32 $0xAB80  }
0x7e: {  	[tilespmem:s2], [sflag:$0x1] =	stream.indirect_vreg.gather [hbm4b:s3+s0], $0x80, v2, vm0, $0xb8;
	[tilespmem:$0x14B80] =	vst v63  }
0x7f: {  	s4 =	simm.s32 $0xB380  }
0x80: {  	[tilespmem:s4], [sflag:$0x1] =	stream.indirect_vreg.gather [hbm4b:s7+s0], $0x80, v2, vm0, $0xb8;
	[tilespmem:$0x14B80] =	vst v63  }
0x81: {  	v2 =	vld.msk [tilespmem:s28+$0x648], $0xff;
	_ =	sdelay $0x4  }
0x82: {  	v3 =	vshll.u32 v2, $0x2  }
0x83: {  	v2 =	vand.u32 $0x7, v2;
	v3 =	vand.u32 $0xFFFFFFE0, v3  }
0x84: {  	v2 =	vor.u32 v2, v3  }
0x85: {  	v2 =	vperm.xlane v2, v0;
	_ =	sdelay $0x1  }
0x86: {  	v2 =	vadd.s32 v1, v2;
	_ =	sdelay $0x3  }
0x87: {  	s5 =	simm.s32 $0xBB80  }
0x88: {  	[tilespmem:s5], [sflag:$0x1] =	stream.indirect_vreg.gather [hbm4b:s3+s0], $0x80, v2, vm0, $0xb8;
	[tilespmem:$0x14B80] =	vst v63  }
0x89: {  	s6 =	simm.s32 $0xC380  }
0x8a: {  	[tilespmem:s6], [sflag:$0x1] =	stream.indirect_vreg.gather [hbm4b:s7+s0], $0x80, v2, vm0, $0xb8;
	[tilespmem:$0x14B80] =	vst v63  }
0x8b: {  	v2 =	vld.msk [tilespmem:s28+$0x780], $0xff;
	_ =	sdelay $0x4  }
0x8c: {  	v3 =	vshll.u32 v2, $0x2  }
0x8d: {  	v2 =	vand.u32 $0x7, v2;
	v3 =	vand.u32 $0xFFFFFFE0, v3  }
0x8e: {  	v2 =	vor.u32 v2, v3  }
0x8f: {  	v2 =	vperm.xlane v2, v0;
	_ =	sdelay $0x1  }
0x90: {  	v2 =	vadd.s32 v1, v2;
	_ =	sdelay $0x3  }
0x91: {  	s8 =	simm.s32 $0xCB80  }
0x92: {  	[tilespmem:s8], [sflag:$0x1] =	stream.indirect_vreg.gather [hbm4b:s3+s0], $0x80, v2, vm0, $0xb8;
	[tilespmem:$0x14B80] =	vst v63  }
0x93: {  	s10 =	simm.s32 $0xD380  }
0x94: {  	[tilespmem:s10], [sflag:$0x1] =	stream.indirect_vreg.gather [hbm4b:s7+s0], $0x80, v2, vm0, $0xb8;
	[tilespmem:$0x14B80] =	vst v63  }
0x95: {  	v2 =	vld.msk [tilespmem:s28+$0x788], $0xff;
	_ =	sdelay $0x4  }
0x96: {  	v3 =	vshll.u32 v2, $0x2  }
0x97: {  	v2 =	vand.u32 $0x7, v2;
	v3 =	vand.u32 $0xFFFFFFE0, v3  }
0x98: {  	v2 =	vor.u32 v2, v3  }
0x99: {  	v2 =	vperm.xlane v2, v0;
	_ =	sdelay $0x1  }
0x9a: {  	v2 =	vadd.s32 v1, v2;
	_ =	sdelay $0x3  }
0x9b: {  	s11 =	simm.s32 $0xDB80  }
0x9c: {  	[tilespmem:s11], [sflag:$0x1] =	stream.indirect_vreg.gather [hbm4b:s3+s0], $0x80, v2, vm0, $0xb8;
	[tilespmem:$0x14B80] =	vst v63  }
0x9d: {  	s12 =	simm.s32 $0xE380  }
0x9e: {  	[tilespmem:s12], [sflag:$0x1] =	stream.indirect_vreg.gather [hbm4b:s7+s0], $0x80, v2, vm0, $0xb8;
	[tilespmem:$0x14B80] =	vst v63  }
0x9f: {  	v2 =	vld.msk [tilespmem:s28+$0x8C0], $0xff;
	_ =	sdelay $0x4  }
0xa0: {  	v3 =	vshll.u32 v2, $0x2  }
0xa1: {  	v2 =	vand.u32 $0x7, v2;
	v3 =	vand.u32 $0xFFFFFFE0, v3  }
0xa2: {  	v2 =	vor.u32 v2, v3  }
0xa3: {  	v2 =	vperm.xlane v2, v0;
	_ =	sdelay $0x1  }
0xa4: {  	v2 =	vadd.s32 v1, v2;
	_ =	sdelay $0x3  }
0xa5: {  	s13 =	simm.s32 $0xEB80  }
0xa6: {  	[tilespmem:s13], [sflag:$0x1] =	stream.indirect_vreg.gather [hbm4b:s3+s0], $0x80, v2, vm0, $0xb8;
	[tilespmem:$0x14B80] =	vst v63  }
0xa7: {  	s14 =	simm.s32 $0xF380  }
0xa8: {  	[tilespmem:s14], [sflag:$0x1] =	stream.indirect_vreg.gather [hbm4b:s7+s0], $0x80, v2, vm0, $0xb8;
	[tilespmem:$0x14B80] =	vst v63  }
0xa9: {  	v2 =	vld.msk [tilespmem:s28+$0x8C8], $0xff;
	_ =	sdelay $0x4  }
0xaa: {  	v3 =	vshll.u32 v2, $0x2  }
0xab: {  	v2 =	vand.u32 $0x7, v2;
	v3 =	vand.u32 $0xFFFFFFE0, v3  }
0xac: {  	v2 =	vor.u32 v2, v3  }
0xad: {  	v2 =	vperm.xlane v2, v0;
	_ =	sdelay $0x1  }
0xae: {  	v2 =	vadd.s32 v1, v2;
	_ =	sdelay $0x3  }
0xaf: {  	s15 =	simm.s32 $0xFB80  }
0xb0: {  	[tilespmem:s15], [sflag:$0x1] =	stream.indirect_vreg.gather [hbm4b:s3+s0], $0x80, v2, vm0, $0xb8;
	[tilespmem:$0x14B80] =	vst v63  }
0xb1: {  	s16 =	simm.s32 $0x10380  }
0xb2: {  	[tilespmem:s16], [sflag:$0x1] =	stream.indirect_vreg.gather [hbm4b:s7+s0], $0x80, v2, vm0, $0xb8;
	[tilespmem:$0x14B80] =	vst v63  }
0xb3: {  	v2 =	vld.msk [tilespmem:s28+$0xA00], $0xff;
	_ =	sdelay $0x4  }
0xb4: {  	v3 =	vshll.u32 v2, $0x2  }
0xb5: {  	v2 =	vand.u32 $0x7, v2;
	v3 =	vand.u32 $0xFFFFFFE0, v3  }
0xb6: {  	v2 =	vor.u32 v2, v3  }
0xb7: {  	v2 =	vperm.xlane v2, v0;
	_ =	sdelay $0x1  }
0xb8: {  	v2 =	vadd.s32 v1, v2;
	_ =	sdelay $0x3  }
0xb9: {  	s17 =	simm.s32 $0x10B80  }
0xba: {  	[tilespmem:s17], [sflag:$0x1] =	stream.indirect_vreg.gather [hbm4b:s3+s0], $0x80, v2, vm0, $0xb8;
	[tilespmem:$0x14B80] =	vst v63  }
0xbb: {  	s18 =	simm.s32 $0x11380  }
0xbc: {  	[tilespmem:s18], [sflag:$0x1] =	stream.indirect_vreg.gather [hbm4b:s7+s0], $0x80, v2, vm0, $0xb8;
	[tilespmem:$0x14B80] =	vst v63  }
0xbd: {  	v2 =	vld.msk [tilespmem:s28+$0xA08], $0xff;
	_ =	sdelay $0x4  }
0xbe: {  	v3 =	vshll.u32 v2, $0x2  }
0xbf: {  	v2 =	vand.u32 $0x7, v2;
	v3 =	vand.u32 $0xFFFFFFE0, v3  }
0xc0: {  	v2 =	vor.u32 v2, v3  }
0xc1: {  	v2 =	vperm.xlane v2, v0;
	_ =	sdelay $0x1  }
0xc2: {  	v2 =	vadd.s32 v1, v2;
	_ =	sdelay $0x3  }
0xc3: {  	s19 =	simm.s32 $0x11B80  }
0xc4: {  	[tilespmem:s19], [sflag:$0x1] =	stream.indirect_vreg.gather [hbm4b:s3+s0], $0x80, v2, vm0, $0xb8;
	[tilespmem:$0x14B80] =	vst v63  }
0xc5: {  	s20 =	simm.s32 $0x12380  }
0xc6: {  	[tilespmem:s20], [sflag:$0x1] =	stream.indirect_vreg.gather [hbm4b:s7+s0], $0x80, v2, vm0, $0xb8;
	[tilespmem:$0x14B80] =	vst v63  }
0xc7: {  	_ =	swait.ge [sflag:s21], $0x1000  }
0xc8: {  	[sflag:s21] =	ssyncset.done $0x0  }
0xc9: {  	[sflag:s21] =	ssyncadd.s32 $0xFFFFF000  }
0xca: {  	_ =	swait.ge [sflag:s21], $0x1000  }
0xcb: {  	[sflag:s21] =	ssyncset.done $0x0  }
0xcc: {  	[sflag:s21] =	ssyncadd.s32 $0xFFFFF000  }
0xcd: {  	_ =	swait.ge [sflag:s21], $0x1000  }
0xce: {  	[sflag:s21] =	ssyncset.done $0x0  }
0xcf: {  	[sflag:s21] =	ssyncadd.s32 $0xFFFFF000  }
0xd0: {  	_ =	swait.ge [sflag:s21], $0x1000  }
0xd1: {  	[sflag:s21] =	ssyncset.done $0x0  }
0xd2: {  	[sflag:s21] =	ssyncadd.s32 $0xFFFFF000  }
0xd3: {  	_ =	swait.ge [sflag:s21], $0x1000  }
0xd4: {  	[sflag:s21] =	ssyncset.done $0x0  }
0xd5: {  	[sflag:s21] =	ssyncadd.s32 $0xFFFFF000  }
0xd6: {  	_ =	swait.ge [sflag:s21], $0x1000  }
0xd7: {  	[sflag:s21] =	ssyncset.done $0x0  }
0xd8: {  	[sflag:s21] =	ssyncadd.s32 $0xFFFFF000  }
0xd9: {  	_ =	swait.ge [sflag:s21], $0x1000  }
0xda: {  	[sflag:s21] =	ssyncset.done $0x0  }
0xdb: {  	[sflag:s21] =	ssyncadd.s32 $0xFFFFF000  }
0xdc: {  	_ =	swait.ge [sflag:s21], $0x1000  }
0xdd: {  	[sflag:s21] =	ssyncset.done $0x0  }
0xde: {  	[sflag:s21] =	ssyncadd.s32 $0xFFFFF000  }
0xdf: {  	_ =	swait.ge [sflag:s21], $0x1000  }
0xe0: {  	[sflag:s21] =	ssyncset.done $0x0  }
0xe1: {  	[sflag:s21] =	ssyncadd.s32 $0xFFFFF000  }
0xe2: {  	_ =	swait.ge [sflag:s21], $0x1000  }
0xe3: {  	[sflag:s21] =	ssyncset.done $0x0  }
0xe4: {  	[sflag:s21] =	ssyncadd.s32 $0xFFFFF000  }
0xe5: {  	_ =	swait.ge [sflag:s21], $0x1000  }
0xe6: {  	[sflag:s21] =	ssyncset.done $0x0  }
0xe7: {  	[sflag:s21] =	ssyncadd.s32 $0xFFFFF000  }
0xe8: {  	_ =	swait.ge [sflag:s21], $0x1000  }
0xe9: {  	[sflag:s21] =	ssyncset.done $0x0  }
0xea: {  	[sflag:s21] =	ssyncadd.s32 $0xFFFFF000  }
0xeb: {  	_ =	swait.ge [sflag:s21], $0x1000  }
0xec: {  	[sflag:s21] =	ssyncset.done $0x0  }
0xed: {  	[sflag:s21] =	ssyncadd.s32 $0xFFFFF000  }
0xee: {  	_ =	swait.ge [sflag:s21], $0x1000  }
0xef: {  	[sflag:s21] =	ssyncset.done $0x0  }
0xf0: {  	[sflag:s21] =	ssyncadd.s32 $0xFFFFF000  }
0xf1: {  	_ =	swait.ge [sflag:s21], $0x1000  }
0xf2: {  	[sflag:s21] =	ssyncset.done $0x0  }
0xf3: {  	[sflag:s21] =	ssyncadd.s32 $0xFFFFF000  }
0xf4: {  	_ =	swait.ge [sflag:s21], $0x1000  }
0xf5: {  	[sflag:s21] =	ssyncset.done $0x0  }
0xf6: {  	[sflag:s21] =	ssyncadd.s32 $0xFFFFF000  }
0xf7: {  	_ =	swait.ge [sflag:s21], $0x1000  }
0xf8: {  	[sflag:s21] =	ssyncset.done $0x0  }
0xf9: {  	[sflag:s21] =	ssyncadd.s32 $0xFFFFF000  }
0xfa: {  	_ =	swait.ge [sflag:s21], $0x1000  }
0xfb: {  	s22 =	sand.u32 $0x1000, s0;
	s2 =	sand.u32 $0x380, s0;
	[sflag:s21] =	ssyncset.done $0x0  }
0xfc: {  	s30 =	sor.u32 s2, s22;
	[sflag:s21] =	ssyncadd.s32 $0xFFFFF000  }
0xfd: {  	v2 =	vld [tilespmem:s30+$0xB80]  }
0xfe: {  	v3 =	vld [tilespmem:s30+$0x2B80]  }
0xff: {  	v4 =	vld [tilespmem:s30+$0x4B80]  }
0x100: {  	v5 =	vld [tilespmem:s30+$0x6B80]  }
0x101: {  	v6 =	vld [tilespmem:s30+$0x8B80]  }
0x102: {  	v7 =	vld [tilespmem:s30+$0xAB80]  }
0x103: {  	v8 =	vld [tilespmem:s30+$0xCB80]  }
0x104: {  	v9 =	vld [tilespmem:s30+$0xEB80];
	_ =	sdelay $0x3  }
0x105: {  	v2 =	vadd.f32 v3, v2;
	v3 =	vadd.f32 v5, v4  }
0x106: {  	v4 =	vadd.f32 v7, v6;
	v5 =	vadd.f32 v9, v8  }
0x107: {  	v6 =	vld [tilespmem:s30+$0x10B80]  }
0x108: {  	v2 =	vadd.f32 v3, v2;
	v3 =	vadd.f32 v5, v4;
	_ =	sdelay $0x1  }
0x109: {  	v2 =	vadd.f32 v3, v2;
	_ =	sdelay $0x1  }
0x10a: {  	v2 =	vadd.f32 v2, v6  }
0x10b: {  	s29 =	simm.s32 $0x0  }
0x10c: {  	[tilespmem:s29+$0x12B80] =	vst v2  }
0x10d: {  	v2 =	vld [tilespmem:s30+$0xB90]  }
0x10e: {  	v3 =	vld [tilespmem:s30+$0x2B90]  }
0x10f: {  	v4 =	vld [tilespmem:s30+$0x4B90]  }
0x110: {  	v5 =	vld [tilespmem:s30+$0x6B90]  }
0x111: {  	v6 =	vld [tilespmem:s30+$0x8B90]  }
0x112: {  	v7 =	vld [tilespmem:s30+$0xAB90]  }
0x113: {  	v8 =	vld [tilespmem:s30+$0xCB90]  }
0x114: {  	v9 =	vld [tilespmem:s30+$0xEB90];
	_ =	sdelay $0x3  }
0x115: {  	v2 =	vadd.f32 v3, v2;
	v3 =	vadd.f32 v5, v4  }
0x116: {  	v4 =	vadd.f32 v7, v6;
	v5 =	vadd.f32 v9, v8  }
0x117: {  	v6 =	vld [tilespmem:s30+$0x10B90]  }
0x118: {  	v2 =	vadd.f32 v3, v2;
	v3 =	vadd.f32 v5, v4;
	_ =	sdelay $0x1  }
0x119: {  	v2 =	vadd.f32 v3, v2;
	_ =	sdelay $0x1  }
0x11a: {  	v2 =	vadd.f32 v2, v6;
	_ =	sdelay $0x1  }
0x11b: {  	[tilespmem:s29+$0x12B90] =	vst v2  }
0x11c: {  	v2 =	vld [tilespmem:s30+$0xBA0]  }
0x11d: {  	v3 =	vld [tilespmem:s30+$0x2BA0]  }
0x11e: {  	v4 =	vld [tilespmem:s30+$0x4BA0]  }
0x11f: {  	v5 =	vld [tilespmem:s30+$0x6BA0]  }
0x120: {  	v6 =	vld [tilespmem:s30+$0x8BA0]  }
0x121: {  	v7 =	vld [tilespmem:s30+$0xABA0]  }
0x122: {  	v8 =	vld [tilespmem:s30+$0xCBA0]  }
0x123: {  	v9 =	vld [tilespmem:s30+$0xEBA0];
	_ =	sdelay $0x3  }
0x124: {  	v2 =	vadd.f32 v3, v2;
	v3 =	vadd.f32 v5, v4  }
0x125: {  	v4 =	vadd.f32 v7, v6;
	v5 =	vadd.f32 v9, v8  }
0x126: {  	v6 =	vld [tilespmem:s30+$0x10BA0]  }
0x127: {  	v2 =	vadd.f32 v3, v2;
	v3 =	vadd.f32 v5, v4;
	_ =	sdelay $0x1  }
0x128: {  	v2 =	vadd.f32 v3, v2;
	_ =	sdelay $0x1  }
0x129: {  	v2 =	vadd.f32 v2, v6;
	_ =	sdelay $0x1  }
0x12a: {  	[tilespmem:s29+$0x12BA0] =	vst v2  }
0x12b: {  	v2 =	vld [tilespmem:s30+$0xBB0]  }
0x12c: {  	v3 =	vld [tilespmem:s30+$0x2BB0]  }
0x12d: {  	v4 =	vld [tilespmem:s30+$0x4BB0]  }
0x12e: {  	v5 =	vld [tilespmem:s30+$0x6BB0]  }
0x12f: {  	v6 =	vld [tilespmem:s30+$0x8BB0]  }
0x130: {  	v7 =	vld [tilespmem:s30+$0xABB0]  }
0x131: {  	v8 =	vld [tilespmem:s30+$0xCBB0]  }
0x132: {  	v9 =	vld [tilespmem:s30+$0xEBB0];
	_ =	sdelay $0x3  }
0x133: {  	v2 =	vadd.f32 v3, v2;
	v3 =	vadd.f32 v5, v4  }
0x134: {  	v4 =	vadd.f32 v7, v6;
	v5 =	vadd.f32 v9, v8  }
0x135: {  	v6 =	vld [tilespmem:s30+$0x10BB0]  }
0x136: {  	v2 =	vadd.f32 v3, v2;
	v3 =	vadd.f32 v5, v4;
	_ =	sdelay $0x1  }
0x137: {  	v2 =	vadd.f32 v3, v2;
	_ =	sdelay $0x1  }
0x138: {  	v2 =	vadd.f32 v2, v6;
	_ =	sdelay $0x1  }
0x139: {  	[tilespmem:s29+$0x12BB0] =	vst v2  }
0x13a: {  	v2 =	vld [tilespmem:s30+$0xBC0]  }
0x13b: {  	v3 =	vld [tilespmem:s30+$0x2BC0]  }
0x13c: {  	v4 =	vld [tilespmem:s30+$0x4BC0]  }
0x13d: {  	v5 =	vld [tilespmem:s30+$0x6BC0]  }
0x13e: {  	v6 =	vld [tilespmem:s30+$0x8BC0]  }
0x13f: {  	v7 =	vld [tilespmem:s30+$0xABC0]  }
0x140: {  	v8 =	vld [tilespmem:s30+$0xCBC0]  }
0x141: {  	v9 =	vld [tilespmem:s30+$0xEBC0];
	_ =	sdelay $0x3  }
0x142: {  	v2 =	vadd.f32 v3, v2;
	v3 =	vadd.f32 v5, v4  }
0x143: {  	v4 =	vadd.f32 v7, v6;
	v5 =	vadd.f32 v9, v8  }
0x144: {  	v6 =	vld [tilespmem:s30+$0x10BC0]  }
0x145: {  	v2 =	vadd.f32 v3, v2;
	v3 =	vadd.f32 v5, v4;
	_ =	sdelay $0x1  }
0x146: {  	v2 =	vadd.f32 v3, v2;
	_ =	sdelay $0x1  }
0x147: {  	v2 =	vadd.f32 v2, v6;
	_ =	sdelay $0x1  }
0x148: {  	[tilespmem:s29+$0x12BC0] =	vst v2  }
0x149: {  	v2 =	vld [tilespmem:s30+$0xBD0]  }
0x14a: {  	v3 =	vld [tilespmem:s30+$0x2BD0]  }
0x14b: {  	v4 =	vld [tilespmem:s30+$0x4BD0]  }
0x14c: {  	v5 =	vld [tilespmem:s30+$0x6BD0]  }
0x14d: {  	v6 =	vld [tilespmem:s30+$0x8BD0]  }
0x14e: {  	v7 =	vld [tilespmem:s30+$0xABD0]  }
0x14f: {  	v8 =	vld [tilespmem:s30+$0xCBD0]  }
0x150: {  	v9 =	vld [tilespmem:s30+$0xEBD0];
	_ =	sdelay $0x3  }
0x151: {  	v2 =	vadd.f32 v3, v2;
	v3 =	vadd.f32 v5, v4  }
0x152: {  	v4 =	vadd.f32 v7, v6;
	v5 =	vadd.f32 v9, v8  }
0x153: {  	v6 =	vld [tilespmem:s30+$0x10BD0]  }
0x154: {  	v2 =	vadd.f32 v3, v2;
	v3 =	vadd.f32 v5, v4;
	_ =	sdelay $0x1  }
0x155: {  	v2 =	vadd.f32 v3, v2;
	_ =	sdelay $0x1  }
0x156: {  	v2 =	vadd.f32 v2, v6;
	_ =	sdelay $0x1  }
0x157: {  	[tilespmem:s29+$0x12BD0] =	vst v2  }
0x158: {  	v2 =	vld [tilespmem:s30+$0xBE0]  }
0x159: {  	v3 =	vld [tilespmem:s30+$0x2BE0]  }
0x15a: {  	v4 =	vld [tilespmem:s30+$0x4BE0]  }
0x15b: {  	v5 =	vld [tilespmem:s30+$0x6BE0]  }
0x15c: {  	v6 =	vld [tilespmem:s30+$0x8BE0]  }
0x15d: {  	v7 =	vld [tilespmem:s30+$0xABE0]  }
0x15e: {  	v8 =	vld [tilespmem:s30+$0xCBE0]  }
0x15f: {  	v9 =	vld [tilespmem:s30+$0xEBE0];
	_ =	sdelay $0x3  }
0x160: {  	v2 =	vadd.f32 v3, v2;
	v3 =	vadd.f32 v5, v4  }
0x161: {  	v4 =	vadd.f32 v7, v6;
	v5 =	vadd.f32 v9, v8  }
0x162: {  	v6 =	vld [tilespmem:s30+$0x10BE0]  }
0x163: {  	v2 =	vadd.f32 v3, v2;
	v3 =	vadd.f32 v5, v4;
	_ =	sdelay $0x1  }
0x164: {  	v2 =	vadd.f32 v3, v2;
	_ =	sdelay $0x1  }
0x165: {  	v2 =	vadd.f32 v2, v6;
	_ =	sdelay $0x1  }
0x166: {  	[tilespmem:s29+$0x12BE0] =	vst v2  }
0x167: {  	v2 =	vld [tilespmem:s30+$0xBF0]  }
0x168: {  	v3 =	vld [tilespmem:s30+$0x2BF0]  }
0x169: {  	v4 =	vld [tilespmem:s30+$0x4BF0]  }
0x16a: {  	v5 =	vld [tilespmem:s30+$0x6BF0]  }
0x16b: {  	v6 =	vld [tilespmem:s30+$0x8BF0]  }
0x16c: {  	v7 =	vld [tilespmem:s30+$0xABF0]  }
0x16d: {  	v8 =	vld [tilespmem:s30+$0xCBF0]  }
0x16e: {  	v9 =	vld [tilespmem:s30+$0xEBF0];
	_ =	sdelay $0x3  }
0x16f: {  	v2 =	vadd.f32 v3, v2;
	v3 =	vadd.f32 v5, v4  }
0x170: {  	v4 =	vadd.f32 v7, v6;
	v5 =	vadd.f32 v9, v8  }
0x171: {  	v6 =	vld [tilespmem:s30+$0x10BF0]  }
0x172: {  	v2 =	vadd.f32 v3, v2;
	v3 =	vadd.f32 v5, v4;
	_ =	sdelay $0x1  }
0x173: {  	v2 =	vadd.f32 v3, v2;
	_ =	sdelay $0x1  }
0x174: {  	v2 =	vadd.f32 v2, v6  }
0x175: {  	s0 =	sand.u32 $0xFFFFF000, s0  }
0x176: {  	s8 =	sadd.s32 $0x0, s0;
	[tilespmem:s29+$0x12BF0] =	vst v2  }
0x177: {  	s4 =	sor.u32 $0x2400, s8;
	v2 =	vld [tilespmem:s30+$0xF80]  }
0x178: {  	s6 =	sor.u32 $0x4400, s8;
	v3 =	vld [tilespmem:s4+$0xB80]  }
0x179: {  	s10 =	sor.u32 $0x6400, s8;
	v4 =	vld [tilespmem:s6+$0xB80]  }
0x17a: {  	s11 =	sor.u32 $0x8400, s8;
	v5 =	vld [tilespmem:s10+$0xB80]  }
0x17b: {  	s12 =	sor.u32 $0xA400, s8;
	v6 =	vld [tilespmem:s11+$0xB80]  }
0x17c: {  	s13 =	sor.u32 $0xC400, s8;
	v7 =	vld [tilespmem:s12+$0xB80]  }
0x17d: {  	s14 =	sor.u32 $0xE400, s8;
	v8 =	vld [tilespmem:s13+$0xB80]  }
0x17e: {  	v9 =	vld [tilespmem:s14+$0xB80];
	_ =	sdelay $0x3  }
0x17f: {  	v2 =	vadd.f32 v3, v2;
	v3 =	vadd.f32 v5, v4  }
0x180: {  	s5 =	sor.u32 $0x10400, s8;
	v4 =	vadd.f32 v7, v6;
	v5 =	vadd.f32 v9, v8  }
0x181: {  	v6 =	vld [tilespmem:s5+$0xB80]  }
0x182: {  	v2 =	vadd.f32 v3, v2;
	v3 =	vadd.f32 v5, v4;
	_ =	sdelay $0x1  }
0x183: {  	v2 =	vadd.f32 v3, v2;
	_ =	sdelay $0x1  }
0x184: {  	v2 =	vadd.f32 v2, v6;
	_ =	sdelay $0x1  }
0x185: {  	[tilespmem:s29+$0x13380] =	vst v2  }
0x186: {  	v2 =	vld [tilespmem:s30+$0xF90]  }
0x187: {  	v3 =	vld [tilespmem:s4+$0xB90]  }
0x188: {  	v4 =	vld [tilespmem:s6+$0xB90]  }
0x189: {  	v5 =	vld [tilespmem:s10+$0xB90]  }
0x18a: {  	v6 =	vld [tilespmem:s11+$0xB90]  }
0x18b: {  	v7 =	vld [tilespmem:s12+$0xB90]  }
0x18c: {  	v8 =	vld [tilespmem:s13+$0xB90]  }
0x18d: {  	v9 =	vld [tilespmem:s14+$0xB90];
	_ =	sdelay $0x3  }
0x18e: {  	v2 =	vadd.f32 v3, v2;
	v3 =	vadd.f32 v5, v4  }
0x18f: {  	v4 =	vadd.f32 v7, v6;
	v5 =	vadd.f32 v9, v8  }
0x190: {  	v6 =	vld [tilespmem:s5+$0xB90]  }
0x191: {  	v2 =	vadd.f32 v3, v2;
	v3 =	vadd.f32 v5, v4;
	_ =	sdelay $0x1  }
0x192: {  	v2 =	vadd.f32 v3, v2;
	_ =	sdelay $0x1  }
0x193: {  	v2 =	vadd.f32 v2, v6;
	_ =	sdelay $0x1  }
0x194: {  	[tilespmem:s29+$0x13390] =	vst v2  }
0x195: {  	v2 =	vld [tilespmem:s30+$0xFA0]  }
0x196: {  	v3 =	vld [tilespmem:s4+$0xBA0]  }
0x197: {  	v4 =	vld [tilespmem:s6+$0xBA0]  }
0x198: {  	v5 =	vld [tilespmem:s10+$0xBA0]  }
0x199: {  	v6 =	vld [tilespmem:s11+$0xBA0]  }
0x19a: {  	v7 =	vld [tilespmem:s12+$0xBA0]  }
0x19b: {  	v8 =	vld [tilespmem:s13+$0xBA0]  }
0x19c: {  	v9 =	vld [tilespmem:s14+$0xBA0];
	_ =	sdelay $0x3  }
0x19d: {  	v2 =	vadd.f32 v3, v2;
	v3 =	vadd.f32 v5, v4  }
0x19e: {  	v4 =	vadd.f32 v7, v6;
	v5 =	vadd.f32 v9, v8  }
0x19f: {  	v6 =	vld [tilespmem:s5+$0xBA0]  }
0x1a0: {  	v2 =	vadd.f32 v3, v2;
	v3 =	vadd.f32 v5, v4;
	_ =	sdelay $0x1  }
0x1a1: {  	v2 =	vadd.f32 v3, v2;
	_ =	sdelay $0x1  }
0x1a2: {  	v2 =	vadd.f32 v2, v6;
	_ =	sdelay $0x1  }
0x1a3: {  	[tilespmem:s29+$0x133A0] =	vst v2  }
0x1a4: {  	v2 =	vld [tilespmem:s30+$0xFB0]  }
0x1a5: {  	v3 =	vld [tilespmem:s4+$0xBB0]  }
0x1a6: {  	v4 =	vld [tilespmem:s6+$0xBB0]  }
0x1a7: {  	v5 =	vld [tilespmem:s10+$0xBB0]  }
0x1a8: {  	v6 =	vld [tilespmem:s11+$0xBB0]  }
0x1a9: {  	v7 =	vld [tilespmem:s12+$0xBB0]  }
0x1aa: {  	v8 =	vld [tilespmem:s13+$0xBB0]  }
0x1ab: {  	v9 =	vld [tilespmem:s14+$0xBB0];
	_ =	sdelay $0x3  }
0x1ac: {  	v2 =	vadd.f32 v3, v2;
	v3 =	vadd.f32 v5, v4  }
0x1ad: {  	v4 =	vadd.f32 v7, v6;
	v5 =	vadd.f32 v9, v8  }
0x1ae: {  	v6 =	vld [tilespmem:s5+$0xBB0]  }
0x1af: {  	v2 =	vadd.f32 v3, v2;
	v3 =	vadd.f32 v5, v4;
	_ =	sdelay $0x1  }
0x1b0: {  	v2 =	vadd.f32 v3, v2;
	_ =	sdelay $0x1  }
0x1b1: {  	v2 =	vadd.f32 v2, v6;
	_ =	sdelay $0x1  }
0x1b2: {  	[tilespmem:s29+$0x133B0] =	vst v2  }
0x1b3: {  	v2 =	vld [tilespmem:s30+$0xFC0]  }
0x1b4: {  	v3 =	vld [tilespmem:s4+$0xBC0]  }
0x1b5: {  	v4 =	vld [tilespmem:s6+$0xBC0]  }
0x1b6: {  	v5 =	vld [tilespmem:s10+$0xBC0]  }
0x1b7: {  	v6 =	vld [tilespmem:s11+$0xBC0]  }
0x1b8: {  	v7 =	vld [tilespmem:s12+$0xBC0]  }
0x1b9: {  	v8 =	vld [tilespmem:s13+$0xBC0]  }
0x1ba: {  	v9 =	vld [tilespmem:s14+$0xBC0];
	_ =	sdelay $0x3  }
0x1bb: {  	v2 =	vadd.f32 v3, v2;
	v3 =	vadd.f32 v5, v4  }
0x1bc: {  	v4 =	vadd.f32 v7, v6;
	v5 =	vadd.f32 v9, v8  }
0x1bd: {  	v6 =	vld [tilespmem:s5+$0xBC0]  }
0x1be: {  	v2 =	vadd.f32 v3, v2;
	v3 =	vadd.f32 v5, v4;
	_ =	sdelay $0x1  }
0x1bf: {  	v2 =	vadd.f32 v3, v2;
	_ =	sdelay $0x1  }
0x1c0: {  	v2 =	vadd.f32 v2, v6;
	_ =	sdelay $0x1  }
0x1c1: {  	[tilespmem:s29+$0x133C0] =	vst v2  }
0x1c2: {  	v2 =	vld [tilespmem:s30+$0xFD0]  }
0x1c3: {  	v3 =	vld [tilespmem:s4+$0xBD0]  }
0x1c4: {  	v4 =	vld [tilespmem:s6+$0xBD0]  }
0x1c5: {  	v5 =	vld [tilespmem:s10+$0xBD0]  }
0x1c6: {  	v6 =	vld [tilespmem:s11+$0xBD0]  }
0x1c7: {  	v7 =	vld [tilespmem:s12+$0xBD0]  }
0x1c8: {  	v8 =	vld [tilespmem:s13+$0xBD0]  }
0x1c9: {  	v9 =	vld [tilespmem:s14+$0xBD0]  }
0x1ca: {  	s1 =	simm.s32 $0x200;
	s23 =	simm.s32 $0x80  }
0x1cb: {  	s24 =	sand.u32 $0x1000, s1;
	s0 =	sand.u32 $0x380, s23  }
0x1cc: {  	s31 =	sor.u32 s0, s24  }
0x1cd: {  	v10 =	vld [tilespmem:s31+$0xB80];
	v2 =	vadd.f32 v3, v2;
	v3 =	vadd.f32 v5, v4  }
0x1ce: {  	v11 =	vld [tilespmem:s31+$0x10B80];
	v5 =	vadd.f32 v7, v6;
	v6 =	vadd.f32 v9, v8  }
0x1cf: {  	v7 =	vld [tilespmem:s5+$0xBD0]  }
0x1d0: {  	v4 =	vld [tilespmem:s31+$0x2B80];
	v2 =	vadd.f32 v3, v2;
	v3 =	vadd.f32 v6, v5  }
0x1d1: {  	v8 =	vld [tilespmem:s31+$0x4B80]  }
0x1d2: {  	v9 =	vld [tilespmem:s31+$0xEB80];
	v2 =	vadd.f32 v3, v2  }
0x1d3: {  	v5 =	vld [tilespmem:s31+$0x6B80]  }
0x1d4: {  	v6 =	vld [tilespmem:s31+$0xAB80];
	v2 =	vadd.f32 v2, v7  }
0x1d5: {  	v3 =	vld [tilespmem:s31+$0x8B80]  }
0x1d6: {  	v7 =	vld [tilespmem:s31+$0xCB80];
	[tilespmem:s29+$0x133D0] =	vst v2  }
0x1d7: {  	v2 =	vld [tilespmem:s30+$0xFE0]  }
0x1d8: {  	v12 =	vld [tilespmem:s4+$0xBE0]  }
0x1d9: {  	v4 =	vadd.f32 v4, v10;
	v5 =	vadd.f32 v5, v8;
	v13 =	vld [tilespmem:s6+$0xBE0]  }
0x1da: {  	v8 =	vld [tilespmem:s10+$0xBE0];
	v3 =	vadd.f32 v6, v3  }
0x1db: {  	v4 =	vadd.f32 v5, v4;
	v5 =	vld [tilespmem:s13+$0xBE0];
	v6 =	vadd.f32 v9, v7  }
0x1dc: {  	v7 =	vld [tilespmem:s11+$0xBE0]  }
0x1dd: {  	v9 =	vld [tilespmem:s12+$0xBE0];
	v3 =	vadd.f32 v6, v3  }
0x1de: {  	v6 =	vld [tilespmem:s14+$0xBE0]  }
0x1df: {  	v3 =	vadd.f32 v3, v4;
	_ =	sdelay $0x1  }
0x1e0: {  	v3 =	vadd.f32 v3, v11  }
0x1e1: {  	s0 =	simm.s32 $0x80;
	v2 =	vadd.f32 v12, v2;
	v4 =	vadd.f32 v9, v7  }
0x1e2: {  	v7 =	vld [tilespmem:s5+$0xBE0];
	v5 =	vadd.f32 v6, v5;
	[tilespmem:s0+$0x12B80] =	vst v3;
	v3 =	vadd.f32 v8, v13  }
0x1e3: {  	v6 =	vld [tilespmem:s31+$0xB90]  }
0x1e4: {  	v8 =	vld [tilespmem:s31+$0x2B90];
	v2 =	vadd.f32 v3, v2;
	v3 =	vadd.f32 v5, v4  }
0x1e5: {  	v9 =	vld [tilespmem:s31+$0xAB90]  }
0x1e6: {  	v10 =	vld [tilespmem:s31+$0xEB90];
	v2 =	vadd.f32 v3, v2  }
0x1e7: {  	v4 =	vld [tilespmem:s31+$0x4B90]  }
0x1e8: {  	v5 =	vld [tilespmem:s31+$0x8B90];
	v2 =	vadd.f32 v2, v7  }
0x1e9: {  	v3 =	vld [tilespmem:s31+$0x6B90]  }
0x1ea: {  	v7 =	vld [tilespmem:s31+$0xCB90];
	[tilespmem:s29+$0x133E0] =	vst v2  }
0x1eb: {  	v2 =	vld [tilespmem:s30+$0xFF0]  }
0x1ec: {  	v11 =	vld [tilespmem:s4+$0xBF0]  }
0x1ed: {  	v42 =	vld [tilespmem:s6+$0xBF0]  }
0x1ee: {  	v43 =	vld [tilespmem:s10+$0xBF0]  }
0x1ef: {  	v14 =	vld [tilespmem:s11+$0xBF0]  }
0x1f0: {  	v15 =	vld [tilespmem:s12+$0xBF0]  }
0x1f1: {  	v16 =	vld [tilespmem:s13+$0xBF0]  }
0x1f2: {  	v17 =	vld [tilespmem:s14+$0xBF0];
	_ =	sdelay $0x1  }
0x1f3: {  	v6 =	vadd.f32 v8, v6;
	v3 =	vadd.f32 v3, v4  }
0x1f4: {  	v4 =	vadd.f32 v9, v5;
	v5 =	vadd.f32 v10, v7  }
0x1f5: {  	v2 =	vadd.f32 v11, v2;
	v7 =	vadd.f32 v43, v42  }
0x1f6: {  	v8 =	vld [tilespmem:s31+$0x10B90];
	v9 =	vadd.f32 v15, v14;
	v10 =	vadd.f32 v17, v16  }
0x1f7: {  	v3 =	vadd.f32 v3, v6;
	v4 =	vadd.f32 v5, v4;
	v5 =	vld [tilespmem:s5+$0xBF0]  }
0x1f8: {  	v2 =	vadd.f32 v7, v2;
	v6 =	vadd.f32 v10, v9  }
0x1f9: {  	v3 =	vadd.f32 v4, v3  }
0x1fa: {  	v2 =	vadd.f32 v6, v2  }
0x1fb: {  	v3 =	vadd.f32 v3, v8  }
0x1fc: {  	v2 =	vadd.f32 v2, v5  }
0x1fd: {  	[tilespmem:s0+$0x12B90] =	vst v3  }
0x1fe: {  	v3 =	vld [tilespmem:s31+$0xBA0];
	[tilespmem:s29+$0x133F0] =	vst v2  }
0x1ff: {  	v2 =	vld [tilespmem:s30+$0x1380]  }
0x200: {  	v4 =	vld [tilespmem:s30+$0x3380]  }
0x201: {  	v5 =	vld [tilespmem:s30+$0x5380]  }
0x202: {  	v6 =	vld [tilespmem:s30+$0x7380]  }
0x203: {  	v7 =	vld [tilespmem:s30+$0x9380]  }
0x204: {  	v8 =	vld [tilespmem:s30+$0xB380]  }
0x205: {  	v9 =	vld [tilespmem:s30+$0xD380]  }
0x206: {  	v10 =	vld [tilespmem:s30+$0xF380]  }
0x207: {  	v11 =	vld [tilespmem:s31+$0x2BA0]  }
0x208: {  	v44 =	vld [tilespmem:s31+$0x4BA0]  }
0x209: {  	v45 =	vld [tilespmem:s31+$0x6BA0]  }
0x20a: {  	v46 =	vld [tilespmem:s31+$0x8BA0];
	v2 =	vadd.f32 v4, v2;
	v4 =	vadd.f32 v6, v5  }
0x20b: {  	v5 =	vld [tilespmem:s31+$0xABA0];
	v6 =	vadd.f32 v8, v7;
	v7 =	vadd.f32 v10, v9  }
0x20c: {  	v8 =	vld [tilespmem:s30+$0x11380]  }
0x20d: {  	v9 =	vld [tilespmem:s31+$0xCBA0];
	v2 =	vadd.f32 v4, v2;
	v4 =	vadd.f32 v7, v6  }
0x20e: {  	v6 =	vld [tilespmem:s31+$0xEBA0]  }
0x20f: {  	v2 =	vadd.f32 v4, v2;
	_ =	sdelay $0x1  }
0x210: {  	v2 =	vadd.f32 v2, v8  }
0x211: {  	v3 =	vadd.f32 v11, v3;
	v4 =	vadd.f32 v45, v44  }
0x212: {  	v7 =	vld [tilespmem:s31+$0x10BA0];
	v5 =	vadd.f32 v5, v46;
	v6 =	vadd.f32 v6, v9;
	[tilespmem:s29+$0x13B80] =	vst v2  }
0x213: {  	v2 =	vld [tilespmem:s30+$0x1390]  }
0x214: {  	v3 =	vadd.f32 v4, v3;
	v4 =	vadd.f32 v6, v5;
	v5 =	vld [tilespmem:s30+$0x3390]  }
0x215: {  	v6 =	vld [tilespmem:s30+$0x5390]  }
0x216: {  	v8 =	vld [tilespmem:s30+$0x9390];
	v3 =	vadd.f32 v4, v3  }
0x217: {  	v9 =	vld [tilespmem:s30+$0xD390]  }
0x218: {  	v4 =	vld [tilespmem:s30+$0x7390];
	v3 =	vadd.f32 v3, v7  }
0x219: {  	v7 =	vld [tilespmem:s30+$0xB390]  }
0x21a: {  	[tilespmem:s0+$0x12BA0] =	vst v3;
	v3 =	vld [tilespmem:s30+$0xF390]  }
0x21b: {  	v10 =	vld [tilespmem:s31+$0xBB0]  }
0x21c: {  	v11 =	vld [tilespmem:s31+$0x2BB0]  }
0x21d: {  	v47 =	vld [tilespmem:s31+$0x4BB0]  }
0x21e: {  	v2 =	vadd.f32 v5, v2;
	v48 =	vld [tilespmem:s31+$0x6BB0];
	v4 =	vadd.f32 v4, v6  }
0x21f: {  	v5 =	vld [tilespmem:s31+$0x8BB0];
	v6 =	vadd.f32 v7, v8;
	v3 =	vadd.f32 v3, v9  }
0x220: {  	v7 =	vld [tilespmem:s30+$0x11390]  }
0x221: {  	v8 =	vld [tilespmem:s31+$0xABB0];
	v2 =	vadd.f32 v4, v2;
	v3 =	vadd.f32 v3, v6  }
0x222: {  	v4 =	vld [tilespmem:s31+$0xCBB0]  }
0x223: {  	v6 =	vld [tilespmem:s31+$0xEBB0];
	v2 =	vadd.f32 v3, v2;
	_ =	sdelay $0x1  }
0x224: {  	v2 =	vadd.f32 v2, v7;
	_ =	sdelay $0x1  }
0x225: {  	v9 =	vld [tilespmem:s31+$0x10BB0];
	v3 =	vadd.f32 v11, v10;
	v7 =	vadd.f32 v48, v47;
	[tilespmem:s29+$0x13B90] =	vst v2  }
0x226: {  	v4 =	vadd.f32 v6, v4;
	v2 =	vadd.f32 v8, v5;
	v5 =	vld [tilespmem:s30+$0x13A0]  }
0x227: {  	v6 =	vld [tilespmem:s30+$0x33A0]  }
0x228: {  	v3 =	vadd.f32 v7, v3;
	v7 =	vld [tilespmem:s30+$0x73A0];
	v2 =	vadd.f32 v4, v2  }
0x229: {  	v8 =	vld [tilespmem:s30+$0xB3A0]  }
0x22a: {  	v10 =	vld [tilespmem:s30+$0xF3A0];
	v2 =	vadd.f32 v2, v3  }
0x22b: {  	v4 =	vld [tilespmem:s30+$0x53A0]  }
0x22c: {  	v3 =	vld [tilespmem:s30+$0x93A0];
	v2 =	vadd.f32 v2, v9  }
0x22d: {  	v9 =	vld [tilespmem:s30+$0xD3A0]  }
0x22e: {  	[tilespmem:s0+$0x12BB0] =	vst v2  }
0x22f: {  	v2 =	vld [tilespmem:s31+$0xBC0]  }
0x230: {  	v11 =	vld [tilespmem:s31+$0x2BC0]  }
0x231: {  	v5 =	vadd.f32 v6, v5;
	v4 =	vadd.f32 v7, v4;
	v49 =	vld [tilespmem:s31+$0x4BC0]  }
0x232: {  	v6 =	vld [tilespmem:s31+$0x6BC0];
	v3 =	vadd.f32 v8, v3;
	v7 =	vadd.f32 v10, v9  }
0x233: {  	v8 =	vld [tilespmem:s30+$0x113A0]  }
0x234: {  	v4 =	vadd.f32 v4, v5;
	v5 =	vld [tilespmem:s31+$0xABC0];
	v3 =	vadd.f32 v7, v3  }
0x235: {  	v9 =	vld [tilespmem:s31+$0x8BC0]  }
0x236: {  	v7 =	vld [tilespmem:s31+$0xCBC0];
	v3 =	vadd.f32 v3, v4  }
0x237: {  	v4 =	vld [tilespmem:s31+$0xEBC0]  }
0x238: {  	v3 =	vadd.f32 v3, v8;
	_ =	sdelay $0x1  }
0x239: {  	v8 =	vld [tilespmem:s31+$0x10BC0];
	[tilespmem:s29+$0x13BA0] =	vst v3  }
0x23a: {  	v2 =	vadd.f32 v11, v2;
	v3 =	vadd.f32 v6, v49;
	v6 =	vld [tilespmem:s30+$0x13B0]  }
0x23b: {  	v5 =	vadd.f32 v5, v9;
	v4 =	vadd.f32 v4, v7;
	v7 =	vld [tilespmem:s30+$0x33B0]  }
0x23c: {  	v9 =	vld [tilespmem:s30+$0x53B0]  }
0x23d: {  	v10 =	vld [tilespmem:s30+$0xD3B0];
	v2 =	vadd.f32 v3, v2;
	v3 =	vadd.f32 v4, v5  }
0x23e: {  	v4 =	vld [tilespmem:s30+$0x73B0]  }
0x23f: {  	v5 =	vld [tilespmem:s30+$0x93B0];
	v2 =	vadd.f32 v3, v2  }
0x240: {  	v3 =	vld [tilespmem:s30+$0xB3B0]  }
0x241: {  	v2 =	vadd.f32 v2, v8;
	v8 =	vld [tilespmem:s30+$0xF3B0];
	_ =	sdelay $0x2  }
0x242: {  	[tilespmem:s0+$0x12BC0] =	vst v2  }
0x243: {  	v6 =	vadd.f32 v7, v6;
	v4 =	vadd.f32 v4, v9;
	v2 =	vld [tilespmem:s31+$0xBD0]  }
0x244: {  	v11 =	vld [tilespmem:s31+$0x2BD0];
	v3 =	vadd.f32 v3, v5;
	v5 =	vadd.f32 v8, v10  }
0x245: {  	v8 =	vld [tilespmem:s30+$0x113B0]  }
0x246: {  	v7 =	vld [tilespmem:s31+$0x4BD0];
	v4 =	vadd.f32 v4, v6;
	v3 =	vadd.f32 v5, v3  }
0x247: {  	v9 =	vld [tilespmem:s31+$0x6BD0]  }
0x248: {  	v6 =	vld [tilespmem:s31+$0xABD0];
	v3 =	vadd.f32 v3, v4  }
0x249: {  	v10 =	vld [tilespmem:s31+$0xEBD0]  }
0x24a: {  	v5 =	vld [tilespmem:s31+$0x8BD0];
	v3 =	vadd.f32 v3, v8  }
0x24b: {  	v4 =	vld [tilespmem:s31+$0xCBD0]  }
0x24c: {  	v8 =	vld [tilespmem:s31+$0x10BD0];
	[tilespmem:s29+$0x13BB0] =	vst v3  }
0x24d: {  	v3 =	vld [tilespmem:s30+$0x13C0]  }
0x24e: {  	v7 =	vadd.f32 v9, v7;
	v9 =	vld [tilespmem:s30+$0x33C0]  }
0x24f: {  	v2 =	vadd.f32 v11, v2;
	v5 =	vadd.f32 v6, v5;
	v6 =	vld [tilespmem:s30+$0x53C0]  }
0x250: {  	v4 =	vadd.f32 v10, v4;
	v10 =	vld [tilespmem:s30+$0x73C0]  }
0x251: {  	v2 =	vadd.f32 v7, v2;
	v7 =	vld [tilespmem:s30+$0xB3C0]  }
0x252: {  	v11 =	vld [tilespmem:s30+$0xF3C0];
	v4 =	vadd.f32 v4, v5  }
0x253: {  	v5 =	vld [tilespmem:s30+$0x93C0]  }
0x254: {  	v2 =	vadd.f32 v4, v2;
	v4 =	vld [tilespmem:s30+$0xD3C0];
	_ =	sdelay $0x1  }
0x255: {  	v2 =	vadd.f32 v2, v8;
	_ =	sdelay $0x1  }
0x256: {  	v3 =	vadd.f32 v9, v3;
	v5 =	vadd.f32 v7, v5;
	v7 =	vld [tilespmem:s30+$0x113C0];
	[tilespmem:s0+$0x12BD0] =	vst v2  }
0x257: {  	v6 =	vadd.f32 v10, v6;
	v2 =	vld [tilespmem:s31+$0xBE0];
	v4 =	vadd.f32 v11, v4  }
0x258: {  	v8 =	vld [tilespmem:s31+$0x2BE0]  }
0x259: {  	v3 =	vadd.f32 v6, v3;
	v9 =	vld [tilespmem:s31+$0x4BE0];
	v4 =	vadd.f32 v4, v5  }
0x25a: {  	v6 =	vld [tilespmem:s31+$0x8BE0]  }
0x25b: {  	v10 =	vld [tilespmem:s31+$0xCBE0];
	v3 =	vadd.f32 v4, v3  }
0x25c: {  	v5 =	vld [tilespmem:s31+$0x6BE0]  }
0x25d: {  	v4 =	vld [tilespmem:s31+$0xABE0];
	v3 =	vadd.f32 v3, v7  }
0x25e: {  	v7 =	vld [tilespmem:s31+$0xEBE0]  }
0x25f: {  	v11 =	vld [tilespmem:s31+$0x10BE0];
	[tilespmem:s29+$0x13BC0] =	vst v3  }
0x260: {  	v3 =	vld [tilespmem:s30+$0x13D0]  }
0x261: {  	v50 =	vld [tilespmem:s30+$0x33D0]  }
0x262: {  	v2 =	vadd.f32 v8, v2;
	v5 =	vadd.f32 v5, v9;
	v8 =	vld [tilespmem:s30+$0x53D0]  }
0x263: {  	v4 =	vadd.f32 v4, v6;
	v9 =	vld [tilespmem:s30+$0x93D0];
	v6 =	vadd.f32 v7, v10  }
0x264: {  	v2 =	vadd.f32 v5, v2;
	v5 =	vld [tilespmem:s30+$0xB3D0]  }
0x265: {  	v7 =	vld [tilespmem:s30+$0x73D0];
	v4 =	vadd.f32 v6, v4  }
0x266: {  	v6 =	vld [tilespmem:s30+$0xD3D0]  }
0x267: {  	v2 =	vadd.f32 v4, v2;
	v4 =	vld [tilespmem:s30+$0xF3D0];
	_ =	sdelay $0x1  }
0x268: {  	v2 =	vadd.f32 v2, v11;
	_ =	sdelay $0x1  }
0x269: {  	v5 =	vadd.f32 v5, v9;
	[tilespmem:s0+$0x12BE0] =	vst v2;
	v2 =	vadd.f32 v50, v3  }
0x26a: {  	v3 =	vadd.f32 v7, v8;
	v7 =	vld [tilespmem:s31+$0xBF0];
	v4 =	vadd.f32 v4, v6  }
0x26b: {  	v6 =	vld [tilespmem:s30+$0x113D0]  }
0x26c: {  	v8 =	vld [tilespmem:s31+$0x2BF0];
	v2 =	vadd.f32 v3, v2;
	v3 =	vadd.f32 v4, v5  }
0x26d: {  	v9 =	vld [tilespmem:s31+$0xABF0]  }
0x26e: {  	v10 =	vld [tilespmem:s31+$0xEBF0];
	v2 =	vadd.f32 v3, v2  }
0x26f: {  	v4 =	vld [tilespmem:s31+$0x4BF0]  }
0x270: {  	v5 =	vld [tilespmem:s31+$0x6BF0];
	v2 =	vadd.f32 v2, v6  }
0x271: {  	v3 =	vld [tilespmem:s31+$0x8BF0]  }
0x272: {  	v6 =	vld [tilespmem:s31+$0xCBF0];
	[tilespmem:s29+$0x13BD0] =	vst v2  }
0x273: {  	v2 =	vld [tilespmem:s30+$0x13E0]  }
0x274: {  	v11 =	vld [tilespmem:s30+$0x33E0]  }
0x275: {  	v51 =	vld [tilespmem:s30+$0x53E0]  }
0x276: {  	v52 =	vld [tilespmem:s30+$0x73E0]  }
0x277: {  	v53 =	vld [tilespmem:s30+$0x93E0]  }
0x278: {  	v54 =	vld [tilespmem:s30+$0xB3E0]  }
0x279: {  	v55 =	vld [tilespmem:s30+$0xD3E0]  }
0x27a: {  	v56 =	vld [tilespmem:s30+$0xF3E0];
	_ =	sdelay $0x1  }
0x27b: {  	v7 =	vadd.f32 v8, v7;
	v4 =	vadd.f32 v5, v4  }
0x27c: {  	v3 =	vadd.f32 v9, v3;
	v5 =	vadd.f32 v10, v6  }
0x27d: {  	v2 =	vadd.f32 v11, v2;
	v6 =	vadd.f32 v52, v51  }
0x27e: {  	v8 =	vld [tilespmem:s31+$0x10BF0];
	v9 =	vadd.f32 v54, v53;
	v10 =	vadd.f32 v56, v55  }
0x27f: {  	v4 =	vadd.f32 v4, v7;
	v3 =	vadd.f32 v5, v3;
	v5 =	vld [tilespmem:s30+$0x113E0]  }
0x280: {  	v2 =	vadd.f32 v6, v2;
	v6 =	vadd.f32 v10, v9  }
0x281: {  	v3 =	vadd.f32 v3, v4  }
0x282: {  	v2 =	vadd.f32 v6, v2  }
0x283: {  	v3 =	vadd.f32 v3, v8  }
0x284: {  	v2 =	vadd.f32 v2, v5  }
0x285: {  	[tilespmem:s0+$0x12BF0] =	vst v3  }
0x286: {  	v3 =	vld [tilespmem:s31+$0xF80];
	[tilespmem:s29+$0x13BE0] =	vst v2  }
0x287: {  	v2 =	vld [tilespmem:s30+$0x13F0]  }
0x288: {  	v4 =	vld [tilespmem:s30+$0x33F0]  }
0x289: {  	v5 =	vld [tilespmem:s30+$0x53F0]  }
0x28a: {  	v6 =	vld [tilespmem:s30+$0x73F0]  }
0x28b: {  	v7 =	vld [tilespmem:s30+$0x93F0]  }
0x28c: {  	s25 =	sand.u32 $0xFFFFF000, s1;
	v8 =	vld [tilespmem:s30+$0xB3F0]  }
0x28d: {  	s6 =	sadd.s32 $0x80, s25;
	v9 =	vld [tilespmem:s30+$0xD3F0]  }
0x28e: {  	s25 =	sor.u32 $0x2400, s6;
	v10 =	vld [tilespmem:s30+$0xF3F0]  }
0x28f: {  	s18 =	sor.u32 $0x4400, s6;
	v11 =	vld [tilespmem:s25+$0xB80]  }
0x290: {  	s19 =	sor.u32 $0x6400, s6;
	v57 =	vld [tilespmem:s18+$0xB80]  }
0x291: {  	s20 =	sor.u32 $0x8400, s6;
	v58 =	vld [tilespmem:s19+$0xB80]  }
0x292: {  	s22 =	sor.u32 $0xA400, s6;
	v59 =	vld [tilespmem:s20+$0xB80];
	v2 =	vadd.f32 v4, v2;
	v4 =	vadd.f32 v6, v5  }
0x293: {  	v5 =	vld [tilespmem:s22+$0xB80];
	v6 =	vadd.f32 v8, v7;
	v7 =	vadd.f32 v10, v9  }
0x294: {  	s24 =	sor.u32 $0xC400, s6;
	v8 =	vld [tilespmem:s30+$0x113F0]  }
0x295: {  	s23 =	sor.u32 $0xE400, s6;
	v9 =	vld [tilespmem:s24+$0xB80];
	v2 =	vadd.f32 v4, v2;
	v4 =	vadd.f32 v7, v6  }
0x296: {  	v6 =	vld [tilespmem:s23+$0xB80]  }
0x297: {  	v2 =	vadd.f32 v4, v2;
	_ =	sdelay $0x1  }
0x298: {  	v2 =	vadd.f32 v2, v8  }
0x299: {  	s5 =	sor.u32 $0x10400, s6;
	v3 =	vadd.f32 v11, v3;
	v4 =	vadd.f32 v58, v57  }
0x29a: {  	v7 =	vld [tilespmem:s5+$0xB80];
	v5 =	vadd.f32 v5, v59;
	v6 =	vadd.f32 v6, v9;
	[tilespmem:s29+$0x13BF0] =	vst v2  }
0x29b: {  	s10 =	sor.u32 $0x2C00, s8;
	v2 =	vld [tilespmem:s30+$0x1780]  }
0x29c: {  	s11 =	sor.u32 $0x4C00, s8;
	v3 =	vadd.f32 v4, v3;
	v4 =	vadd.f32 v6, v5;
	v5 =	vld [tilespmem:s10+$0xB80]  }
0x29d: {  	s13 =	sor.u32 $0x8C00, s8;
	v6 =	vld [tilespmem:s11+$0xB80]  }
0x29e: {  	s15 =	sor.u32 $0xCC00, s8;
	v8 =	vld [tilespmem:s13+$0xB80];
	v3 =	vadd.f32 v4, v3  }
0x29f: {  	s12 =	sor.u32 $0x6C00, s8;
	v9 =	vld [tilespmem:s15+$0xB80]  }
0x2a0: {  	s14 =	sor.u32 $0xAC00, s8;
	v4 =	vld [tilespmem:s12+$0xB80];
	v3 =	vadd.f32 v3, v7  }
0x2a1: {  	s16 =	sor.u32 $0xEC00, s8;
	v7 =	vld [tilespmem:s14+$0xB80]  }
0x2a2: {  	[tilespmem:s0+$0x13380] =	vst v3;
	v3 =	vld [tilespmem:s16+$0xB80]  }
0x2a3: {  	v10 =	vld [tilespmem:s31+$0xF90]  }
0x2a4: {  	v11 =	vld [tilespmem:s25+$0xB90]  }
0x2a5: {  	v60 =	vld [tilespmem:s18+$0xB90]  }
0x2a6: {  	v2 =	vadd.f32 v5, v2;
	v61 =	vld [tilespmem:s19+$0xB90];
	v4 =	vadd.f32 v4, v6  }
0x2a7: {  	s8 =	sor.u32 $0x10C00, s8;
	v5 =	vld [tilespmem:s20+$0xB90];
	v6 =	vadd.f32 v7, v8;
	v3 =	vadd.f32 v3, v9  }
0x2a8: {  	v7 =	vld [tilespmem:s8+$0xB80]  }
0x2a9: {  	v8 =	vld [tilespmem:s22+$0xB90];
	v2 =	vadd.f32 v4, v2;
	v3 =	vadd.f32 v3, v6  }
0x2aa: {  	v4 =	vld [tilespmem:s24+$0xB90]  }
0x2ab: {  	v6 =	vld [tilespmem:s23+$0xB90];
	v2 =	vadd.f32 v3, v2;
	_ =	sdelay $0x1  }
0x2ac: {  	v2 =	vadd.f32 v2, v7;
	_ =	sdelay $0x1  }
0x2ad: {  	v9 =	vld [tilespmem:s5+$0xB90];
	v3 =	vadd.f32 v11, v10;
	v7 =	vadd.f32 v61, v60;
	[tilespmem:s29+$0x14380] =	vst v2  }
0x2ae: {  	v4 =	vadd.f32 v6, v4;
	v2 =	vadd.f32 v8, v5;
	v5 =	vld [tilespmem:s30+$0x1790]  }
0x2af: {  	v6 =	vld [tilespmem:s10+$0xB90]  }
0x2b0: {  	v3 =	vadd.f32 v7, v3;
	v7 =	vld [tilespmem:s12+$0xB90];
	v2 =	vadd.f32 v4, v2  }
0x2b1: {  	v8 =	vld [tilespmem:s14+$0xB90]  }
0x2b2: {  	v10 =	vld [tilespmem:s16+$0xB90];
	v2 =	vadd.f32 v2, v3  }
0x2b3: {  	v4 =	vld [tilespmem:s11+$0xB90]  }
0x2b4: {  	v3 =	vld [tilespmem:s13+$0xB90];
	v2 =	vadd.f32 v2, v9  }
0x2b5: {  	v9 =	vld [tilespmem:s15+$0xB90]  }
0x2b6: {  	[tilespmem:s0+$0x13390] =	vst v2  }
0x2b7: {  	v2 =	vld [tilespmem:s31+$0xFA0]  }
0x2b8: {  	v11 =	vld [tilespmem:s25+$0xBA0]  }
0x2b9: {  	v5 =	vadd.f32 v6, v5;
	v4 =	vadd.f32 v7, v4;
	v62 =	vld [tilespmem:s18+$0xBA0]  }
0x2ba: {  	v6 =	vld [tilespmem:s19+$0xBA0];
	v3 =	vadd.f32 v8, v3;
	v7 =	vadd.f32 v10, v9  }
0x2bb: {  	v8 =	vld [tilespmem:s8+$0xB90]  }
0x2bc: {  	v4 =	vadd.f32 v4, v5;
	v5 =	vld [tilespmem:s22+$0xBA0];
	v3 =	vadd.f32 v7, v3  }
0x2bd: {  	v9 =	vld [tilespmem:s20+$0xBA0]  }
0x2be: {  	v7 =	vld [tilespmem:s24+$0xBA0];
	v3 =	vadd.f32 v3, v4  }
0x2bf: {  	v4 =	vld [tilespmem:s23+$0xBA0]  }
0x2c0: {  	v3 =	vadd.f32 v3, v8;
	_ =	sdelay $0x1  }
0x2c1: {  	v8 =	vld [tilespmem:s5+$0xBA0];
	[tilespmem:s29+$0x14390] =	vst v3  }
0x2c2: {  	v2 =	vadd.f32 v11, v2;
	v3 =	vadd.f32 v6, v62;
	v6 =	vld [tilespmem:s30+$0x17A0]  }
0x2c3: {  	v5 =	vadd.f32 v5, v9;
	v4 =	vadd.f32 v4, v7;
	v7 =	vld [tilespmem:s10+$0xBA0]  }
0x2c4: {  	v9 =	vld [tilespmem:s11+$0xBA0]  }
0x2c5: {  	v10 =	vld [tilespmem:s13+$0xBA0];
	v2 =	vadd.f32 v3, v2;
	v3 =	vadd.f32 v4, v5  }
0x2c6: {  	v11 =	vld [tilespmem:s14+$0xBA0]  }
0x2c7: {  	v5 =	vld [tilespmem:s12+$0xBA0];
	v2 =	vadd.f32 v3, v2;
	_ =	sdelay $0x1  }
0x2c8: {  	v63 =	vld [tilespmem:s15+$0xBA0];
	v2 =	vadd.f32 v2, v8  }
0x2c9: {  	v8 =	vld [tilespmem:s16+$0xBA0]  }
0x2ca: {  	[tilespmem:s0+$0x133A0] =	vst v2;
	v2 =	vadd.f32 v7, v6  }
0x2cb: {  	v7 =	vadd.f32 v5, v9;
	v9 =	vadd.f32 v11, v10;
	v11 =	vld [tilespmem:s8+$0xBA0]  }
0x2cc: {  	v3 =	vld [tilespmem:s31+$0xFB0]  }
0x2cd: {  	v4 =	vld [tilespmem:s25+$0xBB0]  }
0x2ce: {  	v5 =	vld [tilespmem:s18+$0xBB0];
	v8 =	vadd.f32 v8, v63  }
0x2cf: {  	v6 =	vld [tilespmem:s19+$0xBB0]  }
0x2d0: {  	v10 =	vld [tilespmem:s23+$0xBB0];
	v2 =	vadd.f32 v7, v2;
	v9 =	vadd.f32 v8, v9  }
0x2d1: {  	v7 =	vld [tilespmem:s20+$0xBB0]  }
0x2d2: {  	v8 =	vld [tilespmem:s22+$0xBB0];
	v2 =	vadd.f32 v9, v2  }
0x2d3: {  	v9 =	vld [tilespmem:s24+$0xBB0]  }
0x2d4: {  	v2 =	vadd.f32 v2, v11  }
0x2d5: {  	s17 =	simm.s32 $0x100  }
.LBB2_3:
0x2d6: {  	p0 =	sne.s32 s17, $0x780;
	v11 =	vld [tilespmem:s5+$0xBB0];
	[tilespmem:s29+$0x143A0] =	vst v2  }
0x2d7: {  	v2 =	vadd.f32 v4, v3;
	v3 =	vadd.f32 v6, v5;
	v4 =	vld [tilespmem:s30+$0x17B0]  }
0x2d8: {  	v5 =	vadd.f32 v8, v7;
	v6 =	vadd.f32 v10, v9;
	v7 =	vld [tilespmem:s10+$0xBB0]  }
0x2d9: {  	v8 =	vld [tilespmem:s11+$0xBB0]  }
0x2da: {  	v2 =	vadd.f32 v3, v2;
	v3 =	vadd.f32 v6, v5;
	v5 =	vld [tilespmem:s12+$0xBB0]  }
0x2db: {  	v6 =	vld [tilespmem:s13+$0xBB0]  }
0x2dc: {  	v2 =	vadd.f32 v3, v2;
	v3 =	vld [tilespmem:s14+$0xBB0]  }
0x2dd: {  	s1 =	sadd.s32 $0x200, s1;
	v9 =	vld [tilespmem:s15+$0xBB0]  }
0x2de: {  	s4 =	sand.u32 $0x380, s17;
	s2 =	sand.u32 $0x1000, s1;
	v10 =	vadd.f32 v2, v11;
	v11 =	vld [tilespmem:s16+$0xBB0]  }
0x2df: {  	s4 =	sor.u32 s4, s2  }
0x2e0: {  	v2 =	vld [tilespmem:s4+$0x10B80];
	[tilespmem:s0+$0x133B0] =	vst v10  }
0x2e1: {  	v10 =	vld [tilespmem:s31+$0xFC0]  }
0x2e2: {  	v4 =	vadd.f32 v7, v4;
	v5 =	vadd.f32 v5, v8;
	v12 =	vld [tilespmem:s25+$0xBC0]  }
0x2e3: {  	v3 =	vadd.f32 v3, v6;
	v7 =	vld [tilespmem:s18+$0xBC0];
	v6 =	vadd.f32 v11, v9  }
0x2e4: {  	v8 =	vld [tilespmem:s8+$0xBB0]  }
0x2e5: {  	v4 =	vadd.f32 v5, v4;
	v9 =	vld [tilespmem:s19+$0xBC0];
	v3 =	vadd.f32 v6, v3  }
0x2e6: {  	v5 =	vld [tilespmem:s20+$0xBC0]  }
0x2e7: {  	v6 =	vld [tilespmem:s22+$0xBC0];
	v3 =	vadd.f32 v3, v4  }
0x2e8: {  	v4 =	vld [tilespmem:s24+$0xBC0]  }
0x2e9: {  	v11 =	vld [tilespmem:s23+$0xBC0];
	v3 =	vadd.f32 v3, v8  }
0x2ea: {  	v8 =	vld [tilespmem:s4+$0xB80]  }
0x2eb: {  	v13 =	vld [tilespmem:s5+$0xBC0];
	[tilespmem:s29+$0x143B0] =	vst v3  }
0x2ec: {  	v3 =	vld [tilespmem:s30+$0x17C0]  }
0x2ed: {  	v10 =	vadd.f32 v12, v10;
	v7 =	vadd.f32 v9, v7;
	v9 =	vld [tilespmem:s10+$0xBC0]  }
0x2ee: {  	v5 =	vadd.f32 v6, v5;
	v4 =	vadd.f32 v11, v4;
	v6 =	vld [tilespmem:s11+$0xBC0]  }
0x2ef: {  	v11 =	vld [tilespmem:s12+$0xBC0]  }
0x2f0: {  	v7 =	vadd.f32 v7, v10;
	v4 =	vadd.f32 v4, v5;
	v5 =	vld [tilespmem:s13+$0xBC0]  }
0x2f1: {  	v10 =	vld [tilespmem:s14+$0xBC0]  }
0x2f2: {  	v4 =	vadd.f32 v4, v7;
	v7 =	vld [tilespmem:s15+$0xBC0]  }
0x2f3: {  	v12 =	vld [tilespmem:s16+$0xBC0]  }
0x2f4: {  	v14 =	vld [tilespmem:s4+$0x2B80];
	v4 =	vadd.f32 v4, v13  }
0x2f5: {  	v13 =	vld [tilespmem:s4+$0x4B80]  }
0x2f6: {  	v15 =	vld [tilespmem:s4+$0x6B80];
	[tilespmem:s0+$0x133C0] =	vst v4  }
0x2f7: {  	v3 =	vadd.f32 v9, v3;
	v6 =	vadd.f32 v11, v6;
	v4 =	vld [tilespmem:s31+$0xFD0]  }
0x2f8: {  	v5 =	vadd.f32 v10, v5;
	v9 =	vld [tilespmem:s25+$0xBD0];
	v7 =	vadd.f32 v12, v7  }
0x2f9: {  	v10 =	vld [tilespmem:s8+$0xBC0]  }
0x2fa: {  	v3 =	vadd.f32 v6, v3;
	v11 =	vld [tilespmem:s18+$0xBD0];
	v5 =	vadd.f32 v7, v5  }
0x2fb: {  	v6 =	vld [tilespmem:s19+$0xBD0]  }
0x2fc: {  	v7 =	vld [tilespmem:s20+$0xBD0];
	v3 =	vadd.f32 v5, v3  }
0x2fd: {  	v5 =	vld [tilespmem:s22+$0xBD0]  }
0x2fe: {  	v12 =	vld [tilespmem:s24+$0xBD0];
	v3 =	vadd.f32 v3, v10  }
0x2ff: {  	v10 =	vld [tilespmem:s23+$0xBD0]  }
0x300: {  	v16 =	vld [tilespmem:s5+$0xBD0];
	[tilespmem:s29+$0x143C0] =	vst v3  }
0x301: {  	v3 =	vld [tilespmem:s30+$0x17D0]  }
0x302: {  	v17 =	vld [tilespmem:s10+$0xBD0]  }
0x303: {  	v4 =	vadd.f32 v9, v4;
	v6 =	vadd.f32 v6, v11;
	v9 =	vld [tilespmem:s11+$0xBD0]  }
0x304: {  	v5 =	vadd.f32 v5, v7;
	v7 =	vadd.f32 v10, v12;
	v10 =	vld [tilespmem:s12+$0xBD0]  }
0x305: {  	v11 =	vld [tilespmem:s13+$0xBD0]  }
0x306: {  	v4 =	vadd.f32 v6, v4;
	v5 =	vadd.f32 v7, v5;
	v6 =	vld [tilespmem:s14+$0xBD0]  }
0x307: {  	v7 =	vld [tilespmem:s15+$0xBD0]  }
0x308: {  	v4 =	vadd.f32 v5, v4;
	v5 =	vld [tilespmem:s16+$0xBD0]  }
0x309: {  	v12 =	vld [tilespmem:s4+$0x8B80]  }
0x30a: {  	v18 =	vld [tilespmem:s4+$0xAB80];
	v4 =	vadd.f32 v4, v16  }
0x30b: {  	v16 =	vld [tilespmem:s4+$0xCB80]  }
0x30c: {  	v3 =	vadd.f32 v17, v3;
	v19 =	vld [tilespmem:s4+$0xEB80];
	[tilespmem:s0+$0x133D0] =	vst v4;
	v4 =	vadd.f32 v10, v9  }
0x30d: {  	v6 =	vadd.f32 v6, v11;
	v9 =	vld [tilespmem:s31+$0xFE0];
	v5 =	vadd.f32 v5, v7  }
0x30e: {  	v7 =	vld [tilespmem:s8+$0xBD0]  }
0x30f: {  	v3 =	vadd.f32 v4, v3;
	v10 =	vld [tilespmem:s25+$0xBE0];
	v4 =	vadd.f32 v5, v6  }
0x310: {  	v5 =	vld [tilespmem:s18+$0xBE0]  }
0x311: {  	v6 =	vld [tilespmem:s19+$0xBE0];
	v3 =	vadd.f32 v4, v3  }
0x312: {  	v4 =	vld [tilespmem:s20+$0xBE0]  }
0x313: {  	v11 =	vld [tilespmem:s22+$0xBE0];
	v3 =	vadd.f32 v3, v7  }
0x314: {  	v7 =	vadd.f32 v14, v8;
	v8 =	vadd.f32 v15, v13;
	v13 =	vld [tilespmem:s24+$0xBE0]  }
0x315: {  	v12 =	vadd.f32 v18, v12;
	v14 =	vadd.f32 v19, v16;
	v15 =	vld [tilespmem:s23+$0xBE0];
	[tilespmem:s29+$0x143D0] =	vst v3  }
0x316: {  	v3 =	vld [tilespmem:s30+$0x17E0]  }
0x317: {  	v7 =	vadd.f32 v8, v7;
	v8 =	vadd.f32 v14, v12;
	v12 =	vld [tilespmem:s10+$0xBE0]  }
0x318: {  	v14 =	vld [tilespmem:s11+$0xBE0]  }
0x319: {  	v7 =	vadd.f32 v8, v7;
	v8 =	vld [tilespmem:s12+$0xBE0]  }
0x31a: {  	v16 =	vld [tilespmem:s13+$0xBE0]  }
0x31b: {  	v2 =	vadd.f32 v7, v2;
	v7 =	vld [tilespmem:s14+$0xBE0]  }
0x31c: {  	s2 =	sshra.s32 s1, $0x2;
	v17 =	vld [tilespmem:s15+$0xBE0]  }
0x31d: {  	v5 =	vadd.f32 v6, v5;
	[tilespmem:s2+$0x12B80] =	vst v2;
	v2 =	vadd.f32 v10, v9;
	v6 =	vld [tilespmem:s16+$0xBE0]  }
0x31e: {  	v4 =	vadd.f32 v11, v4;
	v10 =	vadd.f32 v15, v13;
	v9 =	vld [tilespmem:s4+$0x10B90]  }
0x31f: {  	v11 =	vld [tilespmem:s4+$0xB90]  }
0x320: {  	v2 =	vadd.f32 v5, v2;
	v4 =	vadd.f32 v10, v4;
	v13 =	vld [tilespmem:s4+$0x2B90]  }
0x321: {  	v3 =	vadd.f32 v12, v3;
	v8 =	vadd.f32 v8, v14;
	v5 =	vld [tilespmem:s5+$0xBE0]  }
0x322: {  	v7 =	vadd.f32 v7, v16;
	v10 =	vld [tilespmem:s4+$0x4B90];
	v6 =	vadd.f32 v6, v17  }
0x323: {  	v2 =	vadd.f32 v4, v2;
	v4 =	vld [tilespmem:s8+$0xBE0]  }
0x324: {  	v3 =	vadd.f32 v8, v3;
	v12 =	vld [tilespmem:s4+$0x6B90];
	v6 =	vadd.f32 v6, v7  }
0x325: {  	v7 =	vld [tilespmem:s4+$0x8B90]  }
0x326: {  	v8 =	vld [tilespmem:s4+$0xAB90];
	v2 =	vadd.f32 v2, v5;
	v3 =	vadd.f32 v6, v3  }
0x327: {  	v5 =	vld [tilespmem:s4+$0xCB90]  }
0x328: {  	v6 =	vld [tilespmem:s4+$0xEB90];
	[tilespmem:s0+$0x133E0] =	vst v2;
	v2 =	vadd.f32 v3, v4  }
0x329: {  	v3 =	vld [tilespmem:s31+$0xFF0]  }
0x32a: {  	v4 =	vld [tilespmem:s25+$0xBF0];
	[tilespmem:s29+$0x143E0] =	vst v2  }
0x32b: {  	v2 =	vld [tilespmem:s30+$0x17F0];
	s30 =	smov.u32 s31;
	s31 =	smov.u32 s4  }
0x32c: {  	v14 =	vld [tilespmem:s10+$0xBF0]  }
0x32d: {  	v15 =	vld [tilespmem:s11+$0xBF0]  }
0x32e: {  	v16 =	vld [tilespmem:s12+$0xBF0]  }
0x32f: {  	v17 =	vld [tilespmem:s13+$0xBF0]  }
0x330: {  	v18 =	vld [tilespmem:s14+$0xBF0]  }
0x331: {  	v19 =	vld [tilespmem:s15+$0xBF0]  }
0x332: {  	v11 =	vadd.f32 v13, v11;
	v10 =	vadd.f32 v12, v10;
	v12 =	vld [tilespmem:s16+$0xBF0]  }
0x333: {  	v7 =	vadd.f32 v8, v7;
	v5 =	vadd.f32 v6, v5;
	v6 =	vld [tilespmem:s18+$0xBF0]  }
0x334: {  	v8 =	vld [tilespmem:s19+$0xBF0]  }
0x335: {  	v10 =	vadd.f32 v10, v11;
	v5 =	vadd.f32 v5, v7;
	v7 =	vld [tilespmem:s20+$0xBF0]  }
0x336: {  	v2 =	vadd.f32 v14, v2;
	v13 =	vadd.f32 v16, v15;
	v11 =	vld [tilespmem:s22+$0xBF0]  }
0x337: {  	v15 =	vadd.f32 v18, v17;
	v14 =	vld [tilespmem:s24+$0xBF0];
	v12 =	vadd.f32 v12, v19  }
0x338: {  	v5 =	vadd.f32 v5, v10;
	v10 =	vld [tilespmem:s8+$0xBF0]  }
0x339: {  	v2 =	vadd.f32 v13, v2;
	v16 =	vld [tilespmem:s23+$0xBF0];
	v12 =	vadd.f32 v12, v15;
	_ =	sdelay $0x1  }
0x33a: {  	v5 =	vadd.f32 v5, v9;
	v2 =	vadd.f32 v12, v2  }
0x33b: {  	v3 =	vadd.f32 v4, v3  }
0x33c: {  	v4 =	vadd.f32 v8, v6;
	[tilespmem:s2+$0x12B90] =	vst v5;
	v2 =	vadd.f32 v2, v10  }
0x33d: {  	v6 =	vadd.f32 v11, v7;
	v5 =	vld [tilespmem:s31+$0xBA0];
	v7 =	vadd.f32 v16, v14  }
0x33e: {  	v8 =	vld [tilespmem:s5+$0xBF0];
	[tilespmem:s29+$0x143F0] =	vst v2;
	s29 =	smov.u32 s0;
	s0 =	smov.u32 s2  }
0x33f: {  	v3 =	vadd.f32 v4, v3;
	v2 =	vld [tilespmem:s31+$0x2BA0];
	v4 =	vadd.f32 v7, v6  }
0x340: {  	v6 =	vld [tilespmem:s31+$0x4BA0]  }
0x341: {  	v7 =	vld [tilespmem:s31+$0x6BA0];
	v3 =	vadd.f32 v4, v3  }
0x342: {  	v4 =	vld [tilespmem:s31+$0x8BA0]  }
0x343: {  	v9 =	vld [tilespmem:s31+$0xABA0];
	v3 =	vadd.f32 v3, v8  }
0x344: {  	v8 =	vld [tilespmem:s31+$0xCBA0]  }
0x345: {  	v10 =	vld [tilespmem:s31+$0xEBA0];
	[tilespmem:s29+$0x133F0] =	vst v3  }
0x346: {  	v3 =	vld [tilespmem:s30+$0x1380]  }
0x347: {  	v11 =	vld [tilespmem:s30+$0x3380]  }
0x348: {  	v12 =	vld [tilespmem:s30+$0x5380]  }
0x349: {  	v13 =	vld [tilespmem:s30+$0x7380]  }
0x34a: {  	v14 =	vld [tilespmem:s30+$0x9380]  }
0x34b: {  	v15 =	vld [tilespmem:s30+$0xB380]  }
0x34c: {  	v16 =	vld [tilespmem:s30+$0xD380]  }
0x34d: {  	v17 =	vld [tilespmem:s30+$0xF380];
	_ =	sdelay $0x1  }
0x34e: {  	v2 =	vadd.f32 v2, v5;
	v5 =	vadd.f32 v7, v6  }
0x34f: {  	v4 =	vadd.f32 v9, v4;
	v6 =	vadd.f32 v10, v8  }
0x350: {  	v3 =	vadd.f32 v11, v3;
	v7 =	vadd.f32 v13, v12  }
0x351: {  	v9 =	vadd.f32 v15, v14;
	v8 =	vld [tilespmem:s31+$0x10BA0];
	v10 =	vadd.f32 v17, v16  }
0x352: {  	v2 =	vadd.f32 v5, v2;
	v4 =	vadd.f32 v6, v4;
	v5 =	vld [tilespmem:s30+$0x11380]  }
0x353: {  	v3 =	vadd.f32 v7, v3;
	v6 =	vadd.f32 v10, v9  }
0x354: {  	v2 =	vadd.f32 v4, v2  }
0x355: {  	v3 =	vadd.f32 v6, v3  }
0x356: {  	v2 =	vadd.f32 v2, v8  }
0x357: {  	v3 =	vadd.f32 v3, v5  }
0x358: {  	[tilespmem:s0+$0x12BA0] =	vst v2  }
0x359: {  	v2 =	vld [tilespmem:s31+$0xBB0];
	[tilespmem:s29+$0x13B80] =	vst v3  }
0x35a: {  	v3 =	vld [tilespmem:s30+$0x1390]  }
0x35b: {  	v4 =	vld [tilespmem:s30+$0x3390]  }
0x35c: {  	v5 =	vld [tilespmem:s30+$0x5390]  }
0x35d: {  	v6 =	vld [tilespmem:s30+$0x7390]  }
0x35e: {  	v7 =	vld [tilespmem:s30+$0x9390]  }
0x35f: {  	v8 =	vld [tilespmem:s30+$0xB390]  }
0x360: {  	v9 =	vld [tilespmem:s30+$0xD390]  }
0x361: {  	v10 =	vld [tilespmem:s30+$0xF390]  }
0x362: {  	v11 =	vld [tilespmem:s31+$0x2BB0]  }
0x363: {  	v12 =	vld [tilespmem:s31+$0x4BB0]  }
0x364: {  	v13 =	vld [tilespmem:s31+$0x6BB0]  }
0x365: {  	v3 =	vadd.f32 v4, v3;
	v4 =	vadd.f32 v6, v5;
	v14 =	vld [tilespmem:s31+$0x8BB0]  }
0x366: {  	v6 =	vadd.f32 v8, v7;
	v5 =	vld [tilespmem:s31+$0xABB0];
	v7 =	vadd.f32 v10, v9  }
0x367: {  	v8 =	vld [tilespmem:s30+$0x11390]  }
0x368: {  	v3 =	vadd.f32 v4, v3;
	v9 =	vld [tilespmem:s31+$0xCBB0];
	v4 =	vadd.f32 v7, v6  }
0x369: {  	v6 =	vld [tilespmem:s31+$0xEBB0]  }
0x36a: {  	v3 =	vadd.f32 v4, v3;
	_ =	sdelay $0x1  }
0x36b: {  	v3 =	vadd.f32 v3, v8  }
0x36c: {  	v2 =	vadd.f32 v11, v2;
	v4 =	vadd.f32 v13, v12  }
0x36d: {  	v5 =	vadd.f32 v5, v14;
	v7 =	vld [tilespmem:s31+$0x10BB0];
	v6 =	vadd.f32 v6, v9;
	[tilespmem:s29+$0x13B90] =	vst v3  }
0x36e: {  	v3 =	vld [tilespmem:s30+$0x13A0]  }
0x36f: {  	v2 =	vadd.f32 v4, v2;
	v4 =	vadd.f32 v6, v5;
	v5 =	vld [tilespmem:s30+$0x33A0]  }
0x370: {  	v6 =	vld [tilespmem:s30+$0x53A0]  }
0x371: {  	v2 =	vadd.f32 v4, v2;
	v4 =	vld [tilespmem:s30+$0x73A0]  }
0x372: {  	v8 =	vld [tilespmem:s30+$0x93A0]  }
0x373: {  	v2 =	vadd.f32 v2, v7;
	v7 =	vld [tilespmem:s30+$0xB3A0]  }
0x374: {  	v9 =	vld [tilespmem:s30+$0xD3A0]  }
0x375: {  	[tilespmem:s0+$0x12BB0] =	vst v2;
	v2 =	vld [tilespmem:s30+$0xF3A0]  }
0x376: {  	v10 =	vld [tilespmem:s31+$0xBC0]  }
0x377: {  	v11 =	vld [tilespmem:s31+$0x2BC0]  }
0x378: {  	v12 =	vld [tilespmem:s31+$0x4BC0]  }
0x379: {  	v3 =	vadd.f32 v5, v3;
	v4 =	vadd.f32 v4, v6;
	v13 =	vld [tilespmem:s31+$0x6BC0]  }
0x37a: {  	v6 =	vadd.f32 v7, v8;
	v5 =	vld [tilespmem:s31+$0x8BC0];
	v2 =	vadd.f32 v2, v9  }
0x37b: {  	v7 =	vld [tilespmem:s30+$0x113A0]  }
0x37c: {  	v3 =	vadd.f32 v4, v3;
	v8 =	vld [tilespmem:s31+$0xABC0];
	v2 =	vadd.f32 v2, v6  }
0x37d: {  	v4 =	vld [tilespmem:s31+$0xCBC0]  }
0x37e: {  	v6 =	vld [tilespmem:s31+$0xEBC0];
	v2 =	vadd.f32 v2, v3;
	_ =	sdelay $0x1  }
0x37f: {  	v2 =	vadd.f32 v2, v7;
	_ =	sdelay $0x1  }
0x380: {  	v9 =	vadd.f32 v13, v12;
	v7 =	vadd.f32 v11, v10;
	v3 =	vld [tilespmem:s31+$0x10BC0];
	[tilespmem:s29+$0x13BA0] =	vst v2  }
0x381: {  	v2 =	vadd.f32 v8, v5;
	v4 =	vadd.f32 v6, v4;
	v5 =	vld [tilespmem:s30+$0x13B0]  }
0x382: {  	v6 =	vld [tilespmem:s30+$0x33B0]  }
0x383: {  	v7 =	vadd.f32 v9, v7;
	v2 =	vadd.f32 v4, v2;
	v4 =	vld [tilespmem:s30+$0x53B0]  }
0x384: {  	v8 =	vld [tilespmem:s30+$0x73B0]  }
0x385: {  	v2 =	vadd.f32 v2, v7;
	v7 =	vld [tilespmem:s30+$0x93B0]  }
0x386: {  	v9 =	vld [tilespmem:s30+$0xB3B0]  }
0x387: {  	v2 =	vadd.f32 v2, v3;
	v3 =	vld [tilespmem:s30+$0xD3B0]  }
0x388: {  	v10 =	vld [tilespmem:s30+$0xF3B0]  }
0x389: {  	[tilespmem:s0+$0x12BC0] =	vst v2  }
0x38a: {  	v2 =	vld [tilespmem:s31+$0xBD0]  }
0x38b: {  	v11 =	vld [tilespmem:s31+$0x2BD0]  }
0x38c: {  	v5 =	vadd.f32 v6, v5;
	v4 =	vadd.f32 v8, v4;
	v12 =	vld [tilespmem:s31+$0x4BD0]  }
0x38d: {  	v7 =	vadd.f32 v9, v7;
	v6 =	vld [tilespmem:s31+$0x6BD0];
	v3 =	vadd.f32 v10, v3  }
0x38e: {  	v8 =	vld [tilespmem:s30+$0x113B0]  }
0x38f: {  	v4 =	vadd.f32 v4, v5;
	v9 =	vld [tilespmem:s31+$0x8BD0];
	v3 =	vadd.f32 v3, v7  }
0x390: {  	v5 =	vld [tilespmem:s31+$0xABD0]  }
0x391: {  	v7 =	vld [tilespmem:s31+$0xCBD0];
	v3 =	vadd.f32 v3, v4  }
0x392: {  	v4 =	vld [tilespmem:s31+$0xEBD0]  }
0x393: {  	v3 =	vadd.f32 v3, v8;
	_ =	sdelay $0x1  }
0x394: {  	v8 =	vld [tilespmem:s31+$0x10BD0];
	[tilespmem:s29+$0x13BB0] =	vst v3  }
0x395: {  	v2 =	vadd.f32 v11, v2;
	v3 =	vadd.f32 v6, v12;
	v6 =	vld [tilespmem:s30+$0x13C0]  }
0x396: {  	v5 =	vadd.f32 v5, v9;
	v4 =	vadd.f32 v4, v7;
	v7 =	vld [tilespmem:s30+$0x33C0]  }
0x397: {  	v9 =	vld [tilespmem:s30+$0x53C0]  }
0x398: {  	v2 =	vadd.f32 v3, v2;
	v3 =	vadd.f32 v4, v5;
	v4 =	vld [tilespmem:s30+$0x73C0]  }
0x399: {  	v5 =	vld [tilespmem:s30+$0x93C0]  }
0x39a: {  	v2 =	vadd.f32 v3, v2;
	v3 =	vld [tilespmem:s30+$0xB3C0]  }
0x39b: {  	v10 =	vld [tilespmem:s30+$0xD3C0]  }
0x39c: {  	v2 =	vadd.f32 v2, v8;
	v8 =	vld [tilespmem:s30+$0xF3C0];
	_ =	sdelay $0x1  }
0x39d: {  	[tilespmem:s0+$0x12BD0] =	vst v2  }
0x39e: {  	v2 =	vld [tilespmem:s31+$0xBE0]  }
0x39f: {  	v6 =	vadd.f32 v7, v6;
	v4 =	vadd.f32 v4, v9;
	v11 =	vld [tilespmem:s31+$0x2BE0]  }
0x3a0: {  	v3 =	vadd.f32 v3, v5;
	v7 =	vld [tilespmem:s31+$0x4BE0];
	v5 =	vadd.f32 v8, v10  }
0x3a1: {  	v8 =	vld [tilespmem:s30+$0x113C0]  }
0x3a2: {  	v4 =	vadd.f32 v4, v6;
	v9 =	vld [tilespmem:s31+$0x6BE0];
	v3 =	vadd.f32 v5, v3  }
0x3a3: {  	v5 =	vld [tilespmem:s31+$0x8BE0]  }
0x3a4: {  	v6 =	vld [tilespmem:s31+$0xABE0];
	v3 =	vadd.f32 v3, v4  }
0x3a5: {  	v4 =	vld [tilespmem:s31+$0xCBE0]  }
0x3a6: {  	v10 =	vld [tilespmem:s31+$0xEBE0];
	v3 =	vadd.f32 v3, v8;
	_ =	sdelay $0x1  }
0x3a7: {  	v8 =	vld [tilespmem:s31+$0x10BE0];
	[tilespmem:s29+$0x13BC0] =	vst v3  }
0x3a8: {  	v3 =	vld [tilespmem:s30+$0x13D0]  }
0x3a9: {  	v2 =	vadd.f32 v11, v2;
	v7 =	vadd.f32 v9, v7;
	v9 =	vld [tilespmem:s30+$0x33D0]  }
0x3aa: {  	v5 =	vadd.f32 v6, v5;
	v4 =	vadd.f32 v10, v4;
	v6 =	vld [tilespmem:s30+$0x53D0]  }
0x3ab: {  	v10 =	vld [tilespmem:s30+$0x73D0]  }
0x3ac: {  	v2 =	vadd.f32 v7, v2;
	v4 =	vadd.f32 v4, v5;
	v5 =	vld [tilespmem:s30+$0x93D0]  }
0x3ad: {  	v7 =	vld [tilespmem:s30+$0xB3D0]  }
0x3ae: {  	v2 =	vadd.f32 v4, v2;
	v4 =	vld [tilespmem:s30+$0xD3D0]  }
0x3af: {  	v11 =	vld [tilespmem:s30+$0xF3D0]  }
0x3b0: {  	v2 =	vadd.f32 v2, v8;
	_ =	sdelay $0x1  }
0x3b1: {  	[tilespmem:s0+$0x12BE0] =	vst v2  }
0x3b2: {  	v3 =	vadd.f32 v9, v3;
	v6 =	vadd.f32 v10, v6;
	v2 =	vld [tilespmem:s31+$0xBF0]  }
0x3b3: {  	v5 =	vadd.f32 v7, v5;
	v8 =	vld [tilespmem:s31+$0x2BF0];
	v4 =	vadd.f32 v11, v4  }
0x3b4: {  	v7 =	vld [tilespmem:s30+$0x113D0]  }
0x3b5: {  	v3 =	vadd.f32 v6, v3;
	v9 =	vld [tilespmem:s31+$0x4BF0];
	v4 =	vadd.f32 v4, v5  }
0x3b6: {  	v5 =	vld [tilespmem:s31+$0x6BF0]  }
0x3b7: {  	v6 =	vld [tilespmem:s31+$0x8BF0];
	v3 =	vadd.f32 v4, v3  }
0x3b8: {  	v4 =	vld [tilespmem:s31+$0xABF0]  }
0x3b9: {  	v10 =	vld [tilespmem:s31+$0xCBF0];
	v3 =	vadd.f32 v3, v7  }
0x3ba: {  	v7 =	vld [tilespmem:s31+$0xEBF0]  }
0x3bb: {  	v11 =	vld [tilespmem:s31+$0x10BF0];
	[tilespmem:s29+$0x13BD0] =	vst v3  }
0x3bc: {  	v3 =	vld [tilespmem:s30+$0x13E0]  }
0x3bd: {  	v12 =	vld [tilespmem:s30+$0x33E0]  }
0x3be: {  	v2 =	vadd.f32 v8, v2;
	v5 =	vadd.f32 v5, v9;
	v8 =	vld [tilespmem:s30+$0x53E0]  }
0x3bf: {  	v4 =	vadd.f32 v4, v6;
	v6 =	vadd.f32 v7, v10;
	v7 =	vld [tilespmem:s30+$0x73E0]  }
0x3c0: {  	v9 =	vld [tilespmem:s30+$0x93E0]  }
0x3c1: {  	v2 =	vadd.f32 v5, v2;
	v4 =	vadd.f32 v6, v4;
	v5 =	vld [tilespmem:s30+$0xB3E0]  }
0x3c2: {  	v6 =	vld [tilespmem:s30+$0xD3E0]  }
0x3c3: {  	v2 =	vadd.f32 v4, v2;
	v4 =	vld [tilespmem:s30+$0xF3E0];
	_ =	sdelay $0x1  }
0x3c4: {  	v2 =	vadd.f32 v2, v11;
	_ =	sdelay $0x1  }
0x3c5: {  	s2 =	sand.u32 $0xFFFFF000, s1;
	[tilespmem:s0+$0x12BF0] =	vst v2;
	v2 =	vadd.f32 v12, v3;
	v3 =	vadd.f32 v7, v8  }
0x3c6: {  	s4 =	sadd.s32 s2, s17;
	v5 =	vadd.f32 v5, v9;
	v7 =	vld [tilespmem:s31+$0xF80];
	v4 =	vadd.f32 v4, v6  }
0x3c7: {  	s25 =	sor.u32 $0x2400, s4;
	v6 =	vld [tilespmem:s30+$0x113E0]  }
0x3c8: {  	s18 =	sor.u32 $0x4400, s4;
	v2 =	vadd.f32 v3, v2;
	v8 =	vld [tilespmem:s25+$0xB80];
	v3 =	vadd.f32 v4, v5  }
0x3c9: {  	s19 =	sor.u32 $0x6400, s4;
	v4 =	vld [tilespmem:s18+$0xB80]  }
0x3ca: {  	s20 =	sor.u32 $0x8400, s4;
	v5 =	vld [tilespmem:s19+$0xB80];
	v2 =	vadd.f32 v3, v2  }
0x3cb: {  	s22 =	sor.u32 $0xA400, s4;
	v3 =	vld [tilespmem:s20+$0xB80]  }
0x3cc: {  	s24 =	sor.u32 $0xC400, s4;
	v9 =	vld [tilespmem:s22+$0xB80];
	v2 =	vadd.f32 v2, v6  }
0x3cd: {  	s23 =	sor.u32 $0xE400, s4;
	v6 =	vld [tilespmem:s24+$0xB80]  }
0x3ce: {  	v10 =	vld [tilespmem:s23+$0xB80];
	[tilespmem:s29+$0x13BE0] =	vst v2  }
0x3cf: {  	v2 =	vld [tilespmem:s30+$0x13F0]  }
0x3d0: {  	v11 =	vld [tilespmem:s30+$0x33F0]  }
0x3d1: {  	v12 =	vld [tilespmem:s30+$0x53F0]  }
0x3d2: {  	v13 =	vld [tilespmem:s30+$0x73F0]  }
0x3d3: {  	v14 =	vld [tilespmem:s30+$0x93F0]  }
0x3d4: {  	v15 =	vld [tilespmem:s30+$0xB3F0]  }
0x3d5: {  	v16 =	vld [tilespmem:s30+$0xD3F0]  }
0x3d6: {  	v17 =	vld [tilespmem:s30+$0xF3F0];
	_ =	sdelay $0x1  }
0x3d7: {  	v7 =	vadd.f32 v8, v7;
	v4 =	vadd.f32 v5, v4  }
0x3d8: {  	v3 =	vadd.f32 v9, v3;
	v5 =	vadd.f32 v10, v6  }
0x3d9: {  	s5 =	sor.u32 $0x10400, s4;
	v2 =	vadd.f32 v11, v2;
	v6 =	vadd.f32 v13, v12  }
0x3da: {  	v9 =	vadd.f32 v15, v14;
	v8 =	vld [tilespmem:s5+$0xB80];
	v10 =	vadd.f32 v17, v16  }
0x3db: {  	v4 =	vadd.f32 v4, v7;
	v3 =	vadd.f32 v5, v3;
	v5 =	vld [tilespmem:s30+$0x113F0]  }
0x3dc: {  	v2 =	vadd.f32 v6, v2;
	v6 =	vadd.f32 v10, v9  }
0x3dd: {  	v3 =	vadd.f32 v3, v4  }
0x3de: {  	v2 =	vadd.f32 v6, v2  }
0x3df: {  	v3 =	vadd.f32 v3, v8  }
0x3e0: {  	v2 =	vadd.f32 v2, v5  }
0x3e1: {  	[tilespmem:s0+$0x13380] =	vst v3  }
0x3e2: {  	v3 =	vld [tilespmem:s31+$0xF90];
	[tilespmem:s29+$0x13BF0] =	vst v2  }
0x3e3: {  	s10 =	sor.u32 $0x2C00, s6;
	v2 =	vld [tilespmem:s30+$0x1780]  }
0x3e4: {  	s11 =	sor.u32 $0x4C00, s6;
	v4 =	vld [tilespmem:s10+$0xB80]  }
0x3e5: {  	s12 =	sor.u32 $0x6C00, s6;
	v5 =	vld [tilespmem:s11+$0xB80]  }
0x3e6: {  	s13 =	sor.u32 $0x8C00, s6;
	v6 =	vld [tilespmem:s12+$0xB80]  }
0x3e7: {  	s14 =	sor.u32 $0xAC00, s6;
	v7 =	vld [tilespmem:s13+$0xB80]  }
0x3e8: {  	s15 =	sor.u32 $0xCC00, s6;
	v8 =	vld [tilespmem:s14+$0xB80]  }
0x3e9: {  	s16 =	sor.u32 $0xEC00, s6;
	v9 =	vld [tilespmem:s15+$0xB80]  }
0x3ea: {  	v10 =	vld [tilespmem:s16+$0xB80]  }
0x3eb: {  	v11 =	vld [tilespmem:s25+$0xB90]  }
0x3ec: {  	v12 =	vld [tilespmem:s18+$0xB90]  }
0x3ed: {  	v13 =	vld [tilespmem:s19+$0xB90]  }
0x3ee: {  	v2 =	vadd.f32 v4, v2;
	v4 =	vadd.f32 v6, v5;
	v14 =	vld [tilespmem:s20+$0xB90]  }
0x3ef: {  	s8 =	sor.u32 $0x10C00, s6;
	s6 =	smov.u32 s4;
	v6 =	vadd.f32 v8, v7;
	v5 =	vld [tilespmem:s22+$0xB90];
	v7 =	vadd.f32 v10, v9  }
0x3f0: {  	v8 =	vld [tilespmem:s8+$0xB80]  }
0x3f1: {  	v2 =	vadd.f32 v4, v2;
	v9 =	vld [tilespmem:s24+$0xB90];
	v4 =	vadd.f32 v7, v6  }
0x3f2: {  	v6 =	vld [tilespmem:s23+$0xB90]  }
0x3f3: {  	v2 =	vadd.f32 v4, v2;
	_ =	sdelay $0x1  }
0x3f4: {  	v2 =	vadd.f32 v2, v8  }
0x3f5: {  	v3 =	vadd.f32 v11, v3;
	v4 =	vadd.f32 v13, v12  }
0x3f6: {  	v5 =	vadd.f32 v5, v14;
	v7 =	vld [tilespmem:s5+$0xB90];
	v6 =	vadd.f32 v6, v9;
	[tilespmem:s29+$0x14380] =	vst v2  }
0x3f7: {  	v2 =	vld [tilespmem:s30+$0x1790]  }
0x3f8: {  	v3 =	vadd.f32 v4, v3;
	v4 =	vadd.f32 v6, v5;
	v5 =	vld [tilespmem:s10+$0xB90]  }
0x3f9: {  	v6 =	vld [tilespmem:s11+$0xB90]  }
0x3fa: {  	v3 =	vadd.f32 v4, v3;
	v4 =	vld [tilespmem:s12+$0xB90]  }
0x3fb: {  	v8 =	vld [tilespmem:s13+$0xB90]  }
0x3fc: {  	v3 =	vadd.f32 v3, v7;
	v7 =	vld [tilespmem:s14+$0xB90]  }
0x3fd: {  	v9 =	vld [tilespmem:s15+$0xB90]  }
0x3fe: {  	[tilespmem:s0+$0x13390] =	vst v3;
	v3 =	vld [tilespmem:s16+$0xB90]  }
0x3ff: {  	v10 =	vld [tilespmem:s31+$0xFA0]  }
0x400: {  	v11 =	vld [tilespmem:s25+$0xBA0]  }
0x401: {  	v12 =	vld [tilespmem:s18+$0xBA0]  }
0x402: {  	v2 =	vadd.f32 v5, v2;
	v4 =	vadd.f32 v4, v6;
	v13 =	vld [tilespmem:s19+$0xBA0]  }
0x403: {  	v6 =	vadd.f32 v7, v8;
	v5 =	vld [tilespmem:s20+$0xBA0];
	v3 =	vadd.f32 v3, v9  }
0x404: {  	v7 =	vld [tilespmem:s8+$0xB90]  }
0x405: {  	v2 =	vadd.f32 v4, v2;
	v8 =	vld [tilespmem:s22+$0xBA0];
	v3 =	vadd.f32 v3, v6  }
0x406: {  	v4 =	vld [tilespmem:s24+$0xBA0]  }
0x407: {  	v6 =	vld [tilespmem:s23+$0xBA0];
	v2 =	vadd.f32 v3, v2;
	_ =	sdelay $0x1  }
0x408: {  	v2 =	vadd.f32 v2, v7;
	_ =	sdelay $0x1  }
0x409: {  	v9 =	vadd.f32 v13, v12;
	v7 =	vadd.f32 v11, v10;
	v3 =	vld [tilespmem:s5+$0xBA0];
	[tilespmem:s29+$0x14390] =	vst v2  }
0x40a: {  	v2 =	vadd.f32 v8, v5;
	v4 =	vadd.f32 v6, v4;
	v6 =	vld [tilespmem:s30+$0x17A0]  }
0x40b: {  	v8 =	vld [tilespmem:s10+$0xBA0]  }
0x40c: {  	v5 =	vadd.f32 v9, v7;
	v2 =	vadd.f32 v4, v2;
	v7 =	vld [tilespmem:s11+$0xBA0]  }
0x40d: {  	v9 =	vld [tilespmem:s12+$0xBA0]  }
0x40e: {  	v2 =	vadd.f32 v2, v5;
	v10 =	vld [tilespmem:s13+$0xBA0]  }
0x40f: {  	v11 =	vld [tilespmem:s14+$0xBA0]  }
0x410: {  	v2 =	vadd.f32 v2, v3;
	v12 =	vld [tilespmem:s15+$0xBA0]  }
0x411: {  	v13 =	vld [tilespmem:s16+$0xBA0]  }
0x412: {  	[tilespmem:s0+$0x133A0] =	vst v2  }
0x413: {  	v3 =	vld [tilespmem:s31+$0xFB0]  }
0x414: {  	v4 =	vld [tilespmem:s25+$0xBB0]  }
0x415: {  	v2 =	vadd.f32 v8, v6;
	v8 =	vadd.f32 v9, v7;
	v5 =	vld [tilespmem:s18+$0xBB0]  }
0x416: {  	v9 =	vadd.f32 v11, v10;
	v6 =	vld [tilespmem:s19+$0xBB0];
	v10 =	vadd.f32 v13, v12  }
0x417: {  	v11 =	vld [tilespmem:s8+$0xBA0]  }
0x418: {  	v2 =	vadd.f32 v8, v2;
	v7 =	vld [tilespmem:s20+$0xBB0];
	v10 =	vadd.f32 v10, v9  }
.Ltmp0:
0x419: {  	v8 =	vld [tilespmem:s22+$0xBB0];
	(pc) =	sbr.rel @p0 .LBB2_3-.Ltmp0, $4  }
0x41a: {  	v9 =	vld [tilespmem:s24+$0xBB0];
	v2 =	vadd.f32 v10, v2  }
0x41b: {  	v10 =	vld [tilespmem:s23+$0xBB0]  }
0x41c: {  	v2 =	vadd.f32 v2, v11  }
0x41d: {  	s17 =	sadd.s32 $0x80, s17  }
0x41e: {  	_ = 	snop  }
0x41f: {  	v3 =	vadd.f32 v4, v3;
	v63 =	vadd.f32 v6, v5  }
0x420: {  	v11 =	vadd.f32 v8, v7;
	v12 =	vadd.f32 v10, v9  }
0x421: {  	v13 =	vld [tilespmem:s5+$0xBB0]  }
0x422: {  	v3 =	vadd.f32 v63, v3;
	v14 =	vadd.f32 v12, v11;
	_ =	sdelay $0x1  }
0x423: {  	v3 =	vadd.f32 v14, v3;
	_ =	sdelay $0x1  }
0x424: {  	v3 =	vadd.f32 v3, v13;
	_ =	sdelay $0x1  }
0x425: {  	[tilespmem:s0+$0x133B0] =	vst v3  }
0x426: {  	v3 =	vld [tilespmem:s31+$0xFC0]  }
0x427: {  	v15 =	vld [tilespmem:s25+$0xBC0]  }
0x428: {  	v16 =	vld [tilespmem:s18+$0xBC0]  }
0x429: {  	v17 =	vld [tilespmem:s19+$0xBC0]  }
0x42a: {  	v18 =	vld [tilespmem:s20+$0xBC0]  }
0x42b: {  	v19 =	vld [tilespmem:s22+$0xBC0]  }
0x42c: {  	v20 =	vld [tilespmem:s24+$0xBC0]  }
0x42d: {  	v21 =	vld [tilespmem:s23+$0xBC0];
	_ =	sdelay $0x3  }
0x42e: {  	v3 =	vadd.f32 v15, v3;
	v22 =	vadd.f32 v17, v16  }
0x42f: {  	v23 =	vadd.f32 v19, v18;
	v24 =	vadd.f32 v21, v20  }
0x430: {  	v25 =	vld [tilespmem:s5+$0xBC0]  }
0x431: {  	v3 =	vadd.f32 v22, v3;
	v26 =	vadd.f32 v24, v23;
	_ =	sdelay $0x1  }
0x432: {  	v3 =	vadd.f32 v26, v3;
	_ =	sdelay $0x1  }
0x433: {  	v3 =	vadd.f32 v3, v25;
	_ =	sdelay $0x1  }
0x434: {  	[tilespmem:s0+$0x133C0] =	vst v3  }
0x435: {  	v3 =	vld [tilespmem:s31+$0xFD0]  }
0x436: {  	v27 =	vld [tilespmem:s25+$0xBD0]  }
0x437: {  	v28 =	vld [tilespmem:s18+$0xBD0]  }
0x438: {  	v29 =	vld [tilespmem:s19+$0xBD0]  }
0x439: {  	v30 =	vld [tilespmem:s20+$0xBD0]  }
0x43a: {  	v31 =	vld [tilespmem:s22+$0xBD0]  }
0x43b: {  	v32 =	vld [tilespmem:s24+$0xBD0]  }
0x43c: {  	v33 =	vld [tilespmem:s23+$0xBD0];
	_ =	sdelay $0x3  }
0x43d: {  	v3 =	vadd.f32 v27, v3;
	v34 =	vadd.f32 v29, v28  }
0x43e: {  	v35 =	vadd.f32 v31, v30;
	v36 =	vadd.f32 v33, v32  }
0x43f: {  	v37 =	vld [tilespmem:s5+$0xBD0]  }
0x440: {  	v3 =	vadd.f32 v34, v3;
	v38 =	vadd.f32 v36, v35;
	_ =	sdelay $0x1  }
0x441: {  	v3 =	vadd.f32 v38, v3;
	_ =	sdelay $0x1  }
0x442: {  	v3 =	vadd.f32 v3, v37;
	_ =	sdelay $0x1  }
0x443: {  	[tilespmem:s0+$0x133D0] =	vst v3  }
0x444: {  	v3 =	vld [tilespmem:s31+$0xFE0]  }
0x445: {  	v39 =	vld [tilespmem:s25+$0xBE0]  }
0x446: {  	v40 =	vld [tilespmem:s18+$0xBE0]  }
0x447: {  	v41 =	vld [tilespmem:s19+$0xBE0]  }
0x448: {  	v42 =	vld [tilespmem:s20+$0xBE0]  }
0x449: {  	v43 =	vld [tilespmem:s22+$0xBE0]  }
0x44a: {  	v44 =	vld [tilespmem:s24+$0xBE0]  }
0x44b: {  	v45 =	vld [tilespmem:s23+$0xBE0];
	_ =	sdelay $0x3  }
0x44c: {  	v3 =	vadd.f32 v39, v3;
	v46 =	vadd.f32 v41, v40  }
0x44d: {  	v47 =	vadd.f32 v43, v42;
	v48 =	vadd.f32 v45, v44  }
0x44e: {  	v49 =	vld [tilespmem:s5+$0xBE0]  }
0x44f: {  	v3 =	vadd.f32 v46, v3;
	v50 =	vadd.f32 v48, v47;
	_ =	sdelay $0x1  }
0x450: {  	v3 =	vadd.f32 v50, v3;
	_ =	sdelay $0x1  }
0x451: {  	v3 =	vadd.f32 v3, v49;
	_ =	sdelay $0x1  }
0x452: {  	[tilespmem:s0+$0x133E0] =	vst v3  }
0x453: {  	v3 =	vld [tilespmem:s25+$0xBF0]  }
0x454: {  	v51 =	vld [tilespmem:s31+$0xFF0]  }
0x455: {  	v52 =	vld [tilespmem:s18+$0xBF0]  }
0x456: {  	v53 =	vld [tilespmem:s19+$0xBF0]  }
0x457: {  	v54 =	vld [tilespmem:s20+$0xBF0]  }
0x458: {  	v55 =	vld [tilespmem:s22+$0xBF0]  }
0x459: {  	v56 =	vld [tilespmem:s24+$0xBF0]  }
0x45a: {  	v57 =	vld [tilespmem:s23+$0xBF0];
	_ =	sdelay $0x3  }
0x45b: {  	v3 =	vadd.f32 v3, v51;
	v58 =	vadd.f32 v53, v52  }
0x45c: {  	v59 =	vadd.f32 v55, v54;
	v60 =	vadd.f32 v57, v56  }
0x45d: {  	v61 =	vld [tilespmem:s5+$0xBF0]  }
0x45e: {  	v3 =	vadd.f32 v58, v3;
	v62 =	vadd.f32 v60, v59;
	_ =	sdelay $0x1  }
0x45f: {  	v3 =	vadd.f32 v62, v3;
	_ =	sdelay $0x1  }
0x460: {  	v3 =	vadd.f32 v3, v61;
	_ =	sdelay $0x1  }
0x461: {  	[tilespmem:s0+$0x133F0] =	vst v3  }
0x462: {  	v3 =	vld [tilespmem:s31+$0x1380]  }
0x463: {  	v63 =	vld [tilespmem:s31+$0x3380]  }
0x464: {  	v12 =	vld [tilespmem:s31+$0x5380]  }
0x465: {  	v13 =	vld [tilespmem:s31+$0x7380]  }
0x466: {  	v14 =	vld [tilespmem:s31+$0x9380]  }
0x467: {  	v15 =	vld [tilespmem:s31+$0xB380]  }
0x468: {  	v16 =	vld [tilespmem:s31+$0xD380]  }
0x469: {  	v17 =	vld [tilespmem:s31+$0xF380];
	_ =	sdelay $0x3  }
0x46a: {  	v3 =	vadd.f32 v63, v3;
	v18 =	vadd.f32 v13, v12  }
0x46b: {  	v19 =	vadd.f32 v15, v14;
	v20 =	vadd.f32 v17, v16  }
0x46c: {  	v21 =	vld [tilespmem:s31+$0x11380]  }
0x46d: {  	v3 =	vadd.f32 v18, v3;
	v22 =	vadd.f32 v20, v19;
	_ =	sdelay $0x1  }
0x46e: {  	v3 =	vadd.f32 v22, v3;
	_ =	sdelay $0x1  }
0x46f: {  	v3 =	vadd.f32 v3, v21;
	_ =	sdelay $0x1  }
0x470: {  	[tilespmem:s0+$0x13B80] =	vst v3  }
0x471: {  	v3 =	vld [tilespmem:s31+$0x1390]  }
0x472: {  	v23 =	vld [tilespmem:s31+$0x3390]  }
0x473: {  	v24 =	vld [tilespmem:s31+$0x5390]  }
0x474: {  	v25 =	vld [tilespmem:s31+$0x7390]  }
0x475: {  	v26 =	vld [tilespmem:s31+$0x9390]  }
0x476: {  	v27 =	vld [tilespmem:s31+$0xB390]  }
0x477: {  	v28 =	vld [tilespmem:s31+$0xD390]  }
0x478: {  	v29 =	vld [tilespmem:s31+$0xF390];
	_ =	sdelay $0x3  }
0x479: {  	v3 =	vadd.f32 v23, v3;
	v30 =	vadd.f32 v25, v24  }
0x47a: {  	v31 =	vadd.f32 v27, v26;
	v32 =	vadd.f32 v29, v28  }
0x47b: {  	v33 =	vld [tilespmem:s31+$0x11390]  }
0x47c: {  	v3 =	vadd.f32 v30, v3;
	v34 =	vadd.f32 v32, v31;
	_ =	sdelay $0x1  }
0x47d: {  	v3 =	vadd.f32 v34, v3;
	_ =	sdelay $0x1  }
0x47e: {  	v3 =	vadd.f32 v3, v33;
	_ =	sdelay $0x1  }
0x47f: {  	[tilespmem:s0+$0x13B90] =	vst v3  }
0x480: {  	v3 =	vld [tilespmem:s31+$0x13A0]  }
0x481: {  	v35 =	vld [tilespmem:s31+$0x33A0]  }
0x482: {  	v36 =	vld [tilespmem:s31+$0x53A0]  }
0x483: {  	v37 =	vld [tilespmem:s31+$0x73A0]  }
0x484: {  	v38 =	vld [tilespmem:s31+$0x93A0]  }
0x485: {  	v39 =	vld [tilespmem:s31+$0xB3A0]  }
0x486: {  	v40 =	vld [tilespmem:s31+$0xD3A0]  }
0x487: {  	v41 =	vld [tilespmem:s31+$0xF3A0];
	_ =	sdelay $0x3  }
0x488: {  	v3 =	vadd.f32 v35, v3;
	v42 =	vadd.f32 v37, v36  }
0x489: {  	v43 =	vadd.f32 v39, v38;
	v44 =	vadd.f32 v41, v40  }
0x48a: {  	v45 =	vld [tilespmem:s31+$0x113A0]  }
0x48b: {  	v3 =	vadd.f32 v42, v3;
	v46 =	vadd.f32 v44, v43;
	_ =	sdelay $0x1  }
0x48c: {  	v3 =	vadd.f32 v46, v3;
	_ =	sdelay $0x1  }
0x48d: {  	v3 =	vadd.f32 v3, v45;
	_ =	sdelay $0x1  }
0x48e: {  	[tilespmem:s0+$0x13BA0] =	vst v3  }
0x48f: {  	v3 =	vld [tilespmem:s31+$0x13B0]  }
0x490: {  	v47 =	vld [tilespmem:s31+$0x33B0]  }
0x491: {  	v48 =	vld [tilespmem:s31+$0x53B0]  }
0x492: {  	v49 =	vld [tilespmem:s31+$0x73B0]  }
0x493: {  	v50 =	vld [tilespmem:s31+$0x93B0]  }
0x494: {  	v51 =	vld [tilespmem:s31+$0xB3B0]  }
0x495: {  	v52 =	vld [tilespmem:s31+$0xD3B0]  }
0x496: {  	v53 =	vld [tilespmem:s31+$0xF3B0];
	_ =	sdelay $0x3  }
0x497: {  	v3 =	vadd.f32 v47, v3;
	v54 =	vadd.f32 v49, v48  }
0x498: {  	v55 =	vadd.f32 v51, v50;
	v56 =	vadd.f32 v53, v52  }
0x499: {  	v57 =	vld [tilespmem:s31+$0x113B0]  }
0x49a: {  	v3 =	vadd.f32 v54, v3;
	v58 =	vadd.f32 v56, v55;
	_ =	sdelay $0x1  }
0x49b: {  	v3 =	vadd.f32 v58, v3;
	_ =	sdelay $0x1  }
0x49c: {  	v3 =	vadd.f32 v3, v57;
	_ =	sdelay $0x1  }
0x49d: {  	[tilespmem:s0+$0x13BB0] =	vst v3  }
0x49e: {  	v3 =	vld [tilespmem:s31+$0x13C0]  }
0x49f: {  	v59 =	vld [tilespmem:s31+$0x33C0]  }
0x4a0: {  	v60 =	vld [tilespmem:s31+$0x53C0]  }
0x4a1: {  	v61 =	vld [tilespmem:s31+$0x73C0]  }
0x4a2: {  	v62 =	vld [tilespmem:s31+$0x93C0]  }
0x4a3: {  	v63 =	vld [tilespmem:s31+$0xB3C0]  }
0x4a4: {  	v12 =	vld [tilespmem:s31+$0xD3C0]  }
0x4a5: {  	v13 =	vld [tilespmem:s31+$0xF3C0];
	_ =	sdelay $0x3  }
0x4a6: {  	v3 =	vadd.f32 v59, v3;
	v14 =	vadd.f32 v61, v60  }
0x4a7: {  	v15 =	vadd.f32 v63, v62;
	v16 =	vadd.f32 v13, v12  }
0x4a8: {  	v17 =	vld [tilespmem:s31+$0x113C0]  }
0x4a9: {  	v3 =	vadd.f32 v14, v3;
	v18 =	vadd.f32 v16, v15;
	_ =	sdelay $0x1  }
0x4aa: {  	v3 =	vadd.f32 v18, v3;
	_ =	sdelay $0x1  }
0x4ab: {  	v3 =	vadd.f32 v3, v17;
	_ =	sdelay $0x1  }
0x4ac: {  	[tilespmem:s0+$0x13BC0] =	vst v3  }
0x4ad: {  	v3 =	vld [tilespmem:s31+$0x13D0]  }
0x4ae: {  	v19 =	vld [tilespmem:s31+$0x33D0]  }
0x4af: {  	v20 =	vld [tilespmem:s31+$0x53D0]  }
0x4b0: {  	v21 =	vld [tilespmem:s31+$0x73D0]  }
0x4b1: {  	v22 =	vld [tilespmem:s31+$0x93D0]  }
0x4b2: {  	v23 =	vld [tilespmem:s31+$0xB3D0]  }
0x4b3: {  	v24 =	vld [tilespmem:s31+$0xD3D0]  }
0x4b4: {  	v25 =	vld [tilespmem:s31+$0xF3D0];
	_ =	sdelay $0x3  }
0x4b5: {  	v3 =	vadd.f32 v19, v3;
	v26 =	vadd.f32 v21, v20  }
0x4b6: {  	v27 =	vadd.f32 v23, v22;
	v28 =	vadd.f32 v25, v24  }
0x4b7: {  	v29 =	vld [tilespmem:s31+$0x113D0]  }
0x4b8: {  	v3 =	vadd.f32 v26, v3;
	v30 =	vadd.f32 v28, v27;
	_ =	sdelay $0x1  }
0x4b9: {  	v3 =	vadd.f32 v30, v3;
	_ =	sdelay $0x1  }
0x4ba: {  	v3 =	vadd.f32 v3, v29;
	_ =	sdelay $0x1  }
0x4bb: {  	[tilespmem:s0+$0x13BD0] =	vst v3  }
0x4bc: {  	v3 =	vld [tilespmem:s31+$0x13E0]  }
0x4bd: {  	v31 =	vld [tilespmem:s31+$0x33E0]  }
0x4be: {  	v32 =	vld [tilespmem:s31+$0x53E0]  }
0x4bf: {  	v33 =	vld [tilespmem:s31+$0x73E0]  }
0x4c0: {  	v34 =	vld [tilespmem:s31+$0x93E0]  }
0x4c1: {  	v35 =	vld [tilespmem:s31+$0xB3E0]  }
0x4c2: {  	v36 =	vld [tilespmem:s31+$0xD3E0]  }
0x4c3: {  	v37 =	vld [tilespmem:s31+$0xF3E0];
	_ =	sdelay $0x3  }
0x4c4: {  	v3 =	vadd.f32 v31, v3;
	v38 =	vadd.f32 v33, v32  }
0x4c5: {  	v39 =	vadd.f32 v35, v34;
	v40 =	vadd.f32 v37, v36  }
0x4c6: {  	v41 =	vld [tilespmem:s31+$0x113E0]  }
0x4c7: {  	v3 =	vadd.f32 v38, v3;
	v42 =	vadd.f32 v40, v39;
	_ =	sdelay $0x1  }
0x4c8: {  	v3 =	vadd.f32 v42, v3;
	_ =	sdelay $0x1  }
0x4c9: {  	v3 =	vadd.f32 v3, v41;
	_ =	sdelay $0x1  }
0x4ca: {  	[tilespmem:s0+$0x13BE0] =	vst v3  }
0x4cb: {  	v3 =	vld [tilespmem:s31+$0x13F0]  }
0x4cc: {  	v43 =	vld [tilespmem:s31+$0x33F0]  }
0x4cd: {  	v44 =	vld [tilespmem:s31+$0x53F0]  }
0x4ce: {  	v45 =	vld [tilespmem:s31+$0x73F0]  }
0x4cf: {  	v46 =	vld [tilespmem:s31+$0x93F0]  }
0x4d0: {  	v47 =	vld [tilespmem:s31+$0xB3F0]  }
0x4d1: {  	v48 =	vld [tilespmem:s31+$0xD3F0]  }
0x4d2: {  	v49 =	vld [tilespmem:s31+$0xF3F0];
	_ =	sdelay $0x3  }
0x4d3: {  	v3 =	vadd.f32 v43, v3;
	v50 =	vadd.f32 v45, v44  }
0x4d4: {  	v51 =	vadd.f32 v47, v46;
	v52 =	vadd.f32 v49, v48  }
0x4d5: {  	v53 =	vld [tilespmem:s31+$0x113F0]  }
0x4d6: {  	v3 =	vadd.f32 v50, v3;
	v54 =	vadd.f32 v52, v51;
	_ =	sdelay $0x1  }
0x4d7: {  	v3 =	vadd.f32 v54, v3;
	_ =	sdelay $0x1  }
0x4d8: {  	v3 =	vadd.f32 v3, v53;
	_ =	sdelay $0x1  }
0x4d9: {  	[tilespmem:s0+$0x13BF0] =	vst v3  }
0x4da: {  	s1 =	sor.u32 $0x2C00, s6;
	v3 =	vld [tilespmem:s31+$0x1780]  }
0x4db: {  	s22 =	sor.u32 $0x4C00, s6;
	v55 =	vld [tilespmem:s1+$0xB80]  }
0x4dc: {  	s17 =	sor.u32 $0x6C00, s6;
	v56 =	vld [tilespmem:s22+$0xB80]  }
0x4dd: {  	s23 =	sor.u32 $0x8C00, s6;
	v57 =	vld [tilespmem:s17+$0xB80]  }
0x4de: {  	s24 =	sor.u32 $0xAC00, s6;
	v58 =	vld [tilespmem:s23+$0xB80]  }
0x4df: {  	s25 =	sor.u32 $0xCC00, s6;
	v59 =	vld [tilespmem:s24+$0xB80]  }
0x4e0: {  	s2 =	sor.u32 $0xEC00, s6;
	v60 =	vld [tilespmem:s25+$0xB80]  }
0x4e1: {  	v61 =	vld [tilespmem:s2+$0xB80];
	_ =	sdelay $0x3  }
0x4e2: {  	v3 =	vadd.f32 v55, v3;
	v62 =	vadd.f32 v57, v56  }
0x4e3: {  	s4 =	sor.u32 $0x10C00, s6;
	v63 =	vadd.f32 v59, v58;
	v9 =	vadd.f32 v61, v60  }
0x4e4: {  	v10 =	vld [tilespmem:s4+$0xB80]  }
0x4e5: {  	v3 =	vadd.f32 v62, v3;
	v11 =	vadd.f32 v9, v63;
	_ =	sdelay $0x1  }
0x4e6: {  	v3 =	vadd.f32 v11, v3;
	_ =	sdelay $0x1  }
0x4e7: {  	v3 =	vadd.f32 v3, v10;
	_ =	sdelay $0x1  }
0x4e8: {  	[tilespmem:s0+$0x14380] =	vst v3  }
0x4e9: {  	v3 =	vld [tilespmem:s31+$0x1790]  }
0x4ea: {  	v12 =	vld [tilespmem:s1+$0xB90]  }
0x4eb: {  	v13 =	vld [tilespmem:s22+$0xB90]  }
0x4ec: {  	v14 =	vld [tilespmem:s17+$0xB90]  }
0x4ed: {  	v15 =	vld [tilespmem:s23+$0xB90]  }
0x4ee: {  	v16 =	vld [tilespmem:s24+$0xB90]  }
0x4ef: {  	v17 =	vld [tilespmem:s25+$0xB90]  }
0x4f0: {  	v18 =	vld [tilespmem:s2+$0xB90];
	_ =	sdelay $0x3  }
0x4f1: {  	v3 =	vadd.f32 v12, v3;
	v19 =	vadd.f32 v14, v13  }
0x4f2: {  	v20 =	vadd.f32 v16, v15;
	v21 =	vadd.f32 v18, v17  }
0x4f3: {  	v22 =	vld [tilespmem:s4+$0xB90]  }
0x4f4: {  	v3 =	vadd.f32 v19, v3;
	v23 =	vadd.f32 v21, v20;
	_ =	sdelay $0x1  }
0x4f5: {  	v3 =	vadd.f32 v23, v3;
	_ =	sdelay $0x1  }
0x4f6: {  	v3 =	vadd.f32 v3, v22;
	_ =	sdelay $0x1  }
0x4f7: {  	[tilespmem:s0+$0x14390] =	vst v3  }
0x4f8: {  	v3 =	vld [tilespmem:s31+$0x17A0]  }
0x4f9: {  	v24 =	vld [tilespmem:s1+$0xBA0]  }
0x4fa: {  	v25 =	vld [tilespmem:s22+$0xBA0]  }
0x4fb: {  	v26 =	vld [tilespmem:s17+$0xBA0]  }
0x4fc: {  	v27 =	vld [tilespmem:s23+$0xBA0]  }
0x4fd: {  	v28 =	vld [tilespmem:s24+$0xBA0]  }
0x4fe: {  	v29 =	vld [tilespmem:s25+$0xBA0]  }
0x4ff: {  	[tilespmem:s29+$0x143A0] =	vst v2;
	v2 =	vld [tilespmem:s2+$0xBA0];
	_ =	sdelay $0x3  }
0x500: {  	v30 =	vld [tilespmem:s30+$0x17B0];
	v3 =	vadd.f32 v24, v3;
	v31 =	vadd.f32 v26, v25  }
0x501: {  	v32 =	vld [tilespmem:s13+$0xBB0];
	v33 =	vadd.f32 v28, v27;
	v2 =	vadd.f32 v2, v29  }
0x502: {  	v34 =	vld [tilespmem:s4+$0xBA0]  }
0x503: {  	v35 =	vld [tilespmem:s14+$0xBB0];
	v3 =	vadd.f32 v31, v3;
	v2 =	vadd.f32 v2, v33  }
0x504: {  	v36 =	vld [tilespmem:s15+$0xBB0]  }
0x505: {  	v37 =	vld [tilespmem:s16+$0xBB0];
	v2 =	vadd.f32 v2, v3  }
0x506: {  	v12 =	vld [tilespmem:s11+$0xBB0]  }
0x507: {  	v13 =	vld [tilespmem:s12+$0xBB0];
	v2 =	vadd.f32 v2, v34  }
0x508: {  	v11 =	vld [tilespmem:s10+$0xBB0]  }
0x509: {  	v39 =	vld [tilespmem:s8+$0xBB0];
	[tilespmem:s0+$0x143A0] =	vst v2  }
0x50a: {  	v40 =	vld [tilespmem:s31+$0x17B0]  }
0x50b: {  	v41 =	vld [tilespmem:s1+$0xBB0]  }
0x50c: {  	v4 =	vadd.f32 v37, v36;
	v38 =	vadd.f32 v13, v12;
	v42 =	vld [tilespmem:s22+$0xBB0]  }
0x50d: {  	v3 =	vadd.f32 v11, v30;
	v2 =	vadd.f32 v35, v32;
	v43 =	vld [tilespmem:s17+$0xBB0]  }
0x50e: {  	v44 =	vld [tilespmem:s24+$0xBB0]  }
0x50f: {  	v3 =	vadd.f32 v38, v3;
	v45 =	vld [tilespmem:s25+$0xBB0];
	v2 =	vadd.f32 v4, v2  }
0x510: {  	v46 =	vld [tilespmem:s2+$0xBB0]  }
0x511: {  	v2 =	vadd.f32 v2, v3;
	v3 =	vld [tilespmem:s23+$0xBB0];
	_ =	sdelay $0x1  }
0x512: {  	v2 =	vadd.f32 v2, v39;
	_ =	sdelay $0x1  }
0x513: {  	v51 =	vld [tilespmem:s4+$0xBB0];
	v5 =	vadd.f32 v41, v40;
	v4 =	vadd.f32 v43, v42;
	[tilespmem:s29+$0x143B0] =	vst v2  }
0x514: {  	v50 =	vadd.f32 v46, v45;
	v2 =	vld [tilespmem:s30+$0x17C0];
	v3 =	vadd.f32 v44, v3  }
0x515: {  	v47 =	vld [tilespmem:s10+$0xBC0]  }
0x516: {  	v4 =	vadd.f32 v4, v5;
	v48 =	vld [tilespmem:s11+$0xBC0];
	v3 =	vadd.f32 v50, v3  }
0x517: {  	v49 =	vld [tilespmem:s12+$0xBC0]  }
0x518: {  	v52 =	vld [tilespmem:s13+$0xBC0];
	v3 =	vadd.f32 v3, v4  }
0x519: {  	v53 =	vld [tilespmem:s14+$0xBC0]  }
0x51a: {  	v54 =	vld [tilespmem:s15+$0xBC0];
	v3 =	vadd.f32 v3, v51  }
0x51b: {  	v55 =	vld [tilespmem:s16+$0xBC0]  }
0x51c: {  	v56 =	vld [tilespmem:s8+$0xBC0];
	[tilespmem:s0+$0x143B0] =	vst v3  }
0x51d: {  	v57 =	vld [tilespmem:s31+$0x17C0]  }
0x51e: {  	v58 =	vld [tilespmem:s1+$0xBC0]  }
0x51f: {  	v2 =	vadd.f32 v47, v2;
	v5 =	vadd.f32 v53, v52;
	v59 =	vld [tilespmem:s22+$0xBC0]  }
0x520: {  	v4 =	vadd.f32 v55, v54;
	v3 =	vadd.f32 v49, v48;
	v60 =	vld [tilespmem:s17+$0xBC0]  }
0x521: {  	v61 =	vld [tilespmem:s23+$0xBC0]  }
0x522: {  	v62 =	vld [tilespmem:s25+$0xBC0];
	v2 =	vadd.f32 v3, v2;
	v3 =	vadd.f32 v4, v5  }
0x523: {  	v63 =	vld [tilespmem:s2+$0xBC0]  }
0x524: {  	v2 =	vadd.f32 v3, v2;
	v3 =	vld [tilespmem:s24+$0xBC0];
	_ =	sdelay $0x1  }
0x525: {  	v2 =	vadd.f32 v2, v56;
	_ =	sdelay $0x1  }
0x526: {  	v15 =	vld [tilespmem:s4+$0xBC0];
	v6 =	vadd.f32 v58, v57;
	v4 =	vadd.f32 v60, v59;
	[tilespmem:s29+$0x143C0] =	vst v2  }
0x527: {  	v14 =	vadd.f32 v63, v62;
	v2 =	vld [tilespmem:s30+$0x17D0];
	v3 =	vadd.f32 v3, v61  }
0x528: {  	v12 =	vld [tilespmem:s10+$0xBD0]  }
0x529: {  	v4 =	vadd.f32 v4, v6;
	v13 =	vld [tilespmem:s11+$0xBD0];
	v3 =	vadd.f32 v14, v3  }
0x52a: {  	v16 =	vld [tilespmem:s12+$0xBD0]  }
0x52b: {  	v17 =	vld [tilespmem:s13+$0xBD0];
	v3 =	vadd.f32 v3, v4  }
0x52c: {  	v18 =	vld [tilespmem:s14+$0xBD0]  }
0x52d: {  	v19 =	vld [tilespmem:s15+$0xBD0];
	v3 =	vadd.f32 v3, v15  }
0x52e: {  	v20 =	vld [tilespmem:s16+$0xBD0]  }
0x52f: {  	v21 =	vld [tilespmem:s8+$0xBD0];
	[tilespmem:s0+$0x143C0] =	vst v3  }
0x530: {  	v3 =	vld [tilespmem:s31+$0x17D0]  }
0x531: {  	v22 =	vld [tilespmem:s1+$0xBD0]  }
0x532: {  	v2 =	vadd.f32 v12, v2;
	v7 =	vadd.f32 v16, v13;
	v23 =	vld [tilespmem:s22+$0xBD0]  }
0x533: {  	v5 =	vadd.f32 v18, v17;
	v4 =	vadd.f32 v20, v19;
	v24 =	vld [tilespmem:s17+$0xBD0]  }
0x534: {  	v25 =	vld [tilespmem:s23+$0xBD0]  }
0x535: {  	v2 =	vadd.f32 v7, v2;
	v4 =	vadd.f32 v4, v5;
	v26 =	vld [tilespmem:s24+$0xBD0]  }
0x536: {  	v27 =	vld [tilespmem:s25+$0xBD0]  }
0x537: {  	v2 =	vadd.f32 v4, v2;
	v28 =	vld [tilespmem:s2+$0xBD0];
	_ =	sdelay $0x1  }
0x538: {  	v2 =	vadd.f32 v2, v21;
	_ =	sdelay $0x1  }
0x539: {  	v30 =	vld [tilespmem:s4+$0xBD0];
	[tilespmem:s29+$0x143D0] =	vst v2;
	v3 =	vadd.f32 v22, v3;
	v6 =	vadd.f32 v24, v23  }
0x53a: {  	v2 =	vld [tilespmem:s30+$0x17E0];
	v5 =	vadd.f32 v26, v25;
	v4 =	vadd.f32 v28, v27  }
0x53b: {  	v29 =	vld [tilespmem:s10+$0xBE0]  }
0x53c: {  	v31 =	vld [tilespmem:s11+$0xBE0];
	v3 =	vadd.f32 v6, v3;
	v4 =	vadd.f32 v4, v5  }
0x53d: {  	v32 =	vld [tilespmem:s12+$0xBE0]  }
0x53e: {  	v33 =	vld [tilespmem:s13+$0xBE0];
	v3 =	vadd.f32 v4, v3  }
0x53f: {  	v34 =	vld [tilespmem:s14+$0xBE0]  }
0x540: {  	v35 =	vld [tilespmem:s15+$0xBE0];
	v3 =	vadd.f32 v3, v30  }
0x541: {  	v36 =	vld [tilespmem:s16+$0xBE0]  }
0x542: {  	v37 =	vld [tilespmem:s8+$0xBE0];
	[tilespmem:s0+$0x143D0] =	vst v3  }
0x543: {  	v3 =	vld [tilespmem:s31+$0x17E0]  }
0x544: {  	v38 =	vld [tilespmem:s1+$0xBE0]  }
0x545: {  	v2 =	vadd.f32 v29, v2;
	v5 =	vadd.f32 v32, v31;
	v39 =	vld [tilespmem:s22+$0xBE0]  }
0x546: {  	v4 =	vadd.f32 v34, v33;
	v40 =	vadd.f32 v36, v35;
	v41 =	vld [tilespmem:s17+$0xBE0]  }
0x547: {  	v42 =	vld [tilespmem:s23+$0xBE0]  }
0x548: {  	v2 =	vadd.f32 v5, v2;
	v4 =	vadd.f32 v40, v4;
	v43 =	vld [tilespmem:s24+$0xBE0]  }
0x549: {  	v44 =	vld [tilespmem:s25+$0xBE0]  }
0x54a: {  	v2 =	vadd.f32 v4, v2;
	v45 =	vld [tilespmem:s2+$0xBE0];
	_ =	sdelay $0x1  }
0x54b: {  	v2 =	vadd.f32 v2, v37;
	_ =	sdelay $0x1  }
0x54c: {  	[tilespmem:s29+$0x143E0] =	vst v2;
	v2 =	vadd.f32 v38, v3;
	v3 =	vadd.f32 v41, v39  }
0x54d: {  	v47 =	vld [tilespmem:s4+$0xBE0];
	v5 =	vadd.f32 v43, v42;
	v4 =	vadd.f32 v45, v44  }
0x54e: {  	v46 =	vld [tilespmem:s30+$0x17F0]  }
0x54f: {  	v48 =	vld [tilespmem:s10+$0xBF0];
	v2 =	vadd.f32 v3, v2;
	v3 =	vadd.f32 v4, v5  }
0x550: {  	v49 =	vld [tilespmem:s11+$0xBF0]  }
0x551: {  	v50 =	vld [tilespmem:s12+$0xBF0];
	v2 =	vadd.f32 v3, v2  }
0x552: {  	v51 =	vld [tilespmem:s14+$0xBF0]  }
0x553: {  	v52 =	vld [tilespmem:s15+$0xBF0];
	v2 =	vadd.f32 v2, v47  }
0x554: {  	v53 =	vld [tilespmem:s16+$0xBF0]  }
0x555: {  	v3 =	vld [tilespmem:s13+$0xBF0];
	[tilespmem:s0+$0x143E0] =	vst v2  }
0x556: {  	v2 =	vld [tilespmem:s31+$0x17F0]  }
0x557: {  	v54 =	vld [tilespmem:s1+$0xBF0]  }
0x558: {  	v55 =	vld [tilespmem:s22+$0xBF0]  }
0x559: {  	v56 =	vld [tilespmem:s17+$0xBF0]  }
0x55a: {  	v14 =	vld [tilespmem:s23+$0xBF0]  }
0x55b: {  	v15 =	vld [tilespmem:s24+$0xBF0]  }
0x55c: {  	v16 =	vld [tilespmem:s25+$0xBF0]  }
0x55d: {  	v17 =	vld [tilespmem:s2+$0xBF0];
	_ =	sdelay $0x1  }
0x55e: {  	v7 =	vadd.f32 v48, v46;
	v4 =	vadd.f32 v50, v49  }
0x55f: {  	v57 =	vadd.f32 v53, v52;
	v3 =	vadd.f32 v51, v3  }
0x560: {  	v2 =	vadd.f32 v54, v2;
	v58 =	vadd.f32 v56, v55  }
0x561: {  	v59 =	vld [tilespmem:s8+$0xBF0];
	v60 =	vadd.f32 v15, v14;
	v61 =	vadd.f32 v17, v16  }
0x562: {  	v4 =	vadd.f32 v4, v7;
	v62 =	vld [tilespmem:s4+$0xBF0];
	v3 =	vadd.f32 v57, v3  }
0x563: {  	v2 =	vadd.f32 v58, v2;
	v63 =	vadd.f32 v61, v60  }
0x564: {  	v3 =	vadd.f32 v3, v4  }
0x565: {  	v2 =	vadd.f32 v63, v2  }
0x566: {  	v3 =	vadd.f32 v3, v59  }
0x567: {  	v2 =	vadd.f32 v2, v62  }
0x568: {  	s19 =	rddreg [dreg:$0x4];
	[tilespmem:s29+$0x143F0] =	vst v3  }
0x569: {  	s1 =	sadd.s32 s19, s28;
	[tilespmem:s0+$0x143F0] =	vst v2  }
0x56a: {  	s1 =	sshll.u32 s1, $0x4;
	s20 =	rddreg [dreg:$0x3]  }
0x56b: {  	s2 =	simm.s32 $0x0;
	s23 =	simm.s32 $0x12B80;
	s22 =	sadd.s32 s20, s1  }
0x56c: {  	[hbm4b:s22+s2] =	stream.linear.scatter [tilespmem:s23], [sflag:$0x2], $0x800, $0x38;
	[tilespmem:$0x14B80] =	vst v63  }
0x56d: {  	s24 =	sand.u32 $0x1FFFFFF0, s1;
	_ =	swait.ge [sflag:s9], $0x800  }
0x56e: {  	s0 =	sadd.s32 s20, s24;
	[sflag:s9] =	ssyncset.done $0x0  }
0x56f: {  	s28 =	simm.s32 $0x13380;
	s25 =	sadd.s32 $0x28000, s0;
	[sflag:s9] =	ssyncadd.s32 $0xFFFFF800  }
0x570: {  	[hbm4b:s25+s2] =	stream.linear.scatter [tilespmem:s28], [sflag:$0x2], $0x800, $0x38;
	[tilespmem:$0x14B80] =	vst v63  }
0x571: {  	_ =	swait.ge [sflag:s9], $0x800  }
0x572: {  	[sflag:s9] =	ssyncset.done $0x0  }
0x573: {  	s30 =	simm.s32 $0x13B80;
	s29 =	sadd.s32 $0x50000, s0;
	[sflag:s9] =	ssyncadd.s32 $0xFFFFF800  }
0x574: {  	[hbm4b:s29+s2] =	stream.linear.scatter [tilespmem:s30], [sflag:$0x2], $0x800, $0x38;
	[tilespmem:$0x14B80] =	vst v63  }
0x575: {  	s26 =	sadd.s32 $0x1, s26;
	_ =	swait.ge [sflag:s9], $0x800  }
0x576: {  	p0 =	sne.s32 s26, $0x14;
	s31 =	simm.s32 $0x14380;
	[sflag:s9] =	ssyncset.done $0x0  }
.Ltmp1:
0x577: {  	s0 =	sadd.s32 $0x78000, s0;
	[sflag:s9] =	ssyncadd.s32 $0xFFFFF800;
	(pc) =	sbr.rel @p0 .LBB2_2-.Ltmp1, $4  }
0x578: {  	[hbm4b:s0+s2] =	stream.linear.scatter [tilespmem:s31], [sflag:$0x2], $0x800, $0x38;
	[tilespmem:$0x14B80] =	vst v63  }
0x579: {  	_ =	swait.ge [sflag:s9], $0x800  }
0x57a: {  	[sflag:s9] =	ssyncset.done $0x0  }
0x57b: {  	s8 =	simm.s32 $0x0;
	[sflag:s9] =	ssyncadd.s32 $0xFFFFF800  }
0x57c: {  	s1 =	rddreg [dreg:$0x7]  }
0x57d: {  	s0 =	rddreg [dreg:$0x6];
	s1 =	sadd.s32 $0x1, s1  }
0x57e: {  	p0 =	sne.s32 s1, s0  }
.Ltmp2:
0x57f: {  	_ = 	snop;
	(pc) =	sbr.rel @p0 .LBB2_1-.Ltmp2, $1  }
0x580: {  	_ =	sdelay $0x3  }
0x581: {  	_ =	sfence.sel $0x180000  }
0x582: {  	[bflag:$0x0] =	sbarrier.arrive $0xFFFF  }
0x583: {  	_ =	strace $0x90000047  }
0x584: {  	s0 =	stileid.u32;
	[bflag:$0x2] =	sbarrier.arrive $0xFFFF  }
0x585: {  	p0 =	sne.s32 s0, $0x0;
	s0 =	rddreg [dreg:$0x2]  }
0x586: {  	s0 =	sadd.s32 @!p0 $0x100000, s0  }
0x587: {  	[sflag:s0] =	ssyncadd.tile.s32 @!p0 $0x1;
	_ =	shalt  }
.Lfunc_end2:
_tile_overlayer_lowered:
.L_overlay_start_2:
0x588: {  	(tag) =	ssettag $0x2  }
0x589: {  	s0 =	rddreg [dreg:$0x0];
	s2 =	stileid.u32  }
0x58a: {  	s1 =	rddreg [dreg:$0x1];
	p0 =	sne.s32 s2, $0x0  }
0x58b: {  	s3 =	rddreg [dreg:$0x2];
	[bflag:$0x3] =	sbarrier.arrive $0xFFFF;
	s2 =	simm.s32 @!p0 $0x1C02  }
0x58c: {  	[timem:s3], [sflag:s2] =	dma.local @!p0 [hbm:s0], s1  }
0x58d: {  	s0 =	simm.s32 @!p0 $0x2  }
0x58e: {  	_ =	swait.ge @!p0 [sflag:s0], s1  }
0x58f: {  	s1 =	ssub.s32 @!p0 $0x0, s1;
	[sflag:s0] =	ssyncset.done @!p0 $0x0  }
0x590: {  	[sflag:s0] =	ssyncadd.s32 @!p0 s1  }
0x591: {  	[bflag:$0x3] =	sbarrier.arrive $0xFFFF  }
0x592: {  	_ =	shalt  }

</sc_bundles>
